<compile_context>
chip_gen: v7x
topology: tpu7x:2x2x1
jax: 0.10.2.dev20260603
libtpu: 0.0.44.dev20260713+nightly
codegen_flags: <defaults>
</compile_context>

<pallas_src>
import functools

import jax
import jax.numpy as jnp
from jax import lax
from jax.experimental import pallas as pl
from jax.experimental.pallas import tpu as pltpu
from jax.experimental.pallas import tpu_sc as plsc

N_NODES = 10000
N_EDGES = 320000
D_FEAT = 128
HIDDEN = 64
BETA = 0.1

NC = 2
NS = 16
L = 16
NW = NC * NS
EDGES_PER_TILE = N_EDGES // NW
CHUNK = 400
N_CHUNKS = EDGES_PER_TILE // CHUNK
GATE_COLS = 128
GATE_ROWS = N_EDGES // GATE_COLS
PARAM_PAD = 72


def _tc_prep(x_ref, w1a_ref, w1b_ref, b1_ref, la_ref, u_ref,
             a_ref, b_ref, g_ref):
    xv = x_ref[...]
    a_ref[...] = (jnp.dot(xv, w1a_ref[...],
                          preferred_element_type=jnp.float32)
                  + b1_ref[...]).astype(jnp.bfloat16)
    b_ref[...] = jnp.dot(xv, w1b_ref[...],
                         preferred_element_type=jnp.float32).astype(jnp.bfloat16)
    uv = u_ref[...]
    z = (la_ref[...] + jnp.log(uv) - jnp.log(1.0 - uv)) * (1.0 / BETA)
    g_ref[...] = jax.nn.sigmoid(z)


def _sc_edge(a_hbm, b_hbm, i_hbm, j_hbm, g_hbm, p_hbm, out_hbm,
             idx_i0, idx_j0, sa0, sb0, gv0, ov0,
             idx_i1, idx_j1, sa1, sb1, gv1, ov1,
             pv, sem_a0, sem_b0, sem_a1, sem_b1, sem_s0, sem_s1):
    wid = lax.axis_index("s") * NC + lax.axis_index("c")
    tile_base = wid * EDGES_PER_TILE
    pltpu.sync_copy(p_hbm, pv)
    w2_vecs = [pv[pl.ds(k * L, L)] for k in range(HIDDEN // L)]
    b2_s = pv[pl.ds(HIDDEN - L + 8, L)][8]
    lane = lax.iota(jnp.int32, L)

    bufs = [
        (idx_i0, idx_j0, sa0, sb0, gv0, ov0, sem_a0, sem_b0, sem_s0),
        (idx_i1, idx_j1, sa1, sb1, gv1, ov1, sem_a1, sem_b1, sem_s1),
    ]

    def stage3_issue(buf, c):
        idx_i, idx_j, sa, sb, gv, ov, sem_a, sem_b, sem_s = buf
        base = tile_base + c * CHUNK
        pltpu.async_copy(i_hbm.at[pl.ds(base, CHUNK)], idx_i, sem_s)
        pltpu.async_copy(j_hbm.at[pl.ds(base, CHUNK)], idx_j, sem_s)
        pltpu.async_copy(g_hbm.at[pl.ds(base, CHUNK)], gv, sem_s)

    def stage3_wait(buf, c):
        idx_i, idx_j, sa, sb, gv, ov, sem_a, sem_b, sem_s = buf
        base = tile_base + c * CHUNK
        pltpu.make_async_copy(i_hbm.at[pl.ds(base, CHUNK)], idx_i,
                              sem_s).wait()
        pltpu.make_async_copy(j_hbm.at[pl.ds(base, CHUNK)], idx_j,
                              sem_s).wait()
        pltpu.make_async_copy(g_hbm.at[pl.ds(base, CHUNK)], gv,
                              sem_s).wait()

    def fire_rows(buf):
        idx_i, idx_j, sa, sb, gv, ov, sem_a, sem_b, sem_s = buf
        pltpu.async_copy(a_hbm.at[idx_i], sa, sem_a)
        pltpu.async_copy(b_hbm.at[idx_j], sb, sem_b)

    def wait_rows(buf):
        idx_i, idx_j, sa, sb, gv, ov, sem_a, sem_b, sem_s = buf
        pltpu.make_async_copy(a_hbm.at[idx_i], sa, sem_a).wait()
        pltpu.make_async_copy(b_hbm.at[idx_j], sb, sem_b).wait()

    def compute(buf, c):
        idx_i, idx_j, sa, sb, gv, ov, sem_a, sem_b, sem_s = buf
        base = tile_base + c * CHUNK

        def edge_body(t, carry2):
            e0 = t * L
            sims = jnp.zeros((L,), jnp.float32)
            for l in range(L):
                e = e0 + l
                acc = None
                for k in range(HIDDEN // (2 * L)):
                    ae, ao = plsc.unpack(
                        sa[e, pl.ds(2 * L * k, 2 * L)],
                        format=plsc.PackFormat.INTERLEAVED)
                    be, bo = plsc.unpack(
                        sb[e, pl.ds(2 * L * k, 2 * L)],
                        format=plsc.PackFormat.INTERLEAVED)
                    term = (jnp.maximum(ae + be, 0.0) * w2_vecs[2 * k]
                            + jnp.maximum(ao + bo, 0.0) * w2_vecs[2 * k + 1])
                    acc = term if acc is None else acc + term
                sims = jnp.where(lane == l, jnp.sum(acc), sims)
            ov[pl.ds(e0, L)] = (sims + b2_s) * gv[pl.ds(e0, L)]
            return carry2

        lax.fori_loop(0, CHUNK // L, edge_body, 0)
        pltpu.sync_copy(ov, out_hbm.at[pl.ds(base, CHUNK)])

    stage3_issue(bufs[0], 0)
    stage3_wait(bufs[0], 0)
    fire_rows(bufs[0])

    def pair_body(p, carry):
        c0 = 2 * p
        stage3_issue(bufs[1], c0 + 1)
        wait_rows(bufs[0])
        stage3_wait(bufs[1], c0 + 1)
        fire_rows(bufs[1])
        compute(bufs[0], c0)
        stage3_issue(bufs[0], c0 + 2)
        wait_rows(bufs[1])
        stage3_wait(bufs[0], c0 + 2)
        fire_rows(bufs[0])
        compute(bufs[1], c0 + 1)
        return carry

    lax.fori_loop(0, (N_CHUNKS - 1) // 2, pair_body, 0)
    wait_rows(bufs[0])
    compute(bufs[0], N_CHUNKS - 1)


_sc_edge_call = functools.partial(
    pl.kernel,
    out_type=jax.ShapeDtypeStruct((N_EDGES,), jnp.float32),
    mesh=plsc.VectorSubcoreMesh(core_axis_name="c", subcore_axis_name="s",
                                num_cores=NC, num_subcores=NS),
    scratch_types=(
        [
            pltpu.VMEM((CHUNK,), jnp.int32),
            pltpu.VMEM((CHUNK,), jnp.int32),
            pltpu.VMEM((CHUNK, HIDDEN), jnp.bfloat16),
            pltpu.VMEM((CHUNK, HIDDEN), jnp.bfloat16),
            pltpu.VMEM((CHUNK,), jnp.float32),
            pltpu.VMEM((CHUNK,), jnp.float32),
        ] * 2
        + [pltpu.VMEM((PARAM_PAD,), jnp.float32)]
        + [pltpu.SemaphoreType.DMA] * 6
    ),
    compiler_params=pltpu.CompilerParams(use_tc_tiling_on_sc=False,
                                         needs_layout_passes=False),
)(_sc_edge)


def kernel(x, edge_index, edge_log_alpha, W1, b1, W2, b2, u):
    w1a_t = W1[:, :D_FEAT].T
    w1b_t = W1[:, D_FEAT:].T
    b1_2d = b1.reshape(1, HIDDEN)
    la_2d = edge_log_alpha.reshape(GATE_ROWS, GATE_COLS)
    u_2d = u.reshape(GATE_ROWS, GATE_COLS)

    tables_a, tables_b, gates_2d = pl.pallas_call(
        _tc_prep,
        out_shape=[
            jax.ShapeDtypeStruct((N_NODES, HIDDEN), jnp.bfloat16),
            jax.ShapeDtypeStruct((N_NODES, HIDDEN), jnp.bfloat16),
            jax.ShapeDtypeStruct((GATE_ROWS, GATE_COLS), jnp.float32),
        ],
    )(x, w1a_t, w1b_t, b1_2d, la_2d, u_2d)

    w2 = W2[0]
    w2_perm = jnp.concatenate(
        [w2[0:32:2], w2[1:32:2], w2[32:64:2], w2[33:64:2]])
    params = jnp.concatenate(
        [w2_perm, b2, jnp.zeros((PARAM_PAD - HIDDEN - 1,), jnp.float32)])

    out = _sc_edge_call(tables_a, tables_b, edge_index[0], edge_index[1],
                        gates_2d.reshape(N_EDGES), params)
    return out

# --- scband reference (transcript-rebuilt; emitter-appended) ---
"""Pipeline reference for scband-differentiable-pruner-20143396618864 (READ-ONLY COPY).

The authoritative reference and input builder live on the scoring server;
editing this copy changes nothing except your own understanding.
"""

import jax, jax.numpy as jnp
import numpy as np

N_NODES = 10000
N_EDGES = 320000
D_FEAT = 128
HIDDEN = 64
BETA = 0.1


def setup_inputs(seed: int = 0) -> dict:
    key = jax.random.key(seed)
    ks = jax.random.split(key, 8)
    x = jax.random.normal(ks[0], (N_NODES, D_FEAT), dtype=jnp.float32)
    edge_index = jax.random.randint(ks[1], (2, N_EDGES), 0, N_NODES, dtype=jnp.int32)
    # learned parameters
    edge_log_alpha = jnp.zeros((N_EDGES,), dtype=jnp.float32)
    W1 = jax.random.normal(ks[2], (HIDDEN, 2 * D_FEAT), dtype=jnp.float32) * 0.05
    b1 = jnp.zeros((HIDDEN,), dtype=jnp.float32)
    W2 = jax.random.normal(ks[3], (1, HIDDEN), dtype=jnp.float32) * 0.05
    b2 = jnp.zeros((1,), dtype=jnp.float32)
    # concrete-gate uniform noise (torch.rand_like in original; fixed here for determinism)
    u = jax.random.uniform(ks[4], (N_EDGES,), dtype=jnp.float32, minval=1e-6, maxval=1.0 - 1e-6)
    return {"x": x, "edge_index": edge_index, "edge_log_alpha": edge_log_alpha,
            "W1": W1, "b1": b1, "W2": W2, "b2": b2, "u": u}


def reference(x, edge_index, edge_log_alpha, W1, b1, W2, b2, u):
    # edge_probs: gather endpoint features, MLP similarity, concrete gates
    i = edge_index[0]
    j = edge_index[1]
    feat = jnp.concatenate([jnp.take(x, i, axis=0), jnp.take(x, j, axis=0)], axis=-1)  # [E, 2*D]
    h = jax.nn.relu(feat @ W1.T + b1)  # [E, 64]
    sim = (h @ W2.T + b2)[:, 0]  # [E]
    gates = jax.nn.sigmoid((edge_log_alpha + jnp.log(u) - jnp.log(1.0 - u)) / BETA)  # [E]
    edge_gates = sim * gates
    # weight_log_alpha dict is empty (model has no parametrized weights), so weight_gates = {}
    return edge_gates

if __name__ == "__main__":
    import jax
    _d = setup_inputs()
    print(jax.jit(kernel)(*tuple(_d.values())))

</pallas_src>

<mosaic_0001>
#map = affine_map<(d0, d1) -> (0, 0)>
#map1 = affine_map<(d0, d1) -> (0)>
module attributes {stable_mosaic.version = 14 : i64} {
  func.func @_sc_edge(%arg0: i32, %arg1: i32, %arg2: memref<10000x64xbf16, #tpu.memory_space<hbm>>, %arg3: memref<10000x64xbf16, #tpu.memory_space<hbm>>, %arg4: memref<320000xi32, #tpu.memory_space<hbm>>, %arg5: memref<320000xi32, #tpu.memory_space<hbm>>, %arg6: memref<320000xf32, #tpu.memory_space<hbm>>, %arg7: memref<72xf32, #tpu.memory_space<hbm>>, %arg8: memref<320000xf32, #tpu.memory_space<hbm>>, %arg9: memref<400xi32, #tpu.memory_space<vmem>>, %arg10: memref<400xi32, #tpu.memory_space<vmem>>, %arg11: memref<400x64xbf16, #tpu.memory_space<vmem>>, %arg12: memref<400x64xbf16, #tpu.memory_space<vmem>>, %arg13: memref<400xf32, #tpu.memory_space<vmem>>, %arg14: memref<400xf32, #tpu.memory_space<vmem>>, %arg15: memref<400xi32, #tpu.memory_space<vmem>>, %arg16: memref<400xi32, #tpu.memory_space<vmem>>, %arg17: memref<400x64xbf16, #tpu.memory_space<vmem>>, %arg18: memref<400x64xbf16, #tpu.memory_space<vmem>>, %arg19: memref<400xf32, #tpu.memory_space<vmem>>, %arg20: memref<400xf32, #tpu.memory_space<vmem>>, %arg21: memref<72xf32, #tpu.memory_space<vmem>>, %arg22: memref<!tpu.dma_semaphore, #tpu.memory_space<semaphore_mem>>, %arg23: memref<!tpu.dma_semaphore, #tpu.memory_space<semaphore_mem>>, %arg24: memref<!tpu.dma_semaphore, #tpu.memory_space<semaphore_mem>>, %arg25: memref<!tpu.dma_semaphore, #tpu.memory_space<semaphore_mem>>, %arg26: memref<!tpu.dma_semaphore, #tpu.memory_space<semaphore_mem>>, %arg27: memref<!tpu.dma_semaphore, #tpu.memory_space<semaphore_mem>>) attributes {dimension_semantics = [#tpu.dimension_semantics<core_parallel>, #tpu.dimension_semantics<subcore_parallel>], iteration_bounds = array<i64: 2, 16>, scalar_prefetch = 0 : i64, scratch_operands = 19 : i64, tpu.core_type = #tpu.core_type<sc_vector_subcore>, window_params = [{transform_indices = #map}, {transform_indices = #map}, {transform_indices = #map1}, {transform_indices = #map1}, {transform_indices = #map1}, {transform_indices = #map1}, {transform_indices = #map1}]} {
    %mul3A = arith.constant 2 : i32
    %mul3A_0 = arith.muli %arg1, %mul3A : i32
    %add3A = arith.addi %mul3A_0, %arg0 : i32
    %mul3A_1 = arith.constant 10000 : i32
    %mul3A_2 = arith.muli %add3A, %mul3A_1 : i32
    "tpu.region"() ({
      %run_scoped3A = tpu.sem_alloc : memref<!tpu.dma_semaphore, #tpu.memory_space<semaphore_mem>>
      tpu.enqueue_dma source(%arg7 : memref<72xf32, #tpu.memory_space<hbm>>) target(%arg21 : memref<72xf32, #tpu.memory_space<vmem>>) target_semaphore(%run_scoped3A : memref<!tpu.dma_semaphore, #tpu.memory_space<semaphore_mem>>)
      tpu.wait_dma2 semaphore(%run_scoped3A : memref<!tpu.dma_semaphore, #tpu.memory_space<semaphore_mem>>) src(%arg7 : memref<72xf32, #tpu.memory_space<hbm>>) dst(%arg21 : memref<72xf32, #tpu.memory_space<vmem>>)
      tpu.yield
    }) : () -> ()
    %get3A = arith.constant 0 : index
    %get3A_3 = tpu.vector_load %arg21[%get3A] {strides = array<i32>} : memref<72xf32, #tpu.memory_space<vmem>>, vector<16xf32>,
    %get3A_4 = arith.constant 16 : index
    %get3A_5 = tpu.vector_load %arg21[%get3A_4] {strides = array<i32>} : memref<72xf32, #tpu.memory_space<vmem>>, vector<16xf32>,
    %get3A_6 = arith.constant 32 : index
    %get3A_7 = tpu.vector_load %arg21[%get3A_6] {strides = array<i32>} : memref<72xf32, #tpu.memory_space<vmem>>, vector<16xf32>,
    %get3A_8 = arith.constant 48 : index
    %get3A_9 = tpu.vector_load %arg21[%get3A_8] {strides = array<i32>} : memref<72xf32, #tpu.memory_space<vmem>>, vector<16xf32>,
    %get3A_10 = arith.constant 56 : index
    %get3A_11 = tpu.vector_load %arg21[%get3A_10] {strides = array<i32>} : memref<72xf32, #tpu.memory_space<vmem>>, vector<16xf32>,
    %slice3A = vector.extract_strided_slice %get3A_11 {offsets = [8], sizes = [1], strides = [1]} : vector<16xf32> to vector<1xf32>
    %squeeze3A = vector.extract %slice3A[0] : f32 from vector<1xf32>
    %iota3A = tpu.iota {dimensions = array<i32: 0>} : vector<16xi32>
    %add3A_12 = arith.constant 0 : i32
    %add3A_13 = arith.addi %mul3A_2, %add3A_12 : i32
    %dma_start3A = tpu.memref_slice %arg4[%add3A_13] : memref<320000xi32, #tpu.memory_space<hbm>> -> memref<400xi32, #tpu.memory_space<hbm>>
    %dma_start3A_14 = tpu.memref_slice %arg4[%add3A_13] : memref<320000xi32, #tpu.memory_space<hbm>> -> memref<400xi32, #tpu.memory_space<hbm>>
    tpu.enqueue_dma source(%dma_start3A_14 : memref<400xi32, #tpu.memory_space<hbm>>) target(%arg9 : memref<400xi32, #tpu.memory_space<vmem>>) target_semaphore(%arg26 : memref<!tpu.dma_semaphore, #tpu.memory_space<semaphore_mem>>)
    %dma_start3A_15 = tpu.memref_slice %arg5[%add3A_13] : memref<320000xi32, #tpu.memory_space<hbm>> -> memref<400xi32, #tpu.memory_space<hbm>>
    %dma_start3A_16 = tpu.memref_slice %arg5[%add3A_13] : memref<320000xi32, #tpu.memory_space<hbm>> -> memref<400xi32, #tpu.memory_space<hbm>>
    tpu.enqueue_dma source(%dma_start3A_16 : memref<400xi32, #tpu.memory_space<hbm>>) target(%arg10 : memref<400xi32, #tpu.memory_space<vmem>>) target_semaphore(%arg26 : memref<!tpu.dma_semaphore, #tpu.memory_space<semaphore_mem>>)
    %dma_start3A_17 = tpu.memref_slice %arg6[%add3A_13] : memref<320000xf32, #tpu.memory_space<hbm>> -> memref<400xf32, #tpu.memory_space<hbm>>
    %dma_start3A_18 = tpu.memref_slice %arg6[%add3A_13] : memref<320000xf32, #tpu.memory_space<hbm>> -> memref<400xf32, #tpu.memory_space<hbm>>
    tpu.enqueue_dma source(%dma_start3A_18 : memref<400xf32, #tpu.memory_space<hbm>>) target(%arg13 : memref<400xf32, #tpu.memory_space<vmem>>) target_semaphore(%arg26 : memref<!tpu.dma_semaphore, #tpu.memory_space<semaphore_mem>>)
    %add3A_19 = arith.constant 0 : i32
    %add3A_20 = arith.addi %mul3A_2, %add3A_19 : i32
    %dma_wait3A = tpu.memref_slice %arg4[%add3A_20] : memref<320000xi32, #tpu.memory_space<hbm>> -> memref<400xi32, #tpu.memory_space<hbm>>
    %dma_wait3A_21 = tpu.memref_slice %arg4[%add3A_20] : memref<320000xi32, #tpu.memory_space<hbm>> -> memref<400xi32, #tpu.memory_space<hbm>>
    tpu.wait_dma2 semaphore(%arg26 : memref<!tpu.dma_semaphore, #tpu.memory_space<semaphore_mem>>) src(%dma_wait3A_21 : memref<400xi32, #tpu.memory_space<hbm>>) dst(%arg9 : memref<400xi32, #tpu.memory_space<vmem>>)
    %dma_wait3A_22 = tpu.memref_slice %arg5[%add3A_20] : memref<320000xi32, #tpu.memory_space<hbm>> -> memref<400xi32, #tpu.memory_space<hbm>>
    %dma_wait3A_23 = tpu.memref_slice %arg5[%add3A_20] : memref<320000xi32, #tpu.memory_space<hbm>> -> memref<400xi32, #tpu.memory_space<hbm>>
    tpu.wait_dma2 semaphore(%arg26 : memref<!tpu.dma_semaphore, #tpu.memory_space<semaphore_mem>>) src(%dma_wait3A_23 : memref<400xi32, #tpu.memory_space<hbm>>) dst(%arg10 : memref<400xi32, #tpu.memory_space<vmem>>)
    %dma_wait3A_24 = tpu.memref_slice %arg6[%add3A_20] : memref<320000xf32, #tpu.memory_space<hbm>> -> memref<400xf32, #tpu.memory_space<hbm>>
    %dma_wait3A_25 = tpu.memref_slice %arg6[%add3A_20] : memref<320000xf32, #tpu.memory_space<hbm>> -> memref<400xf32, #tpu.memory_space<hbm>>
    tpu.wait_dma2 semaphore(%arg26 : memref<!tpu.dma_semaphore, #tpu.memory_space<semaphore_mem>>) src(%dma_wait3A_25 : memref<400xf32, #tpu.memory_space<hbm>>) dst(%arg13 : memref<400xf32, #tpu.memory_space<vmem>>)
    %dma_start3A_26 = arith.constant 0 : i32
    %dma_start3A_27 = arith.constant 0 : i32
    %dma_start3A_28 = tpu.memref_slice %arg2[%dma_start3A_26, %dma_start3A_27] : memref<10000x64xbf16, #tpu.memory_space<hbm>> -> memref<10000x64xbf16, #tpu.memory_space<hbm>>
    tpu.enqueue_indirect_dma source(%dma_start3A_28 : memref<10000x64xbf16, #tpu.memory_space<hbm>>) target(%arg11 : memref<400x64xbf16, #tpu.memory_space<vmem>>) offsets(%arg9 : memref<400xi32, #tpu.memory_space<vmem>>) semaphore(%arg22 : memref<!tpu.dma_semaphore, #tpu.memory_space<semaphore_mem>>)
    %dma_start3A_29 = arith.constant 0 : i32
    %dma_start3A_30 = arith.constant 0 : i32
    %dma_start3A_31 = tpu.memref_slice %arg3[%dma_start3A_29, %dma_start3A_30] : memref<10000x64xbf16, #tpu.memory_space<hbm>> -> memref<10000x64xbf16, #tpu.memory_space<hbm>>
    tpu.enqueue_indirect_dma source(%dma_start3A_31 : memref<10000x64xbf16, #tpu.memory_space<hbm>>) target(%arg12 : memref<400x64xbf16, #tpu.memory_space<vmem>>) offsets(%arg10 : memref<400xi32, #tpu.memory_space<vmem>>) semaphore(%arg23 : memref<!tpu.dma_semaphore, #tpu.memory_space<semaphore_mem>>)
    %scan3A = arith.constant 0 : i32
    %scan3A_32 = arith.constant 0 : i32
    %scan3A_33 = arith.constant 12 : i32
    %scan3A_34 = arith.addi %scan3A_32, %scan3A_33 : i32
    %scan3A_35 = arith.constant 1 : i32
    scf.for %scan3A_51 = %scan3A_32 to %scan3A_34 step %scan3A_35  : i32 {
      %mul3A_52 = arith.constant 2 : i32
      %mul3A_53 = arith.muli %mul3A_52, %scan3A_51 : i32
      %add3A_54 = arith.constant 1 : i32
      %add3A_55 = arith.addi %mul3A_53, %add3A_54 : i32
      %mul3A_56 = arith.constant 400 : i32
      %mul3A_57 = arith.muli %add3A_55, %mul3A_56 : i32
      %add3A_58 = arith.addi %mul3A_2, %mul3A_57 : i32
      %dma_start3A_59 = tpu.memref_slice %arg4[%add3A_58] : memref<320000xi32, #tpu.memory_space<hbm>> -> memref<400xi32, #tpu.memory_space<hbm>>
      %dma_start3A_60 = tpu.memref_slice %arg4[%add3A_58] : memref<320000xi32, #tpu.memory_space<hbm>> -> memref<400xi32, #tpu.memory_space<hbm>>
      tpu.enqueue_dma source(%dma_start3A_60 : memref<400xi32, #tpu.memory_space<hbm>>) target(%arg15 : memref<400xi32, #tpu.memory_space<vmem>>) target_semaphore(%arg27 : memref<!tpu.dma_semaphore, #tpu.memory_space<semaphore_mem>>)
      %dma_start3A_61 = tpu.memref_slice %arg5[%add3A_58] : memref<320000xi32, #tpu.memory_space<hbm>> -> memref<400xi32, #tpu.memory_space<hbm>>
      %dma_start3A_62 = tpu.memref_slice %arg5[%add3A_58] : memref<320000xi32, #tpu.memory_space<hbm>> -> memref<400xi32, #tpu.memory_space<hbm>>
      tpu.enqueue_dma source(%dma_start3A_62 : memref<400xi32, #tpu.memory_space<hbm>>) target(%arg16 : memref<400xi32, #tpu.memory_space<vmem>>) target_semaphore(%arg27 : memref<!tpu.dma_semaphore, #tpu.memory_space<semaphore_mem>>)
      %dma_start3A_63 = tpu.memref_slice %arg6[%add3A_58] : memref<320000xf32, #tpu.memory_space<hbm>> -> memref<400xf32, #tpu.memory_space<hbm>>
      %dma_start3A_64 = tpu.memref_slice %arg6[%add3A_58] : memref<320000xf32, #tpu.memory_space<hbm>> -> memref<400xf32, #tpu.memory_space<hbm>>
      tpu.enqueue_dma source(%dma_start3A_64 : memref<400xf32, #tpu.memory_space<hbm>>) target(%arg19 : memref<400xf32, #tpu.memory_space<vmem>>) target_semaphore(%arg27 : memref<!tpu.dma_semaphore, #tpu.memory_space<semaphore_mem>>)
      %dma_wait3A_65 = arith.constant 0 : i32
      %dma_wait3A_66 = arith.constant 0 : i32
      %dma_wait3A_67 = tpu.memref_slice %arg2[%dma_wait3A_65, %dma_wait3A_66] : memref<10000x64xbf16, #tpu.memory_space<hbm>> -> memref<10000x64xbf16, #tpu.memory_space<hbm>>
      tpu.wait_indirect_dma semaphore(%arg22 : memref<!tpu.dma_semaphore, #tpu.memory_space<semaphore_mem>>) src(%dma_wait3A_67 : memref<10000x64xbf16, #tpu.memory_space<hbm>>) dst(%arg11 : memref<400x64xbf16, #tpu.memory_space<vmem>>)
      %dma_wait3A_68 = arith.constant 0 : i32
      %dma_wait3A_69 = arith.constant 0 : i32
      %dma_wait3A_70 = tpu.memref_slice %arg3[%dma_wait3A_68, %dma_wait3A_69] : memref<10000x64xbf16, #tpu.memory_space<hbm>> -> memref<10000x64xbf16, #tpu.memory_space<hbm>>
      tpu.wait_indirect_dma semaphore(%arg23 : memref<!tpu.dma_semaphore, #tpu.memory_space<semaphore_mem>>) src(%dma_wait3A_70 : memref<10000x64xbf16, #tpu.memory_space<hbm>>) dst(%arg12 : memref<400x64xbf16, #tpu.memory_space<vmem>>)
      %add3A_71 = arith.constant 1 : i32
      %add3A_72 = arith.addi %mul3A_53, %add3A_71 : i32
      %mul3A_73 = arith.constant 400 : i32
      %mul3A_74 = arith.muli %add3A_72, %mul3A_73 : i32
      %add3A_75 = arith.addi %mul3A_2, %mul3A_74 : i32
      %dma_wait3A_76 = tpu.memref_slice %arg4[%add3A_75] : memref<320000xi32, #tpu.memory_space<hbm>> -> memref<400xi32, #tpu.memory_space<hbm>>
      %dma_wait3A_77 = tpu.memref_slice %arg4[%add3A_75] : memref<320000xi32, #tpu.memory_space<hbm>> -> memref<400xi32, #tpu.memory_space<hbm>>
      tpu.wait_dma2 semaphore(%arg27 : memref<!tpu.dma_semaphore, #tpu.memory_space<semaphore_mem>>) src(%dma_wait3A_77 : memref<400xi32, #tpu.memory_space<hbm>>) dst(%arg15 : memref<400xi32, #tpu.memory_space<vmem>>)
      %dma_wait3A_78 = tpu.memref_slice %arg5[%add3A_75] : memref<320000xi32, #tpu.memory_space<hbm>> -> memref<400xi32, #tpu.memory_space<hbm>>
      %dma_wait3A_79 = tpu.memref_slice %arg5[%add3A_75] : memref<320000xi32, #tpu.memory_space<hbm>> -> memref<400xi32, #tpu.memory_space<hbm>>
      tpu.wait_dma2 semaphore(%arg27 : memref<!tpu.dma_semaphore, #tpu.memory_space<semaphore_mem>>) src(%dma_wait3A_79 : memref<400xi32, #tpu.memory_space<hbm>>) dst(%arg16 : memref<400xi32, #tpu.memory_space<vmem>>)
      %dma_wait3A_80 = tpu.memref_slice %arg6[%add3A_75] : memref<320000xf32, #tpu.memory_space<hbm>> -> memref<400xf32, #tpu.memory_space<hbm>>
      %dma_wait3A_81 = tpu.memref_slice %arg6[%add3A_75] : memref<320000xf32, #tpu.memory_space<hbm>> -> memref<400xf32, #tpu.memory_space<hbm>>
      tpu.wait_dma2 semaphore(%arg27 : memref<!tpu.dma_semaphore, #tpu.memory_space<semaphore_mem>>) src(%dma_wait3A_81 : memref<400xf32, #tpu.memory_space<hbm>>) dst(%arg19 : memref<400xf32, #tpu.memory_space<vmem>>)
      %dma_start3A_82 = arith.constant 0 : i32
      %dma_start3A_83 = arith.constant 0 : i32
      %dma_start3A_84 = tpu.memref_slice %arg2[%dma_start3A_82, %dma_start3A_83] : memref<10000x64xbf16, #tpu.memory_space<hbm>> -> memref<10000x64xbf16, #tpu.memory_space<hbm>>
      tpu.enqueue_indirect_dma source(%dma_start3A_84 : memref<10000x64xbf16, #tpu.memory_space<hbm>>) target(%arg17 : memref<400x64xbf16, #tpu.memory_space<vmem>>) offsets(%arg15 : memref<400xi32, #tpu.memory_space<vmem>>) semaphore(%arg24 : memref<!tpu.dma_semaphore, #tpu.memory_space<semaphore_mem>>)
      %dma_start3A_85 = arith.constant 0 : i32
      %dma_start3A_86 = arith.constant 0 : i32
      %dma_start3A_87 = tpu.memref_slice %arg3[%dma_start3A_85, %dma_start3A_86] : memref<10000x64xbf16, #tpu.memory_space<hbm>> -> memref<10000x64xbf16, #tpu.memory_space<hbm>>
      tpu.enqueue_indirect_dma source(%dma_start3A_87 : memref<10000x64xbf16, #tpu.memory_space<hbm>>) target(%arg18 : memref<400x64xbf16, #tpu.memory_space<vmem>>) offsets(%arg16 : memref<400xi32, #tpu.memory_space<vmem>>) semaphore(%arg25 : memref<!tpu.dma_semaphore, #tpu.memory_space<semaphore_mem>>)
      %mul3A_88 = arith.constant 400 : i32
      %mul3A_89 = arith.muli %mul3A_53, %mul3A_88 : i32
      %add3A_90 = arith.addi %mul3A_2, %mul3A_89 : i32
      %scan3A_91 = arith.constant 0 : i32
      %scan3A_92 = arith.constant 0 : i32
      %scan3A_93 = arith.constant 25 : i32
      %scan3A_94 = arith.addi %scan3A_92, %scan3A_93 : i32
      %scan3A_95 = arith.constant 1 : i32
      scf.for %scan3A_142 = %scan3A_92 to %scan3A_94 step %scan3A_95  : i32 {
        %mul3A_143 = arith.constant 16 : i32
        %mul3A_144 = arith.muli %scan3A_142, %mul3A_143 : i32
        %broadcast_in_dim3A = arith.constant 0.000000e+00 : f32
        %broadcast_in_dim3A_145 = vector.broadcast %broadcast_in_dim3A : f32 to vector<16xf32>
        %add3A_146 = arith.constant 0 : i32
        %add3A_147 = arith.addi %mul3A_144, %add3A_146 : i32
        %get3A_148 = arith.index_cast %add3A_147 : i32 to index
        %get3A_149 = arith.constant 0 : index
        %get3A_150 = tpu.vector_load %arg11[%get3A_148, %get3A_149] {strides = array<i32>} : memref<400x64xbf16, #tpu.memory_space<vmem>>, vector<32xbf16>,
        %unpack3A = tpu.unpack_subelements %get3A_150, 0 {pack_format = #tpu.pack_format<interleaved>} : vector<32xbf16> -> vector<16xf32>
        %unpack3A_151 = tpu.unpack_subelements %get3A_150, 1 {pack_format = #tpu.pack_format<interleaved>} : vector<32xbf16> -> vector<16xf32>
        %get3A_152 = arith.index_cast %add3A_147 : i32 to index
        %get3A_153 = arith.constant 0 : index
        %get3A_154 = tpu.vector_load %arg12[%get3A_152, %get3A_153] {strides = array<i32>} : memref<400x64xbf16, #tpu.memory_space<vmem>>, vector<32xbf16>,
        %unpack3A_155 = tpu.unpack_subelements %get3A_154, 0 {pack_format = #tpu.pack_format<interleaved>} : vector<32xbf16> -> vector<16xf32>
        %unpack3A_156 = tpu.unpack_subelements %get3A_154, 1 {pack_format = #tpu.pack_format<interleaved>} : vector<32xbf16> -> vector<16xf32>
        %add3A_157 = arith.addf %unpack3A, %unpack3A_155 : vector<16xf32>
        %max3A = arith.constant 0.000000e+00 : f32
        %max3A_158 = vector.broadcast %max3A : f32 to vector<16xf32>
        %max3A_159 = arith.maximumf %add3A_157, %max3A_158 : vector<16xf32>
        %mul3A_160 = arith.mulf %max3A_159, %get3A_3 : vector<16xf32>
        %add3A_161 = arith.addf %unpack3A_151, %unpack3A_156 : vector<16xf32>
        %max3A_162 = arith.constant 0.000000e+00 : f32
        %max3A_163 = vector.broadcast %max3A_162 : f32 to vector<16xf32>
        %max3A_164 = arith.maximumf %add3A_161, %max3A_163 : vector<16xf32>
        %mul3A_165 = arith.mulf %max3A_164, %get3A_5 : vector<16xf32>
        %add3A_166 = arith.addf %mul3A_160, %mul3A_165 : vector<16xf32>
        %get3A_167 = arith.index_cast %add3A_147 : i32 to index
        %get3A_168 = arith.constant 32 : index
        %get3A_169 = tpu.vector_load %arg11[%get3A_167, %get3A_168] {strides = array<i32>} : memref<400x64xbf16, #tpu.memory_space<vmem>>, vector<32xbf16>,
        %unpack3A_170 = tpu.unpack_subelements %get3A_169, 0 {pack_format = #tpu.pack_format<interleaved>} : vector<32xbf16> -> vector<16xf32>
        %unpack3A_171 = tpu.unpack_subelements %get3A_169, 1 {pack_format = #tpu.pack_format<interleaved>} : vector<32xbf16> -> vector<16xf32>
        %get3A_172 = arith.index_cast %add3A_147 : i32 to index
        %get3A_173 = arith.constant 32 : index
        %get3A_174 = tpu.vector_load %arg12[%get3A_172, %get3A_173] {strides = array<i32>} : memref<400x64xbf16, #tpu.memory_space<vmem>>, vector<32xbf16>,
        %unpack3A_175 = tpu.unpack_subelements %get3A_174, 0 {pack_format = #tpu.pack_format<interleaved>} : vector<32xbf16> -> vector<16xf32>
        %unpack3A_176 = tpu.unpack_subelements %get3A_174, 1 {pack_format = #tpu.pack_format<interleaved>} : vector<32xbf16> -> vector<16xf32>
        %add3A_177 = arith.addf %unpack3A_170, %unpack3A_175 : vector<16xf32>
        %max3A_178 = arith.constant 0.000000e+00 : f32
        %max3A_179 = vector.broadcast %max3A_178 : f32 to vector<16xf32>
        %max3A_180 = arith.maximumf %add3A_177, %max3A_179 : vector<16xf32>
        %mul3A_181 = arith.mulf %max3A_180, %get3A_7 : vector<16xf32>
        %add3A_182 = arith.addf %unpack3A_171, %unpack3A_176 : vector<16xf32>
        %max3A_183 = arith.constant 0.000000e+00 : f32
        %max3A_184 = vector.broadcast %max3A_183 : f32 to vector<16xf32>
        %max3A_185 = arith.maximumf %add3A_182, %max3A_184 : vector<16xf32>
        %mul3A_186 = arith.mulf %max3A_185, %get3A_9 : vector<16xf32>
        %add3A_187 = arith.addf %mul3A_181, %mul3A_186 : vector<16xf32>
        %add3A_188 = arith.addf %add3A_166, %add3A_187 : vector<16xf32>
        %eq3A = arith.constant 0 : i32
        %eq3A_189 = vector.broadcast %eq3A : i32 to vector<16xi32>
        %eq3A_190 = arith.cmpi eq, %iota3A, %eq3A_189 : vector<16xi32>
        %reduce_sum3A = arith.constant true
        %reduce_sum3A_191 = vector.broadcast %reduce_sum3A : i1 to vector<16xi1>
        %reduce_sum3A_192 = tpu.scan <sum>, %add3A_188 masked %reduce_sum3A_191 : vector<16xf32>, vector<16xi1> -> vector<16xf32>
        %reduce_sum3A_193 = vector.extract %reduce_sum3A_192[15] : f32 from vector<16xf32>
        %broadcast_in_dim3A_194 = vector.broadcast %reduce_sum3A_193 : f32 to vector<16xf32>
        %select_n3A = arith.select %eq3A_190, %broadcast_in_dim3A_194, %broadcast_in_dim3A_145 : vector<16xi1>, vector<16xf32>
        %add3A_195 = arith.constant 1 : i32
        %add3A_196 = arith.addi %mul3A_144, %add3A_195 : i32
        %get3A_197 = arith.index_cast %add3A_196 : i32 to index
        %get3A_198 = arith.constant 0 : index
        %get3A_199 = tpu.vector_load %arg11[%get3A_197, %get3A_198] {strides = array<i32>} : memref<400x64xbf16, #tpu.memory_space<vmem>>, vector<32xbf16>,
        %unpack3A_200 = tpu.unpack_subelements %get3A_199, 0 {pack_format = #tpu.pack_format<interleaved>} : vector<32xbf16> -> vector<16xf32>
        %unpack3A_201 = tpu.unpack_subelements %get3A_199, 1 {pack_format = #tpu.pack_format<interleaved>} : vector<32xbf16> -> vector<16xf32>
        %get3A_202 = arith.index_cast %add3A_196 : i32 to index
        %get3A_203 = arith.constant 0 : index
        %get3A_204 = tpu.vector_load %arg12[%get3A_202, %get3A_203] {strides = array<i32>} : memref<400x64xbf16, #tpu.memory_space<vmem>>, vector<32xbf16>,
        %unpack3A_205 = tpu.unpack_subelements %get3A_204, 0 {pack_format = #tpu.pack_format<interleaved>} : vector<32xbf16> -> vector<16xf32>
        %unpack3A_206 = tpu.unpack_subelements %get3A_204, 1 {pack_format = #tpu.pack_format<interleaved>} : vector<32xbf16> -> vector<16xf32>
        %add3A_207 = arith.addf %unpack3A_200, %unpack3A_205 : vector<16xf32>
        %max3A_208 = arith.constant 0.000000e+00 : f32
        %max3A_209 = vector.broadcast %max3A_208 : f32 to vector<16xf32>
        %max3A_210 = arith.maximumf %add3A_207, %max3A_209 : vector<16xf32>
        %mul3A_211 = arith.mulf %max3A_210, %get3A_3 : vector<16xf32>
        %add3A_212 = arith.addf %unpack3A_201, %unpack3A_206 : vector<16xf32>
        %max3A_213 = arith.constant 0.000000e+00 : f32
        %max3A_214 = vector.broadcast %max3A_213 : f32 to vector<16xf32>
        %max3A_215 = arith.maximumf %add3A_212, %max3A_214 : vector<16xf32>
        %mul3A_216 = arith.mulf %max3A_215, %get3A_5 : vector<16xf32>
        %add3A_217 = arith.addf %mul3A_211, %mul3A_216 : vector<16xf32>
        %get3A_218 = arith.index_cast %add3A_196 : i32 to index
        %get3A_219 = arith.constant 32 : index
        %get3A_220 = tpu.vector_load %arg11[%get3A_218, %get3A_219] {strides = array<i32>} : memref<400x64xbf16, #tpu.memory_space<vmem>>, vector<32xbf16>,
        %unpack3A_221 = tpu.unpack_subelements %get3A_220, 0 {pack_format = #tpu.pack_format<interleaved>} : vector<32xbf16> -> vector<16xf32>
        %unpack3A_222 = tpu.unpack_subelements %get3A_220, 1 {pack_format = #tpu.pack_format<interleaved>} : vector<32xbf16> -> vector<16xf32>
        %get3A_223 = arith.index_cast %add3A_196 : i32 to index
        %get3A_224 = arith.constant 32 : index
        %get3A_225 = tpu.vector_load %arg12[%get3A_223, %get3A_224] {strides = array<i32>} : memref<400x64xbf16, #tpu.memory_space<vmem>>, vector<32xbf16>,
        %unpack3A_226 = tpu.unpack_subelements %get3A_225, 0 {pack_format = #tpu.pack_format<interleaved>} : vector<32xbf16> -> vector<16xf32>
        %unpack3A_227 = tpu.unpack_subelements %get3A_225, 1 {pack_format = #tpu.pack_format<interleaved>} : vector<32xbf16> -> vector<16xf32>
        %add3A_228 = arith.addf %unpack3A_221, %unpack3A_226 : vector<16xf32>
        %max3A_229 = arith.constant 0.000000e+00 : f32
        %max3A_230 = vector.broadcast %max3A_229 : f32 to vector<16xf32>
        %max3A_231 = arith.maximumf %add3A_228, %max3A_230 : vector<16xf32>
        %mul3A_232 = arith.mulf %max3A_231, %get3A_7 : vector<16xf32>
        %add3A_233 = arith.addf %unpack3A_222, %unpack3A_227 : vector<16xf32>
        %max3A_234 = arith.constant 0.000000e+00 : f32
        %max3A_235 = vector.broadcast %max3A_234 : f32 to vector<16xf32>
        %max3A_236 = arith.maximumf %add3A_233, %max3A_235 : vector<16xf32>
        %mul3A_237 = arith.mulf %max3A_236, %get3A_9 : vector<16xf32>
        %add3A_238 = arith.addf %mul3A_232, %mul3A_237 : vector<16xf32>
        %add3A_239 = arith.addf %add3A_217, %add3A_238 : vector<16xf32>
        %eq3A_240 = arith.constant 1 : i32
        %eq3A_241 = vector.broadcast %eq3A_240 : i32 to vector<16xi32>
        %eq3A_242 = arith.cmpi eq, %iota3A, %eq3A_241 : vector<16xi32>
        %reduce_sum3A_243 = arith.constant true
        %reduce_sum3A_244 = vector.broadcast %reduce_sum3A_243 : i1 to vector<16xi1>
        %reduce_sum3A_245 = tpu.scan <sum>, %add3A_239 masked %reduce_sum3A_244 : vector<16xf32>, vector<16xi1> -> vector<16xf32>
        %reduce_sum3A_246 = vector.extract %reduce_sum3A_245[15] : f32 from vector<16xf32>
        %broadcast_in_dim3A_247 = vector.broadcast %reduce_sum3A_246 : f32 to vector<16xf32>
        %select_n3A_248 = arith.select %eq3A_242, %broadcast_in_dim3A_247, %select_n3A : vector<16xi1>, vector<16xf32>
        %add3A_249 = arith.constant 2 : i32
        %add3A_250 = arith.addi %mul3A_144, %add3A_249 : i32
        %get3A_251 = arith.index_cast %add3A_250 : i32 to index
        %get3A_252 = arith.constant 0 : index
        %get3A_253 = tpu.vector_load %arg11[%get3A_251, %get3A_252] {strides = array<i32>} : memref<400x64xbf16, #tpu.memory_space<vmem>>, vector<32xbf16>,
        %unpack3A_254 = tpu.unpack_subelements %get3A_253, 0 {pack_format = #tpu.pack_format<interleaved>} : vector<32xbf16> -> vector<16xf32>
        %unpack3A_255 = tpu.unpack_subelements %get3A_253, 1 {pack_format = #tpu.pack_format<interleaved>} : vector<32xbf16> -> vector<16xf32>
        %get3A_256 = arith.index_cast %add3A_250 : i32 to index
        %get3A_257 = arith.constant 0 : index
        %get3A_258 = tpu.vector_load %arg12[%get3A_256, %get3A_257] {strides = array<i32>} : memref<400x64xbf16, #tpu.memory_space<vmem>>, vector<32xbf16>,
        %unpack3A_259 = tpu.unpack_subelements %get3A_258, 0 {pack_format = #tpu.pack_format<interleaved>} : vector<32xbf16> -> vector<16xf32>
        %unpack3A_260 = tpu.unpack_subelements %get3A_258, 1 {pack_format = #tpu.pack_format<interleaved>} : vector<32xbf16> -> vector<16xf32>
        %add3A_261 = arith.addf %unpack3A_254, %unpack3A_259 : vector<16xf32>
        %max3A_262 = arith.constant 0.000000e+00 : f32
        %max3A_263 = vector.broadcast %max3A_262 : f32 to vector<16xf32>
        %max3A_264 = arith.maximumf %add3A_261, %max3A_263 : vector<16xf32>
        %mul3A_265 = arith.mulf %max3A_264, %get3A_3 : vector<16xf32>
        %add3A_266 = arith.addf %unpack3A_255, %unpack3A_260 : vector<16xf32>
        %max3A_267 = arith.constant 0.000000e+00 : f32
        %max3A_268 = vector.broadcast %max3A_267 : f32 to vector<16xf32>
        %max3A_269 = arith.maximumf %add3A_266, %max3A_268 : vector<16xf32>
        %mul3A_270 = arith.mulf %max3A_269, %get3A_5 : vector<16xf32>
        %add3A_271 = arith.addf %mul3A_265, %mul3A_270 : vector<16xf32>
        %get3A_272 = arith.index_cast %add3A_250 : i32 to index
        %get3A_273 = arith.constant 32 : index
        %get3A_274 = tpu.vector_load %arg11[%get3A_272, %get3A_273] {strides = array<i32>} : memref<400x64xbf16, #tpu.memory_space<vmem>>, vector<32xbf16>,
        %unpack3A_275 = tpu.unpack_subelements %get3A_274, 0 {pack_format = #tpu.pack_format<interleaved>} : vector<32xbf16> -> vector<16xf32>
        %unpack3A_276 = tpu.unpack_subelements %get3A_274, 1 {pack_format = #tpu.pack_format<interleaved>} : vector<32xbf16> -> vector<16xf32>
        %get3A_277 = arith.index_cast %add3A_250 : i32 to index
        %get3A_278 = arith.constant 32 : index
        %get3A_279 = tpu.vector_load %arg12[%get3A_277, %get3A_278] {strides = array<i32>} : memref<400x64xbf16, #tpu.memory_space<vmem>>, vector<32xbf16>,
        %unpack3A_280 = tpu.unpack_subelements %get3A_279, 0 {pack_format = #tpu.pack_format<interleaved>} : vector<32xbf16> -> vector<16xf32>
        %unpack3A_281 = tpu.unpack_subelements %get3A_279, 1 {pack_format = #tpu.pack_format<interleaved>} : vector<32xbf16> -> vector<16xf32>
        %add3A_282 = arith.addf %unpack3A_275, %unpack3A_280 : vector<16xf32>
        %max3A_283 = arith.constant 0.000000e+00 : f32
        %max3A_284 = vector.broadcast %max3A_283 : f32 to vector<16xf32>
        %max3A_285 = arith.maximumf %add3A_282, %max3A_284 : vector<16xf32>
        %mul3A_286 = arith.mulf %max3A_285, %get3A_7 : vector<16xf32>
        %add3A_287 = arith.addf %unpack3A_276, %unpack3A_281 : vector<16xf32>
        %max3A_288 = arith.constant 0.000000e+00 : f32
        %max3A_289 = vector.broadcast %max3A_288 : f32 to vector<16xf32>
        %max3A_290 = arith.maximumf %add3A_287, %max3A_289 : vector<16xf32>
        %mul3A_291 = arith.mulf %max3A_290, %get3A_9 : vector<16xf32>
        %add3A_292 = arith.addf %mul3A_286, %mul3A_291 : vector<16xf32>
        %add3A_293 = arith.addf %add3A_271, %add3A_292 : vector<16xf32>
        %eq3A_294 = arith.constant 2 : i32
        %eq3A_295 = vector.broadcast %eq3A_294 : i32 to vector<16xi32>
        %eq3A_296 = arith.cmpi eq, %iota3A, %eq3A_295 : vector<16xi32>
        %reduce_sum3A_297 = arith.constant true
        %reduce_sum3A_298 = vector.broadcast %reduce_sum3A_297 : i1 to vector<16xi1>
        %reduce_sum3A_299 = tpu.scan <sum>, %add3A_293 masked %reduce_sum3A_298 : vector<16xf32>, vector<16xi1> -> vector<16xf32>
        %reduce_sum3A_300 = vector.extract %reduce_sum3A_299[15] : f32 from vector<16xf32>
        %broadcast_in_dim3A_301 = vector.broadcast %reduce_sum3A_300 : f32 to vector<16xf32>
        %select_n3A_302 = arith.select %eq3A_296, %broadcast_in_dim3A_301, %select_n3A_248 : vector<16xi1>, vector<16xf32>
        %add3A_303 = arith.constant 3 : i32
        %add3A_304 = arith.addi %mul3A_144, %add3A_303 : i32
        %get3A_305 = arith.index_cast %add3A_304 : i32 to index
        %get3A_306 = arith.constant 0 : index
        %get3A_307 = tpu.vector_load %arg11[%get3A_305, %get3A_306] {strides = array<i32>} : memref<400x64xbf16, #tpu.memory_space<vmem>>, vector<32xbf16>,
        %unpack3A_308 = tpu.unpack_subelements %get3A_307, 0 {pack_format = #tpu.pack_format<interleaved>} : vector<32xbf16> -> vector<16xf32>
        %unpack3A_309 = tpu.unpack_subelements %get3A_307, 1 {pack_format = #tpu.pack_format<interleaved>} : vector<32xbf16> -> vector<16xf32>
        %get3A_310 = arith.index_cast %add3A_304 : i32 to index
        %get3A_311 = arith.constant 0 : index
        %get3A_312 = tpu.vector_load %arg12[%get3A_310, %get3A_311] {strides = array<i32>} : memref<400x64xbf16, #tpu.memory_space<vmem>>, vector<32xbf16>,
        %unpack3A_313 = tpu.unpack_subelements %get3A_312, 0 {pack_format = #tpu.pack_format<interleaved>} : vector<32xbf16> -> vector<16xf32>
        %unpack3A_314 = tpu.unpack_subelements %get3A_312, 1 {pack_format = #tpu.pack_format<interleaved>} : vector<32xbf16> -> vector<16xf32>
        %add3A_315 = arith.addf %unpack3A_308, %unpack3A_313 : vector<16xf32>
        %max3A_316 = arith.constant 0.000000e+00 : f32
        %max3A_317 = vector.broadcast %max3A_316 : f32 to vector<16xf32>
        %max3A_318 = arith.maximumf %add3A_315, %max3A_317 : vector<16xf32>
        %mul3A_319 = arith.mulf %max3A_318, %get3A_3 : vector<16xf32>
        %add3A_320 = arith.addf %unpack3A_309, %unpack3A_314 : vector<16xf32>
        %max3A_321 = arith.constant 0.000000e+00 : f32
        %max3A_322 = vector.broadcast %max3A_321 : f32 to vector<16xf32>
        %max3A_323 = arith.maximumf %add3A_320, %max3A_322 : vector<16xf32>
        %mul3A_324 = arith.mulf %max3A_323, %get3A_5 : vector<16xf32>
        %add3A_325 = arith.addf %mul3A_319, %mul3A_324 : vector<16xf32>
        %get3A_326 = arith.index_cast %add3A_304 : i32 to index
        %get3A_327 = arith.constant 32 : index
        %get3A_328 = tpu.vector_load %arg11[%get3A_326, %get3A_327] {strides = array<i32>} : memref<400x64xbf16, #tpu.memory_space<vmem>>, vector<32xbf16>,
        %unpack3A_329 = tpu.unpack_subelements %get3A_328, 0 {pack_format = #tpu.pack_format<interleaved>} : vector<32xbf16> -> vector<16xf32>
        %unpack3A_330 = tpu.unpack_subelements %get3A_328, 1 {pack_format = #tpu.pack_format<interleaved>} : vector<32xbf16> -> vector<16xf32>
        %get3A_331 = arith.index_cast %add3A_304 : i32 to index
        %get3A_332 = arith.constant 32 : index
        %get3A_333 = tpu.vector_load %arg12[%get3A_331, %get3A_332] {strides = array<i32>} : memref<400x64xbf16, #tpu.memory_space<vmem>>, vector<32xbf16>,
        %unpack3A_334 = tpu.unpack_subelements %get3A_333, 0 {pack_format = #tpu.pack_format<interleaved>} : vector<32xbf16> -> vector<16xf32>
        %unpack3A_335 = tpu.unpack_subelements %get3A_333, 1 {pack_format = #tpu.pack_format<interleaved>} : vector<32xbf16> -> vector<16xf32>
        %add3A_336 = arith.addf %unpack3A_329, %unpack3A_334 : vector<16xf32>
        %max3A_337 = arith.constant 0.000000e+00 : f32
        %max3A_338 = vector.broadcast %max3A_337 : f32 to vector<16xf32>
        %max3A_339 = arith.maximumf %add3A_336, %max3A_338 : vector<16xf32>
        %mul3A_340 = arith.mulf %max3A_339, %get3A_7 : vector<16xf32>
        %add3A_341 = arith.addf %unpack3A_330, %unpack3A_335 : vector<16xf32>
        %max3A_342 = arith.constant 0.000000e+00 : f32
        %max3A_343 = vector.broadcast %max3A_342 : f32 to vector<16xf32>
        %max3A_344 = arith.maximumf %add3A_341, %max3A_343 : vector<16xf32>
        %mul3A_345 = arith.mulf %max3A_344, %get3A_9 : vector<16xf32>
        %add3A_346 = arith.addf %mul3A_340, %mul3A_345 : vector<16xf32>
        %add3A_347 = arith.addf %add3A_325, %add3A_346 : vector<16xf32>
        %eq3A_348 = arith.constant 3 : i32
        %eq3A_349 = vector.broadcast %eq3A_348 : i32 to vector<16xi32>
        %eq3A_350 = arith.cmpi eq, %iota3A, %eq3A_349 : vector<16xi32>
        %reduce_sum3A_351 = arith.constant true
        %reduce_sum3A_352 = vector.broadcast %reduce_sum3A_351 : i1 to vector<16xi1>
        %reduce_sum3A_353 = tpu.scan <sum>, %add3A_347 masked %reduce_sum3A_352 : vector<16xf32>, vector<16xi1> -> vector<16xf32>
        %reduce_sum3A_354 = vector.extract %reduce_sum3A_353[15] : f32 from vector<16xf32>
        %broadcast_in_dim3A_355 = vector.broadcast %reduce_sum3A_354 : f32 to vector<16xf32>
        %select_n3A_356 = arith.select %eq3A_350, %broadcast_in_dim3A_355, %select_n3A_302 : vector<16xi1>, vector<16xf32>
        %add3A_357 = arith.constant 4 : i32
        %add3A_358 = arith.addi %mul3A_144, %add3A_357 : i32
        %get3A_359 = arith.index_cast %add3A_358 : i32 to index
        %get3A_360 = arith.constant 0 : index
        %get3A_361 = tpu.vector_load %arg11[%get3A_359, %get3A_360] {strides = array<i32>} : memref<400x64xbf16, #tpu.memory_space<vmem>>, vector<32xbf16>,
        %unpack3A_362 = tpu.unpack_subelements %get3A_361, 0 {pack_format = #tpu.pack_format<interleaved>} : vector<32xbf16> -> vector<16xf32>
        %unpack3A_363 = tpu.unpack_subelements %get3A_361, 1 {pack_format = #tpu.pack_format<interleaved>} : vector<32xbf16> -> vector<16xf32>
        %get3A_364 = arith.index_cast %add3A_358 : i32 to index
        %get3A_365 = arith.constant 0 : index
        %get3A_366 = tpu.vector_load %arg12[%get3A_364, %get3A_365] {strides = array<i32>} : memref<400x64xbf16, #tpu.memory_space<vmem>>, vector<32xbf16>,
        %unpack3A_367 = tpu.unpack_subelements %get3A_366, 0 {pack_format = #tpu.pack_format<interleaved>} : vector<32xbf16> -> vector<16xf32>
        %unpack3A_368 = tpu.unpack_subelements %get3A_366, 1 {pack_format = #tpu.pack_format<interleaved>} : vector<32xbf16> -> vector<16xf32>
        %add3A_369 = arith.addf %unpack3A_362, %unpack3A_367 : vector<16xf32>
        %max3A_370 = arith.constant 0.000000e+00 : f32
        %max3A_371 = vector.broadcast %max3A_370 : f32 to vector<16xf32>
        %max3A_372 = arith.maximumf %add3A_369, %max3A_371 : vector<16xf32>
        %mul3A_373 = arith.mulf %max3A_372, %get3A_3 : vector<16xf32>
        %add3A_374 = arith.addf %unpack3A_363, %unpack3A_368 : vector<16xf32>
        %max3A_375 = arith.constant 0.000000e+00 : f32
        %max3A_376 = vector.broadcast %max3A_375 : f32 to vector<16xf32>
        %max3A_377 = arith.maximumf %add3A_374, %max3A_376 : vector<16xf32>
        %mul3A_378 = arith.mulf %max3A_377, %get3A_5 : vector<16xf32>
        %add3A_379 = arith.addf %mul3A_373, %mul3A_378 : vector<16xf32>
        %get3A_380 = arith.index_cast %add3A_358 : i32 to index
        %get3A_381 = arith.constant 32 : index
        %get3A_382 = tpu.vector_load %arg11[%get3A_380, %get3A_381] {strides = array<i32>} : memref<400x64xbf16, #tpu.memory_space<vmem>>, vector<32xbf16>,
        %unpack3A_383 = tpu.unpack_subelements %get3A_382, 0 {pack_format = #tpu.pack_format<interleaved>} : vector<32xbf16> -> vector<16xf32>
        %unpack3A_384 = tpu.unpack_subelements %get3A_382, 1 {pack_format = #tpu.pack_format<interleaved>} : vector<32xbf16> -> vector<16xf32>
        %get3A_385 = arith.index_cast %add3A_358 : i32 to index
        %get3A_386 = arith.constant 32 : index
        %get3A_387 = tpu.vector_load %arg12[%get3A_385, %get3A_386] {strides = array<i32>} : memref<400x64xbf16, #tpu.memory_space<vmem>>, vector<32xbf16>,
        %unpack3A_388 = tpu.unpack_subelements %get3A_387, 0 {pack_format = #tpu.pack_format<interleaved>} : vector<32xbf16> -> vector<16xf32>
        %unpack3A_389 = tpu.unpack_subelements %get3A_387, 1 {pack_format = #tpu.pack_format<interleaved>} : vector<32xbf16> -> vector<16xf32>
        %add3A_390 = arith.addf %unpack3A_383, %unpack3A_388 : vector<16xf32>
        %max3A_391 = arith.constant 0.000000e+00 : f32
        %max3A_392 = vector.broadcast %max3A_391 : f32 to vector<16xf32>
        %max3A_393 = arith.maximumf %add3A_390, %max3A_392 : vector<16xf32>
        %mul3A_394 = arith.mulf %max3A_393, %get3A_7 : vector<16xf32>
        %add3A_395 = arith.addf %unpack3A_384, %unpack3A_389 : vector<16xf32>
        %max3A_396 = arith.constant 0.000000e+00 : f32
        %max3A_397 = vector.broadcast %max3A_396 : f32 to vector<16xf32>
        %max3A_398 = arith.maximumf %add3A_395, %max3A_397 : vector<16xf32>
        %mul3A_399 = arith.mulf %max3A_398, %get3A_9 : vector<16xf32>
        %add3A_400 = arith.addf %mul3A_394, %mul3A_399 : vector<16xf32>
        %add3A_401 = arith.addf %add3A_379, %add3A_400 : vector<16xf32>
        %eq3A_402 = arith.constant 4 : i32
        %eq3A_403 = vector.broadcast %eq3A_402 : i32 to vector<16xi32>
        %eq3A_404 = arith.cmpi eq, %iota3A, %eq3A_403 : vector<16xi32>
        %reduce_sum3A_405 = arith.constant true
        %reduce_sum3A_406 = vector.broadcast %reduce_sum3A_405 : i1 to vector<16xi1>
        %reduce_sum3A_407 = tpu.scan <sum>, %add3A_401 masked %reduce_sum3A_406 : vector<16xf32>, vector<16xi1> -> vector<16xf32>
        %reduce_sum3A_408 = vector.extract %reduce_sum3A_407[15] : f32 from vector<16xf32>
        %broadcast_in_dim3A_409 = vector.broadcast %reduce_sum3A_408 : f32 to vector<16xf32>
        %select_n3A_410 = arith.select %eq3A_404, %broadcast_in_dim3A_409, %select_n3A_356 : vector<16xi1>, vector<16xf32>
        %add3A_411 = arith.constant 5 : i32
        %add3A_412 = arith.addi %mul3A_144, %add3A_411 : i32
        %get3A_413 = arith.index_cast %add3A_412 : i32 to index
        %get3A_414 = arith.constant 0 : index
        %get3A_415 = tpu.vector_load %arg11[%get3A_413, %get3A_414] {strides = array<i32>} : memref<400x64xbf16, #tpu.memory_space<vmem>>, vector<32xbf16>,
        %unpack3A_416 = tpu.unpack_subelements %get3A_415, 0 {pack_format = #tpu.pack_format<interleaved>} : vector<32xbf16> -> vector<16xf32>
        %unpack3A_417 = tpu.unpack_subelements %get3A_415, 1 {pack_format = #tpu.pack_format<interleaved>} : vector<32xbf16> -> vector<16xf32>
        %get3A_418 = arith.index_cast %add3A_412 : i32 to index
        %get3A_419 = arith.constant 0 : index
        %get3A_420 = tpu.vector_load %arg12[%get3A_418, %get3A_419] {strides = array<i32>} : memref<400x64xbf16, #tpu.memory_space<vmem>>, vector<32xbf16>,
        %unpack3A_421 = tpu.unpack_subelements %get3A_420, 0 {pack_format = #tpu.pack_format<interleaved>} : vector<32xbf16> -> vector<16xf32>
        %unpack3A_422 = tpu.unpack_subelements %get3A_420, 1 {pack_format = #tpu.pack_format<interleaved>} : vector<32xbf16> -> vector<16xf32>
        %add3A_423 = arith.addf %unpack3A_416, %unpack3A_421 : vector<16xf32>
        %max3A_424 = arith.constant 0.000000e+00 : f32
        %max3A_425 = vector.broadcast %max3A_424 : f32 to vector<16xf32>
        %max3A_426 = arith.maximumf %add3A_423, %max3A_425 : vector<16xf32>
        %mul3A_427 = arith.mulf %max3A_426, %get3A_3 : vector<16xf32>
        %add3A_428 = arith.addf %unpack3A_417, %unpack3A_422 : vector<16xf32>
        %max3A_429 = arith.constant 0.000000e+00 : f32
        %max3A_430 = vector.broadcast %max3A_429 : f32 to vector<16xf32>
        %max3A_431 = arith.maximumf %add3A_428, %max3A_430 : vector<16xf32>
        %mul3A_432 = arith.mulf %max3A_431, %get3A_5 : vector<16xf32>
        %add3A_433 = arith.addf %mul3A_427, %mul3A_432 : vector<16xf32>
        %get3A_434 = arith.index_cast %add3A_412 : i32 to index
        %get3A_435 = arith.constant 32 : index
        %get3A_436 = tpu.vector_load %arg11[%get3A_434, %get3A_435] {strides = array<i32>} : memref<400x64xbf16, #tpu.memory_space<vmem>>, vector<32xbf16>,
        %unpack3A_437 = tpu.unpack_subelements %get3A_436, 0 {pack_format = #tpu.pack_format<interleaved>} : vector<32xbf16> -> vector<16xf32>
        %unpack3A_438 = tpu.unpack_subelements %get3A_436, 1 {pack_format = #tpu.pack_format<interleaved>} : vector<32xbf16> -> vector<16xf32>
        %get3A_439 = arith.index_cast %add3A_412 : i32 to index
        %get3A_440 = arith.constant 32 : index
        %get3A_441 = tpu.vector_load %arg12[%get3A_439, %get3A_440] {strides = array<i32>} : memref<400x64xbf16, #tpu.memory_space<vmem>>, vector<32xbf16>,
        %unpack3A_442 = tpu.unpack_subelements %get3A_441, 0 {pack_format = #tpu.pack_format<interleaved>} : vector<32xbf16> -> vector<16xf32>
        %unpack3A_443 = tpu.unpack_subelements %get3A_441, 1 {pack_format = #tpu.pack_format<interleaved>} : vector<32xbf16> -> vector<16xf32>
        %add3A_444 = arith.addf %unpack3A_437, %unpack3A_442 : vector<16xf32>
        %max3A_445 = arith.constant 0.000000e+00 : f32
        %max3A_446 = vector.broadcast %max3A_445 : f32 to vector<16xf32>
        %max3A_447 = arith.maximumf %add3A_444, %max3A_446 : vector<16xf32>
        %mul3A_448 = arith.mulf %max3A_447, %get3A_7 : vector<16xf32>
        %add3A_449 = arith.addf %unpack3A_438, %unpack3A_443 : vector<16xf32>
        %max3A_450 = arith.constant 0.000000e+00 : f32
        %max3A_451 = vector.broadcast %max3A_450 : f32 to vector<16xf32>
        %max3A_452 = arith.maximumf %add3A_449, %max3A_451 : vector<16xf32>
        %mul3A_453 = arith.mulf %max3A_452, %get3A_9 : vector<16xf32>
        %add3A_454 = arith.addf %mul3A_448, %mul3A_453 : vector<16xf32>
        %add3A_455 = arith.addf %add3A_433, %add3A_454 : vector<16xf32>
        %eq3A_456 = arith.constant 5 : i32
        %eq3A_457 = vector.broadcast %eq3A_456 : i32 to vector<16xi32>
        %eq3A_458 = arith.cmpi eq, %iota3A, %eq3A_457 : vector<16xi32>
        %reduce_sum3A_459 = arith.constant true
        %reduce_sum3A_460 = vector.broadcast %reduce_sum3A_459 : i1 to vector<16xi1>
        %reduce_sum3A_461 = tpu.scan <sum>, %add3A_455 masked %reduce_sum3A_460 : vector<16xf32>, vector<16xi1> -> vector<16xf32>
        %reduce_sum3A_462 = vector.extract %reduce_sum3A_461[15] : f32 from vector<16xf32>
        %broadcast_in_dim3A_463 = vector.broadcast %reduce_sum3A_462 : f32 to vector<16xf32>
        %select_n3A_464 = arith.select %eq3A_458, %broadcast_in_dim3A_463, %select_n3A_410 : vector<16xi1>, vector<16xf32>
        %add3A_465 = arith.constant 6 : i32
        %add3A_466 = arith.addi %mul3A_144, %add3A_465 : i32
        %get3A_467 = arith.index_cast %add3A_466 : i32 to index
        %get3A_468 = arith.constant 0 : index
        %get3A_469 = tpu.vector_load %arg11[%get3A_467, %get3A_468] {strides = array<i32>} : memref<400x64xbf16, #tpu.memory_space<vmem>>, vector<32xbf16>,
        %unpack3A_470 = tpu.unpack_subelements %get3A_469, 0 {pack_format = #tpu.pack_format<interleaved>} : vector<32xbf16> -> vector<16xf32>
        %unpack3A_471 = tpu.unpack_subelements %get3A_469, 1 {pack_format = #tpu.pack_format<interleaved>} : vector<32xbf16> -> vector<16xf32>
        %get3A_472 = arith.index_cast %add3A_466 : i32 to index
        %get3A_473 = arith.constant 0 : index
        %get3A_474 = tpu.vector_load %arg12[%get3A_472, %get3A_473] {strides = array<i32>} : memref<400x64xbf16, #tpu.memory_space<vmem>>, vector<32xbf16>,
        %unpack3A_475 = tpu.unpack_subelements %get3A_474, 0 {pack_format = #tpu.pack_format<interleaved>} : vector<32xbf16> -> vector<16xf32>
        %unpack3A_476 = tpu.unpack_subelements %get3A_474, 1 {pack_format = #tpu.pack_format<interleaved>} : vector<32xbf16> -> vector<16xf32>
        %add3A_477 = arith.addf %unpack3A_470, %unpack3A_475 : vector<16xf32>
        %max3A_478 = arith.constant 0.000000e+00 : f32
        %max3A_479 = vector.broadcast %max3A_478 : f32 to vector<16xf32>
        %max3A_480 = arith.maximumf %add3A_477, %max3A_479 : vector<16xf32>
        %mul3A_481 = arith.mulf %max3A_480, %get3A_3 : vector<16xf32>
        %add3A_482 = arith.addf %unpack3A_471, %unpack3A_476 : vector<16xf32>
        %max3A_483 = arith.constant 0.000000e+00 : f32
        %max3A_484 = vector.broadcast %max3A_483 : f32 to vector<16xf32>
        %max3A_485 = arith.maximumf %add3A_482, %max3A_484 : vector<16xf32>
        %mul3A_486 = arith.mulf %max3A_485, %get3A_5 : vector<16xf32>
        %add3A_487 = arith.addf %mul3A_481, %mul3A_486 : vector<16xf32>
        %get3A_488 = arith.index_cast %add3A_466 : i32 to index
        %get3A_489 = arith.constant 32 : index
        %get3A_490 = tpu.vector_load %arg11[%get3A_488, %get3A_489] {strides = array<i32>} : memref<400x64xbf16, #tpu.memory_space<vmem>>, vector<32xbf16>,
        %unpack3A_491 = tpu.unpack_subelements %get3A_490, 0 {pack_format = #tpu.pack_format<interleaved>} : vector<32xbf16> -> vector<16xf32>
        %unpack3A_492 = tpu.unpack_subelements %get3A_490, 1 {pack_format = #tpu.pack_format<interleaved>} : vector<32xbf16> -> vector<16xf32>
        %get3A_493 = arith.index_cast %add3A_466 : i32 to index
        %get3A_494 = arith.constant 32 : index
        %get3A_495 = tpu.vector_load %arg12[%get3A_493, %get3A_494] {strides = array<i32>} : memref<400x64xbf16, #tpu.memory_space<vmem>>, vector<32xbf16>,
        %unpack3A_496 = tpu.unpack_subelements %get3A_495, 0 {pack_format = #tpu.pack_format<interleaved>} : vector<32xbf16> -> vector<16xf32>
        %unpack3A_497 = tpu.unpack_subelements %get3A_495, 1 {pack_format = #tpu.pack_format<interleaved>} : vector<32xbf16> -> vector<16xf32>
        %add3A_498 = arith.addf %unpack3A_491, %unpack3A_496 : vector<16xf32>
        %max3A_499 = arith.constant 0.000000e+00 : f32
        %max3A_500 = vector.broadcast %max3A_499 : f32 to vector<16xf32>
        %max3A_501 = arith.maximumf %add3A_498, %max3A_500 : vector<16xf32>
        %mul3A_502 = arith.mulf %max3A_501, %get3A_7 : vector<16xf32>
        %add3A_503 = arith.addf %unpack3A_492, %unpack3A_497 : vector<16xf32>
        %max3A_504 = arith.constant 0.000000e+00 : f32
        %max3A_505 = vector.broadcast %max3A_504 : f32 to vector<16xf32>
        %max3A_506 = arith.maximumf %add3A_503, %max3A_505 : vector<16xf32>
        %mul3A_507 = arith.mulf %max3A_506, %get3A_9 : vector<16xf32>
        %add3A_508 = arith.addf %mul3A_502, %mul3A_507 : vector<16xf32>
        %add3A_509 = arith.addf %add3A_487, %add3A_508 : vector<16xf32>
        %eq3A_510 = arith.constant 6 : i32
        %eq3A_511 = vector.broadcast %eq3A_510 : i32 to vector<16xi32>
        %eq3A_512 = arith.cmpi eq, %iota3A, %eq3A_511 : vector<16xi32>
        %reduce_sum3A_513 = arith.constant true
        %reduce_sum3A_514 = vector.broadcast %reduce_sum3A_513 : i1 to vector<16xi1>
        %reduce_sum3A_515 = tpu.scan <sum>, %add3A_509 masked %reduce_sum3A_514 : vector<16xf32>, vector<16xi1> -> vector<16xf32>
        %reduce_sum3A_516 = vector.extract %reduce_sum3A_515[15] : f32 from vector<16xf32>
        %broadcast_in_dim3A_517 = vector.broadcast %reduce_sum3A_516 : f32 to vector<16xf32>
        %select_n3A_518 = arith.select %eq3A_512, %broadcast_in_dim3A_517, %select_n3A_464 : vector<16xi1>, vector<16xf32>
        %add3A_519 = arith.constant 7 : i32
        %add3A_520 = arith.addi %mul3A_144, %add3A_519 : i32
        %get3A_521 = arith.index_cast %add3A_520 : i32 to index
        %get3A_522 = arith.constant 0 : index
        %get3A_523 = tpu.vector_load %arg11[%get3A_521, %get3A_522] {strides = array<i32>} : memref<400x64xbf16, #tpu.memory_space<vmem>>, vector<32xbf16>,
        %unpack3A_524 = tpu.unpack_subelements %get3A_523, 0 {pack_format = #tpu.pack_format<interleaved>} : vector<32xbf16> -> vector<16xf32>
        %unpack3A_525 = tpu.unpack_subelements %get3A_523, 1 {pack_format = #tpu.pack_format<interleaved>} : vector<32xbf16> -> vector<16xf32>
        %get3A_526 = arith.index_cast %add3A_520 : i32 to index
        %get3A_527 = arith.constant 0 : index
        %get3A_528 = tpu.vector_load %arg12[%get3A_526, %get3A_527] {strides = array<i32>} : memref<400x64xbf16, #tpu.memory_space<vmem>>, vector<32xbf16>,
        %unpack3A_529 = tpu.unpack_subelements %get3A_528, 0 {pack_format = #tpu.pack_format<interleaved>} : vector<32xbf16> -> vector<16xf32>
        %unpack3A_530 = tpu.unpack_subelements %get3A_528, 1 {pack_format = #tpu.pack_format<interleaved>} : vector<32xbf16> -> vector<16xf32>
        %add3A_531 = arith.addf %unpack3A_524, %unpack3A_529 : vector<16xf32>
        %max3A_532 = arith.constant 0.000000e+00 : f32
        %max3A_533 = vector.broadcast %max3A_532 : f32 to vector<16xf32>
        %max3A_534 = arith.maximumf %add3A_531, %max3A_533 : vector<16xf32>
        %mul3A_535 = arith.mulf %max3A_534, %get3A_3 : vector<16xf32>
        %add3A_536 = arith.addf %unpack3A_525, %unpack3A_530 : vector<16xf32>
        %max3A_537 = arith.constant 0.000000e+00 : f32
        %max3A_538 = vector.broadcast %max3A_537 : f32 to vector<16xf32>
        %max3A_539 = arith.maximumf %add3A_536, %max3A_538 : vector<16xf32>
        %mul3A_540 = arith.mulf %max3A_539, %get3A_5 : vector<16xf32>
        %add3A_541 = arith.addf %mul3A_535, %mul3A_540 : vector<16xf32>
        %get3A_542 = arith.index_cast %add3A_520 : i32 to index
        %get3A_543 = arith.constant 32 : index
        %get3A_544 = tpu.vector_load %arg11[%get3A_542, %get3A_543] {strides = array<i32>} : memref<400x64xbf16, #tpu.memory_space<vmem>>, vector<32xbf16>,
        %unpack3A_545 = tpu.unpack_subelements %get3A_544, 0 {pack_format = #tpu.pack_format<interleaved>} : vector<32xbf16> -> vector<16xf32>
        %unpack3A_546 = tpu.unpack_subelements %get3A_544, 1 {pack_format = #tpu.pack_format<interleaved>} : vector<32xbf16> -> vector<16xf32>
        %get3A_547 = arith.index_cast %add3A_520 : i32 to index
        %get3A_548 = arith.constant 32 : index
        %get3A_549 = tpu.vector_load %arg12[%get3A_547, %get3A_548] {strides = array<i32>} : memref<400x64xbf16, #tpu.memory_space<vmem>>, vector<32xbf16>,
        %unpack3A_550 = tpu.unpack_subelements %get3A_549, 0 {pack_format = #tpu.pack_format<interleaved>} : vector<32xbf16> -> vector<16xf32>
        %unpack3A_551 = tpu.unpack_subelements %get3A_549, 1 {pack_format = #tpu.pack_format<interleaved>} : vector<32xbf16> -> vector<16xf32>
        %add3A_552 = arith.addf %unpack3A_545, %unpack3A_550 : vector<16xf32>
        %max3A_553 = arith.constant 0.000000e+00 : f32
        %max3A_554 = vector.broadcast %max3A_553 : f32 to vector<16xf32>
        %max3A_555 = arith.maximumf %add3A_552, %max3A_554 : vector<16xf32>
        %mul3A_556 = arith.mulf %max3A_555, %get3A_7 : vector<16xf32>
        %add3A_557 = arith.addf %unpack3A_546, %unpack3A_551 : vector<16xf32>
        %max3A_558 = arith.constant 0.000000e+00 : f32
        %max3A_559 = vector.broadcast %max3A_558 : f32 to vector<16xf32>
        %max3A_560 = arith.maximumf %add3A_557, %max3A_559 : vector<16xf32>
        %mul3A_561 = arith.mulf %max3A_560, %get3A_9 : vector<16xf32>
        %add3A_562 = arith.addf %mul3A_556, %mul3A_561 : vector<16xf32>
        %add3A_563 = arith.addf %add3A_541, %add3A_562 : vector<16xf32>
        %eq3A_564 = arith.constant 7 : i32
        %eq3A_565 = vector.broadcast %eq3A_564 : i32 to vector<16xi32>
        %eq3A_566 = arith.cmpi eq, %iota3A, %eq3A_565 : vector<16xi32>
        %reduce_sum3A_567 = arith.constant true
        %reduce_sum3A_568 = vector.broadcast %reduce_sum3A_567 : i1 to vector<16xi1>
        %reduce_sum3A_569 = tpu.scan <sum>, %add3A_563 masked %reduce_sum3A_568 : vector<16xf32>, vector<16xi1> -> vector<16xf32>
        %reduce_sum3A_570 = vector.extract %reduce_sum3A_569[15] : f32 from vector<16xf32>
        %broadcast_in_dim3A_571 = vector.broadcast %reduce_sum3A_570 : f32 to vector<16xf32>
        %select_n3A_572 = arith.select %eq3A_566, %broadcast_in_dim3A_571, %select_n3A_518 : vector<16xi1>, vector<16xf32>
        %add3A_573 = arith.constant 8 : i32
        %add3A_574 = arith.addi %mul3A_144, %add3A_573 : i32
        %get3A_575 = arith.index_cast %add3A_574 : i32 to index
        %get3A_576 = arith.constant 0 : index
        %get3A_577 = tpu.vector_load %arg11[%get3A_575, %get3A_576] {strides = array<i32>} : memref<400x64xbf16, #tpu.memory_space<vmem>>, vector<32xbf16>,
        %unpack3A_578 = tpu.unpack_subelements %get3A_577, 0 {pack_format = #tpu.pack_format<interleaved>} : vector<32xbf16> -> vector<16xf32>
        %unpack3A_579 = tpu.unpack_subelements %get3A_577, 1 {pack_format = #tpu.pack_format<interleaved>} : vector<32xbf16> -> vector<16xf32>
        %get3A_580 = arith.index_cast %add3A_574 : i32 to index
        %get3A_581 = arith.constant 0 : index
        %get3A_582 = tpu.vector_load %arg12[%get3A_580, %get3A_581] {strides = array<i32>} : memref<400x64xbf16, #tpu.memory_space<vmem>>, vector<32xbf16>,
        %unpack3A_583 = tpu.unpack_subelements %get3A_582, 0 {pack_format = #tpu.pack_format<interleaved>} : vector<32xbf16> -> vector<16xf32>
        %unpack3A_584 = tpu.unpack_subelements %get3A_582, 1 {pack_format = #tpu.pack_format<interleaved>} : vector<32xbf16> -> vector<16xf32>
        %add3A_585 = arith.addf %unpack3A_578, %unpack3A_583 : vector<16xf32>
        %max3A_586 = arith.constant 0.000000e+00 : f32
        %max3A_587 = vector.broadcast %max3A_586 : f32 to vector<16xf32>
        %max3A_588 = arith.maximumf %add3A_585, %max3A_587 : vector<16xf32>
        %mul3A_589 = arith.mulf %max3A_588, %get3A_3 : vector<16xf32>
        %add3A_590 = arith.addf %unpack3A_579, %unpack3A_584 : vector<16xf32>
        %max3A_591 = arith.constant 0.000000e+00 : f32
        %max3A_592 = vector.broadcast %max3A_591 : f32 to vector<16xf32>
        %max3A_593 = arith.maximumf %add3A_590, %max3A_592 : vector<16xf32>
        %mul3A_594 = arith.mulf %max3A_593, %get3A_5 : vector<16xf32>
        %add3A_595 = arith.addf %mul3A_589, %mul3A_594 : vector<16xf32>
        %get3A_596 = arith.index_cast %add3A_574 : i32 to index
        %get3A_597 = arith.constant 32 : index
        %get3A_598 = tpu.vector_load %arg11[%get3A_596, %get3A_597] {strides = array<i32>} : memref<400x64xbf16, #tpu.memory_space<vmem>>, vector<32xbf16>,
        %unpack3A_599 = tpu.unpack_subelements %get3A_598, 0 {pack_format = #tpu.pack_format<interleaved>} : vector<32xbf16> -> vector<16xf32>
        %unpack3A_600 = tpu.unpack_subelements %get3A_598, 1 {pack_format = #tpu.pack_format<interleaved>} : vector<32xbf16> -> vector<16xf32>
        %get3A_601 = arith.index_cast %add3A_574 : i32 to index
        %get3A_602 = arith.constant 32 : index
        %get3A_603 = tpu.vector_load %arg12[%get3A_601, %get3A_602] {strides = array<i32>} : memref<400x64xbf16, #tpu.memory_space<vmem>>, vector<32xbf16>,
        %unpack3A_604 = tpu.unpack_subelements %get3A_603, 0 {pack_format = #tpu.pack_format<interleaved>} : vector<32xbf16> -> vector<16xf32>
        %unpack3A_605 = tpu.unpack_subelements %get3A_603, 1 {pack_format = #tpu.pack_format<interleaved>} : vector<32xbf16> -> vector<16xf32>
        %add3A_606 = arith.addf %unpack3A_599, %unpack3A_604 : vector<16xf32>
        %max3A_607 = arith.constant 0.000000e+00 : f32
        %max3A_608 = vector.broadcast %max3A_607 : f32 to vector<16xf32>
        %max3A_609 = arith.maximumf %add3A_606, %max3A_608 : vector<16xf32>
        %mul3A_610 = arith.mulf %max3A_609, %get3A_7 : vector<16xf32>
        %add3A_611 = arith.addf %unpack3A_600, %unpack3A_605 : vector<16xf32>
        %max3A_612 = arith.constant 0.000000e+00 : f32
        %max3A_613 = vector.broadcast %max3A_612 : f32 to vector<16xf32>
        %max3A_614 = arith.maximumf %add3A_611, %max3A_613 : vector<16xf32>
        %mul3A_615 = arith.mulf %max3A_614, %get3A_9 : vector<16xf32>
        %add3A_616 = arith.addf %mul3A_610, %mul3A_615 : vector<16xf32>
        %add3A_617 = arith.addf %add3A_595, %add3A_616 : vector<16xf32>
        %eq3A_618 = arith.constant 8 : i32
        %eq3A_619 = vector.broadcast %eq3A_618 : i32 to vector<16xi32>
        %eq3A_620 = arith.cmpi eq, %iota3A, %eq3A_619 : vector<16xi32>
        %reduce_sum3A_621 = arith.constant true
        %reduce_sum3A_622 = vector.broadcast %reduce_sum3A_621 : i1 to vector<16xi1>
        %reduce_sum3A_623 = tpu.scan <sum>, %add3A_617 masked %reduce_sum3A_622 : vector<16xf32>, vector<16xi1> -> vector<16xf32>
        %reduce_sum3A_624 = vector.extract %reduce_sum3A_623[15] : f32 from vector<16xf32>
        %broadcast_in_dim3A_625 = vector.broadcast %reduce_sum3A_624 : f32 to vector<16xf32>
        %select_n3A_626 = arith.select %eq3A_620, %broadcast_in_dim3A_625, %select_n3A_572 : vector<16xi1>, vector<16xf32>
        %add3A_627 = arith.constant 9 : i32
        %add3A_628 = arith.addi %mul3A_144, %add3A_627 : i32
        %get3A_629 = arith.index_cast %add3A_628 : i32 to index
        %get3A_630 = arith.constant 0 : index
        %get3A_631 = tpu.vector_load %arg11[%get3A_629, %get3A_630] {strides = array<i32>} : memref<400x64xbf16, #tpu.memory_space<vmem>>, vector<32xbf16>,
        %unpack3A_632 = tpu.unpack_subelements %get3A_631, 0 {pack_format = #tpu.pack_format<interleaved>} : vector<32xbf16> -> vector<16xf32>
        %unpack3A_633 = tpu.unpack_subelements %get3A_631, 1 {pack_format = #tpu.pack_format<interleaved>} : vector<32xbf16> -> vector<16xf32>
        %get3A_634 = arith.index_cast %add3A_628 : i32 to index
        %get3A_635 = arith.constant 0 : index
        %get3A_636 = tpu.vector_load %arg12[%get3A_634, %get3A_635] {strides = array<i32>} : memref<400x64xbf16, #tpu.memory_space<vmem>>, vector<32xbf16>,
        %unpack3A_637 = tpu.unpack_subelements %get3A_636, 0 {pack_format = #tpu.pack_format<interleaved>} : vector<32xbf16> -> vector<16xf32>
        %unpack3A_638 = tpu.unpack_subelements %get3A_636, 1 {pack_format = #tpu.pack_format<interleaved>} : vector<32xbf16> -> vector<16xf32>
        %add3A_639 = arith.addf %unpack3A_632, %unpack3A_637 : vector<16xf32>
        %max3A_640 = arith.constant 0.000000e+00 : f32
        %max3A_641 = vector.broadcast %max3A_640 : f32 to vector<16xf32>
        %max3A_642 = arith.maximumf %add3A_639, %max3A_641 : vector<16xf32>
        %mul3A_643 = arith.mulf %max3A_642, %get3A_3 : vector<16xf32>
        %add3A_644 = arith.addf %unpack3A_633, %unpack3A_638 : vector<16xf32>
        %max3A_645 = arith.constant 0.000000e+00 : f32
        %max3A_646 = vector.broadcast %max3A_645 : f32 to vector<16xf32>
        %max3A_647 = arith.maximumf %add3A_644, %max3A_646 : vector<16xf32>
        %mul3A_648 = arith.mulf %max3A_647, %get3A_5 : vector<16xf32>
        %add3A_649 = arith.addf %mul3A_643, %mul3A_648 : vector<16xf32>
        %get3A_650 = arith.index_cast %add3A_628 : i32 to index
        %get3A_651 = arith.constant 32 : index
        %get3A_652 = tpu.vector_load %arg11[%get3A_650, %get3A_651] {strides = array<i32>} : memref<400x64xbf16, #tpu.memory_space<vmem>>, vector<32xbf16>,
        %unpack3A_653 = tpu.unpack_subelements %get3A_652, 0 {pack_format = #tpu.pack_format<interleaved>} : vector<32xbf16> -> vector<16xf32>
        %unpack3A_654 = tpu.unpack_subelements %get3A_652, 1 {pack_format = #tpu.pack_format<interleaved>} : vector<32xbf16> -> vector<16xf32>
        %get3A_655 = arith.index_cast %add3A_628 : i32 to index
        %get3A_656 = arith.constant 32 : index
        %get3A_657 = tpu.vector_load %arg12[%get3A_655, %get3A_656] {strides = array<i32>} : memref<400x64xbf16, #tpu.memory_space<vmem>>, vector<32xbf16>,
        %unpack3A_658 = tpu.unpack_subelements %get3A_657, 0 {pack_format = #tpu.pack_format<interleaved>} : vector<32xbf16> -> vector<16xf32>
        %unpack3A_659 = tpu.unpack_subelements %get3A_657, 1 {pack_format = #tpu.pack_format<interleaved>} : vector<32xbf16> -> vector<16xf32>
        %add3A_660 = arith.addf %unpack3A_653, %unpack3A_658 : vector<16xf32>
        %max3A_661 = arith.constant 0.000000e+00 : f32
        %max3A_662 = vector.broadcast %max3A_661 : f32 to vector<16xf32>
        %max3A_663 = arith.maximumf %add3A_660, %max3A_662 : vector<16xf32>
        %mul3A_664 = arith.mulf %max3A_663, %get3A_7 : vector<16xf32>
        %add3A_665 = arith.addf %unpack3A_654, %unpack3A_659 : vector<16xf32>
        %max3A_666 = arith.constant 0.000000e+00 : f32
        %max3A_667 = vector.broadcast %max3A_666 : f32 to vector<16xf32>
        %max3A_668 = arith.maximumf %add3A_665, %max3A_667 : vector<16xf32>
        %mul3A_669 = arith.mulf %max3A_668, %get3A_9 : vector<16xf32>
        %add3A_670 = arith.addf %mul3A_664, %mul3A_669 : vector<16xf32>
        %add3A_671 = arith.addf %add3A_649, %add3A_670 : vector<16xf32>
        %eq3A_672 = arith.constant 9 : i32
        %eq3A_673 = vector.broadcast %eq3A_672 : i32 to vector<16xi32>
        %eq3A_674 = arith.cmpi eq, %iota3A, %eq3A_673 : vector<16xi32>
        %reduce_sum3A_675 = arith.constant true
        %reduce_sum3A_676 = vector.broadcast %reduce_sum3A_675 : i1 to vector<16xi1>
        %reduce_sum3A_677 = tpu.scan <sum>, %add3A_671 masked %reduce_sum3A_676 : vector<16xf32>, vector<16xi1> -> vector<16xf32>
        %reduce_sum3A_678 = vector.extract %reduce_sum3A_677[15] : f32 from vector<16xf32>
        %broadcast_in_dim3A_679 = vector.broadcast %reduce_sum3A_678 : f32 to vector<16xf32>
        %select_n3A_680 = arith.select %eq3A_674, %broadcast_in_dim3A_679, %select_n3A_626 : vector<16xi1>, vector<16xf32>
        %add3A_681 = arith.constant 10 : i32
        %add3A_682 = arith.addi %mul3A_144, %add3A_681 : i32
        %get3A_683 = arith.index_cast %add3A_682 : i32 to index
        %get3A_684 = arith.constant 0 : index
        %get3A_685 = tpu.vector_load %arg11[%get3A_683, %get3A_684] {strides = array<i32>} : memref<400x64xbf16, #tpu.memory_space<vmem>>, vector<32xbf16>,
        %unpack3A_686 = tpu.unpack_subelements %get3A_685, 0 {pack_format = #tpu.pack_format<interleaved>} : vector<32xbf16> -> vector<16xf32>
        %unpack3A_687 = tpu.unpack_subelements %get3A_685, 1 {pack_format = #tpu.pack_format<interleaved>} : vector<32xbf16> -> vector<16xf32>
        %get3A_688 = arith.index_cast %add3A_682 : i32 to index
        %get3A_689 = arith.constant 0 : index
        %get3A_690 = tpu.vector_load %arg12[%get3A_688, %get3A_689] {strides = array<i32>} : memref<400x64xbf16, #tpu.memory_space<vmem>>, vector<32xbf16>,
        %unpack3A_691 = tpu.unpack_subelements %get3A_690, 0 {pack_format = #tpu.pack_format<interleaved>} : vector<32xbf16> -> vector<16xf32>
        %unpack3A_692 = tpu.unpack_subelements %get3A_690, 1 {pack_format = #tpu.pack_format<interleaved>} : vector<32xbf16> -> vector<16xf32>
        %add3A_693 = arith.addf %unpack3A_686, %unpack3A_691 : vector<16xf32>
        %max3A_694 = arith.constant 0.000000e+00 : f32
        %max3A_695 = vector.broadcast %max3A_694 : f32 to vector<16xf32>
        %max3A_696 = arith.maximumf %add3A_693, %max3A_695 : vector<16xf32>
        %mul3A_697 = arith.mulf %max3A_696, %get3A_3 : vector<16xf32>
        %add3A_698 = arith.addf %unpack3A_687, %unpack3A_692 : vector<16xf32>
        %max3A_699 = arith.constant 0.000000e+00 : f32
        %max3A_700 = vector.broadcast %max3A_699 : f32 to vector<16xf32>
        %max3A_701 = arith.maximumf %add3A_698, %max3A_700 : vector<16xf32>
        %mul3A_702 = arith.mulf %max3A_701, %get3A_5 : vector<16xf32>
        %add3A_703 = arith.addf %mul3A_697, %mul3A_702 : vector<16xf32>
        %get3A_704 = arith.index_cast %add3A_682 : i32 to index
        %get3A_705 = arith.constant 32 : index
        %get3A_706 = tpu.vector_load %arg11[%get3A_704, %get3A_705] {strides = array<i32>} : memref<400x64xbf16, #tpu.memory_space<vmem>>, vector<32xbf16>,
        %unpack3A_707 = tpu.unpack_subelements %get3A_706, 0 {pack_format = #tpu.pack_format<interleaved>} : vector<32xbf16> -> vector<16xf32>
        %unpack3A_708 = tpu.unpack_subelements %get3A_706, 1 {pack_format = #tpu.pack_format<interleaved>} : vector<32xbf16> -> vector<16xf32>
        %get3A_709 = arith.index_cast %add3A_682 : i32 to index
        %get3A_710 = arith.constant 32 : index
        %get3A_711 = tpu.vector_load %arg12[%get3A_709, %get3A_710] {strides = array<i32>} : memref<400x64xbf16, #tpu.memory_space<vmem>>, vector<32xbf16>,
        %unpack3A_712 = tpu.unpack_subelements %get3A_711, 0 {pack_format = #tpu.pack_format<interleaved>} : vector<32xbf16> -> vector<16xf32>
        %unpack3A_713 = tpu.unpack_subelements %get3A_711, 1 {pack_format = #tpu.pack_format<interleaved>} : vector<32xbf16> -> vector<16xf32>
        %add3A_714 = arith.addf %unpack3A_707, %unpack3A_712 : vector<16xf32>
        %max3A_715 = arith.constant 0.000000e+00 : f32
        %max3A_716 = vector.broadcast %max3A_715 : f32 to vector<16xf32>
        %max3A_717 = arith.maximumf %add3A_714, %max3A_716 : vector<16xf32>
        %mul3A_718 = arith.mulf %max3A_717, %get3A_7 : vector<16xf32>
        %add3A_719 = arith.addf %unpack3A_708, %unpack3A_713 : vector<16xf32>
        %max3A_720 = arith.constant 0.000000e+00 : f32
        %max3A_721 = vector.broadcast %max3A_720 : f32 to vector<16xf32>
        %max3A_722 = arith.maximumf %add3A_719, %max3A_721 : vector<16xf32>
        %mul3A_723 = arith.mulf %max3A_722, %get3A_9 : vector<16xf32>
        %add3A_724 = arith.addf %mul3A_718, %mul3A_723 : vector<16xf32>
        %add3A_725 = arith.addf %add3A_703, %add3A_724 : vector<16xf32>
        %eq3A_726 = arith.constant 10 : i32
        %eq3A_727 = vector.broadcast %eq3A_726 : i32 to vector<16xi32>
        %eq3A_728 = arith.cmpi eq, %iota3A, %eq3A_727 : vector<16xi32>
        %reduce_sum3A_729 = arith.constant true
        %reduce_sum3A_730 = vector.broadcast %reduce_sum3A_729 : i1 to vector<16xi1>
        %reduce_sum3A_731 = tpu.scan <sum>, %add3A_725 masked %reduce_sum3A_730 : vector<16xf32>, vector<16xi1> -> vector<16xf32>
        %reduce_sum3A_732 = vector.extract %reduce_sum3A_731[15] : f32 from vector<16xf32>
        %broadcast_in_dim3A_733 = vector.broadcast %reduce_sum3A_732 : f32 to vector<16xf32>
        %select_n3A_734 = arith.select %eq3A_728, %broadcast_in_dim3A_733, %select_n3A_680 : vector<16xi1>, vector<16xf32>
        %add3A_735 = arith.constant 11 : i32
        %add3A_736 = arith.addi %mul3A_144, %add3A_735 : i32
        %get3A_737 = arith.index_cast %add3A_736 : i32 to index
        %get3A_738 = arith.constant 0 : index
        %get3A_739 = tpu.vector_load %arg11[%get3A_737, %get3A_738] {strides = array<i32>} : memref<400x64xbf16, #tpu.memory_space<vmem>>, vector<32xbf16>,
        %unpack3A_740 = tpu.unpack_subelements %get3A_739, 0 {pack_format = #tpu.pack_format<interleaved>} : vector<32xbf16> -> vector<16xf32>
        %unpack3A_741 = tpu.unpack_subelements %get3A_739, 1 {pack_format = #tpu.pack_format<interleaved>} : vector<32xbf16> -> vector<16xf32>
        %get3A_742 = arith.index_cast %add3A_736 : i32 to index
        %get3A_743 = arith.constant 0 : index
        %get3A_744 = tpu.vector_load %arg12[%get3A_742, %get3A_743] {strides = array<i32>} : memref<400x64xbf16, #tpu.memory_space<vmem>>, vector<32xbf16>,
        %unpack3A_745 = tpu.unpack_subelements %get3A_744, 0 {pack_format = #tpu.pack_format<interleaved>} : vector<32xbf16> -> vector<16xf32>
        %unpack3A_746 = tpu.unpack_subelements %get3A_744, 1 {pack_format = #tpu.pack_format<interleaved>} : vector<32xbf16> -> vector<16xf32>
        %add3A_747 = arith.addf %unpack3A_740, %unpack3A_745 : vector<16xf32>
        %max3A_748 = arith.constant 0.000000e+00 : f32
        %max3A_749 = vector.broadcast %max3A_748 : f32 to vector<16xf32>
        %max3A_750 = arith.maximumf %add3A_747, %max3A_749 : vector<16xf32>
        %mul3A_751 = arith.mulf %max3A_750, %get3A_3 : vector<16xf32>
        %add3A_752 = arith.addf %unpack3A_741, %unpack3A_746 : vector<16xf32>
        %max3A_753 = arith.constant 0.000000e+00 : f32
        %max3A_754 = vector.broadcast %max3A_753 : f32 to vector<16xf32>
        %max3A_755 = arith.maximumf %add3A_752, %max3A_754 : vector<16xf32>
        %mul3A_756 = arith.mulf %max3A_755, %get3A_5 : vector<16xf32>
        %add3A_757 = arith.addf %mul3A_751, %mul3A_756 : vector<16xf32>
        %get3A_758 = arith.index_cast %add3A_736 : i32 to index
        %get3A_759 = arith.constant 32 : index
        %get3A_760 = tpu.vector_load %arg11[%get3A_758, %get3A_759] {strides = array<i32>} : memref<400x64xbf16, #tpu.memory_space<vmem>>, vector<32xbf16>,
        %unpack3A_761 = tpu.unpack_subelements %get3A_760, 0 {pack_format = #tpu.pack_format<interleaved>} : vector<32xbf16> -> vector<16xf32>
        %unpack3A_762 = tpu.unpack_subelements %get3A_760, 1 {pack_format = #tpu.pack_format<interleaved>} : vector<32xbf16> -> vector<16xf32>
        %get3A_763 = arith.index_cast %add3A_736 : i32 to index
        %get3A_764 = arith.constant 32 : index
        %get3A_765 = tpu.vector_load %arg12[%get3A_763, %get3A_764] {strides = array<i32>} : memref<400x64xbf16, #tpu.memory_space<vmem>>, vector<32xbf16>,
        %unpack3A_766 = tpu.unpack_subelements %get3A_765, 0 {pack_format = #tpu.pack_format<interleaved>} : vector<32xbf16> -> vector<16xf32>
        %unpack3A_767 = tpu.unpack_subelements %get3A_765, 1 {pack_format = #tpu.pack_format<interleaved>} : vector<32xbf16> -> vector<16xf32>
        %add3A_768 = arith.addf %unpack3A_761, %unpack3A_766 : vector<16xf32>
        %max3A_769 = arith.constant 0.000000e+00 : f32
        %max3A_770 = vector.broadcast %max3A_769 : f32 to vector<16xf32>
        %max3A_771 = arith.maximumf %add3A_768, %max3A_770 : vector<16xf32>
        %mul3A_772 = arith.mulf %max3A_771, %get3A_7 : vector<16xf32>
        %add3A_773 = arith.addf %unpack3A_762, %unpack3A_767 : vector<16xf32>
        %max3A_774 = arith.constant 0.000000e+00 : f32
        %max3A_775 = vector.broadcast %max3A_774 : f32 to vector<16xf32>
        %max3A_776 = arith.maximumf %add3A_773, %max3A_775 : vector<16xf32>
        %mul3A_777 = arith.mulf %max3A_776, %get3A_9 : vector<16xf32>
        %add3A_778 = arith.addf %mul3A_772, %mul3A_777 : vector<16xf32>
        %add3A_779 = arith.addf %add3A_757, %add3A_778 : vector<16xf32>
        %eq3A_780 = arith.constant 11 : i32
        %eq3A_781 = vector.broadcast %eq3A_780 : i32 to vector<16xi32>
        %eq3A_782 = arith.cmpi eq, %iota3A, %eq3A_781 : vector<16xi32>
        %reduce_sum3A_783 = arith.constant true
        %reduce_sum3A_784 = vector.broadcast %reduce_sum3A_783 : i1 to vector<16xi1>
        %reduce_sum3A_785 = tpu.scan <sum>, %add3A_779 masked %reduce_sum3A_784 : vector<16xf32>, vector<16xi1> -> vector<16xf32>
        %reduce_sum3A_786 = vector.extract %reduce_sum3A_785[15] : f32 from vector<16xf32>
        %broadcast_in_dim3A_787 = vector.broadcast %reduce_sum3A_786 : f32 to vector<16xf32>
        %select_n3A_788 = arith.select %eq3A_782, %broadcast_in_dim3A_787, %select_n3A_734 : vector<16xi1>, vector<16xf32>
        %add3A_789 = arith.constant 12 : i32
        %add3A_790 = arith.addi %mul3A_144, %add3A_789 : i32
        %get3A_791 = arith.index_cast %add3A_790 : i32 to index
        %get3A_792 = arith.constant 0 : index
        %get3A_793 = tpu.vector_load %arg11[%get3A_791, %get3A_792] {strides = array<i32>} : memref<400x64xbf16, #tpu.memory_space<vmem>>, vector<32xbf16>,
        %unpack3A_794 = tpu.unpack_subelements %get3A_793, 0 {pack_format = #tpu.pack_format<interleaved>} : vector<32xbf16> -> vector<16xf32>
        %unpack3A_795 = tpu.unpack_subelements %get3A_793, 1 {pack_format = #tpu.pack_format<interleaved>} : vector<32xbf16> -> vector<16xf32>
        %get3A_796 = arith.index_cast %add3A_790 : i32 to index
        %get3A_797 = arith.constant 0 : index
        %get3A_798 = tpu.vector_load %arg12[%get3A_796, %get3A_797] {strides = array<i32>} : memref<400x64xbf16, #tpu.memory_space<vmem>>, vector<32xbf16>,
        %unpack3A_799 = tpu.unpack_subelements %get3A_798, 0 {pack_format = #tpu.pack_format<interleaved>} : vector<32xbf16> -> vector<16xf32>
        %unpack3A_800 = tpu.unpack_subelements %get3A_798, 1 {pack_format = #tpu.pack_format<interleaved>} : vector<32xbf16> -> vector<16xf32>
        %add3A_801 = arith.addf %unpack3A_794, %unpack3A_799 : vector<16xf32>
        %max3A_802 = arith.constant 0.000000e+00 : f32
        %max3A_803 = vector.broadcast %max3A_802 : f32 to vector<16xf32>
        %max3A_804 = arith.maximumf %add3A_801, %max3A_803 : vector<16xf32>
        %mul3A_805 = arith.mulf %max3A_804, %get3A_3 : vector<16xf32>
        %add3A_806 = arith.addf %unpack3A_795, %unpack3A_800 : vector<16xf32>
        %max3A_807 = arith.constant 0.000000e+00 : f32
        %max3A_808 = vector.broadcast %max3A_807 : f32 to vector<16xf32>
        %max3A_809 = arith.maximumf %add3A_806, %max3A_808 : vector<16xf32>
        %mul3A_810 = arith.mulf %max3A_809, %get3A_5 : vector<16xf32>
        %add3A_811 = arith.addf %mul3A_805, %mul3A_810 : vector<16xf32>
        %get3A_812 = arith.index_cast %add3A_790 : i32 to index
        %get3A_813 = arith.constant 32 : index
        %get3A_814 = tpu.vector_load %arg11[%get3A_812, %get3A_813] {strides = array<i32>} : memref<400x64xbf16, #tpu.memory_space<vmem>>, vector<32xbf16>,
        %unpack3A_815 = tpu.unpack_subelements %get3A_814, 0 {pack_format = #tpu.pack_format<interleaved>} : vector<32xbf16> -> vector<16xf32>
        %unpack3A_816 = tpu.unpack_subelements %get3A_814, 1 {pack_format = #tpu.pack_format<interleaved>} : vector<32xbf16> -> vector<16xf32>
        %get3A_817 = arith.index_cast %add3A_790 : i32 to index
        %get3A_818 = arith.constant 32 : index
        %get3A_819 = tpu.vector_load %arg12[%get3A_817, %get3A_818] {strides = array<i32>} : memref<400x64xbf16, #tpu.memory_space<vmem>>, vector<32xbf16>,
        %unpack3A_820 = tpu.unpack_subelements %get3A_819, 0 {pack_format = #tpu.pack_format<interleaved>} : vector<32xbf16> -> vector<16xf32>
        %unpack3A_821 = tpu.unpack_subelements %get3A_819, 1 {pack_format = #tpu.pack_format<interleaved>} : vector<32xbf16> -> vector<16xf32>
        %add3A_822 = arith.addf %unpack3A_815, %unpack3A_820 : vector<16xf32>
        %max3A_823 = arith.constant 0.000000e+00 : f32
        %max3A_824 = vector.broadcast %max3A_823 : f32 to vector<16xf32>
        %max3A_825 = arith.maximumf %add3A_822, %max3A_824 : vector<16xf32>
        %mul3A_826 = arith.mulf %max3A_825, %get3A_7 : vector<16xf32>
        %add3A_827 = arith.addf %unpack3A_816, %unpack3A_821 : vector<16xf32>
        %max3A_828 = arith.constant 0.000000e+00 : f32
        %max3A_829 = vector.broadcast %max3A_828 : f32 to vector<16xf32>
        %max3A_830 = arith.maximumf %add3A_827, %max3A_829 : vector<16xf32>
        %mul3A_831 = arith.mulf %max3A_830, %get3A_9 : vector<16xf32>
        %add3A_832 = arith.addf %mul3A_826, %mul3A_831 : vector<16xf32>
        %add3A_833 = arith.addf %add3A_811, %add3A_832 : vector<16xf32>
        %eq3A_834 = arith.constant 12 : i32
        %eq3A_835 = vector.broadcast %eq3A_834 : i32 to vector<16xi32>
        %eq3A_836 = arith.cmpi eq, %iota3A, %eq3A_835 : vector<16xi32>
        %reduce_sum3A_837 = arith.constant true
        %reduce_sum3A_838 = vector.broadcast %reduce_sum3A_837 : i1 to vector<16xi1>
        %reduce_sum3A_839 = tpu.scan <sum>, %add3A_833 masked %reduce_sum3A_838 : vector<16xf32>, vector<16xi1> -> vector<16xf32>
        %reduce_sum3A_840 = vector.extract %reduce_sum3A_839[15] : f32 from vector<16xf32>
        %broadcast_in_dim3A_841 = vector.broadcast %reduce_sum3A_840 : f32 to vector<16xf32>
        %select_n3A_842 = arith.select %eq3A_836, %broadcast_in_dim3A_841, %select_n3A_788 : vector<16xi1>, vector<16xf32>
        %add3A_843 = arith.constant 13 : i32
        %add3A_844 = arith.addi %mul3A_144, %add3A_843 : i32
        %get3A_845 = arith.index_cast %add3A_844 : i32 to index
        %get3A_846 = arith.constant 0 : index
        %get3A_847 = tpu.vector_load %arg11[%get3A_845, %get3A_846] {strides = array<i32>} : memref<400x64xbf16, #tpu.memory_space<vmem>>, vector<32xbf16>,
        %unpack3A_848 = tpu.unpack_subelements %get3A_847, 0 {pack_format = #tpu.pack_format<interleaved>} : vector<32xbf16> -> vector<16xf32>
        %unpack3A_849 = tpu.unpack_subelements %get3A_847, 1 {pack_format = #tpu.pack_format<interleaved>} : vector<32xbf16> -> vector<16xf32>
        %get3A_850 = arith.index_cast %add3A_844 : i32 to index
        %get3A_851 = arith.constant 0 : index
        %get3A_852 = tpu.vector_load %arg12[%get3A_850, %get3A_851] {strides = array<i32>} : memref<400x64xbf16, #tpu.memory_space<vmem>>, vector<32xbf16>,
        %unpack3A_853 = tpu.unpack_subelements %get3A_852, 0 {pack_format = #tpu.pack_format<interleaved>} : vector<32xbf16> -> vector<16xf32>
        %unpack3A_854 = tpu.unpack_subelements %get3A_852, 1 {pack_format = #tpu.pack_format<interleaved>} : vector<32xbf16> -> vector<16xf32>
        %add3A_855 = arith.addf %unpack3A_848, %unpack3A_853 : vector<16xf32>
        %max3A_856 = arith.constant 0.000000e+00 : f32
        %max3A_857 = vector.broadcast %max3A_856 : f32 to vector<16xf32>
        %max3A_858 = arith.maximumf %add3A_855, %max3A_857 : vector<16xf32>
        %mul3A_859 = arith.mulf %max3A_858, %get3A_3 : vector<16xf32>
        %add3A_860 = arith.addf %unpack3A_849, %unpack3A_854 : vector<16xf32>
        %max3A_861 = arith.constant 0.000000e+00 : f32
        %max3A_862 = vector.broadcast %max3A_861 : f32 to vector<16xf32>
        %max3A_863 = arith.maximumf %add3A_860, %max3A_862 : vector<16xf32>
        %mul3A_864 = arith.mulf %max3A_863, %get3A_5 : vector<16xf32>
        %add3A_865 = arith.addf %mul3A_859, %mul3A_864 : vector<16xf32>
        %get3A_866 = arith.index_cast %add3A_844 : i32 to index
        %get3A_867 = arith.constant 32 : index
        %get3A_868 = tpu.vector_load %arg11[%get3A_866, %get3A_867] {strides = array<i32>} : memref<400x64xbf16, #tpu.memory_space<vmem>>, vector<32xbf16>,
        %unpack3A_869 = tpu.unpack_subelements %get3A_868, 0 {pack_format = #tpu.pack_format<interleaved>} : vector<32xbf16> -> vector<16xf32>
        %unpack3A_870 = tpu.unpack_subelements %get3A_868, 1 {pack_format = #tpu.pack_format<interleaved>} : vector<32xbf16> -> vector<16xf32>
        %get3A_871 = arith.index_cast %add3A_844 : i32 to index
        %get3A_872 = arith.constant 32 : index
        %get3A_873 = tpu.vector_load %arg12[%get3A_871, %get3A_872] {strides = array<i32>} : memref<400x64xbf16, #tpu.memory_space<vmem>>, vector<32xbf16>,
        %unpack3A_874 = tpu.unpack_subelements %get3A_873, 0 {pack_format = #tpu.pack_format<interleaved>} : vector<32xbf16> -> vector<16xf32>
        %unpack3A_875 = tpu.unpack_subelements %get3A_873, 1 {pack_format = #tpu.pack_format<interleaved>} : vector<32xbf16> -> vector<16xf32>
        %add3A_876 = arith.addf %unpack3A_869, %unpack3A_874 : vector<16xf32>
        %max3A_877 = arith.constant 0.000000e+00 : f32
        %max3A_878 = vector.broadcast %max3A_877 : f32 to vector<16xf32>
        %max3A_879 = arith.maximumf %add3A_876, %max3A_878 : vector<16xf32>
        %mul3A_880 = arith.mulf %max3A_879, %get3A_7 : vector<16xf32>
        %add3A_881 = arith.addf %unpack3A_870, %unpack3A_875 : vector<16xf32>
        %max3A_882 = arith.constant 0.000000e+00 : f32
        %max3A_883 = vector.broadcast %max3A_882 : f32 to vector<16xf32>
        %max3A_884 = arith.maximumf %add3A_881, %max3A_883 : vector<16xf32>
        %mul3A_885 = arith.mulf %max3A_884, %get3A_9 : vector<16xf32>
        %add3A_886 = arith.addf %mul3A_880, %mul3A_885 : vector<16xf32>
        %add3A_887 = arith.addf %add3A_865, %add3A_886 : vector<16xf32>
        %eq3A_888 = arith.constant 13 : i32
        %eq3A_889 = vector.broadcast %eq3A_888 : i32 to vector<16xi32>
        %eq3A_890 = arith.cmpi eq, %iota3A, %eq3A_889 : vector<16xi32>
        %reduce_sum3A_891 = arith.constant true
        %reduce_sum3A_892 = vector.broadcast %reduce_sum3A_891 : i1 to vector<16xi1>
        %reduce_sum3A_893 = tpu.scan <sum>, %add3A_887 masked %reduce_sum3A_892 : vector<16xf32>, vector<16xi1> -> vector<16xf32>
        %reduce_sum3A_894 = vector.extract %reduce_sum3A_893[15] : f32 from vector<16xf32>
        %broadcast_in_dim3A_895 = vector.broadcast %reduce_sum3A_894 : f32 to vector<16xf32>
        %select_n3A_896 = arith.select %eq3A_890, %broadcast_in_dim3A_895, %select_n3A_842 : vector<16xi1>, vector<16xf32>
        %add3A_897 = arith.constant 14 : i32
        %add3A_898 = arith.addi %mul3A_144, %add3A_897 : i32
        %get3A_899 = arith.index_cast %add3A_898 : i32 to index
        %get3A_900 = arith.constant 0 : index
        %get3A_901 = tpu.vector_load %arg11[%get3A_899, %get3A_900] {strides = array<i32>} : memref<400x64xbf16, #tpu.memory_space<vmem>>, vector<32xbf16>,
        %unpack3A_902 = tpu.unpack_subelements %get3A_901, 0 {pack_format = #tpu.pack_format<interleaved>} : vector<32xbf16> -> vector<16xf32>
        %unpack3A_903 = tpu.unpack_subelements %get3A_901, 1 {pack_format = #tpu.pack_format<interleaved>} : vector<32xbf16> -> vector<16xf32>
        %get3A_904 = arith.index_cast %add3A_898 : i32 to index
        %get3A_905 = arith.constant 0 : index
        %get3A_906 = tpu.vector_load %arg12[%get3A_904, %get3A_905] {strides = array<i32>} : memref<400x64xbf16, #tpu.memory_space<vmem>>, vector<32xbf16>,
        %unpack3A_907 = tpu.unpack_subelements %get3A_906, 0 {pack_format = #tpu.pack_format<interleaved>} : vector<32xbf16> -> vector<16xf32>
        %unpack3A_908 = tpu.unpack_subelements %get3A_906, 1 {pack_format = #tpu.pack_format<interleaved>} : vector<32xbf16> -> vector<16xf32>
        %add3A_909 = arith.addf %unpack3A_902, %unpack3A_907 : vector<16xf32>
        %max3A_910 = arith.constant 0.000000e+00 : f32
        %max3A_911 = vector.broadcast %max3A_910 : f32 to vector<16xf32>
        %max3A_912 = arith.maximumf %add3A_909, %max3A_911 : vector<16xf32>
        %mul3A_913 = arith.mulf %max3A_912, %get3A_3 : vector<16xf32>
        %add3A_914 = arith.addf %unpack3A_903, %unpack3A_908 : vector<16xf32>
        %max3A_915 = arith.constant 0.000000e+00 : f32
        %max3A_916 = vector.broadcast %max3A_915 : f32 to vector<16xf32>
        %max3A_917 = arith.maximumf %add3A_914, %max3A_916 : vector<16xf32>
        %mul3A_918 = arith.mulf %max3A_917, %get3A_5 : vector<16xf32>
        %add3A_919 = arith.addf %mul3A_913, %mul3A_918 : vector<16xf32>
        %get3A_920 = arith.index_cast %add3A_898 : i32 to index
        %get3A_921 = arith.constant 32 : index
        %get3A_922 = tpu.vector_load %arg11[%get3A_920, %get3A_921] {strides = array<i32>} : memref<400x64xbf16, #tpu.memory_space<vmem>>, vector<32xbf16>,
        %unpack3A_923 = tpu.unpack_subelements %get3A_922, 0 {pack_format = #tpu.pack_format<interleaved>} : vector<32xbf16> -> vector<16xf32>
        %unpack3A_924 = tpu.unpack_subelements %get3A_922, 1 {pack_format = #tpu.pack_format<interleaved>} : vector<32xbf16> -> vector<16xf32>
        %get3A_925 = arith.index_cast %add3A_898 : i32 to index
        %get3A_926 = arith.constant 32 : index
        %get3A_927 = tpu.vector_load %arg12[%get3A_925, %get3A_926] {strides = array<i32>} : memref<400x64xbf16, #tpu.memory_space<vmem>>, vector<32xbf16>,
        %unpack3A_928 = tpu.unpack_subelements %get3A_927, 0 {pack_format = #tpu.pack_format<interleaved>} : vector<32xbf16> -> vector<16xf32>
        %unpack3A_929 = tpu.unpack_subelements %get3A_927, 1 {pack_format = #tpu.pack_format<interleaved>} : vector<32xbf16> -> vector<16xf32>
        %add3A_930 = arith.addf %unpack3A_923, %unpack3A_928 : vector<16xf32>
        %max3A_931 = arith.constant 0.000000e+00 : f32
        %max3A_932 = vector.broadcast %max3A_931 : f32 to vector<16xf32>
        %max3A_933 = arith.maximumf %add3A_930, %max3A_932 : vector<16xf32>
        %mul3A_934 = arith.mulf %max3A_933, %get3A_7 : vector<16xf32>
        %add3A_935 = arith.addf %unpack3A_924, %unpack3A_929 : vector<16xf32>
        %max3A_936 = arith.constant 0.000000e+00 : f32
        %max3A_937 = vector.broadcast %max3A_936 : f32 to vector<16xf32>
        %max3A_938 = arith.maximumf %add3A_935, %max3A_937 : vector<16xf32>
        %mul3A_939 = arith.mulf %max3A_938, %get3A_9 : vector<16xf32>
        %add3A_940 = arith.addf %mul3A_934, %mul3A_939 : vector<16xf32>
        %add3A_941 = arith.addf %add3A_919, %add3A_940 : vector<16xf32>
        %eq3A_942 = arith.constant 14 : i32
        %eq3A_943 = vector.broadcast %eq3A_942 : i32 to vector<16xi32>
        %eq3A_944 = arith.cmpi eq, %iota3A, %eq3A_943 : vector<16xi32>
        %reduce_sum3A_945 = arith.constant true
        %reduce_sum3A_946 = vector.broadcast %reduce_sum3A_945 : i1 to vector<16xi1>
        %reduce_sum3A_947 = tpu.scan <sum>, %add3A_941 masked %reduce_sum3A_946 : vector<16xf32>, vector<16xi1> -> vector<16xf32>
        %reduce_sum3A_948 = vector.extract %reduce_sum3A_947[15] : f32 from vector<16xf32>
        %broadcast_in_dim3A_949 = vector.broadcast %reduce_sum3A_948 : f32 to vector<16xf32>
        %select_n3A_950 = arith.select %eq3A_944, %broadcast_in_dim3A_949, %select_n3A_896 : vector<16xi1>, vector<16xf32>
        %add3A_951 = arith.constant 15 : i32
        %add3A_952 = arith.addi %mul3A_144, %add3A_951 : i32
        %get3A_953 = arith.index_cast %add3A_952 : i32 to index
        %get3A_954 = arith.constant 0 : index
        %get3A_955 = tpu.vector_load %arg11[%get3A_953, %get3A_954] {strides = array<i32>} : memref<400x64xbf16, #tpu.memory_space<vmem>>, vector<32xbf16>,
        %unpack3A_956 = tpu.unpack_subelements %get3A_955, 0 {pack_format = #tpu.pack_format<interleaved>} : vector<32xbf16> -> vector<16xf32>
        %unpack3A_957 = tpu.unpack_subelements %get3A_955, 1 {pack_format = #tpu.pack_format<interleaved>} : vector<32xbf16> -> vector<16xf32>
        %get3A_958 = arith.index_cast %add3A_952 : i32 to index
        %get3A_959 = arith.constant 0 : index
        %get3A_960 = tpu.vector_load %arg12[%get3A_958, %get3A_959] {strides = array<i32>} : memref<400x64xbf16, #tpu.memory_space<vmem>>, vector<32xbf16>,
        %unpack3A_961 = tpu.unpack_subelements %get3A_960, 0 {pack_format = #tpu.pack_format<interleaved>} : vector<32xbf16> -> vector<16xf32>
        %unpack3A_962 = tpu.unpack_subelements %get3A_960, 1 {pack_format = #tpu.pack_format<interleaved>} : vector<32xbf16> -> vector<16xf32>
        %add3A_963 = arith.addf %unpack3A_956, %unpack3A_961 : vector<16xf32>
        %max3A_964 = arith.constant 0.000000e+00 : f32
        %max3A_965 = vector.broadcast %max3A_964 : f32 to vector<16xf32>
        %max3A_966 = arith.maximumf %add3A_963, %max3A_965 : vector<16xf32>
        %mul3A_967 = arith.mulf %max3A_966, %get3A_3 : vector<16xf32>
        %add3A_968 = arith.addf %unpack3A_957, %unpack3A_962 : vector<16xf32>
        %max3A_969 = arith.constant 0.000000e+00 : f32
        %max3A_970 = vector.broadcast %max3A_969 : f32 to vector<16xf32>
        %max3A_971 = arith.maximumf %add3A_968, %max3A_970 : vector<16xf32>
        %mul3A_972 = arith.mulf %max3A_971, %get3A_5 : vector<16xf32>
        %add3A_973 = arith.addf %mul3A_967, %mul3A_972 : vector<16xf32>
        %get3A_974 = arith.index_cast %add3A_952 : i32 to index
        %get3A_975 = arith.constant 32 : index
        %get3A_976 = tpu.vector_load %arg11[%get3A_974, %get3A_975] {strides = array<i32>} : memref<400x64xbf16, #tpu.memory_space<vmem>>, vector<32xbf16>,
        %unpack3A_977 = tpu.unpack_subelements %get3A_976, 0 {pack_format = #tpu.pack_format<interleaved>} : vector<32xbf16> -> vector<16xf32>
        %unpack3A_978 = tpu.unpack_subelements %get3A_976, 1 {pack_format = #tpu.pack_format<interleaved>} : vector<32xbf16> -> vector<16xf32>
        %get3A_979 = arith.index_cast %add3A_952 : i32 to index
        %get3A_980 = arith.constant 32 : index
        %get3A_981 = tpu.vector_load %arg12[%get3A_979, %get3A_980] {strides = array<i32>} : memref<400x64xbf16, #tpu.memory_space<vmem>>, vector<32xbf16>,
        %unpack3A_982 = tpu.unpack_subelements %get3A_981, 0 {pack_format = #tpu.pack_format<interleaved>} : vector<32xbf16> -> vector<16xf32>
        %unpack3A_983 = tpu.unpack_subelements %get3A_981, 1 {pack_format = #tpu.pack_format<interleaved>} : vector<32xbf16> -> vector<16xf32>
        %add3A_984 = arith.addf %unpack3A_977, %unpack3A_982 : vector<16xf32>
        %max3A_985 = arith.constant 0.000000e+00 : f32
        %max3A_986 = vector.broadcast %max3A_985 : f32 to vector<16xf32>
        %max3A_987 = arith.maximumf %add3A_984, %max3A_986 : vector<16xf32>
        %mul3A_988 = arith.mulf %max3A_987, %get3A_7 : vector<16xf32>
        %add3A_989 = arith.addf %unpack3A_978, %unpack3A_983 : vector<16xf32>
        %max3A_990 = arith.constant 0.000000e+00 : f32
        %max3A_991 = vector.broadcast %max3A_990 : f32 to vector<16xf32>
        %max3A_992 = arith.maximumf %add3A_989, %max3A_991 : vector<16xf32>
        %mul3A_993 = arith.mulf %max3A_992, %get3A_9 : vector<16xf32>
        %add3A_994 = arith.addf %mul3A_988, %mul3A_993 : vector<16xf32>
        %add3A_995 = arith.addf %add3A_973, %add3A_994 : vector<16xf32>
        %eq3A_996 = arith.constant 15 : i32
        %eq3A_997 = vector.broadcast %eq3A_996 : i32 to vector<16xi32>
        %eq3A_998 = arith.cmpi eq, %iota3A, %eq3A_997 : vector<16xi32>
        %reduce_sum3A_999 = arith.constant true
        %reduce_sum3A_1000 = vector.broadcast %reduce_sum3A_999 : i1 to vector<16xi1>
        %reduce_sum3A_1001 = tpu.scan <sum>, %add3A_995 masked %reduce_sum3A_1000 : vector<16xf32>, vector<16xi1> -> vector<16xf32>
        %reduce_sum3A_1002 = vector.extract %reduce_sum3A_1001[15] : f32 from vector<16xf32>
        %broadcast_in_dim3A_1003 = vector.broadcast %reduce_sum3A_1002 : f32 to vector<16xf32>
        %select_n3A_1004 = arith.select %eq3A_998, %broadcast_in_dim3A_1003, %select_n3A_950 : vector<16xi1>, vector<16xf32>
        %add3A_1005 = vector.broadcast %squeeze3A : f32 to vector<16xf32>
        %add3A_1006 = arith.addf %select_n3A_1004, %add3A_1005 : vector<16xf32>
        %get3A_1007 = arith.index_cast %mul3A_144 : i32 to index
        %get3A_1008 = tpu.vector_load %arg13[%get3A_1007] {strides = array<i32>} : memref<400xf32, #tpu.memory_space<vmem>>, vector<16xf32>,
        %mul3A_1009 = arith.mulf %add3A_1006, %get3A_1008 : vector<16xf32>
        %swap3A = arith.index_cast %mul3A_144 : i32 to index
        %swap3A_1010 = tpu.vector_load %arg14[%swap3A] {strides = array<i32>} : memref<400xf32, #tpu.memory_space<vmem>>, vector<16xf32>,
        tpu.vector_store %arg14[%swap3A], %mul3A_1009 {strides = array<i32>} : memref<400xf32, #tpu.memory_space<vmem>>, vector<16xf32>,
      }
      %scan3A_96 = arith.constant 25 : i32
      "tpu.region"() ({
        %run_scoped3A = tpu.sem_alloc : memref<!tpu.dma_semaphore, #tpu.memory_space<semaphore_mem>>
        %dma_start3A_142 = tpu.memref_slice %arg8[%add3A_90] : memref<320000xf32, #tpu.memory_space<hbm>> -> memref<400xf32, #tpu.memory_space<hbm>>
        %dma_start3A_143 = tpu.memref_slice %arg8[%add3A_90] : memref<320000xf32, #tpu.memory_space<hbm>> -> memref<400xf32, #tpu.memory_space<hbm>>
        tpu.enqueue_dma source(%arg14 : memref<400xf32, #tpu.memory_space<vmem>>) target(%dma_start3A_143 : memref<400xf32, #tpu.memory_space<hbm>>) target_semaphore(%run_scoped3A : memref<!tpu.dma_semaphore, #tpu.memory_space<semaphore_mem>>)
        %dma_wait3A_144 = tpu.memref_slice %arg8[%add3A_90] : memref<320000xf32, #tpu.memory_space<hbm>> -> memref<400xf32, #tpu.memory_space<hbm>>
        %dma_wait3A_145 = tpu.memref_slice %arg8[%add3A_90] : memref<320000xf32, #tpu.memory_space<hbm>> -> memref<400xf32, #tpu.memory_space<hbm>>
        tpu.wait_dma2 semaphore(%run_scoped3A : memref<!tpu.dma_semaphore, #tpu.memory_space<semaphore_mem>>) src(%arg14 : memref<400xf32, #tpu.memory_space<vmem>>) dst(%dma_wait3A_145 : memref<400xf32, #tpu.memory_space<hbm>>)
        tpu.yield
      }) : () -> ()
      %add3A_97 = arith.constant 2 : i32
      %add3A_98 = arith.addi %mul3A_53, %add3A_97 : i32
      %mul3A_99 = arith.constant 400 : i32
      %mul3A_100 = arith.muli %add3A_98, %mul3A_99 : i32
      %add3A_101 = arith.addi %mul3A_2, %mul3A_100 : i32
      %dma_start3A_102 = tpu.memref_slice %arg4[%add3A_101] : memref<320000xi32, #tpu.memory_space<hbm>> -> memref<400xi32, #tpu.memory_space<hbm>>
      %dma_start3A_103 = tpu.memref_slice %arg4[%add3A_101] : memref<320000xi32, #tpu.memory_space<hbm>> -> memref<400xi32, #tpu.memory_space<hbm>>
      tpu.enqueue_dma source(%dma_start3A_103 : memref<400xi32, #tpu.memory_space<hbm>>) target(%arg9 : memref<400xi32, #tpu.memory_space<vmem>>) target_semaphore(%arg26 : memref<!tpu.dma_semaphore, #tpu.memory_space<semaphore_mem>>)
      %dma_start3A_104 = tpu.memref_slice %arg5[%add3A_101] : memref<320000xi32, #tpu.memory_space<hbm>> -> memref<400xi32, #tpu.memory_space<hbm>>
      %dma_start3A_105 = tpu.memref_slice %arg5[%add3A_101] : memref<320000xi32, #tpu.memory_space<hbm>> -> memref<400xi32, #tpu.memory_space<hbm>>
      tpu.enqueue_dma source(%dma_start3A_105 : memref<400xi32, #tpu.memory_space<hbm>>) target(%arg10 : memref<400xi32, #tpu.memory_space<vmem>>) target_semaphore(%arg26 : memref<!tpu.dma_semaphore, #tpu.memory_space<semaphore_mem>>)
      %dma_start3A_106 = tpu.memref_slice %arg6[%add3A_101] : memref<320000xf32, #tpu.memory_space<hbm>> -> memref<400xf32, #tpu.memory_space<hbm>>
      %dma_start3A_107 = tpu.memref_slice %arg6[%add3A_101] : memref<320000xf32, #tpu.memory_space<hbm>> -> memref<400xf32, #tpu.memory_space<hbm>>
      tpu.enqueue_dma source(%dma_start3A_107 : memref<400xf32, #tpu.memory_space<hbm>>) target(%arg13 : memref<400xf32, #tpu.memory_space<vmem>>) target_semaphore(%arg26 : memref<!tpu.dma_semaphore, #tpu.memory_space<semaphore_mem>>)
      %dma_wait3A_108 = arith.constant 0 : i32
      %dma_wait3A_109 = arith.constant 0 : i32
      %dma_wait3A_110 = tpu.memref_slice %arg2[%dma_wait3A_108, %dma_wait3A_109] : memref<10000x64xbf16, #tpu.memory_space<hbm>> -> memref<10000x64xbf16, #tpu.memory_space<hbm>>
      tpu.wait_indirect_dma semaphore(%arg24 : memref<!tpu.dma_semaphore, #tpu.memory_space<semaphore_mem>>) src(%dma_wait3A_110 : memref<10000x64xbf16, #tpu.memory_space<hbm>>) dst(%arg17 : memref<400x64xbf16, #tpu.memory_space<vmem>>)
      %dma_wait3A_111 = arith.constant 0 : i32
      %dma_wait3A_112 = arith.constant 0 : i32
      %dma_wait3A_113 = tpu.memref_slice %arg3[%dma_wait3A_111, %dma_wait3A_112] : memref<10000x64xbf16, #tpu.memory_space<hbm>> -> memref<10000x64xbf16, #tpu.memory_space<hbm>>
      tpu.wait_indirect_dma semaphore(%arg25 : memref<!tpu.dma_semaphore, #tpu.memory_space<semaphore_mem>>) src(%dma_wait3A_113 : memref<10000x64xbf16, #tpu.memory_space<hbm>>) dst(%arg18 : memref<400x64xbf16, #tpu.memory_space<vmem>>)
      %add3A_114 = arith.constant 2 : i32
      %add3A_115 = arith.addi %mul3A_53, %add3A_114 : i32
      %mul3A_116 = arith.constant 400 : i32
      %mul3A_117 = arith.muli %add3A_115, %mul3A_116 : i32
      %add3A_118 = arith.addi %mul3A_2, %mul3A_117 : i32
      %dma_wait3A_119 = tpu.memref_slice %arg4[%add3A_118] : memref<320000xi32, #tpu.memory_space<hbm>> -> memref<400xi32, #tpu.memory_space<hbm>>
      %dma_wait3A_120 = tpu.memref_slice %arg4[%add3A_118] : memref<320000xi32, #tpu.memory_space<hbm>> -> memref<400xi32, #tpu.memory_space<hbm>>
      tpu.wait_dma2 semaphore(%arg26 : memref<!tpu.dma_semaphore, #tpu.memory_space<semaphore_mem>>) src(%dma_wait3A_120 : memref<400xi32, #tpu.memory_space<hbm>>) dst(%arg9 : memref<400xi32, #tpu.memory_space<vmem>>)
      %dma_wait3A_121 = tpu.memref_slice %arg5[%add3A_118] : memref<320000xi32, #tpu.memory_space<hbm>> -> memref<400xi32, #tpu.memory_space<hbm>>
      %dma_wait3A_122 = tpu.memref_slice %arg5[%add3A_118] : memref<320000xi32, #tpu.memory_space<hbm>> -> memref<400xi32, #tpu.memory_space<hbm>>
      tpu.wait_dma2 semaphore(%arg26 : memref<!tpu.dma_semaphore, #tpu.memory_space<semaphore_mem>>) src(%dma_wait3A_122 : memref<400xi32, #tpu.memory_space<hbm>>) dst(%arg10 : memref<400xi32, #tpu.memory_space<vmem>>)
      %dma_wait3A_123 = tpu.memref_slice %arg6[%add3A_118] : memref<320000xf32, #tpu.memory_space<hbm>> -> memref<400xf32, #tpu.memory_space<hbm>>
      %dma_wait3A_124 = tpu.memref_slice %arg6[%add3A_118] : memref<320000xf32, #tpu.memory_space<hbm>> -> memref<400xf32, #tpu.memory_space<hbm>>
      tpu.wait_dma2 semaphore(%arg26 : memref<!tpu.dma_semaphore, #tpu.memory_space<semaphore_mem>>) src(%dma_wait3A_124 : memref<400xf32, #tpu.memory_space<hbm>>) dst(%arg13 : memref<400xf32, #tpu.memory_space<vmem>>)
      %dma_start3A_125 = arith.constant 0 : i32
      %dma_start3A_126 = arith.constant 0 : i32
      %dma_start3A_127 = tpu.memref_slice %arg2[%dma_start3A_125, %dma_start3A_126] : memref<10000x64xbf16, #tpu.memory_space<hbm>> -> memref<10000x64xbf16, #tpu.memory_space<hbm>>
      tpu.enqueue_indirect_dma source(%dma_start3A_127 : memref<10000x64xbf16, #tpu.memory_space<hbm>>) target(%arg11 : memref<400x64xbf16, #tpu.memory_space<vmem>>) offsets(%arg9 : memref<400xi32, #tpu.memory_space<vmem>>) semaphore(%arg22 : memref<!tpu.dma_semaphore, #tpu.memory_space<semaphore_mem>>)
      %dma_start3A_128 = arith.constant 0 : i32
      %dma_start3A_129 = arith.constant 0 : i32
      %dma_start3A_130 = tpu.memref_slice %arg3[%dma_start3A_128, %dma_start3A_129] : memref<10000x64xbf16, #tpu.memory_space<hbm>> -> memref<10000x64xbf16, #tpu.memory_space<hbm>>
      tpu.enqueue_indirect_dma source(%dma_start3A_130 : memref<10000x64xbf16, #tpu.memory_space<hbm>>) target(%arg12 : memref<400x64xbf16, #tpu.memory_space<vmem>>) offsets(%arg10 : memref<400xi32, #tpu.memory_space<vmem>>) semaphore(%arg23 : memref<!tpu.dma_semaphore, #tpu.memory_space<semaphore_mem>>)
      %add3A_131 = arith.constant 1 : i32
      %add3A_132 = arith.addi %mul3A_53, %add3A_131 : i32
      %mul3A_133 = arith.constant 400 : i32
      %mul3A_134 = arith.muli %add3A_132, %mul3A_133 : i32
      %add3A_135 = arith.addi %mul3A_2, %mul3A_134 : i32
      %scan3A_136 = arith.constant 0 : i32
      %scan3A_137 = arith.constant 0 : i32
      %scan3A_138 = arith.constant 25 : i32
      %scan3A_139 = arith.addi %scan3A_137, %scan3A_138 : i32
      %scan3A_140 = arith.constant 1 : i32
      scf.for %scan3A_142 = %scan3A_137 to %scan3A_139 step %scan3A_140  : i32 {
        %mul3A_143 = arith.constant 16 : i32
        %mul3A_144 = arith.muli %scan3A_142, %mul3A_143 : i32
        %broadcast_in_dim3A = arith.constant 0.000000e+00 : f32
        %broadcast_in_dim3A_145 = vector.broadcast %broadcast_in_dim3A : f32 to vector<16xf32>
        %add3A_146 = arith.constant 0 : i32
        %add3A_147 = arith.addi %mul3A_144, %add3A_146 : i32
        %get3A_148 = arith.index_cast %add3A_147 : i32 to index
        %get3A_149 = arith.constant 0 : index
        %get3A_150 = tpu.vector_load %arg17[%get3A_148, %get3A_149] {strides = array<i32>} : memref<400x64xbf16, #tpu.memory_space<vmem>>, vector<32xbf16>,
        %unpack3A = tpu.unpack_subelements %get3A_150, 0 {pack_format = #tpu.pack_format<interleaved>} : vector<32xbf16> -> vector<16xf32>
        %unpack3A_151 = tpu.unpack_subelements %get3A_150, 1 {pack_format = #tpu.pack_format<interleaved>} : vector<32xbf16> -> vector<16xf32>
        %get3A_152 = arith.index_cast %add3A_147 : i32 to index
        %get3A_153 = arith.constant 0 : index
        %get3A_154 = tpu.vector_load %arg18[%get3A_152, %get3A_153] {strides = array<i32>} : memref<400x64xbf16, #tpu.memory_space<vmem>>, vector<32xbf16>,
        %unpack3A_155 = tpu.unpack_subelements %get3A_154, 0 {pack_format = #tpu.pack_format<interleaved>} : vector<32xbf16> -> vector<16xf32>
        %unpack3A_156 = tpu.unpack_subelements %get3A_154, 1 {pack_format = #tpu.pack_format<interleaved>} : vector<32xbf16> -> vector<16xf32>
        %add3A_157 = arith.addf %unpack3A, %unpack3A_155 : vector<16xf32>
        %max3A = arith.constant 0.000000e+00 : f32
        %max3A_158 = vector.broadcast %max3A : f32 to vector<16xf32>
        %max3A_159 = arith.maximumf %add3A_157, %max3A_158 : vector<16xf32>
        %mul3A_160 = arith.mulf %max3A_159, %get3A_3 : vector<16xf32>
        %add3A_161 = arith.addf %unpack3A_151, %unpack3A_156 : vector<16xf32>
        %max3A_162 = arith.constant 0.000000e+00 : f32
        %max3A_163 = vector.broadcast %max3A_162 : f32 to vector<16xf32>
        %max3A_164 = arith.maximumf %add3A_161, %max3A_163 : vector<16xf32>
        %mul3A_165 = arith.mulf %max3A_164, %get3A_5 : vector<16xf32>
        %add3A_166 = arith.addf %mul3A_160, %mul3A_165 : vector<16xf32>
        %get3A_167 = arith.index_cast %add3A_147 : i32 to index
        %get3A_168 = arith.constant 32 : index
        %get3A_169 = tpu.vector_load %arg17[%get3A_167, %get3A_168] {strides = array<i32>} : memref<400x64xbf16, #tpu.memory_space<vmem>>, vector<32xbf16>,
        %unpack3A_170 = tpu.unpack_subelements %get3A_169, 0 {pack_format = #tpu.pack_format<interleaved>} : vector<32xbf16> -> vector<16xf32>
        %unpack3A_171 = tpu.unpack_subelements %get3A_169, 1 {pack_format = #tpu.pack_format<interleaved>} : vector<32xbf16> -> vector<16xf32>
        %get3A_172 = arith.index_cast %add3A_147 : i32 to index
        %get3A_173 = arith.constant 32 : index
        %get3A_174 = tpu.vector_load %arg18[%get3A_172, %get3A_173] {strides = array<i32>} : memref<400x64xbf16, #tpu.memory_space<vmem>>, vector<32xbf16>,
        %unpack3A_175 = tpu.unpack_subelements %get3A_174, 0 {pack_format = #tpu.pack_format<interleaved>} : vector<32xbf16> -> vector<16xf32>
        %unpack3A_176 = tpu.unpack_subelements %get3A_174, 1 {pack_format = #tpu.pack_format<interleaved>} : vector<32xbf16> -> vector<16xf32>
        %add3A_177 = arith.addf %unpack3A_170, %unpack3A_175 : vector<16xf32>
        %max3A_178 = arith.constant 0.000000e+00 : f32
        %max3A_179 = vector.broadcast %max3A_178 : f32 to vector<16xf32>
        %max3A_180 = arith.maximumf %add3A_177, %max3A_179 : vector<16xf32>
        %mul3A_181 = arith.mulf %max3A_180, %get3A_7 : vector<16xf32>
        %add3A_182 = arith.addf %unpack3A_171, %unpack3A_176 : vector<16xf32>
        %max3A_183 = arith.constant 0.000000e+00 : f32
        %max3A_184 = vector.broadcast %max3A_183 : f32 to vector<16xf32>
        %max3A_185 = arith.maximumf %add3A_182, %max3A_184 : vector<16xf32>
        %mul3A_186 = arith.mulf %max3A_185, %get3A_9 : vector<16xf32>
        %add3A_187 = arith.addf %mul3A_181, %mul3A_186 : vector<16xf32>
        %add3A_188 = arith.addf %add3A_166, %add3A_187 : vector<16xf32>
        %eq3A = arith.constant 0 : i32
        %eq3A_189 = vector.broadcast %eq3A : i32 to vector<16xi32>
        %eq3A_190 = arith.cmpi eq, %iota3A, %eq3A_189 : vector<16xi32>
        %reduce_sum3A = arith.constant true
        %reduce_sum3A_191 = vector.broadcast %reduce_sum3A : i1 to vector<16xi1>
        %reduce_sum3A_192 = tpu.scan <sum>, %add3A_188 masked %reduce_sum3A_191 : vector<16xf32>, vector<16xi1> -> vector<16xf32>
        %reduce_sum3A_193 = vector.extract %reduce_sum3A_192[15] : f32 from vector<16xf32>
        %broadcast_in_dim3A_194 = vector.broadcast %reduce_sum3A_193 : f32 to vector<16xf32>
        %select_n3A = arith.select %eq3A_190, %broadcast_in_dim3A_194, %broadcast_in_dim3A_145 : vector<16xi1>, vector<16xf32>
        %add3A_195 = arith.constant 1 : i32
        %add3A_196 = arith.addi %mul3A_144, %add3A_195 : i32
        %get3A_197 = arith.index_cast %add3A_196 : i32 to index
        %get3A_198 = arith.constant 0 : index
        %get3A_199 = tpu.vector_load %arg17[%get3A_197, %get3A_198] {strides = array<i32>} : memref<400x64xbf16, #tpu.memory_space<vmem>>, vector<32xbf16>,
        %unpack3A_200 = tpu.unpack_subelements %get3A_199, 0 {pack_format = #tpu.pack_format<interleaved>} : vector<32xbf16> -> vector<16xf32>
        %unpack3A_201 = tpu.unpack_subelements %get3A_199, 1 {pack_format = #tpu.pack_format<interleaved>} : vector<32xbf16> -> vector<16xf32>
        %get3A_202 = arith.index_cast %add3A_196 : i32 to index
        %get3A_203 = arith.constant 0 : index
        %get3A_204 = tpu.vector_load %arg18[%get3A_202, %get3A_203] {strides = array<i32>} : memref<400x64xbf16, #tpu.memory_space<vmem>>, vector<32xbf16>,
        %unpack3A_205 = tpu.unpack_subelements %get3A_204, 0 {pack_format = #tpu.pack_format<interleaved>} : vector<32xbf16> -> vector<16xf32>
        %unpack3A_206 = tpu.unpack_subelements %get3A_204, 1 {pack_format = #tpu.pack_format<interleaved>} : vector<32xbf16> -> vector<16xf32>
        %add3A_207 = arith.addf %unpack3A_200, %unpack3A_205 : vector<16xf32>
        %max3A_208 = arith.constant 0.000000e+00 : f32
        %max3A_209 = vector.broadcast %max3A_208 : f32 to vector<16xf32>
        %max3A_210 = arith.maximumf %add3A_207, %max3A_209 : vector<16xf32>
        %mul3A_211 = arith.mulf %max3A_210, %get3A_3 : vector<16xf32>
        %add3A_212 = arith.addf %unpack3A_201, %unpack3A_206 : vector<16xf32>
        %max3A_213 = arith.constant 0.000000e+00 : f32
        %max3A_214 = vector.broadcast %max3A_213 : f32 to vector<16xf32>
        %max3A_215 = arith.maximumf %add3A_212, %max3A_214 : vector<16xf32>
        %mul3A_216 = arith.mulf %max3A_215, %get3A_5 : vector<16xf32>
        %add3A_217 = arith.addf %mul3A_211, %mul3A_216 : vector<16xf32>
        %get3A_218 = arith.index_cast %add3A_196 : i32 to index
        %get3A_219 = arith.constant 32 : index
        %get3A_220 = tpu.vector_load %arg17[%get3A_218, %get3A_219] {strides = array<i32>} : memref<400x64xbf16, #tpu.memory_space<vmem>>, vector<32xbf16>,
        %unpack3A_221 = tpu.unpack_subelements %get3A_220, 0 {pack_format = #tpu.pack_format<interleaved>} : vector<32xbf16> -> vector<16xf32>
        %unpack3A_222 = tpu.unpack_subelements %get3A_220, 1 {pack_format = #tpu.pack_format<interleaved>} : vector<32xbf16> -> vector<16xf32>
        %get3A_223 = arith.index_cast %add3A_196 : i32 to index
        %get3A_224 = arith.constant 32 : index
        %get3A_225 = tpu.vector_load %arg18[%get3A_223, %get3A_224] {strides = array<i32>} : memref<400x64xbf16, #tpu.memory_space<vmem>>, vector<32xbf16>,
        %unpack3A_226 = tpu.unpack_subelements %get3A_225, 0 {pack_format = #tpu.pack_format<interleaved>} : vector<32xbf16> -> vector<16xf32>
        %unpack3A_227 = tpu.unpack_subelements %get3A_225, 1 {pack_format = #tpu.pack_format<interleaved>} : vector<32xbf16> -> vector<16xf32>
        %add3A_228 = arith.addf %unpack3A_221, %unpack3A_226 : vector<16xf32>
        %max3A_229 = arith.constant 0.000000e+00 : f32
        %max3A_230 = vector.broadcast %max3A_229 : f32 to vector<16xf32>
        %max3A_231 = arith.maximumf %add3A_228, %max3A_230 : vector<16xf32>
        %mul3A_232 = arith.mulf %max3A_231, %get3A_7 : vector<16xf32>
        %add3A_233 = arith.addf %unpack3A_222, %unpack3A_227 : vector<16xf32>
        %max3A_234 = arith.constant 0.000000e+00 : f32
        %max3A_235 = vector.broadcast %max3A_234 : f32 to vector<16xf32>
        %max3A_236 = arith.maximumf %add3A_233, %max3A_235 : vector<16xf32>
        %mul3A_237 = arith.mulf %max3A_236, %get3A_9 : vector<16xf32>
        %add3A_238 = arith.addf %mul3A_232, %mul3A_237 : vector<16xf32>
        %add3A_239 = arith.addf %add3A_217, %add3A_238 : vector<16xf32>
        %eq3A_240 = arith.constant 1 : i32
        %eq3A_241 = vector.broadcast %eq3A_240 : i32 to vector<16xi32>
        %eq3A_242 = arith.cmpi eq, %iota3A, %eq3A_241 : vector<16xi32>
        %reduce_sum3A_243 = arith.constant true
        %reduce_sum3A_244 = vector.broadcast %reduce_sum3A_243 : i1 to vector<16xi1>
        %reduce_sum3A_245 = tpu.scan <sum>, %add3A_239 masked %reduce_sum3A_244 : vector<16xf32>, vector<16xi1> -> vector<16xf32>
        %reduce_sum3A_246 = vector.extract %reduce_sum3A_245[15] : f32 from vector<16xf32>
        %broadcast_in_dim3A_247 = vector.broadcast %reduce_sum3A_246 : f32 to vector<16xf32>
        %select_n3A_248 = arith.select %eq3A_242, %broadcast_in_dim3A_247, %select_n3A : vector<16xi1>, vector<16xf32>
        %add3A_249 = arith.constant 2 : i32
        %add3A_250 = arith.addi %mul3A_144, %add3A_249 : i32
        %get3A_251 = arith.index_cast %add3A_250 : i32 to index
        %get3A_252 = arith.constant 0 : index
        %get3A_253 = tpu.vector_load %arg17[%get3A_251, %get3A_252] {strides = array<i32>} : memref<400x64xbf16, #tpu.memory_space<vmem>>, vector<32xbf16>,
        %unpack3A_254 = tpu.unpack_subelements %get3A_253, 0 {pack_format = #tpu.pack_format<interleaved>} : vector<32xbf16> -> vector<16xf32>
        %unpack3A_255 = tpu.unpack_subelements %get3A_253, 1 {pack_format = #tpu.pack_format<interleaved>} : vector<32xbf16> -> vector<16xf32>
        %get3A_256 = arith.index_cast %add3A_250 : i32 to index
        %get3A_257 = arith.constant 0 : index
        %get3A_258 = tpu.vector_load %arg18[%get3A_256, %get3A_257] {strides = array<i32>} : memref<400x64xbf16, #tpu.memory_space<vmem>>, vector<32xbf16>,
        %unpack3A_259 = tpu.unpack_subelements %get3A_258, 0 {pack_format = #tpu.pack_format<interleaved>} : vector<32xbf16> -> vector<16xf32>
        %unpack3A_260 = tpu.unpack_subelements %get3A_258, 1 {pack_format = #tpu.pack_format<interleaved>} : vector<32xbf16> -> vector<16xf32>
        %add3A_261 = arith.addf %unpack3A_254, %unpack3A_259 : vector<16xf32>
        %max3A_262 = arith.constant 0.000000e+00 : f32
        %max3A_263 = vector.broadcast %max3A_262 : f32 to vector<16xf32>
        %max3A_264 = arith.maximumf %add3A_261, %max3A_263 : vector<16xf32>
        %mul3A_265 = arith.mulf %max3A_264, %get3A_3 : vector<16xf32>
        %add3A_266 = arith.addf %unpack3A_255, %unpack3A_260 : vector<16xf32>
        %max3A_267 = arith.constant 0.000000e+00 : f32
        %max3A_268 = vector.broadcast %max3A_267 : f32 to vector<16xf32>
        %max3A_269 = arith.maximumf %add3A_266, %max3A_268 : vector<16xf32>
        %mul3A_270 = arith.mulf %max3A_269, %get3A_5 : vector<16xf32>
        %add3A_271 = arith.addf %mul3A_265, %mul3A_270 : vector<16xf32>
        %get3A_272 = arith.index_cast %add3A_250 : i32 to index
        %get3A_273 = arith.constant 32 : index
        %get3A_274 = tpu.vector_load %arg17[%get3A_272, %get3A_273] {strides = array<i32>} : memref<400x64xbf16, #tpu.memory_space<vmem>>, vector<32xbf16>,
        %unpack3A_275 = tpu.unpack_subelements %get3A_274, 0 {pack_format = #tpu.pack_format<interleaved>} : vector<32xbf16> -> vector<16xf32>
        %unpack3A_276 = tpu.unpack_subelements %get3A_274, 1 {pack_format = #tpu.pack_format<interleaved>} : vector<32xbf16> -> vector<16xf32>
        %get3A_277 = arith.index_cast %add3A_250 : i32 to index
        %get3A_278 = arith.constant 32 : index
        %get3A_279 = tpu.vector_load %arg18[%get3A_277, %get3A_278] {strides = array<i32>} : memref<400x64xbf16, #tpu.memory_space<vmem>>, vector<32xbf16>,
        %unpack3A_280 = tpu.unpack_subelements %get3A_279, 0 {pack_format = #tpu.pack_format<interleaved>} : vector<32xbf16> -> vector<16xf32>
        %unpack3A_281 = tpu.unpack_subelements %get3A_279, 1 {pack_format = #tpu.pack_format<interleaved>} : vector<32xbf16> -> vector<16xf32>
        %add3A_282 = arith.addf %unpack3A_275, %unpack3A_280 : vector<16xf32>
        %max3A_283 = arith.constant 0.000000e+00 : f32
        %max3A_284 = vector.broadcast %max3A_283 : f32 to vector<16xf32>
        %max3A_285 = arith.maximumf %add3A_282, %max3A_284 : vector<16xf32>
        %mul3A_286 = arith.mulf %max3A_285, %get3A_7 : vector<16xf32>
        %add3A_287 = arith.addf %unpack3A_276, %unpack3A_281 : vector<16xf32>
        %max3A_288 = arith.constant 0.000000e+00 : f32
        %max3A_289 = vector.broadcast %max3A_288 : f32 to vector<16xf32>
        %max3A_290 = arith.maximumf %add3A_287, %max3A_289 : vector<16xf32>
        %mul3A_291 = arith.mulf %max3A_290, %get3A_9 : vector<16xf32>
        %add3A_292 = arith.addf %mul3A_286, %mul3A_291 : vector<16xf32>
        %add3A_293 = arith.addf %add3A_271, %add3A_292 : vector<16xf32>
        %eq3A_294 = arith.constant 2 : i32
        %eq3A_295 = vector.broadcast %eq3A_294 : i32 to vector<16xi32>
        %eq3A_296 = arith.cmpi eq, %iota3A, %eq3A_295 : vector<16xi32>
        %reduce_sum3A_297 = arith.constant true
        %reduce_sum3A_298 = vector.broadcast %reduce_sum3A_297 : i1 to vector<16xi1>
        %reduce_sum3A_299 = tpu.scan <sum>, %add3A_293 masked %reduce_sum3A_298 : vector<16xf32>, vector<16xi1> -> vector<16xf32>
        %reduce_sum3A_300 = vector.extract %reduce_sum3A_299[15] : f32 from vector<16xf32>
        %broadcast_in_dim3A_301 = vector.broadcast %reduce_sum3A_300 : f32 to vector<16xf32>
        %select_n3A_302 = arith.select %eq3A_296, %broadcast_in_dim3A_301, %select_n3A_248 : vector<16xi1>, vector<16xf32>
        %add3A_303 = arith.constant 3 : i32
        %add3A_304 = arith.addi %mul3A_144, %add3A_303 : i32
        %get3A_305 = arith.index_cast %add3A_304 : i32 to index
        %get3A_306 = arith.constant 0 : index
        %get3A_307 = tpu.vector_load %arg17[%get3A_305, %get3A_306] {strides = array<i32>} : memref<400x64xbf16, #tpu.memory_space<vmem>>, vector<32xbf16>,
        %unpack3A_308 = tpu.unpack_subelements %get3A_307, 0 {pack_format = #tpu.pack_format<interleaved>} : vector<32xbf16> -> vector<16xf32>
        %unpack3A_309 = tpu.unpack_subelements %get3A_307, 1 {pack_format = #tpu.pack_format<interleaved>} : vector<32xbf16> -> vector<16xf32>
        %get3A_310 = arith.index_cast %add3A_304 : i32 to index
        %get3A_311 = arith.constant 0 : index
        %get3A_312 = tpu.vector_load %arg18[%get3A_310, %get3A_311] {strides = array<i32>} : memref<400x64xbf16, #tpu.memory_space<vmem>>, vector<32xbf16>,
        %unpack3A_313 = tpu.unpack_subelements %get3A_312, 0 {pack_format = #tpu.pack_format<interleaved>} : vector<32xbf16> -> vector<16xf32>
        %unpack3A_314 = tpu.unpack_subelements %get3A_312, 1 {pack_format = #tpu.pack_format<interleaved>} : vector<32xbf16> -> vector<16xf32>
        %add3A_315 = arith.addf %unpack3A_308, %unpack3A_313 : vector<16xf32>
        %max3A_316 = arith.constant 0.000000e+00 : f32
        %max3A_317 = vector.broadcast %max3A_316 : f32 to vector<16xf32>
        %max3A_318 = arith.maximumf %add3A_315, %max3A_317 : vector<16xf32>
        %mul3A_319 = arith.mulf %max3A_318, %get3A_3 : vector<16xf32>
        %add3A_320 = arith.addf %unpack3A_309, %unpack3A_314 : vector<16xf32>
        %max3A_321 = arith.constant 0.000000e+00 : f32
        %max3A_322 = vector.broadcast %max3A_321 : f32 to vector<16xf32>
        %max3A_323 = arith.maximumf %add3A_320, %max3A_322 : vector<16xf32>
        %mul3A_324 = arith.mulf %max3A_323, %get3A_5 : vector<16xf32>
        %add3A_325 = arith.addf %mul3A_319, %mul3A_324 : vector<16xf32>
        %get3A_326 = arith.index_cast %add3A_304 : i32 to index
        %get3A_327 = arith.constant 32 : index
        %get3A_328 = tpu.vector_load %arg17[%get3A_326, %get3A_327] {strides = array<i32>} : memref<400x64xbf16, #tpu.memory_space<vmem>>, vector<32xbf16>,
        %unpack3A_329 = tpu.unpack_subelements %get3A_328, 0 {pack_format = #tpu.pack_format<interleaved>} : vector<32xbf16> -> vector<16xf32>
        %unpack3A_330 = tpu.unpack_subelements %get3A_328, 1 {pack_format = #tpu.pack_format<interleaved>} : vector<32xbf16> -> vector<16xf32>
        %get3A_331 = arith.index_cast %add3A_304 : i32 to index
        %get3A_332 = arith.constant 32 : index
        %get3A_333 = tpu.vector_load %arg18[%get3A_331, %get3A_332] {strides = array<i32>} : memref<400x64xbf16, #tpu.memory_space<vmem>>, vector<32xbf16>,
        %unpack3A_334 = tpu.unpack_subelements %get3A_333, 0 {pack_format = #tpu.pack_format<interleaved>} : vector<32xbf16> -> vector<16xf32>
        %unpack3A_335 = tpu.unpack_subelements %get3A_333, 1 {pack_format = #tpu.pack_format<interleaved>} : vector<32xbf16> -> vector<16xf32>
        %add3A_336 = arith.addf %unpack3A_329, %unpack3A_334 : vector<16xf32>
        %max3A_337 = arith.constant 0.000000e+00 : f32
        %max3A_338 = vector.broadcast %max3A_337 : f32 to vector<16xf32>
        %max3A_339 = arith.maximumf %add3A_336, %max3A_338 : vector<16xf32>
        %mul3A_340 = arith.mulf %max3A_339, %get3A_7 : vector<16xf32>
        %add3A_341 = arith.addf %unpack3A_330, %unpack3A_335 : vector<16xf32>
        %max3A_342 = arith.constant 0.000000e+00 : f32
        %max3A_343 = vector.broadcast %max3A_342 : f32 to vector<16xf32>
        %max3A_344 = arith.maximumf %add3A_341, %max3A_343 : vector<16xf32>
        %mul3A_345 = arith.mulf %max3A_344, %get3A_9 : vector<16xf32>
        %add3A_346 = arith.addf %mul3A_340, %mul3A_345 : vector<16xf32>
        %add3A_347 = arith.addf %add3A_325, %add3A_346 : vector<16xf32>
        %eq3A_348 = arith.constant 3 : i32
        %eq3A_349 = vector.broadcast %eq3A_348 : i32 to vector<16xi32>
        %eq3A_350 = arith.cmpi eq, %iota3A, %eq3A_349 : vector<16xi32>
        %reduce_sum3A_351 = arith.constant true
        %reduce_sum3A_352 = vector.broadcast %reduce_sum3A_351 : i1 to vector<16xi1>
        %reduce_sum3A_353 = tpu.scan <sum>, %add3A_347 masked %reduce_sum3A_352 : vector<16xf32>, vector<16xi1> -> vector<16xf32>
        %reduce_sum3A_354 = vector.extract %reduce_sum3A_353[15] : f32 from vector<16xf32>
        %broadcast_in_dim3A_355 = vector.broadcast %reduce_sum3A_354 : f32 to vector<16xf32>
        %select_n3A_356 = arith.select %eq3A_350, %broadcast_in_dim3A_355, %select_n3A_302 : vector<16xi1>, vector<16xf32>
        %add3A_357 = arith.constant 4 : i32
        %add3A_358 = arith.addi %mul3A_144, %add3A_357 : i32
        %get3A_359 = arith.index_cast %add3A_358 : i32 to index
        %get3A_360 = arith.constant 0 : index
        %get3A_361 = tpu.vector_load %arg17[%get3A_359, %get3A_360] {strides = array<i32>} : memref<400x64xbf16, #tpu.memory_space<vmem>>, vector<32xbf16>,
        %unpack3A_362 = tpu.unpack_subelements %get3A_361, 0 {pack_format = #tpu.pack_format<interleaved>} : vector<32xbf16> -> vector<16xf32>
        %unpack3A_363 = tpu.unpack_subelements %get3A_361, 1 {pack_format = #tpu.pack_format<interleaved>} : vector<32xbf16> -> vector<16xf32>
        %get3A_364 = arith.index_cast %add3A_358 : i32 to index
        %get3A_365 = arith.constant 0 : index
        %get3A_366 = tpu.vector_load %arg18[%get3A_364, %get3A_365] {strides = array<i32>} : memref<400x64xbf16, #tpu.memory_space<vmem>>, vector<32xbf16>,
        %unpack3A_367 = tpu.unpack_subelements %get3A_366, 0 {pack_format = #tpu.pack_format<interleaved>} : vector<32xbf16> -> vector<16xf32>
        %unpack3A_368 = tpu.unpack_subelements %get3A_366, 1 {pack_format = #tpu.pack_format<interleaved>} : vector<32xbf16> -> vector<16xf32>
        %add3A_369 = arith.addf %unpack3A_362, %unpack3A_367 : vector<16xf32>
        %max3A_370 = arith.constant 0.000000e+00 : f32
        %max3A_371 = vector.broadcast %max3A_370 : f32 to vector<16xf32>
        %max3A_372 = arith.maximumf %add3A_369, %max3A_371 : vector<16xf32>
        %mul3A_373 = arith.mulf %max3A_372, %get3A_3 : vector<16xf32>
        %add3A_374 = arith.addf %unpack3A_363, %unpack3A_368 : vector<16xf32>
        %max3A_375 = arith.constant 0.000000e+00 : f32
        %max3A_376 = vector.broadcast %max3A_375 : f32 to vector<16xf32>
        %max3A_377 = arith.maximumf %add3A_374, %max3A_376 : vector<16xf32>
        %mul3A_378 = arith.mulf %max3A_377, %get3A_5 : vector<16xf32>
        %add3A_379 = arith.addf %mul3A_373, %mul3A_378 : vector<16xf32>
        %get3A_380 = arith.index_cast %add3A_358 : i32 to index
        %get3A_381 = arith.constant 32 : index
        %get3A_382 = tpu.vector_load %arg17[%get3A_380, %get3A_381] {strides = array<i32>} : memref<400x64xbf16, #tpu.memory_space<vmem>>, vector<32xbf16>,
        %unpack3A_383 = tpu.unpack_subelements %get3A_382, 0 {pack_format = #tpu.pack_format<interleaved>} : vector<32xbf16> -> vector<16xf32>
        %unpack3A_384 = tpu.unpack_subelements %get3A_382, 1 {pack_format = #tpu.pack_format<interleaved>} : vector<32xbf16> -> vector<16xf32>
        %get3A_385 = arith.index_cast %add3A_358 : i32 to index
        %get3A_386 = arith.constant 32 : index
        %get3A_387 = tpu.vector_load %arg18[%get3A_385, %get3A_386] {strides = array<i32>} : memref<400x64xbf16, #tpu.memory_space<vmem>>, vector<32xbf16>,
        %unpack3A_388 = tpu.unpack_subelements %get3A_387, 0 {pack_format = #tpu.pack_format<interleaved>} : vector<32xbf16> -> vector<16xf32>
        %unpack3A_389 = tpu.unpack_subelements %get3A_387, 1 {pack_format = #tpu.pack_format<interleaved>} : vector<32xbf16> -> vector<16xf32>
        %add3A_390 = arith.addf %unpack3A_383, %unpack3A_388 : vector<16xf32>
        %max3A_391 = arith.constant 0.000000e+00 : f32
        %max3A_392 = vector.broadcast %max3A_391 : f32 to vector<16xf32>
        %max3A_393 = arith.maximumf %add3A_390, %max3A_392 : vector<16xf32>
        %mul3A_394 = arith.mulf %max3A_393, %get3A_7 : vector<16xf32>
        %add3A_395 = arith.addf %unpack3A_384, %unpack3A_389 : vector<16xf32>
        %max3A_396 = arith.constant 0.000000e+00 : f32
        %max3A_397 = vector.broadcast %max3A_396 : f32 to vector<16xf32>
        %max3A_398 = arith.maximumf %add3A_395, %max3A_397 : vector<16xf32>
        %mul3A_399 = arith.mulf %max3A_398, %get3A_9 : vector<16xf32>
        %add3A_400 = arith.addf %mul3A_394, %mul3A_399 : vector<16xf32>
        %add3A_401 = arith.addf %add3A_379, %add3A_400 : vector<16xf32>
        %eq3A_402 = arith.constant 4 : i32
        %eq3A_403 = vector.broadcast %eq3A_402 : i32 to vector<16xi32>
        %eq3A_404 = arith.cmpi eq, %iota3A, %eq3A_403 : vector<16xi32>
        %reduce_sum3A_405 = arith.constant true
        %reduce_sum3A_406 = vector.broadcast %reduce_sum3A_405 : i1 to vector<16xi1>
        %reduce_sum3A_407 = tpu.scan <sum>, %add3A_401 masked %reduce_sum3A_406 : vector<16xf32>, vector<16xi1> -> vector<16xf32>
        %reduce_sum3A_408 = vector.extract %reduce_sum3A_407[15] : f32 from vector<16xf32>
        %broadcast_in_dim3A_409 = vector.broadcast %reduce_sum3A_408 : f32 to vector<16xf32>
        %select_n3A_410 = arith.select %eq3A_404, %broadcast_in_dim3A_409, %select_n3A_356 : vector<16xi1>, vector<16xf32>
        %add3A_411 = arith.constant 5 : i32
        %add3A_412 = arith.addi %mul3A_144, %add3A_411 : i32
        %get3A_413 = arith.index_cast %add3A_412 : i32 to index
        %get3A_414 = arith.constant 0 : index
        %get3A_415 = tpu.vector_load %arg17[%get3A_413, %get3A_414] {strides = array<i32>} : memref<400x64xbf16, #tpu.memory_space<vmem>>, vector<32xbf16>,
        %unpack3A_416 = tpu.unpack_subelements %get3A_415, 0 {pack_format = #tpu.pack_format<interleaved>} : vector<32xbf16> -> vector<16xf32>
        %unpack3A_417 = tpu.unpack_subelements %get3A_415, 1 {pack_format = #tpu.pack_format<interleaved>} : vector<32xbf16> -> vector<16xf32>
        %get3A_418 = arith.index_cast %add3A_412 : i32 to index
        %get3A_419 = arith.constant 0 : index
        %get3A_420 = tpu.vector_load %arg18[%get3A_418, %get3A_419] {strides = array<i32>} : memref<400x64xbf16, #tpu.memory_space<vmem>>, vector<32xbf16>,
        %unpack3A_421 = tpu.unpack_subelements %get3A_420, 0 {pack_format = #tpu.pack_format<interleaved>} : vector<32xbf16> -> vector<16xf32>
        %unpack3A_422 = tpu.unpack_subelements %get3A_420, 1 {pack_format = #tpu.pack_format<interleaved>} : vector<32xbf16> -> vector<16xf32>
        %add3A_423 = arith.addf %unpack3A_416, %unpack3A_421 : vector<16xf32>
        %max3A_424 = arith.constant 0.000000e+00 : f32
        %max3A_425 = vector.broadcast %max3A_424 : f32 to vector<16xf32>
        %max3A_426 = arith.maximumf %add3A_423, %max3A_425 : vector<16xf32>
        %mul3A_427 = arith.mulf %max3A_426, %get3A_3 : vector<16xf32>
        %add3A_428 = arith.addf %unpack3A_417, %unpack3A_422 : vector<16xf32>
        %max3A_429 = arith.constant 0.000000e+00 : f32
        %max3A_430 = vector.broadcast %max3A_429 : f32 to vector<16xf32>
        %max3A_431 = arith.maximumf %add3A_428, %max3A_430 : vector<16xf32>
        %mul3A_432 = arith.mulf %max3A_431, %get3A_5 : vector<16xf32>
        %add3A_433 = arith.addf %mul3A_427, %mul3A_432 : vector<16xf32>
        %get3A_434 = arith.index_cast %add3A_412 : i32 to index
        %get3A_435 = arith.constant 32 : index
        %get3A_436 = tpu.vector_load %arg17[%get3A_434, %get3A_435] {strides = array<i32>} : memref<400x64xbf16, #tpu.memory_space<vmem>>, vector<32xbf16>,
        %unpack3A_437 = tpu.unpack_subelements %get3A_436, 0 {pack_format = #tpu.pack_format<interleaved>} : vector<32xbf16> -> vector<16xf32>
        %unpack3A_438 = tpu.unpack_subelements %get3A_436, 1 {pack_format = #tpu.pack_format<interleaved>} : vector<32xbf16> -> vector<16xf32>
        %get3A_439 = arith.index_cast %add3A_412 : i32 to index
        %get3A_440 = arith.constant 32 : index
        %get3A_441 = tpu.vector_load %arg18[%get3A_439, %get3A_440] {strides = array<i32>} : memref<400x64xbf16, #tpu.memory_space<vmem>>, vector<32xbf16>,
        %unpack3A_442 = tpu.unpack_subelements %get3A_441, 0 {pack_format = #tpu.pack_format<interleaved>} : vector<32xbf16> -> vector<16xf32>
        %unpack3A_443 = tpu.unpack_subelements %get3A_441, 1 {pack_format = #tpu.pack_format<interleaved>} : vector<32xbf16> -> vector<16xf32>
        %add3A_444 = arith.addf %unpack3A_437, %unpack3A_442 : vector<16xf32>
        %max3A_445 = arith.constant 0.000000e+00 : f32
        %max3A_446 = vector.broadcast %max3A_445 : f32 to vector<16xf32>
        %max3A_447 = arith.maximumf %add3A_444, %max3A_446 : vector<16xf32>
        %mul3A_448 = arith.mulf %max3A_447, %get3A_7 : vector<16xf32>
        %add3A_449 = arith.addf %unpack3A_438, %unpack3A_443 : vector<16xf32>
        %max3A_450 = arith.constant 0.000000e+00 : f32
        %max3A_451 = vector.broadcast %max3A_450 : f32 to vector<16xf32>
        %max3A_452 = arith.maximumf %add3A_449, %max3A_451 : vector<16xf32>
        %mul3A_453 = arith.mulf %max3A_452, %get3A_9 : vector<16xf32>
        %add3A_454 = arith.addf %mul3A_448, %mul3A_453 : vector<16xf32>
        %add3A_455 = arith.addf %add3A_433, %add3A_454 : vector<16xf32>
        %eq3A_456 = arith.constant 5 : i32
        %eq3A_457 = vector.broadcast %eq3A_456 : i32 to vector<16xi32>
        %eq3A_458 = arith.cmpi eq, %iota3A, %eq3A_457 : vector<16xi32>
        %reduce_sum3A_459 = arith.constant true
        %reduce_sum3A_460 = vector.broadcast %reduce_sum3A_459 : i1 to vector<16xi1>
        %reduce_sum3A_461 = tpu.scan <sum>, %add3A_455 masked %reduce_sum3A_460 : vector<16xf32>, vector<16xi1> -> vector<16xf32>
        %reduce_sum3A_462 = vector.extract %reduce_sum3A_461[15] : f32 from vector<16xf32>
        %broadcast_in_dim3A_463 = vector.broadcast %reduce_sum3A_462 : f32 to vector<16xf32>
        %select_n3A_464 = arith.select %eq3A_458, %broadcast_in_dim3A_463, %select_n3A_410 : vector<16xi1>, vector<16xf32>
        %add3A_465 = arith.constant 6 : i32
        %add3A_466 = arith.addi %mul3A_144, %add3A_465 : i32
        %get3A_467 = arith.index_cast %add3A_466 : i32 to index
        %get3A_468 = arith.constant 0 : index
        %get3A_469 = tpu.vector_load %arg17[%get3A_467, %get3A_468] {strides = array<i32>} : memref<400x64xbf16, #tpu.memory_space<vmem>>, vector<32xbf16>,
        %unpack3A_470 = tpu.unpack_subelements %get3A_469, 0 {pack_format = #tpu.pack_format<interleaved>} : vector<32xbf16> -> vector<16xf32>
        %unpack3A_471 = tpu.unpack_subelements %get3A_469, 1 {pack_format = #tpu.pack_format<interleaved>} : vector<32xbf16> -> vector<16xf32>
        %get3A_472 = arith.index_cast %add3A_466 : i32 to index
        %get3A_473 = arith.constant 0 : index
        %get3A_474 = tpu.vector_load %arg18[%get3A_472, %get3A_473] {strides = array<i32>} : memref<400x64xbf16, #tpu.memory_space<vmem>>, vector<32xbf16>,
        %unpack3A_475 = tpu.unpack_subelements %get3A_474, 0 {pack_format = #tpu.pack_format<interleaved>} : vector<32xbf16> -> vector<16xf32>
        %unpack3A_476 = tpu.unpack_subelements %get3A_474, 1 {pack_format = #tpu.pack_format<interleaved>} : vector<32xbf16> -> vector<16xf32>
        %add3A_477 = arith.addf %unpack3A_470, %unpack3A_475 : vector<16xf32>
        %max3A_478 = arith.constant 0.000000e+00 : f32
        %max3A_479 = vector.broadcast %max3A_478 : f32 to vector<16xf32>
        %max3A_480 = arith.maximumf %add3A_477, %max3A_479 : vector<16xf32>
        %mul3A_481 = arith.mulf %max3A_480, %get3A_3 : vector<16xf32>
        %add3A_482 = arith.addf %unpack3A_471, %unpack3A_476 : vector<16xf32>
        %max3A_483 = arith.constant 0.000000e+00 : f32
        %max3A_484 = vector.broadcast %max3A_483 : f32 to vector<16xf32>
        %max3A_485 = arith.maximumf %add3A_482, %max3A_484 : vector<16xf32>
        %mul3A_486 = arith.mulf %max3A_485, %get3A_5 : vector<16xf32>
        %add3A_487 = arith.addf %mul3A_481, %mul3A_486 : vector<16xf32>
        %get3A_488 = arith.index_cast %add3A_466 : i32 to index
        %get3A_489 = arith.constant 32 : index
        %get3A_490 = tpu.vector_load %arg17[%get3A_488, %get3A_489] {strides = array<i32>} : memref<400x64xbf16, #tpu.memory_space<vmem>>, vector<32xbf16>,
        %unpack3A_491 = tpu.unpack_subelements %get3A_490, 0 {pack_format = #tpu.pack_format<interleaved>} : vector<32xbf16> -> vector<16xf32>
        %unpack3A_492 = tpu.unpack_subelements %get3A_490, 1 {pack_format = #tpu.pack_format<interleaved>} : vector<32xbf16> -> vector<16xf32>
        %get3A_493 = arith.index_cast %add3A_466 : i32 to index
        %get3A_494 = arith.constant 32 : index
        %get3A_495 = tpu.vector_load %arg18[%get3A_493, %get3A_494] {strides = array<i32>} : memref<400x64xbf16, #tpu.memory_space<vmem>>, vector<32xbf16>,
        %unpack3A_496 = tpu.unpack_subelements %get3A_495, 0 {pack_format = #tpu.pack_format<interleaved>} : vector<32xbf16> -> vector<16xf32>
        %unpack3A_497 = tpu.unpack_subelements %get3A_495, 1 {pack_format = #tpu.pack_format<interleaved>} : vector<32xbf16> -> vector<16xf32>
        %add3A_498 = arith.addf %unpack3A_491, %unpack3A_496 : vector<16xf32>
        %max3A_499 = arith.constant 0.000000e+00 : f32
        %max3A_500 = vector.broadcast %max3A_499 : f32 to vector<16xf32>
        %max3A_501 = arith.maximumf %add3A_498, %max3A_500 : vector<16xf32>
        %mul3A_502 = arith.mulf %max3A_501, %get3A_7 : vector<16xf32>
        %add3A_503 = arith.addf %unpack3A_492, %unpack3A_497 : vector<16xf32>
        %max3A_504 = arith.constant 0.000000e+00 : f32
        %max3A_505 = vector.broadcast %max3A_504 : f32 to vector<16xf32>
        %max3A_506 = arith.maximumf %add3A_503, %max3A_505 : vector<16xf32>
        %mul3A_507 = arith.mulf %max3A_506, %get3A_9 : vector<16xf32>
        %add3A_508 = arith.addf %mul3A_502, %mul3A_507 : vector<16xf32>
        %add3A_509 = arith.addf %add3A_487, %add3A_508 : vector<16xf32>
        %eq3A_510 = arith.constant 6 : i32
        %eq3A_511 = vector.broadcast %eq3A_510 : i32 to vector<16xi32>
        %eq3A_512 = arith.cmpi eq, %iota3A, %eq3A_511 : vector<16xi32>
        %reduce_sum3A_513 = arith.constant true
        %reduce_sum3A_514 = vector.broadcast %reduce_sum3A_513 : i1 to vector<16xi1>
        %reduce_sum3A_515 = tpu.scan <sum>, %add3A_509 masked %reduce_sum3A_514 : vector<16xf32>, vector<16xi1> -> vector<16xf32>
        %reduce_sum3A_516 = vector.extract %reduce_sum3A_515[15] : f32 from vector<16xf32>
        %broadcast_in_dim3A_517 = vector.broadcast %reduce_sum3A_516 : f32 to vector<16xf32>
        %select_n3A_518 = arith.select %eq3A_512, %broadcast_in_dim3A_517, %select_n3A_464 : vector<16xi1>, vector<16xf32>
        %add3A_519 = arith.constant 7 : i32
        %add3A_520 = arith.addi %mul3A_144, %add3A_519 : i32
        %get3A_521 = arith.index_cast %add3A_520 : i32 to index
        %get3A_522 = arith.constant 0 : index
        %get3A_523 = tpu.vector_load %arg17[%get3A_521, %get3A_522] {strides = array<i32>} : memref<400x64xbf16, #tpu.memory_space<vmem>>, vector<32xbf16>,
        %unpack3A_524 = tpu.unpack_subelements %get3A_523, 0 {pack_format = #tpu.pack_format<interleaved>} : vector<32xbf16> -> vector<16xf32>
        %unpack3A_525 = tpu.unpack_subelements %get3A_523, 1 {pack_format = #tpu.pack_format<interleaved>} : vector<32xbf16> -> vector<16xf32>
        %get3A_526 = arith.index_cast %add3A_520 : i32 to index
        %get3A_527 = arith.constant 0 : index
        %get3A_528 = tpu.vector_load %arg18[%get3A_526, %get3A_527] {strides = array<i32>} : memref<400x64xbf16, #tpu.memory_space<vmem>>, vector<32xbf16>,
        %unpack3A_529 = tpu.unpack_subelements %get3A_528, 0 {pack_format = #tpu.pack_format<interleaved>} : vector<32xbf16> -> vector<16xf32>
        %unpack3A_530 = tpu.unpack_subelements %get3A_528, 1 {pack_format = #tpu.pack_format<interleaved>} : vector<32xbf16> -> vector<16xf32>
        %add3A_531 = arith.addf %unpack3A_524, %unpack3A_529 : vector<16xf32>
        %max3A_532 = arith.constant 0.000000e+00 : f32
        %max3A_533 = vector.broadcast %max3A_532 : f32 to vector<16xf32>
        %max3A_534 = arith.maximumf %add3A_531, %max3A_533 : vector<16xf32>
        %mul3A_535 = arith.mulf %max3A_534, %get3A_3 : vector<16xf32>
        %add3A_536 = arith.addf %unpack3A_525, %unpack3A_530 : vector<16xf32>
        %max3A_537 = arith.constant 0.000000e+00 : f32
        %max3A_538 = vector.broadcast %max3A_537 : f32 to vector<16xf32>
        %max3A_539 = arith.maximumf %add3A_536, %max3A_538 : vector<16xf32>
        %mul3A_540 = arith.mulf %max3A_539, %get3A_5 : vector<16xf32>
        %add3A_541 = arith.addf %mul3A_535, %mul3A_540 : vector<16xf32>
        %get3A_542 = arith.index_cast %add3A_520 : i32 to index
        %get3A_543 = arith.constant 32 : index
        %get3A_544 = tpu.vector_load %arg17[%get3A_542, %get3A_543] {strides = array<i32>} : memref<400x64xbf16, #tpu.memory_space<vmem>>, vector<32xbf16>,
        %unpack3A_545 = tpu.unpack_subelements %get3A_544, 0 {pack_format = #tpu.pack_format<interleaved>} : vector<32xbf16> -> vector<16xf32>
        %unpack3A_546 = tpu.unpack_subelements %get3A_544, 1 {pack_format = #tpu.pack_format<interleaved>} : vector<32xbf16> -> vector<16xf32>
        %get3A_547 = arith.index_cast %add3A_520 : i32 to index
        %get3A_548 = arith.constant 32 : index
        %get3A_549 = tpu.vector_load %arg18[%get3A_547, %get3A_548] {strides = array<i32>} : memref<400x64xbf16, #tpu.memory_space<vmem>>, vector<32xbf16>,
        %unpack3A_550 = tpu.unpack_subelements %get3A_549, 0 {pack_format = #tpu.pack_format<interleaved>} : vector<32xbf16> -> vector<16xf32>
        %unpack3A_551 = tpu.unpack_subelements %get3A_549, 1 {pack_format = #tpu.pack_format<interleaved>} : vector<32xbf16> -> vector<16xf32>
        %add3A_552 = arith.addf %unpack3A_545, %unpack3A_550 : vector<16xf32>
        %max3A_553 = arith.constant 0.000000e+00 : f32
        %max3A_554 = vector.broadcast %max3A_553 : f32 to vector<16xf32>
        %max3A_555 = arith.maximumf %add3A_552, %max3A_554 : vector<16xf32>
        %mul3A_556 = arith.mulf %max3A_555, %get3A_7 : vector<16xf32>
        %add3A_557 = arith.addf %unpack3A_546, %unpack3A_551 : vector<16xf32>
        %max3A_558 = arith.constant 0.000000e+00 : f32
        %max3A_559 = vector.broadcast %max3A_558 : f32 to vector<16xf32>
        %max3A_560 = arith.maximumf %add3A_557, %max3A_559 : vector<16xf32>
        %mul3A_561 = arith.mulf %max3A_560, %get3A_9 : vector<16xf32>
        %add3A_562 = arith.addf %mul3A_556, %mul3A_561 : vector<16xf32>
        %add3A_563 = arith.addf %add3A_541, %add3A_562 : vector<16xf32>
        %eq3A_564 = arith.constant 7 : i32
        %eq3A_565 = vector.broadcast %eq3A_564 : i32 to vector<16xi32>
        %eq3A_566 = arith.cmpi eq, %iota3A, %eq3A_565 : vector<16xi32>
        %reduce_sum3A_567 = arith.constant true
        %reduce_sum3A_568 = vector.broadcast %reduce_sum3A_567 : i1 to vector<16xi1>
        %reduce_sum3A_569 = tpu.scan <sum>, %add3A_563 masked %reduce_sum3A_568 : vector<16xf32>, vector<16xi1> -> vector<16xf32>
        %reduce_sum3A_570 = vector.extract %reduce_sum3A_569[15] : f32 from vector<16xf32>
        %broadcast_in_dim3A_571 = vector.broadcast %reduce_sum3A_570 : f32 to vector<16xf32>
        %select_n3A_572 = arith.select %eq3A_566, %broadcast_in_dim3A_571, %select_n3A_518 : vector<16xi1>, vector<16xf32>
        %add3A_573 = arith.constant 8 : i32
        %add3A_574 = arith.addi %mul3A_144, %add3A_573 : i32
        %get3A_575 = arith.index_cast %add3A_574 : i32 to index
        %get3A_576 = arith.constant 0 : index
        %get3A_577 = tpu.vector_load %arg17[%get3A_575, %get3A_576] {strides = array<i32>} : memref<400x64xbf16, #tpu.memory_space<vmem>>, vector<32xbf16>,
        %unpack3A_578 = tpu.unpack_subelements %get3A_577, 0 {pack_format = #tpu.pack_format<interleaved>} : vector<32xbf16> -> vector<16xf32>
        %unpack3A_579 = tpu.unpack_subelements %get3A_577, 1 {pack_format = #tpu.pack_format<interleaved>} : vector<32xbf16> -> vector<16xf32>
        %get3A_580 = arith.index_cast %add3A_574 : i32 to index
        %get3A_581 = arith.constant 0 : index
        %get3A_582 = tpu.vector_load %arg18[%get3A_580, %get3A_581] {strides = array<i32>} : memref<400x64xbf16, #tpu.memory_space<vmem>>, vector<32xbf16>,
        %unpack3A_583 = tpu.unpack_subelements %get3A_582, 0 {pack_format = #tpu.pack_format<interleaved>} : vector<32xbf16> -> vector<16xf32>
        %unpack3A_584 = tpu.unpack_subelements %get3A_582, 1 {pack_format = #tpu.pack_format<interleaved>} : vector<32xbf16> -> vector<16xf32>
        %add3A_585 = arith.addf %unpack3A_578, %unpack3A_583 : vector<16xf32>
        %max3A_586 = arith.constant 0.000000e+00 : f32
        %max3A_587 = vector.broadcast %max3A_586 : f32 to vector<16xf32>
        %max3A_588 = arith.maximumf %add3A_585, %max3A_587 : vector<16xf32>
        %mul3A_589 = arith.mulf %max3A_588, %get3A_3 : vector<16xf32>
        %add3A_590 = arith.addf %unpack3A_579, %unpack3A_584 : vector<16xf32>
        %max3A_591 = arith.constant 0.000000e+00 : f32
        %max3A_592 = vector.broadcast %max3A_591 : f32 to vector<16xf32>
        %max3A_593 = arith.maximumf %add3A_590, %max3A_592 : vector<16xf32>
        %mul3A_594 = arith.mulf %max3A_593, %get3A_5 : vector<16xf32>
        %add3A_595 = arith.addf %mul3A_589, %mul3A_594 : vector<16xf32>
        %get3A_596 = arith.index_cast %add3A_574 : i32 to index
        %get3A_597 = arith.constant 32 : index
        %get3A_598 = tpu.vector_load %arg17[%get3A_596, %get3A_597] {strides = array<i32>} : memref<400x64xbf16, #tpu.memory_space<vmem>>, vector<32xbf16>,
        %unpack3A_599 = tpu.unpack_subelements %get3A_598, 0 {pack_format = #tpu.pack_format<interleaved>} : vector<32xbf16> -> vector<16xf32>
        %unpack3A_600 = tpu.unpack_subelements %get3A_598, 1 {pack_format = #tpu.pack_format<interleaved>} : vector<32xbf16> -> vector<16xf32>
        %get3A_601 = arith.index_cast %add3A_574 : i32 to index
        %get3A_602 = arith.constant 32 : index
        %get3A_603 = tpu.vector_load %arg18[%get3A_601, %get3A_602] {strides = array<i32>} : memref<400x64xbf16, #tpu.memory_space<vmem>>, vector<32xbf16>,
        %unpack3A_604 = tpu.unpack_subelements %get3A_603, 0 {pack_format = #tpu.pack_format<interleaved>} : vector<32xbf16> -> vector<16xf32>
        %unpack3A_605 = tpu.unpack_subelements %get3A_603, 1 {pack_format = #tpu.pack_format<interleaved>} : vector<32xbf16> -> vector<16xf32>
        %add3A_606 = arith.addf %unpack3A_599, %unpack3A_604 : vector<16xf32>
        %max3A_607 = arith.constant 0.000000e+00 : f32
        %max3A_608 = vector.broadcast %max3A_607 : f32 to vector<16xf32>
        %max3A_609 = arith.maximumf %add3A_606, %max3A_608 : vector<16xf32>
        %mul3A_610 = arith.mulf %max3A_609, %get3A_7 : vector<16xf32>
        %add3A_611 = arith.addf %unpack3A_600, %unpack3A_605 : vector<16xf32>
        %max3A_612 = arith.constant 0.000000e+00 : f32
        %max3A_613 = vector.broadcast %max3A_612 : f32 to vector<16xf32>
        %max3A_614 = arith.maximumf %add3A_611, %max3A_613 : vector<16xf32>
        %mul3A_615 = arith.mulf %max3A_614, %get3A_9 : vector<16xf32>
        %add3A_616 = arith.addf %mul3A_610, %mul3A_615 : vector<16xf32>
        %add3A_617 = arith.addf %add3A_595, %add3A_616 : vector<16xf32>
        %eq3A_618 = arith.constant 8 : i32
        %eq3A_619 = vector.broadcast %eq3A_618 : i32 to vector<16xi32>
        %eq3A_620 = arith.cmpi eq, %iota3A, %eq3A_619 : vector<16xi32>
        %reduce_sum3A_621 = arith.constant true
        %reduce_sum3A_622 = vector.broadcast %reduce_sum3A_621 : i1 to vector<16xi1>
        %reduce_sum3A_623 = tpu.scan <sum>, %add3A_617 masked %reduce_sum3A_622 : vector<16xf32>, vector<16xi1> -> vector<16xf32>
        %reduce_sum3A_624 = vector.extract %reduce_sum3A_623[15] : f32 from vector<16xf32>
        %broadcast_in_dim3A_625 = vector.broadcast %reduce_sum3A_624 : f32 to vector<16xf32>
        %select_n3A_626 = arith.select %eq3A_620, %broadcast_in_dim3A_625, %select_n3A_572 : vector<16xi1>, vector<16xf32>
        %add3A_627 = arith.constant 9 : i32
        %add3A_628 = arith.addi %mul3A_144, %add3A_627 : i32
        %get3A_629 = arith.index_cast %add3A_628 : i32 to index
        %get3A_630 = arith.constant 0 : index
        %get3A_631 = tpu.vector_load %arg17[%get3A_629, %get3A_630] {strides = array<i32>} : memref<400x64xbf16, #tpu.memory_space<vmem>>, vector<32xbf16>,
        %unpack3A_632 = tpu.unpack_subelements %get3A_631, 0 {pack_format = #tpu.pack_format<interleaved>} : vector<32xbf16> -> vector<16xf32>
        %unpack3A_633 = tpu.unpack_subelements %get3A_631, 1 {pack_format = #tpu.pack_format<interleaved>} : vector<32xbf16> -> vector<16xf32>
        %get3A_634 = arith.index_cast %add3A_628 : i32 to index
        %get3A_635 = arith.constant 0 : index
        %get3A_636 = tpu.vector_load %arg18[%get3A_634, %get3A_635] {strides = array<i32>} : memref<400x64xbf16, #tpu.memory_space<vmem>>, vector<32xbf16>,
        %unpack3A_637 = tpu.unpack_subelements %get3A_636, 0 {pack_format = #tpu.pack_format<interleaved>} : vector<32xbf16> -> vector<16xf32>
        %unpack3A_638 = tpu.unpack_subelements %get3A_636, 1 {pack_format = #tpu.pack_format<interleaved>} : vector<32xbf16> -> vector<16xf32>
        %add3A_639 = arith.addf %unpack3A_632, %unpack3A_637 : vector<16xf32>
        %max3A_640 = arith.constant 0.000000e+00 : f32
        %max3A_641 = vector.broadcast %max3A_640 : f32 to vector<16xf32>
        %max3A_642 = arith.maximumf %add3A_639, %max3A_641 : vector<16xf32>
        %mul3A_643 = arith.mulf %max3A_642, %get3A_3 : vector<16xf32>
        %add3A_644 = arith.addf %unpack3A_633, %unpack3A_638 : vector<16xf32>
        %max3A_645 = arith.constant 0.000000e+00 : f32
        %max3A_646 = vector.broadcast %max3A_645 : f32 to vector<16xf32>
        %max3A_647 = arith.maximumf %add3A_644, %max3A_646 : vector<16xf32>
        %mul3A_648 = arith.mulf %max3A_647, %get3A_5 : vector<16xf32>
        %add3A_649 = arith.addf %mul3A_643, %mul3A_648 : vector<16xf32>
        %get3A_650 = arith.index_cast %add3A_628 : i32 to index
        %get3A_651 = arith.constant 32 : index
        %get3A_652 = tpu.vector_load %arg17[%get3A_650, %get3A_651] {strides = array<i32>} : memref<400x64xbf16, #tpu.memory_space<vmem>>, vector<32xbf16>,
        %unpack3A_653 = tpu.unpack_subelements %get3A_652, 0 {pack_format = #tpu.pack_format<interleaved>} : vector<32xbf16> -> vector<16xf32>
        %unpack3A_654 = tpu.unpack_subelements %get3A_652, 1 {pack_format = #tpu.pack_format<interleaved>} : vector<32xbf16> -> vector<16xf32>
        %get3A_655 = arith.index_cast %add3A_628 : i32 to index
        %get3A_656 = arith.constant 32 : index
        %get3A_657 = tpu.vector_load %arg18[%get3A_655, %get3A_656] {strides = array<i32>} : memref<400x64xbf16, #tpu.memory_space<vmem>>, vector<32xbf16>,
        %unpack3A_658 = tpu.unpack_subelements %get3A_657, 0 {pack_format = #tpu.pack_format<interleaved>} : vector<32xbf16> -> vector<16xf32>
        %unpack3A_659 = tpu.unpack_subelements %get3A_657, 1 {pack_format = #tpu.pack_format<interleaved>} : vector<32xbf16> -> vector<16xf32>
        %add3A_660 = arith.addf %unpack3A_653, %unpack3A_658 : vector<16xf32>
        %max3A_661 = arith.constant 0.000000e+00 : f32
        %max3A_662 = vector.broadcast %max3A_661 : f32 to vector<16xf32>
        %max3A_663 = arith.maximumf %add3A_660, %max3A_662 : vector<16xf32>
        %mul3A_664 = arith.mulf %max3A_663, %get3A_7 : vector<16xf32>
        %add3A_665 = arith.addf %unpack3A_654, %unpack3A_659 : vector<16xf32>
        %max3A_666 = arith.constant 0.000000e+00 : f32
        %max3A_667 = vector.broadcast %max3A_666 : f32 to vector<16xf32>
        %max3A_668 = arith.maximumf %add3A_665, %max3A_667 : vector<16xf32>
        %mul3A_669 = arith.mulf %max3A_668, %get3A_9 : vector<16xf32>
        %add3A_670 = arith.addf %mul3A_664, %mul3A_669 : vector<16xf32>
        %add3A_671 = arith.addf %add3A_649, %add3A_670 : vector<16xf32>
        %eq3A_672 = arith.constant 9 : i32
        %eq3A_673 = vector.broadcast %eq3A_672 : i32 to vector<16xi32>
        %eq3A_674 = arith.cmpi eq, %iota3A, %eq3A_673 : vector<16xi32>
        %reduce_sum3A_675 = arith.constant true
        %reduce_sum3A_676 = vector.broadcast %reduce_sum3A_675 : i1 to vector<16xi1>
        %reduce_sum3A_677 = tpu.scan <sum>, %add3A_671 masked %reduce_sum3A_676 : vector<16xf32>, vector<16xi1> -> vector<16xf32>
        %reduce_sum3A_678 = vector.extract %reduce_sum3A_677[15] : f32 from vector<16xf32>
        %broadcast_in_dim3A_679 = vector.broadcast %reduce_sum3A_678 : f32 to vector<16xf32>
        %select_n3A_680 = arith.select %eq3A_674, %broadcast_in_dim3A_679, %select_n3A_626 : vector<16xi1>, vector<16xf32>
        %add3A_681 = arith.constant 10 : i32
        %add3A_682 = arith.addi %mul3A_144, %add3A_681 : i32
        %get3A_683 = arith.index_cast %add3A_682 : i32 to index
        %get3A_684 = arith.constant 0 : index
        %get3A_685 = tpu.vector_load %arg17[%get3A_683, %get3A_684] {strides = array<i32>} : memref<400x64xbf16, #tpu.memory_space<vmem>>, vector<32xbf16>,
        %unpack3A_686 = tpu.unpack_subelements %get3A_685, 0 {pack_format = #tpu.pack_format<interleaved>} : vector<32xbf16> -> vector<16xf32>
        %unpack3A_687 = tpu.unpack_subelements %get3A_685, 1 {pack_format = #tpu.pack_format<interleaved>} : vector<32xbf16> -> vector<16xf32>
        %get3A_688 = arith.index_cast %add3A_682 : i32 to index
        %get3A_689 = arith.constant 0 : index
        %get3A_690 = tpu.vector_load %arg18[%get3A_688, %get3A_689] {strides = array<i32>} : memref<400x64xbf16, #tpu.memory_space<vmem>>, vector<32xbf16>,
        %unpack3A_691 = tpu.unpack_subelements %get3A_690, 0 {pack_format = #tpu.pack_format<interleaved>} : vector<32xbf16> -> vector<16xf32>
        %unpack3A_692 = tpu.unpack_subelements %get3A_690, 1 {pack_format = #tpu.pack_format<interleaved>} : vector<32xbf16> -> vector<16xf32>
        %add3A_693 = arith.addf %unpack3A_686, %unpack3A_691 : vector<16xf32>
        %max3A_694 = arith.constant 0.000000e+00 : f32
        %max3A_695 = vector.broadcast %max3A_694 : f32 to vector<16xf32>
        %max3A_696 = arith.maximumf %add3A_693, %max3A_695 : vector<16xf32>
        %mul3A_697 = arith.mulf %max3A_696, %get3A_3 : vector<16xf32>
        %add3A_698 = arith.addf %unpack3A_687, %unpack3A_692 : vector<16xf32>
        %max3A_699 = arith.constant 0.000000e+00 : f32
        %max3A_700 = vector.broadcast %max3A_699 : f32 to vector<16xf32>
        %max3A_701 = arith.maximumf %add3A_698, %max3A_700 : vector<16xf32>
        %mul3A_702 = arith.mulf %max3A_701, %get3A_5 : vector<16xf32>
        %add3A_703 = arith.addf %mul3A_697, %mul3A_702 : vector<16xf32>
        %get3A_704 = arith.index_cast %add3A_682 : i32 to index
        %get3A_705 = arith.constant 32 : index
        %get3A_706 = tpu.vector_load %arg17[%get3A_704, %get3A_705] {strides = array<i32>} : memref<400x64xbf16, #tpu.memory_space<vmem>>, vector<32xbf16>,
        %unpack3A_707 = tpu.unpack_subelements %get3A_706, 0 {pack_format = #tpu.pack_format<interleaved>} : vector<32xbf16> -> vector<16xf32>
        %unpack3A_708 = tpu.unpack_subelements %get3A_706, 1 {pack_format = #tpu.pack_format<interleaved>} : vector<32xbf16> -> vector<16xf32>
        %get3A_709 = arith.index_cast %add3A_682 : i32 to index
        %get3A_710 = arith.constant 32 : index
        %get3A_711 = tpu.vector_load %arg18[%get3A_709, %get3A_710] {strides = array<i32>} : memref<400x64xbf16, #tpu.memory_space<vmem>>, vector<32xbf16>,
        %unpack3A_712 = tpu.unpack_subelements %get3A_711, 0 {pack_format = #tpu.pack_format<interleaved>} : vector<32xbf16> -> vector<16xf32>
        %unpack3A_713 = tpu.unpack_subelements %get3A_711, 1 {pack_format = #tpu.pack_format<interleaved>} : vector<32xbf16> -> vector<16xf32>
        %add3A_714 = arith.addf %unpack3A_707, %unpack3A_712 : vector<16xf32>
        %max3A_715 = arith.constant 0.000000e+00 : f32
        %max3A_716 = vector.broadcast %max3A_715 : f32 to vector<16xf32>
        %max3A_717 = arith.maximumf %add3A_714, %max3A_716 : vector<16xf32>
        %mul3A_718 = arith.mulf %max3A_717, %get3A_7 : vector<16xf32>
        %add3A_719 = arith.addf %unpack3A_708, %unpack3A_713 : vector<16xf32>
        %max3A_720 = arith.constant 0.000000e+00 : f32
        %max3A_721 = vector.broadcast %max3A_720 : f32 to vector<16xf32>
        %max3A_722 = arith.maximumf %add3A_719, %max3A_721 : vector<16xf32>
        %mul3A_723 = arith.mulf %max3A_722, %get3A_9 : vector<16xf32>
        %add3A_724 = arith.addf %mul3A_718, %mul3A_723 : vector<16xf32>
        %add3A_725 = arith.addf %add3A_703, %add3A_724 : vector<16xf32>
        %eq3A_726 = arith.constant 10 : i32
        %eq3A_727 = vector.broadcast %eq3A_726 : i32 to vector<16xi32>
        %eq3A_728 = arith.cmpi eq, %iota3A, %eq3A_727 : vector<16xi32>
        %reduce_sum3A_729 = arith.constant true
        %reduce_sum3A_730 = vector.broadcast %reduce_sum3A_729 : i1 to vector<16xi1>
        %reduce_sum3A_731 = tpu.scan <sum>, %add3A_725 masked %reduce_sum3A_730 : vector<16xf32>, vector<16xi1> -> vector<16xf32>
        %reduce_sum3A_732 = vector.extract %reduce_sum3A_731[15] : f32 from vector<16xf32>
        %broadcast_in_dim3A_733 = vector.broadcast %reduce_sum3A_732 : f32 to vector<16xf32>
        %select_n3A_734 = arith.select %eq3A_728, %broadcast_in_dim3A_733, %select_n3A_680 : vector<16xi1>, vector<16xf32>
        %add3A_735 = arith.constant 11 : i32
        %add3A_736 = arith.addi %mul3A_144, %add3A_735 : i32
        %get3A_737 = arith.index_cast %add3A_736 : i32 to index
        %get3A_738 = arith.constant 0 : index
        %get3A_739 = tpu.vector_load %arg17[%get3A_737, %get3A_738] {strides = array<i32>} : memref<400x64xbf16, #tpu.memory_space<vmem>>, vector<32xbf16>,
        %unpack3A_740 = tpu.unpack_subelements %get3A_739, 0 {pack_format = #tpu.pack_format<interleaved>} : vector<32xbf16> -> vector<16xf32>
        %unpack3A_741 = tpu.unpack_subelements %get3A_739, 1 {pack_format = #tpu.pack_format<interleaved>} : vector<32xbf16> -> vector<16xf32>
        %get3A_742 = arith.index_cast %add3A_736 : i32 to index
        %get3A_743 = arith.constant 0 : index
        %get3A_744 = tpu.vector_load %arg18[%get3A_742, %get3A_743] {strides = array<i32>} : memref<400x64xbf16, #tpu.memory_space<vmem>>, vector<32xbf16>,
        %unpack3A_745 = tpu.unpack_subelements %get3A_744, 0 {pack_format = #tpu.pack_format<interleaved>} : vector<32xbf16> -> vector<16xf32>
        %unpack3A_746 = tpu.unpack_subelements %get3A_744, 1 {pack_format = #tpu.pack_format<interleaved>} : vector<32xbf16> -> vector<16xf32>
        %add3A_747 = arith.addf %unpack3A_740, %unpack3A_745 : vector<16xf32>
        %max3A_748 = arith.constant 0.000000e+00 : f32
        %max3A_749 = vector.broadcast %max3A_748 : f32 to vector<16xf32>
        %max3A_750 = arith.maximumf %add3A_747, %max3A_749 : vector<16xf32>
        %mul3A_751 = arith.mulf %max3A_750, %get3A_3 : vector<16xf32>
        %add3A_752 = arith.addf %unpack3A_741, %unpack3A_746 : vector<16xf32>
        %max3A_753 = arith.constant 0.000000e+00 : f32
        %max3A_754 = vector.broadcast %max3A_753 : f32 to vector<16xf32>
        %max3A_755 = arith.maximumf %add3A_752, %max3A_754 : vector<16xf32>
        %mul3A_756 = arith.mulf %max3A_755, %get3A_5 : vector<16xf32>
        %add3A_757 = arith.addf %mul3A_751, %mul3A_756 : vector<16xf32>
        %get3A_758 = arith.index_cast %add3A_736 : i32 to index
        %get3A_759 = arith.constant 32 : index
        %get3A_760 = tpu.vector_load %arg17[%get3A_758, %get3A_759] {strides = array<i32>} : memref<400x64xbf16, #tpu.memory_space<vmem>>, vector<32xbf16>,
        %unpack3A_761 = tpu.unpack_subelements %get3A_760, 0 {pack_format = #tpu.pack_format<interleaved>} : vector<32xbf16> -> vector<16xf32>
        %unpack3A_762 = tpu.unpack_subelements %get3A_760, 1 {pack_format = #tpu.pack_format<interleaved>} : vector<32xbf16> -> vector<16xf32>
        %get3A_763 = arith.index_cast %add3A_736 : i32 to index
        %get3A_764 = arith.constant 32 : index
        %get3A_765 = tpu.vector_load %arg18[%get3A_763, %get3A_764] {strides = array<i32>} : memref<400x64xbf16, #tpu.memory_space<vmem>>, vector<32xbf16>,
        %unpack3A_766 = tpu.unpack_subelements %get3A_765, 0 {pack_format = #tpu.pack_format<interleaved>} : vector<32xbf16> -> vector<16xf32>
        %unpack3A_767 = tpu.unpack_subelements %get3A_765, 1 {pack_format = #tpu.pack_format<interleaved>} : vector<32xbf16> -> vector<16xf32>
        %add3A_768 = arith.addf %unpack3A_761, %unpack3A_766 : vector<16xf32>
        %max3A_769 = arith.constant 0.000000e+00 : f32
        %max3A_770 = vector.broadcast %max3A_769 : f32 to vector<16xf32>
        %max3A_771 = arith.maximumf %add3A_768, %max3A_770 : vector<16xf32>
        %mul3A_772 = arith.mulf %max3A_771, %get3A_7 : vector<16xf32>
        %add3A_773 = arith.addf %unpack3A_762, %unpack3A_767 : vector<16xf32>
        %max3A_774 = arith.constant 0.000000e+00 : f32
        %max3A_775 = vector.broadcast %max3A_774 : f32 to vector<16xf32>
        %max3A_776 = arith.maximumf %add3A_773, %max3A_775 : vector<16xf32>
        %mul3A_777 = arith.mulf %max3A_776, %get3A_9 : vector<16xf32>
        %add3A_778 = arith.addf %mul3A_772, %mul3A_777 : vector<16xf32>
        %add3A_779 = arith.addf %add3A_757, %add3A_778 : vector<16xf32>
        %eq3A_780 = arith.constant 11 : i32
        %eq3A_781 = vector.broadcast %eq3A_780 : i32 to vector<16xi32>
        %eq3A_782 = arith.cmpi eq, %iota3A, %eq3A_781 : vector<16xi32>
        %reduce_sum3A_783 = arith.constant true
        %reduce_sum3A_784 = vector.broadcast %reduce_sum3A_783 : i1 to vector<16xi1>
        %reduce_sum3A_785 = tpu.scan <sum>, %add3A_779 masked %reduce_sum3A_784 : vector<16xf32>, vector<16xi1> -> vector<16xf32>
        %reduce_sum3A_786 = vector.extract %reduce_sum3A_785[15] : f32 from vector<16xf32>
        %broadcast_in_dim3A_787 = vector.broadcast %reduce_sum3A_786 : f32 to vector<16xf32>
        %select_n3A_788 = arith.select %eq3A_782, %broadcast_in_dim3A_787, %select_n3A_734 : vector<16xi1>, vector<16xf32>
        %add3A_789 = arith.constant 12 : i32
        %add3A_790 = arith.addi %mul3A_144, %add3A_789 : i32
        %get3A_791 = arith.index_cast %add3A_790 : i32 to index
        %get3A_792 = arith.constant 0 : index
        %get3A_793 = tpu.vector_load %arg17[%get3A_791, %get3A_792] {strides = array<i32>} : memref<400x64xbf16, #tpu.memory_space<vmem>>, vector<32xbf16>,
        %unpack3A_794 = tpu.unpack_subelements %get3A_793, 0 {pack_format = #tpu.pack_format<interleaved>} : vector<32xbf16> -> vector<16xf32>
        %unpack3A_795 = tpu.unpack_subelements %get3A_793, 1 {pack_format = #tpu.pack_format<interleaved>} : vector<32xbf16> -> vector<16xf32>
        %get3A_796 = arith.index_cast %add3A_790 : i32 to index
        %get3A_797 = arith.constant 0 : index
        %get3A_798 = tpu.vector_load %arg18[%get3A_796, %get3A_797] {strides = array<i32>} : memref<400x64xbf16, #tpu.memory_space<vmem>>, vector<32xbf16>,
        %unpack3A_799 = tpu.unpack_subelements %get3A_798, 0 {pack_format = #tpu.pack_format<interleaved>} : vector<32xbf16> -> vector<16xf32>
        %unpack3A_800 = tpu.unpack_subelements %get3A_798, 1 {pack_format = #tpu.pack_format<interleaved>} : vector<32xbf16> -> vector<16xf32>
        %add3A_801 = arith.addf %unpack3A_794, %unpack3A_799 : vector<16xf32>
        %max3A_802 = arith.constant 0.000000e+00 : f32
        %max3A_803 = vector.broadcast %max3A_802 : f32 to vector<16xf32>
        %max3A_804 = arith.maximumf %add3A_801, %max3A_803 : vector<16xf32>
        %mul3A_805 = arith.mulf %max3A_804, %get3A_3 : vector<16xf32>
        %add3A_806 = arith.addf %unpack3A_795, %unpack3A_800 : vector<16xf32>
        %max3A_807 = arith.constant 0.000000e+00 : f32
        %max3A_808 = vector.broadcast %max3A_807 : f32 to vector<16xf32>
        %max3A_809 = arith.maximumf %add3A_806, %max3A_808 : vector<16xf32>
        %mul3A_810 = arith.mulf %max3A_809, %get3A_5 : vector<16xf32>
        %add3A_811 = arith.addf %mul3A_805, %mul3A_810 : vector<16xf32>
        %get3A_812 = arith.index_cast %add3A_790 : i32 to index
        %get3A_813 = arith.constant 32 : index
        %get3A_814 = tpu.vector_load %arg17[%get3A_812, %get3A_813] {strides = array<i32>} : memref<400x64xbf16, #tpu.memory_space<vmem>>, vector<32xbf16>,
        %unpack3A_815 = tpu.unpack_subelements %get3A_814, 0 {pack_format = #tpu.pack_format<interleaved>} : vector<32xbf16> -> vector<16xf32>
        %unpack3A_816 = tpu.unpack_subelements %get3A_814, 1 {pack_format = #tpu.pack_format<interleaved>} : vector<32xbf16> -> vector<16xf32>
        %get3A_817 = arith.index_cast %add3A_790 : i32 to index
        %get3A_818 = arith.constant 32 : index
        %get3A_819 = tpu.vector_load %arg18[%get3A_817, %get3A_818] {strides = array<i32>} : memref<400x64xbf16, #tpu.memory_space<vmem>>, vector<32xbf16>,
        %unpack3A_820 = tpu.unpack_subelements %get3A_819, 0 {pack_format = #tpu.pack_format<interleaved>} : vector<32xbf16> -> vector<16xf32>
        %unpack3A_821 = tpu.unpack_subelements %get3A_819, 1 {pack_format = #tpu.pack_format<interleaved>} : vector<32xbf16> -> vector<16xf32>
        %add3A_822 = arith.addf %unpack3A_815, %unpack3A_820 : vector<16xf32>
        %max3A_823 = arith.constant 0.000000e+00 : f32
        %max3A_824 = vector.broadcast %max3A_823 : f32 to vector<16xf32>
        %max3A_825 = arith.maximumf %add3A_822, %max3A_824 : vector<16xf32>
        %mul3A_826 = arith.mulf %max3A_825, %get3A_7 : vector<16xf32>
        %add3A_827 = arith.addf %unpack3A_816, %unpack3A_821 : vector<16xf32>
        %max3A_828 = arith.constant 0.000000e+00 : f32
        %max3A_829 = vector.broadcast %max3A_828 : f32 to vector<16xf32>
        %max3A_830 = arith.maximumf %add3A_827, %max3A_829 : vector<16xf32>
        %mul3A_831 = arith.mulf %max3A_830, %get3A_9 : vector<16xf32>
        %add3A_832 = arith.addf %mul3A_826, %mul3A_831 : vector<16xf32>
        %add3A_833 = arith.addf %add3A_811, %add3A_832 : vector<16xf32>
        %eq3A_834 = arith.constant 12 : i32
        %eq3A_835 = vector.broadcast %eq3A_834 : i32 to vector<16xi32>
        %eq3A_836 = arith.cmpi eq, %iota3A, %eq3A_835 : vector<16xi32>
        %reduce_sum3A_837 = arith.constant true
        %reduce_sum3A_838 = vector.broadcast %reduce_sum3A_837 : i1 to vector<16xi1>
        %reduce_sum3A_839 = tpu.scan <sum>, %add3A_833 masked %reduce_sum3A_838 : vector<16xf32>, vector<16xi1> -> vector<16xf32>
        %reduce_sum3A_840 = vector.extract %reduce_sum3A_839[15] : f32 from vector<16xf32>
        %broadcast_in_dim3A_841 = vector.broadcast %reduce_sum3A_840 : f32 to vector<16xf32>
        %select_n3A_842 = arith.select %eq3A_836, %broadcast_in_dim3A_841, %select_n3A_788 : vector<16xi1>, vector<16xf32>
        %add3A_843 = arith.constant 13 : i32
        %add3A_844 = arith.addi %mul3A_144, %add3A_843 : i32
        %get3A_845 = arith.index_cast %add3A_844 : i32 to index
        %get3A_846 = arith.constant 0 : index
        %get3A_847 = tpu.vector_load %arg17[%get3A_845, %get3A_846] {strides = array<i32>} : memref<400x64xbf16, #tpu.memory_space<vmem>>, vector<32xbf16>,
        %unpack3A_848 = tpu.unpack_subelements %get3A_847, 0 {pack_format = #tpu.pack_format<interleaved>} : vector<32xbf16> -> vector<16xf32>
        %unpack3A_849 = tpu.unpack_subelements %get3A_847, 1 {pack_format = #tpu.pack_format<interleaved>} : vector<32xbf16> -> vector<16xf32>
        %get3A_850 = arith.index_cast %add3A_844 : i32 to index
        %get3A_851 = arith.constant 0 : index
        %get3A_852 = tpu.vector_load %arg18[%get3A_850, %get3A_851] {strides = array<i32>} : memref<400x64xbf16, #tpu.memory_space<vmem>>, vector<32xbf16>,
        %unpack3A_853 = tpu.unpack_subelements %get3A_852, 0 {pack_format = #tpu.pack_format<interleaved>} : vector<32xbf16> -> vector<16xf32>
        %unpack3A_854 = tpu.unpack_subelements %get3A_852, 1 {pack_format = #tpu.pack_format<interleaved>} : vector<32xbf16> -> vector<16xf32>
        %add3A_855 = arith.addf %unpack3A_848, %unpack3A_853 : vector<16xf32>
        %max3A_856 = arith.constant 0.000000e+00 : f32
        %max3A_857 = vector.broadcast %max3A_856 : f32 to vector<16xf32>
        %max3A_858 = arith.maximumf %add3A_855, %max3A_857 : vector<16xf32>
        %mul3A_859 = arith.mulf %max3A_858, %get3A_3 : vector<16xf32>
        %add3A_860 = arith.addf %unpack3A_849, %unpack3A_854 : vector<16xf32>
        %max3A_861 = arith.constant 0.000000e+00 : f32
        %max3A_862 = vector.broadcast %max3A_861 : f32 to vector<16xf32>
        %max3A_863 = arith.maximumf %add3A_860, %max3A_862 : vector<16xf32>
        %mul3A_864 = arith.mulf %max3A_863, %get3A_5 : vector<16xf32>
        %add3A_865 = arith.addf %mul3A_859, %mul3A_864 : vector<16xf32>
        %get3A_866 = arith.index_cast %add3A_844 : i32 to index
        %get3A_867 = arith.constant 32 : index
        %get3A_868 = tpu.vector_load %arg17[%get3A_866, %get3A_867] {strides = array<i32>} : memref<400x64xbf16, #tpu.memory_space<vmem>>, vector<32xbf16>,
        %unpack3A_869 = tpu.unpack_subelements %get3A_868, 0 {pack_format = #tpu.pack_format<interleaved>} : vector<32xbf16> -> vector<16xf32>
        %unpack3A_870 = tpu.unpack_subelements %get3A_868, 1 {pack_format = #tpu.pack_format<interleaved>} : vector<32xbf16> -> vector<16xf32>
        %get3A_871 = arith.index_cast %add3A_844 : i32 to index
        %get3A_872 = arith.constant 32 : index
        %get3A_873 = tpu.vector_load %arg18[%get3A_871, %get3A_872] {strides = array<i32>} : memref<400x64xbf16, #tpu.memory_space<vmem>>, vector<32xbf16>,
        %unpack3A_874 = tpu.unpack_subelements %get3A_873, 0 {pack_format = #tpu.pack_format<interleaved>} : vector<32xbf16> -> vector<16xf32>
        %unpack3A_875 = tpu.unpack_subelements %get3A_873, 1 {pack_format = #tpu.pack_format<interleaved>} : vector<32xbf16> -> vector<16xf32>
        %add3A_876 = arith.addf %unpack3A_869, %unpack3A_874 : vector<16xf32>
        %max3A_877 = arith.constant 0.000000e+00 : f32
        %max3A_878 = vector.broadcast %max3A_877 : f32 to vector<16xf32>
        %max3A_879 = arith.maximumf %add3A_876, %max3A_878 : vector<16xf32>
        %mul3A_880 = arith.mulf %max3A_879, %get3A_7 : vector<16xf32>
        %add3A_881 = arith.addf %unpack3A_870, %unpack3A_875 : vector<16xf32>
        %max3A_882 = arith.constant 0.000000e+00 : f32
        %max3A_883 = vector.broadcast %max3A_882 : f32 to vector<16xf32>
        %max3A_884 = arith.maximumf %add3A_881, %max3A_883 : vector<16xf32>
        %mul3A_885 = arith.mulf %max3A_884, %get3A_9 : vector<16xf32>
        %add3A_886 = arith.addf %mul3A_880, %mul3A_885 : vector<16xf32>
        %add3A_887 = arith.addf %add3A_865, %add3A_886 : vector<16xf32>
        %eq3A_888 = arith.constant 13 : i32
        %eq3A_889 = vector.broadcast %eq3A_888 : i32 to vector<16xi32>
        %eq3A_890 = arith.cmpi eq, %iota3A, %eq3A_889 : vector<16xi32>
        %reduce_sum3A_891 = arith.constant true
        %reduce_sum3A_892 = vector.broadcast %reduce_sum3A_891 : i1 to vector<16xi1>
        %reduce_sum3A_893 = tpu.scan <sum>, %add3A_887 masked %reduce_sum3A_892 : vector<16xf32>, vector<16xi1> -> vector<16xf32>
        %reduce_sum3A_894 = vector.extract %reduce_sum3A_893[15] : f32 from vector<16xf32>
        %broadcast_in_dim3A_895 = vector.broadcast %reduce_sum3A_894 : f32 to vector<16xf32>
        %select_n3A_896 = arith.select %eq3A_890, %broadcast_in_dim3A_895, %select_n3A_842 : vector<16xi1>, vector<16xf32>
        %add3A_897 = arith.constant 14 : i32
        %add3A_898 = arith.addi %mul3A_144, %add3A_897 : i32
        %get3A_899 = arith.index_cast %add3A_898 : i32 to index
        %get3A_900 = arith.constant 0 : index
        %get3A_901 = tpu.vector_load %arg17[%get3A_899, %get3A_900] {strides = array<i32>} : memref<400x64xbf16, #tpu.memory_space<vmem>>, vector<32xbf16>,
        %unpack3A_902 = tpu.unpack_subelements %get3A_901, 0 {pack_format = #tpu.pack_format<interleaved>} : vector<32xbf16> -> vector<16xf32>
        %unpack3A_903 = tpu.unpack_subelements %get3A_901, 1 {pack_format = #tpu.pack_format<interleaved>} : vector<32xbf16> -> vector<16xf32>
        %get3A_904 = arith.index_cast %add3A_898 : i32 to index
        %get3A_905 = arith.constant 0 : index
        %get3A_906 = tpu.vector_load %arg18[%get3A_904, %get3A_905] {strides = array<i32>} : memref<400x64xbf16, #tpu.memory_space<vmem>>, vector<32xbf16>,
        %unpack3A_907 = tpu.unpack_subelements %get3A_906, 0 {pack_format = #tpu.pack_format<interleaved>} : vector<32xbf16> -> vector<16xf32>
        %unpack3A_908 = tpu.unpack_subelements %get3A_906, 1 {pack_format = #tpu.pack_format<interleaved>} : vector<32xbf16> -> vector<16xf32>
        %add3A_909 = arith.addf %unpack3A_902, %unpack3A_907 : vector<16xf32>
        %max3A_910 = arith.constant 0.000000e+00 : f32
        %max3A_911 = vector.broadcast %max3A_910 : f32 to vector<16xf32>
        %max3A_912 = arith.maximumf %add3A_909, %max3A_911 : vector<16xf32>
        %mul3A_913 = arith.mulf %max3A_912, %get3A_3 : vector<16xf32>
        %add3A_914 = arith.addf %unpack3A_903, %unpack3A_908 : vector<16xf32>
        %max3A_915 = arith.constant 0.000000e+00 : f32
        %max3A_916 = vector.broadcast %max3A_915 : f32 to vector<16xf32>
        %max3A_917 = arith.maximumf %add3A_914, %max3A_916 : vector<16xf32>
        %mul3A_918 = arith.mulf %max3A_917, %get3A_5 : vector<16xf32>
        %add3A_919 = arith.addf %mul3A_913, %mul3A_918 : vector<16xf32>
        %get3A_920 = arith.index_cast %add3A_898 : i32 to index
        %get3A_921 = arith.constant 32 : index
        %get3A_922 = tpu.vector_load %arg17[%get3A_920, %get3A_921] {strides = array<i32>} : memref<400x64xbf16, #tpu.memory_space<vmem>>, vector<32xbf16>,
        %unpack3A_923 = tpu.unpack_subelements %get3A_922, 0 {pack_format = #tpu.pack_format<interleaved>} : vector<32xbf16> -> vector<16xf32>
        %unpack3A_924 = tpu.unpack_subelements %get3A_922, 1 {pack_format = #tpu.pack_format<interleaved>} : vector<32xbf16> -> vector<16xf32>
        %get3A_925 = arith.index_cast %add3A_898 : i32 to index
        %get3A_926 = arith.constant 32 : index
        %get3A_927 = tpu.vector_load %arg18[%get3A_925, %get3A_926] {strides = array<i32>} : memref<400x64xbf16, #tpu.memory_space<vmem>>, vector<32xbf16>,
        %unpack3A_928 = tpu.unpack_subelements %get3A_927, 0 {pack_format = #tpu.pack_format<interleaved>} : vector<32xbf16> -> vector<16xf32>
        %unpack3A_929 = tpu.unpack_subelements %get3A_927, 1 {pack_format = #tpu.pack_format<interleaved>} : vector<32xbf16> -> vector<16xf32>
        %add3A_930 = arith.addf %unpack3A_923, %unpack3A_928 : vector<16xf32>
        %max3A_931 = arith.constant 0.000000e+00 : f32
        %max3A_932 = vector.broadcast %max3A_931 : f32 to vector<16xf32>
        %max3A_933 = arith.maximumf %add3A_930, %max3A_932 : vector<16xf32>
        %mul3A_934 = arith.mulf %max3A_933, %get3A_7 : vector<16xf32>
        %add3A_935 = arith.addf %unpack3A_924, %unpack3A_929 : vector<16xf32>
        %max3A_936 = arith.constant 0.000000e+00 : f32
        %max3A_937 = vector.broadcast %max3A_936 : f32 to vector<16xf32>
        %max3A_938 = arith.maximumf %add3A_935, %max3A_937 : vector<16xf32>
        %mul3A_939 = arith.mulf %max3A_938, %get3A_9 : vector<16xf32>
        %add3A_940 = arith.addf %mul3A_934, %mul3A_939 : vector<16xf32>
        %add3A_941 = arith.addf %add3A_919, %add3A_940 : vector<16xf32>
        %eq3A_942 = arith.constant 14 : i32
        %eq3A_943 = vector.broadcast %eq3A_942 : i32 to vector<16xi32>
        %eq3A_944 = arith.cmpi eq, %iota3A, %eq3A_943 : vector<16xi32>
        %reduce_sum3A_945 = arith.constant true
        %reduce_sum3A_946 = vector.broadcast %reduce_sum3A_945 : i1 to vector<16xi1>
        %reduce_sum3A_947 = tpu.scan <sum>, %add3A_941 masked %reduce_sum3A_946 : vector<16xf32>, vector<16xi1> -> vector<16xf32>
        %reduce_sum3A_948 = vector.extract %reduce_sum3A_947[15] : f32 from vector<16xf32>
        %broadcast_in_dim3A_949 = vector.broadcast %reduce_sum3A_948 : f32 to vector<16xf32>
        %select_n3A_950 = arith.select %eq3A_944, %broadcast_in_dim3A_949, %select_n3A_896 : vector<16xi1>, vector<16xf32>
        %add3A_951 = arith.constant 15 : i32
        %add3A_952 = arith.addi %mul3A_144, %add3A_951 : i32
        %get3A_953 = arith.index_cast %add3A_952 : i32 to index
        %get3A_954 = arith.constant 0 : index
        %get3A_955 = tpu.vector_load %arg17[%get3A_953, %get3A_954] {strides = array<i32>} : memref<400x64xbf16, #tpu.memory_space<vmem>>, vector<32xbf16>,
        %unpack3A_956 = tpu.unpack_subelements %get3A_955, 0 {pack_format = #tpu.pack_format<interleaved>} : vector<32xbf16> -> vector<16xf32>
        %unpack3A_957 = tpu.unpack_subelements %get3A_955, 1 {pack_format = #tpu.pack_format<interleaved>} : vector<32xbf16> -> vector<16xf32>
        %get3A_958 = arith.index_cast %add3A_952 : i32 to index
        %get3A_959 = arith.constant 0 : index
        %get3A_960 = tpu.vector_load %arg18[%get3A_958, %get3A_959] {strides = array<i32>} : memref<400x64xbf16, #tpu.memory_space<vmem>>, vector<32xbf16>,
        %unpack3A_961 = tpu.unpack_subelements %get3A_960, 0 {pack_format = #tpu.pack_format<interleaved>} : vector<32xbf16> -> vector<16xf32>
        %unpack3A_962 = tpu.unpack_subelements %get3A_960, 1 {pack_format = #tpu.pack_format<interleaved>} : vector<32xbf16> -> vector<16xf32>
        %add3A_963 = arith.addf %unpack3A_956, %unpack3A_961 : vector<16xf32>
        %max3A_964 = arith.constant 0.000000e+00 : f32
        %max3A_965 = vector.broadcast %max3A_964 : f32 to vector<16xf32>
        %max3A_966 = arith.maximumf %add3A_963, %max3A_965 : vector<16xf32>
        %mul3A_967 = arith.mulf %max3A_966, %get3A_3 : vector<16xf32>
        %add3A_968 = arith.addf %unpack3A_957, %unpack3A_962 : vector<16xf32>
        %max3A_969 = arith.constant 0.000000e+00 : f32
        %max3A_970 = vector.broadcast %max3A_969 : f32 to vector<16xf32>
        %max3A_971 = arith.maximumf %add3A_968, %max3A_970 : vector<16xf32>
        %mul3A_972 = arith.mulf %max3A_971, %get3A_5 : vector<16xf32>
        %add3A_973 = arith.addf %mul3A_967, %mul3A_972 : vector<16xf32>
        %get3A_974 = arith.index_cast %add3A_952 : i32 to index
        %get3A_975 = arith.constant 32 : index
        %get3A_976 = tpu.vector_load %arg17[%get3A_974, %get3A_975] {strides = array<i32>} : memref<400x64xbf16, #tpu.memory_space<vmem>>, vector<32xbf16>,
        %unpack3A_977 = tpu.unpack_subelements %get3A_976, 0 {pack_format = #tpu.pack_format<interleaved>} : vector<32xbf16> -> vector<16xf32>
        %unpack3A_978 = tpu.unpack_subelements %get3A_976, 1 {pack_format = #tpu.pack_format<interleaved>} : vector<32xbf16> -> vector<16xf32>
        %get3A_979 = arith.index_cast %add3A_952 : i32 to index
        %get3A_980 = arith.constant 32 : index
        %get3A_981 = tpu.vector_load %arg18[%get3A_979, %get3A_980] {strides = array<i32>} : memref<400x64xbf16, #tpu.memory_space<vmem>>, vector<32xbf16>,
        %unpack3A_982 = tpu.unpack_subelements %get3A_981, 0 {pack_format = #tpu.pack_format<interleaved>} : vector<32xbf16> -> vector<16xf32>
        %unpack3A_983 = tpu.unpack_subelements %get3A_981, 1 {pack_format = #tpu.pack_format<interleaved>} : vector<32xbf16> -> vector<16xf32>
        %add3A_984 = arith.addf %unpack3A_977, %unpack3A_982 : vector<16xf32>
        %max3A_985 = arith.constant 0.000000e+00 : f32
        %max3A_986 = vector.broadcast %max3A_985 : f32 to vector<16xf32>
        %max3A_987 = arith.maximumf %add3A_984, %max3A_986 : vector<16xf32>
        %mul3A_988 = arith.mulf %max3A_987, %get3A_7 : vector<16xf32>
        %add3A_989 = arith.addf %unpack3A_978, %unpack3A_983 : vector<16xf32>
        %max3A_990 = arith.constant 0.000000e+00 : f32
        %max3A_991 = vector.broadcast %max3A_990 : f32 to vector<16xf32>
        %max3A_992 = arith.maximumf %add3A_989, %max3A_991 : vector<16xf32>
        %mul3A_993 = arith.mulf %max3A_992, %get3A_9 : vector<16xf32>
        %add3A_994 = arith.addf %mul3A_988, %mul3A_993 : vector<16xf32>
        %add3A_995 = arith.addf %add3A_973, %add3A_994 : vector<16xf32>
        %eq3A_996 = arith.constant 15 : i32
        %eq3A_997 = vector.broadcast %eq3A_996 : i32 to vector<16xi32>
        %eq3A_998 = arith.cmpi eq, %iota3A, %eq3A_997 : vector<16xi32>
        %reduce_sum3A_999 = arith.constant true
        %reduce_sum3A_1000 = vector.broadcast %reduce_sum3A_999 : i1 to vector<16xi1>
        %reduce_sum3A_1001 = tpu.scan <sum>, %add3A_995 masked %reduce_sum3A_1000 : vector<16xf32>, vector<16xi1> -> vector<16xf32>
        %reduce_sum3A_1002 = vector.extract %reduce_sum3A_1001[15] : f32 from vector<16xf32>
        %broadcast_in_dim3A_1003 = vector.broadcast %reduce_sum3A_1002 : f32 to vector<16xf32>
        %select_n3A_1004 = arith.select %eq3A_998, %broadcast_in_dim3A_1003, %select_n3A_950 : vector<16xi1>, vector<16xf32>
        %add3A_1005 = vector.broadcast %squeeze3A : f32 to vector<16xf32>
        %add3A_1006 = arith.addf %select_n3A_1004, %add3A_1005 : vector<16xf32>
        %get3A_1007 = arith.index_cast %mul3A_144 : i32 to index
        %get3A_1008 = tpu.vector_load %arg19[%get3A_1007] {strides = array<i32>} : memref<400xf32, #tpu.memory_space<vmem>>, vector<16xf32>,
        %mul3A_1009 = arith.mulf %add3A_1006, %get3A_1008 : vector<16xf32>
        %swap3A = arith.index_cast %mul3A_144 : i32 to index
        %swap3A_1010 = tpu.vector_load %arg20[%swap3A] {strides = array<i32>} : memref<400xf32, #tpu.memory_space<vmem>>, vector<16xf32>,
        tpu.vector_store %arg20[%swap3A], %mul3A_1009 {strides = array<i32>} : memref<400xf32, #tpu.memory_space<vmem>>, vector<16xf32>,
      }
      %scan3A_141 = arith.constant 25 : i32
      "tpu.region"() ({
        %run_scoped3A = tpu.sem_alloc : memref<!tpu.dma_semaphore, #tpu.memory_space<semaphore_mem>>
        %dma_start3A_142 = tpu.memref_slice %arg8[%add3A_135] : memref<320000xf32, #tpu.memory_space<hbm>> -> memref<400xf32, #tpu.memory_space<hbm>>
        %dma_start3A_143 = tpu.memref_slice %arg8[%add3A_135] : memref<320000xf32, #tpu.memory_space<hbm>> -> memref<400xf32, #tpu.memory_space<hbm>>
        tpu.enqueue_dma source(%arg20 : memref<400xf32, #tpu.memory_space<vmem>>) target(%dma_start3A_143 : memref<400xf32, #tpu.memory_space<hbm>>) target_semaphore(%run_scoped3A : memref<!tpu.dma_semaphore, #tpu.memory_space<semaphore_mem>>)
        %dma_wait3A_144 = tpu.memref_slice %arg8[%add3A_135] : memref<320000xf32, #tpu.memory_space<hbm>> -> memref<400xf32, #tpu.memory_space<hbm>>
        %dma_wait3A_145 = tpu.memref_slice %arg8[%add3A_135] : memref<320000xf32, #tpu.memory_space<hbm>> -> memref<400xf32, #tpu.memory_space<hbm>>
        tpu.wait_dma2 semaphore(%run_scoped3A : memref<!tpu.dma_semaphore, #tpu.memory_space<semaphore_mem>>) src(%arg20 : memref<400xf32, #tpu.memory_space<vmem>>) dst(%dma_wait3A_145 : memref<400xf32, #tpu.memory_space<hbm>>)
        tpu.yield
      }) : () -> ()
    }
    %scan3A_36 = arith.constant 12 : i32
    %dma_wait3A_37 = arith.constant 0 : i32
    %dma_wait3A_38 = arith.constant 0 : i32
    %dma_wait3A_39 = tpu.memref_slice %arg2[%dma_wait3A_37, %dma_wait3A_38] : memref<10000x64xbf16, #tpu.memory_space<hbm>> -> memref<10000x64xbf16, #tpu.memory_space<hbm>>
    tpu.wait_indirect_dma semaphore(%arg22 : memref<!tpu.dma_semaphore, #tpu.memory_space<semaphore_mem>>) src(%dma_wait3A_39 : memref<10000x64xbf16, #tpu.memory_space<hbm>>) dst(%arg11 : memref<400x64xbf16, #tpu.memory_space<vmem>>)
    %dma_wait3A_40 = arith.constant 0 : i32
    %dma_wait3A_41 = arith.constant 0 : i32
    %dma_wait3A_42 = tpu.memref_slice %arg3[%dma_wait3A_40, %dma_wait3A_41] : memref<10000x64xbf16, #tpu.memory_space<hbm>> -> memref<10000x64xbf16, #tpu.memory_space<hbm>>
    tpu.wait_indirect_dma semaphore(%arg23 : memref<!tpu.dma_semaphore, #tpu.memory_space<semaphore_mem>>) src(%dma_wait3A_42 : memref<10000x64xbf16, #tpu.memory_space<hbm>>) dst(%arg12 : memref<400x64xbf16, #tpu.memory_space<vmem>>)
    %add3A_43 = arith.constant 9600 : i32
    %add3A_44 = arith.addi %mul3A_2, %add3A_43 : i32
    %scan3A_45 = arith.constant 0 : i32
    %scan3A_46 = arith.constant 0 : i32
    %scan3A_47 = arith.constant 25 : i32
    %scan3A_48 = arith.addi %scan3A_46, %scan3A_47 : i32
    %scan3A_49 = arith.constant 1 : i32
    scf.for %scan3A_51 = %scan3A_46 to %scan3A_48 step %scan3A_49  : i32 {
      %mul3A_52 = arith.constant 16 : i32
      %mul3A_53 = arith.muli %scan3A_51, %mul3A_52 : i32
      %broadcast_in_dim3A = arith.constant 0.000000e+00 : f32
      %broadcast_in_dim3A_54 = vector.broadcast %broadcast_in_dim3A : f32 to vector<16xf32>
      %add3A_55 = arith.constant 0 : i32
      %add3A_56 = arith.addi %mul3A_53, %add3A_55 : i32
      %get3A_57 = arith.index_cast %add3A_56 : i32 to index
      %get3A_58 = arith.constant 0 : index
      %get3A_59 = tpu.vector_load %arg11[%get3A_57, %get3A_58] {strides = array<i32>} : memref<400x64xbf16, #tpu.memory_space<vmem>>, vector<32xbf16>,
      %unpack3A = tpu.unpack_subelements %get3A_59, 0 {pack_format = #tpu.pack_format<interleaved>} : vector<32xbf16> -> vector<16xf32>
      %unpack3A_60 = tpu.unpack_subelements %get3A_59, 1 {pack_format = #tpu.pack_format<interleaved>} : vector<32xbf16> -> vector<16xf32>
      %get3A_61 = arith.index_cast %add3A_56 : i32 to index
      %get3A_62 = arith.constant 0 : index
      %get3A_63 = tpu.vector_load %arg12[%get3A_61, %get3A_62] {strides = array<i32>} : memref<400x64xbf16, #tpu.memory_space<vmem>>, vector<32xbf16>,
      %unpack3A_64 = tpu.unpack_subelements %get3A_63, 0 {pack_format = #tpu.pack_format<interleaved>} : vector<32xbf16> -> vector<16xf32>
      %unpack3A_65 = tpu.unpack_subelements %get3A_63, 1 {pack_format = #tpu.pack_format<interleaved>} : vector<32xbf16> -> vector<16xf32>
      %add3A_66 = arith.addf %unpack3A, %unpack3A_64 : vector<16xf32>
      %max3A = arith.constant 0.000000e+00 : f32
      %max3A_67 = vector.broadcast %max3A : f32 to vector<16xf32>
      %max3A_68 = arith.maximumf %add3A_66, %max3A_67 : vector<16xf32>
      %mul3A_69 = arith.mulf %max3A_68, %get3A_3 : vector<16xf32>
      %add3A_70 = arith.addf %unpack3A_60, %unpack3A_65 : vector<16xf32>
      %max3A_71 = arith.constant 0.000000e+00 : f32
      %max3A_72 = vector.broadcast %max3A_71 : f32 to vector<16xf32>
      %max3A_73 = arith.maximumf %add3A_70, %max3A_72 : vector<16xf32>
      %mul3A_74 = arith.mulf %max3A_73, %get3A_5 : vector<16xf32>
      %add3A_75 = arith.addf %mul3A_69, %mul3A_74 : vector<16xf32>
      %get3A_76 = arith.index_cast %add3A_56 : i32 to index
      %get3A_77 = arith.constant 32 : index
      %get3A_78 = tpu.vector_load %arg11[%get3A_76, %get3A_77] {strides = array<i32>} : memref<400x64xbf16, #tpu.memory_space<vmem>>, vector<32xbf16>,
      %unpack3A_79 = tpu.unpack_subelements %get3A_78, 0 {pack_format = #tpu.pack_format<interleaved>} : vector<32xbf16> -> vector<16xf32>
      %unpack3A_80 = tpu.unpack_subelements %get3A_78, 1 {pack_format = #tpu.pack_format<interleaved>} : vector<32xbf16> -> vector<16xf32>
      %get3A_81 = arith.index_cast %add3A_56 : i32 to index
      %get3A_82 = arith.constant 32 : index
      %get3A_83 = tpu.vector_load %arg12[%get3A_81, %get3A_82] {strides = array<i32>} : memref<400x64xbf16, #tpu.memory_space<vmem>>, vector<32xbf16>,
      %unpack3A_84 = tpu.unpack_subelements %get3A_83, 0 {pack_format = #tpu.pack_format<interleaved>} : vector<32xbf16> -> vector<16xf32>
      %unpack3A_85 = tpu.unpack_subelements %get3A_83, 1 {pack_format = #tpu.pack_format<interleaved>} : vector<32xbf16> -> vector<16xf32>
      %add3A_86 = arith.addf %unpack3A_79, %unpack3A_84 : vector<16xf32>
      %max3A_87 = arith.constant 0.000000e+00 : f32
      %max3A_88 = vector.broadcast %max3A_87 : f32 to vector<16xf32>
      %max3A_89 = arith.maximumf %add3A_86, %max3A_88 : vector<16xf32>
      %mul3A_90 = arith.mulf %max3A_89, %get3A_7 : vector<16xf32>
      %add3A_91 = arith.addf %unpack3A_80, %unpack3A_85 : vector<16xf32>
      %max3A_92 = arith.constant 0.000000e+00 : f32
      %max3A_93 = vector.broadcast %max3A_92 : f32 to vector<16xf32>
      %max3A_94 = arith.maximumf %add3A_91, %max3A_93 : vector<16xf32>
      %mul3A_95 = arith.mulf %max3A_94, %get3A_9 : vector<16xf32>
      %add3A_96 = arith.addf %mul3A_90, %mul3A_95 : vector<16xf32>
      %add3A_97 = arith.addf %add3A_75, %add3A_96 : vector<16xf32>
      %eq3A = arith.constant 0 : i32
      %eq3A_98 = vector.broadcast %eq3A : i32 to vector<16xi32>
      %eq3A_99 = arith.cmpi eq, %iota3A, %eq3A_98 : vector<16xi32>
      %reduce_sum3A = arith.constant true
      %reduce_sum3A_100 = vector.broadcast %reduce_sum3A : i1 to vector<16xi1>
      %reduce_sum3A_101 = tpu.scan <sum>, %add3A_97 masked %reduce_sum3A_100 : vector<16xf32>, vector<16xi1> -> vector<16xf32>
      %reduce_sum3A_102 = vector.extract %reduce_sum3A_101[15] : f32 from vector<16xf32>
      %broadcast_in_dim3A_103 = vector.broadcast %reduce_sum3A_102 : f32 to vector<16xf32>
      %select_n3A = arith.select %eq3A_99, %broadcast_in_dim3A_103, %broadcast_in_dim3A_54 : vector<16xi1>, vector<16xf32>
      %add3A_104 = arith.constant 1 : i32
      %add3A_105 = arith.addi %mul3A_53, %add3A_104 : i32
      %get3A_106 = arith.index_cast %add3A_105 : i32 to index
      %get3A_107 = arith.constant 0 : index
      %get3A_108 = tpu.vector_load %arg11[%get3A_106, %get3A_107] {strides = array<i32>} : memref<400x64xbf16, #tpu.memory_space<vmem>>, vector<32xbf16>,
      %unpack3A_109 = tpu.unpack_subelements %get3A_108, 0 {pack_format = #tpu.pack_format<interleaved>} : vector<32xbf16> -> vector<16xf32>
      %unpack3A_110 = tpu.unpack_subelements %get3A_108, 1 {pack_format = #tpu.pack_format<interleaved>} : vector<32xbf16> -> vector<16xf32>
      %get3A_111 = arith.index_cast %add3A_105 : i32 to index
      %get3A_112 = arith.constant 0 : index
      %get3A_113 = tpu.vector_load %arg12[%get3A_111, %get3A_112] {strides = array<i32>} : memref<400x64xbf16, #tpu.memory_space<vmem>>, vector<32xbf16>,
      %unpack3A_114 = tpu.unpack_subelements %get3A_113, 0 {pack_format = #tpu.pack_format<interleaved>} : vector<32xbf16> -> vector<16xf32>
      %unpack3A_115 = tpu.unpack_subelements %get3A_113, 1 {pack_format = #tpu.pack_format<interleaved>} : vector<32xbf16> -> vector<16xf32>
      %add3A_116 = arith.addf %unpack3A_109, %unpack3A_114 : vector<16xf32>
      %max3A_117 = arith.constant 0.000000e+00 : f32
      %max3A_118 = vector.broadcast %max3A_117 : f32 to vector<16xf32>
      %max3A_119 = arith.maximumf %add3A_116, %max3A_118 : vector<16xf32>
      %mul3A_120 = arith.mulf %max3A_119, %get3A_3 : vector<16xf32>
      %add3A_121 = arith.addf %unpack3A_110, %unpack3A_115 : vector<16xf32>
      %max3A_122 = arith.constant 0.000000e+00 : f32
      %max3A_123 = vector.broadcast %max3A_122 : f32 to vector<16xf32>
      %max3A_124 = arith.maximumf %add3A_121, %max3A_123 : vector<16xf32>
      %mul3A_125 = arith.mulf %max3A_124, %get3A_5 : vector<16xf32>
      %add3A_126 = arith.addf %mul3A_120, %mul3A_125 : vector<16xf32>
      %get3A_127 = arith.index_cast %add3A_105 : i32 to index
      %get3A_128 = arith.constant 32 : index
      %get3A_129 = tpu.vector_load %arg11[%get3A_127, %get3A_128] {strides = array<i32>} : memref<400x64xbf16, #tpu.memory_space<vmem>>, vector<32xbf16>,
      %unpack3A_130 = tpu.unpack_subelements %get3A_129, 0 {pack_format = #tpu.pack_format<interleaved>} : vector<32xbf16> -> vector<16xf32>
      %unpack3A_131 = tpu.unpack_subelements %get3A_129, 1 {pack_format = #tpu.pack_format<interleaved>} : vector<32xbf16> -> vector<16xf32>
      %get3A_132 = arith.index_cast %add3A_105 : i32 to index
      %get3A_133 = arith.constant 32 : index
      %get3A_134 = tpu.vector_load %arg12[%get3A_132, %get3A_133] {strides = array<i32>} : memref<400x64xbf16, #tpu.memory_space<vmem>>, vector<32xbf16>,
      %unpack3A_135 = tpu.unpack_subelements %get3A_134, 0 {pack_format = #tpu.pack_format<interleaved>} : vector<32xbf16> -> vector<16xf32>
      %unpack3A_136 = tpu.unpack_subelements %get3A_134, 1 {pack_format = #tpu.pack_format<interleaved>} : vector<32xbf16> -> vector<16xf32>
      %add3A_137 = arith.addf %unpack3A_130, %unpack3A_135 : vector<16xf32>
      %max3A_138 = arith.constant 0.000000e+00 : f32
      %max3A_139 = vector.broadcast %max3A_138 : f32 to vector<16xf32>
      %max3A_140 = arith.maximumf %add3A_137, %max3A_139 : vector<16xf32>
      %mul3A_141 = arith.mulf %max3A_140, %get3A_7 : vector<16xf32>
      %add3A_142 = arith.addf %unpack3A_131, %unpack3A_136 : vector<16xf32>
      %max3A_143 = arith.constant 0.000000e+00 : f32
      %max3A_144 = vector.broadcast %max3A_143 : f32 to vector<16xf32>
      %max3A_145 = arith.maximumf %add3A_142, %max3A_144 : vector<16xf32>
      %mul3A_146 = arith.mulf %max3A_145, %get3A_9 : vector<16xf32>
      %add3A_147 = arith.addf %mul3A_141, %mul3A_146 : vector<16xf32>
      %add3A_148 = arith.addf %add3A_126, %add3A_147 : vector<16xf32>
      %eq3A_149 = arith.constant 1 : i32
      %eq3A_150 = vector.broadcast %eq3A_149 : i32 to vector<16xi32>
      %eq3A_151 = arith.cmpi eq, %iota3A, %eq3A_150 : vector<16xi32>
      %reduce_sum3A_152 = arith.constant true
      %reduce_sum3A_153 = vector.broadcast %reduce_sum3A_152 : i1 to vector<16xi1>
      %reduce_sum3A_154 = tpu.scan <sum>, %add3A_148 masked %reduce_sum3A_153 : vector<16xf32>, vector<16xi1> -> vector<16xf32>
      %reduce_sum3A_155 = vector.extract %reduce_sum3A_154[15] : f32 from vector<16xf32>
      %broadcast_in_dim3A_156 = vector.broadcast %reduce_sum3A_155 : f32 to vector<16xf32>
      %select_n3A_157 = arith.select %eq3A_151, %broadcast_in_dim3A_156, %select_n3A : vector<16xi1>, vector<16xf32>
      %add3A_158 = arith.constant 2 : i32
      %add3A_159 = arith.addi %mul3A_53, %add3A_158 : i32
      %get3A_160 = arith.index_cast %add3A_159 : i32 to index
      %get3A_161 = arith.constant 0 : index
      %get3A_162 = tpu.vector_load %arg11[%get3A_160, %get3A_161] {strides = array<i32>} : memref<400x64xbf16, #tpu.memory_space<vmem>>, vector<32xbf16>,
      %unpack3A_163 = tpu.unpack_subelements %get3A_162, 0 {pack_format = #tpu.pack_format<interleaved>} : vector<32xbf16> -> vector<16xf32>
      %unpack3A_164 = tpu.unpack_subelements %get3A_162, 1 {pack_format = #tpu.pack_format<interleaved>} : vector<32xbf16> -> vector<16xf32>
      %get3A_165 = arith.index_cast %add3A_159 : i32 to index
      %get3A_166 = arith.constant 0 : index
      %get3A_167 = tpu.vector_load %arg12[%get3A_165, %get3A_166] {strides = array<i32>} : memref<400x64xbf16, #tpu.memory_space<vmem>>, vector<32xbf16>,
      %unpack3A_168 = tpu.unpack_subelements %get3A_167, 0 {pack_format = #tpu.pack_format<interleaved>} : vector<32xbf16> -> vector<16xf32>
      %unpack3A_169 = tpu.unpack_subelements %get3A_167, 1 {pack_format = #tpu.pack_format<interleaved>} : vector<32xbf16> -> vector<16xf32>
      %add3A_170 = arith.addf %unpack3A_163, %unpack3A_168 : vector<16xf32>
      %max3A_171 = arith.constant 0.000000e+00 : f32
      %max3A_172 = vector.broadcast %max3A_171 : f32 to vector<16xf32>
      %max3A_173 = arith.maximumf %add3A_170, %max3A_172 : vector<16xf32>
      %mul3A_174 = arith.mulf %max3A_173, %get3A_3 : vector<16xf32>
      %add3A_175 = arith.addf %unpack3A_164, %unpack3A_169 : vector<16xf32>
      %max3A_176 = arith.constant 0.000000e+00 : f32
      %max3A_177 = vector.broadcast %max3A_176 : f32 to vector<16xf32>
      %max3A_178 = arith.maximumf %add3A_175, %max3A_177 : vector<16xf32>
      %mul3A_179 = arith.mulf %max3A_178, %get3A_5 : vector<16xf32>
      %add3A_180 = arith.addf %mul3A_174, %mul3A_179 : vector<16xf32>
      %get3A_181 = arith.index_cast %add3A_159 : i32 to index
      %get3A_182 = arith.constant 32 : index
      %get3A_183 = tpu.vector_load %arg11[%get3A_181, %get3A_182] {strides = array<i32>} : memref<400x64xbf16, #tpu.memory_space<vmem>>, vector<32xbf16>,
      %unpack3A_184 = tpu.unpack_subelements %get3A_183, 0 {pack_format = #tpu.pack_format<interleaved>} : vector<32xbf16> -> vector<16xf32>
      %unpack3A_185 = tpu.unpack_subelements %get3A_183, 1 {pack_format = #tpu.pack_format<interleaved>} : vector<32xbf16> -> vector<16xf32>
      %get3A_186 = arith.index_cast %add3A_159 : i32 to index
      %get3A_187 = arith.constant 32 : index
      %get3A_188 = tpu.vector_load %arg12[%get3A_186, %get3A_187] {strides = array<i32>} : memref<400x64xbf16, #tpu.memory_space<vmem>>, vector<32xbf16>,
      %unpack3A_189 = tpu.unpack_subelements %get3A_188, 0 {pack_format = #tpu.pack_format<interleaved>} : vector<32xbf16> -> vector<16xf32>
      %unpack3A_190 = tpu.unpack_subelements %get3A_188, 1 {pack_format = #tpu.pack_format<interleaved>} : vector<32xbf16> -> vector<16xf32>
      %add3A_191 = arith.addf %unpack3A_184, %unpack3A_189 : vector<16xf32>
      %max3A_192 = arith.constant 0.000000e+00 : f32
      %max3A_193 = vector.broadcast %max3A_192 : f32 to vector<16xf32>
      %max3A_194 = arith.maximumf %add3A_191, %max3A_193 : vector<16xf32>
      %mul3A_195 = arith.mulf %max3A_194, %get3A_7 : vector<16xf32>
      %add3A_196 = arith.addf %unpack3A_185, %unpack3A_190 : vector<16xf32>
      %max3A_197 = arith.constant 0.000000e+00 : f32
      %max3A_198 = vector.broadcast %max3A_197 : f32 to vector<16xf32>
      %max3A_199 = arith.maximumf %add3A_196, %max3A_198 : vector<16xf32>
      %mul3A_200 = arith.mulf %max3A_199, %get3A_9 : vector<16xf32>
      %add3A_201 = arith.addf %mul3A_195, %mul3A_200 : vector<16xf32>
      %add3A_202 = arith.addf %add3A_180, %add3A_201 : vector<16xf32>
      %eq3A_203 = arith.constant 2 : i32
      %eq3A_204 = vector.broadcast %eq3A_203 : i32 to vector<16xi32>
      %eq3A_205 = arith.cmpi eq, %iota3A, %eq3A_204 : vector<16xi32>
      %reduce_sum3A_206 = arith.constant true
      %reduce_sum3A_207 = vector.broadcast %reduce_sum3A_206 : i1 to vector<16xi1>
      %reduce_sum3A_208 = tpu.scan <sum>, %add3A_202 masked %reduce_sum3A_207 : vector<16xf32>, vector<16xi1> -> vector<16xf32>
      %reduce_sum3A_209 = vector.extract %reduce_sum3A_208[15] : f32 from vector<16xf32>
      %broadcast_in_dim3A_210 = vector.broadcast %reduce_sum3A_209 : f32 to vector<16xf32>
      %select_n3A_211 = arith.select %eq3A_205, %broadcast_in_dim3A_210, %select_n3A_157 : vector<16xi1>, vector<16xf32>
      %add3A_212 = arith.constant 3 : i32
      %add3A_213 = arith.addi %mul3A_53, %add3A_212 : i32
      %get3A_214 = arith.index_cast %add3A_213 : i32 to index
      %get3A_215 = arith.constant 0 : index
      %get3A_216 = tpu.vector_load %arg11[%get3A_214, %get3A_215] {strides = array<i32>} : memref<400x64xbf16, #tpu.memory_space<vmem>>, vector<32xbf16>,
      %unpack3A_217 = tpu.unpack_subelements %get3A_216, 0 {pack_format = #tpu.pack_format<interleaved>} : vector<32xbf16> -> vector<16xf32>
      %unpack3A_218 = tpu.unpack_subelements %get3A_216, 1 {pack_format = #tpu.pack_format<interleaved>} : vector<32xbf16> -> vector<16xf32>
      %get3A_219 = arith.index_cast %add3A_213 : i32 to index
      %get3A_220 = arith.constant 0 : index
      %get3A_221 = tpu.vector_load %arg12[%get3A_219, %get3A_220] {strides = array<i32>} : memref<400x64xbf16, #tpu.memory_space<vmem>>, vector<32xbf16>,
      %unpack3A_222 = tpu.unpack_subelements %get3A_221, 0 {pack_format = #tpu.pack_format<interleaved>} : vector<32xbf16> -> vector<16xf32>
      %unpack3A_223 = tpu.unpack_subelements %get3A_221, 1 {pack_format = #tpu.pack_format<interleaved>} : vector<32xbf16> -> vector<16xf32>
      %add3A_224 = arith.addf %unpack3A_217, %unpack3A_222 : vector<16xf32>
      %max3A_225 = arith.constant 0.000000e+00 : f32
      %max3A_226 = vector.broadcast %max3A_225 : f32 to vector<16xf32>
      %max3A_227 = arith.maximumf %add3A_224, %max3A_226 : vector<16xf32>
      %mul3A_228 = arith.mulf %max3A_227, %get3A_3 : vector<16xf32>
      %add3A_229 = arith.addf %unpack3A_218, %unpack3A_223 : vector<16xf32>
      %max3A_230 = arith.constant 0.000000e+00 : f32
      %max3A_231 = vector.broadcast %max3A_230 : f32 to vector<16xf32>
      %max3A_232 = arith.maximumf %add3A_229, %max3A_231 : vector<16xf32>
      %mul3A_233 = arith.mulf %max3A_232, %get3A_5 : vector<16xf32>
      %add3A_234 = arith.addf %mul3A_228, %mul3A_233 : vector<16xf32>
      %get3A_235 = arith.index_cast %add3A_213 : i32 to index
      %get3A_236 = arith.constant 32 : index
      %get3A_237 = tpu.vector_load %arg11[%get3A_235, %get3A_236] {strides = array<i32>} : memref<400x64xbf16, #tpu.memory_space<vmem>>, vector<32xbf16>,
      %unpack3A_238 = tpu.unpack_subelements %get3A_237, 0 {pack_format = #tpu.pack_format<interleaved>} : vector<32xbf16> -> vector<16xf32>
      %unpack3A_239 = tpu.unpack_subelements %get3A_237, 1 {pack_format = #tpu.pack_format<interleaved>} : vector<32xbf16> -> vector<16xf32>
      %get3A_240 = arith.index_cast %add3A_213 : i32 to index
      %get3A_241 = arith.constant 32 : index
      %get3A_242 = tpu.vector_load %arg12[%get3A_240, %get3A_241] {strides = array<i32>} : memref<400x64xbf16, #tpu.memory_space<vmem>>, vector<32xbf16>,
      %unpack3A_243 = tpu.unpack_subelements %get3A_242, 0 {pack_format = #tpu.pack_format<interleaved>} : vector<32xbf16> -> vector<16xf32>
      %unpack3A_244 = tpu.unpack_subelements %get3A_242, 1 {pack_format = #tpu.pack_format<interleaved>} : vector<32xbf16> -> vector<16xf32>
      %add3A_245 = arith.addf %unpack3A_238, %unpack3A_243 : vector<16xf32>
      %max3A_246 = arith.constant 0.000000e+00 : f32
      %max3A_247 = vector.broadcast %max3A_246 : f32 to vector<16xf32>
      %max3A_248 = arith.maximumf %add3A_245, %max3A_247 : vector<16xf32>
      %mul3A_249 = arith.mulf %max3A_248, %get3A_7 : vector<16xf32>
      %add3A_250 = arith.addf %unpack3A_239, %unpack3A_244 : vector<16xf32>
      %max3A_251 = arith.constant 0.000000e+00 : f32
      %max3A_252 = vector.broadcast %max3A_251 : f32 to vector<16xf32>
      %max3A_253 = arith.maximumf %add3A_250, %max3A_252 : vector<16xf32>
      %mul3A_254 = arith.mulf %max3A_253, %get3A_9 : vector<16xf32>
      %add3A_255 = arith.addf %mul3A_249, %mul3A_254 : vector<16xf32>
      %add3A_256 = arith.addf %add3A_234, %add3A_255 : vector<16xf32>
      %eq3A_257 = arith.constant 3 : i32
      %eq3A_258 = vector.broadcast %eq3A_257 : i32 to vector<16xi32>
      %eq3A_259 = arith.cmpi eq, %iota3A, %eq3A_258 : vector<16xi32>
      %reduce_sum3A_260 = arith.constant true
      %reduce_sum3A_261 = vector.broadcast %reduce_sum3A_260 : i1 to vector<16xi1>
      %reduce_sum3A_262 = tpu.scan <sum>, %add3A_256 masked %reduce_sum3A_261 : vector<16xf32>, vector<16xi1> -> vector<16xf32>
      %reduce_sum3A_263 = vector.extract %reduce_sum3A_262[15] : f32 from vector<16xf32>
      %broadcast_in_dim3A_264 = vector.broadcast %reduce_sum3A_263 : f32 to vector<16xf32>
      %select_n3A_265 = arith.select %eq3A_259, %broadcast_in_dim3A_264, %select_n3A_211 : vector<16xi1>, vector<16xf32>
      %add3A_266 = arith.constant 4 : i32
      %add3A_267 = arith.addi %mul3A_53, %add3A_266 : i32
      %get3A_268 = arith.index_cast %add3A_267 : i32 to index
      %get3A_269 = arith.constant 0 : index
      %get3A_270 = tpu.vector_load %arg11[%get3A_268, %get3A_269] {strides = array<i32>} : memref<400x64xbf16, #tpu.memory_space<vmem>>, vector<32xbf16>,
      %unpack3A_271 = tpu.unpack_subelements %get3A_270, 0 {pack_format = #tpu.pack_format<interleaved>} : vector<32xbf16> -> vector<16xf32>
      %unpack3A_272 = tpu.unpack_subelements %get3A_270, 1 {pack_format = #tpu.pack_format<interleaved>} : vector<32xbf16> -> vector<16xf32>
      %get3A_273 = arith.index_cast %add3A_267 : i32 to index
      %get3A_274 = arith.constant 0 : index
      %get3A_275 = tpu.vector_load %arg12[%get3A_273, %get3A_274] {strides = array<i32>} : memref<400x64xbf16, #tpu.memory_space<vmem>>, vector<32xbf16>,
      %unpack3A_276 = tpu.unpack_subelements %get3A_275, 0 {pack_format = #tpu.pack_format<interleaved>} : vector<32xbf16> -> vector<16xf32>
      %unpack3A_277 = tpu.unpack_subelements %get3A_275, 1 {pack_format = #tpu.pack_format<interleaved>} : vector<32xbf16> -> vector<16xf32>
      %add3A_278 = arith.addf %unpack3A_271, %unpack3A_276 : vector<16xf32>
      %max3A_279 = arith.constant 0.000000e+00 : f32
      %max3A_280 = vector.broadcast %max3A_279 : f32 to vector<16xf32>
      %max3A_281 = arith.maximumf %add3A_278, %max3A_280 : vector<16xf32>
      %mul3A_282 = arith.mulf %max3A_281, %get3A_3 : vector<16xf32>
      %add3A_283 = arith.addf %unpack3A_272, %unpack3A_277 : vector<16xf32>
      %max3A_284 = arith.constant 0.000000e+00 : f32
      %max3A_285 = vector.broadcast %max3A_284 : f32 to vector<16xf32>
      %max3A_286 = arith.maximumf %add3A_283, %max3A_285 : vector<16xf32>
      %mul3A_287 = arith.mulf %max3A_286, %get3A_5 : vector<16xf32>
      %add3A_288 = arith.addf %mul3A_282, %mul3A_287 : vector<16xf32>
      %get3A_289 = arith.index_cast %add3A_267 : i32 to index
      %get3A_290 = arith.constant 32 : index
      %get3A_291 = tpu.vector_load %arg11[%get3A_289, %get3A_290] {strides = array<i32>} : memref<400x64xbf16, #tpu.memory_space<vmem>>, vector<32xbf16>,
      %unpack3A_292 = tpu.unpack_subelements %get3A_291, 0 {pack_format = #tpu.pack_format<interleaved>} : vector<32xbf16> -> vector<16xf32>
      %unpack3A_293 = tpu.unpack_subelements %get3A_291, 1 {pack_format = #tpu.pack_format<interleaved>} : vector<32xbf16> -> vector<16xf32>
      %get3A_294 = arith.index_cast %add3A_267 : i32 to index
      %get3A_295 = arith.constant 32 : index
      %get3A_296 = tpu.vector_load %arg12[%get3A_294, %get3A_295] {strides = array<i32>} : memref<400x64xbf16, #tpu.memory_space<vmem>>, vector<32xbf16>,
      %unpack3A_297 = tpu.unpack_subelements %get3A_296, 0 {pack_format = #tpu.pack_format<interleaved>} : vector<32xbf16> -> vector<16xf32>
      %unpack3A_298 = tpu.unpack_subelements %get3A_296, 1 {pack_format = #tpu.pack_format<interleaved>} : vector<32xbf16> -> vector<16xf32>
      %add3A_299 = arith.addf %unpack3A_292, %unpack3A_297 : vector<16xf32>
      %max3A_300 = arith.constant 0.000000e+00 : f32
      %max3A_301 = vector.broadcast %max3A_300 : f32 to vector<16xf32>
      %max3A_302 = arith.maximumf %add3A_299, %max3A_301 : vector<16xf32>
      %mul3A_303 = arith.mulf %max3A_302, %get3A_7 : vector<16xf32>
      %add3A_304 = arith.addf %unpack3A_293, %unpack3A_298 : vector<16xf32>
      %max3A_305 = arith.constant 0.000000e+00 : f32
      %max3A_306 = vector.broadcast %max3A_305 : f32 to vector<16xf32>
      %max3A_307 = arith.maximumf %add3A_304, %max3A_306 : vector<16xf32>
      %mul3A_308 = arith.mulf %max3A_307, %get3A_9 : vector<16xf32>
      %add3A_309 = arith.addf %mul3A_303, %mul3A_308 : vector<16xf32>
      %add3A_310 = arith.addf %add3A_288, %add3A_309 : vector<16xf32>
      %eq3A_311 = arith.constant 4 : i32
      %eq3A_312 = vector.broadcast %eq3A_311 : i32 to vector<16xi32>
      %eq3A_313 = arith.cmpi eq, %iota3A, %eq3A_312 : vector<16xi32>
      %reduce_sum3A_314 = arith.constant true
      %reduce_sum3A_315 = vector.broadcast %reduce_sum3A_314 : i1 to vector<16xi1>
      %reduce_sum3A_316 = tpu.scan <sum>, %add3A_310 masked %reduce_sum3A_315 : vector<16xf32>, vector<16xi1> -> vector<16xf32>
      %reduce_sum3A_317 = vector.extract %reduce_sum3A_316[15] : f32 from vector<16xf32>
      %broadcast_in_dim3A_318 = vector.broadcast %reduce_sum3A_317 : f32 to vector<16xf32>
      %select_n3A_319 = arith.select %eq3A_313, %broadcast_in_dim3A_318, %select_n3A_265 : vector<16xi1>, vector<16xf32>
      %add3A_320 = arith.constant 5 : i32
      %add3A_321 = arith.addi %mul3A_53, %add3A_320 : i32
      %get3A_322 = arith.index_cast %add3A_321 : i32 to index
      %get3A_323 = arith.constant 0 : index
      %get3A_324 = tpu.vector_load %arg11[%get3A_322, %get3A_323] {strides = array<i32>} : memref<400x64xbf16, #tpu.memory_space<vmem>>, vector<32xbf16>,
      %unpack3A_325 = tpu.unpack_subelements %get3A_324, 0 {pack_format = #tpu.pack_format<interleaved>} : vector<32xbf16> -> vector<16xf32>
      %unpack3A_326 = tpu.unpack_subelements %get3A_324, 1 {pack_format = #tpu.pack_format<interleaved>} : vector<32xbf16> -> vector<16xf32>
      %get3A_327 = arith.index_cast %add3A_321 : i32 to index
      %get3A_328 = arith.constant 0 : index
      %get3A_329 = tpu.vector_load %arg12[%get3A_327, %get3A_328] {strides = array<i32>} : memref<400x64xbf16, #tpu.memory_space<vmem>>, vector<32xbf16>,
      %unpack3A_330 = tpu.unpack_subelements %get3A_329, 0 {pack_format = #tpu.pack_format<interleaved>} : vector<32xbf16> -> vector<16xf32>
      %unpack3A_331 = tpu.unpack_subelements %get3A_329, 1 {pack_format = #tpu.pack_format<interleaved>} : vector<32xbf16> -> vector<16xf32>
      %add3A_332 = arith.addf %unpack3A_325, %unpack3A_330 : vector<16xf32>
      %max3A_333 = arith.constant 0.000000e+00 : f32
      %max3A_334 = vector.broadcast %max3A_333 : f32 to vector<16xf32>
      %max3A_335 = arith.maximumf %add3A_332, %max3A_334 : vector<16xf32>
      %mul3A_336 = arith.mulf %max3A_335, %get3A_3 : vector<16xf32>
      %add3A_337 = arith.addf %unpack3A_326, %unpack3A_331 : vector<16xf32>
      %max3A_338 = arith.constant 0.000000e+00 : f32
      %max3A_339 = vector.broadcast %max3A_338 : f32 to vector<16xf32>
      %max3A_340 = arith.maximumf %add3A_337, %max3A_339 : vector<16xf32>
      %mul3A_341 = arith.mulf %max3A_340, %get3A_5 : vector<16xf32>
      %add3A_342 = arith.addf %mul3A_336, %mul3A_341 : vector<16xf32>
      %get3A_343 = arith.index_cast %add3A_321 : i32 to index
      %get3A_344 = arith.constant 32 : index
      %get3A_345 = tpu.vector_load %arg11[%get3A_343, %get3A_344] {strides = array<i32>} : memref<400x64xbf16, #tpu.memory_space<vmem>>, vector<32xbf16>,
      %unpack3A_346 = tpu.unpack_subelements %get3A_345, 0 {pack_format = #tpu.pack_format<interleaved>} : vector<32xbf16> -> vector<16xf32>
      %unpack3A_347 = tpu.unpack_subelements %get3A_345, 1 {pack_format = #tpu.pack_format<interleaved>} : vector<32xbf16> -> vector<16xf32>
      %get3A_348 = arith.index_cast %add3A_321 : i32 to index
      %get3A_349 = arith.constant 32 : index
      %get3A_350 = tpu.vector_load %arg12[%get3A_348, %get3A_349] {strides = array<i32>} : memref<400x64xbf16, #tpu.memory_space<vmem>>, vector<32xbf16>,
      %unpack3A_351 = tpu.unpack_subelements %get3A_350, 0 {pack_format = #tpu.pack_format<interleaved>} : vector<32xbf16> -> vector<16xf32>
      %unpack3A_352 = tpu.unpack_subelements %get3A_350, 1 {pack_format = #tpu.pack_format<interleaved>} : vector<32xbf16> -> vector<16xf32>
      %add3A_353 = arith.addf %unpack3A_346, %unpack3A_351 : vector<16xf32>
      %max3A_354 = arith.constant 0.000000e+00 : f32
      %max3A_355 = vector.broadcast %max3A_354 : f32 to vector<16xf32>
      %max3A_356 = arith.maximumf %add3A_353, %max3A_355 : vector<16xf32>
      %mul3A_357 = arith.mulf %max3A_356, %get3A_7 : vector<16xf32>
      %add3A_358 = arith.addf %unpack3A_347, %unpack3A_352 : vector<16xf32>
      %max3A_359 = arith.constant 0.000000e+00 : f32
      %max3A_360 = vector.broadcast %max3A_359 : f32 to vector<16xf32>
      %max3A_361 = arith.maximumf %add3A_358, %max3A_360 : vector<16xf32>
      %mul3A_362 = arith.mulf %max3A_361, %get3A_9 : vector<16xf32>
      %add3A_363 = arith.addf %mul3A_357, %mul3A_362 : vector<16xf32>
      %add3A_364 = arith.addf %add3A_342, %add3A_363 : vector<16xf32>
      %eq3A_365 = arith.constant 5 : i32
      %eq3A_366 = vector.broadcast %eq3A_365 : i32 to vector<16xi32>
      %eq3A_367 = arith.cmpi eq, %iota3A, %eq3A_366 : vector<16xi32>
      %reduce_sum3A_368 = arith.constant true
      %reduce_sum3A_369 = vector.broadcast %reduce_sum3A_368 : i1 to vector<16xi1>
      %reduce_sum3A_370 = tpu.scan <sum>, %add3A_364 masked %reduce_sum3A_369 : vector<16xf32>, vector<16xi1> -> vector<16xf32>
      %reduce_sum3A_371 = vector.extract %reduce_sum3A_370[15] : f32 from vector<16xf32>
      %broadcast_in_dim3A_372 = vector.broadcast %reduce_sum3A_371 : f32 to vector<16xf32>
      %select_n3A_373 = arith.select %eq3A_367, %broadcast_in_dim3A_372, %select_n3A_319 : vector<16xi1>, vector<16xf32>
      %add3A_374 = arith.constant 6 : i32
      %add3A_375 = arith.addi %mul3A_53, %add3A_374 : i32
      %get3A_376 = arith.index_cast %add3A_375 : i32 to index
      %get3A_377 = arith.constant 0 : index
      %get3A_378 = tpu.vector_load %arg11[%get3A_376, %get3A_377] {strides = array<i32>} : memref<400x64xbf16, #tpu.memory_space<vmem>>, vector<32xbf16>,
      %unpack3A_379 = tpu.unpack_subelements %get3A_378, 0 {pack_format = #tpu.pack_format<interleaved>} : vector<32xbf16> -> vector<16xf32>
      %unpack3A_380 = tpu.unpack_subelements %get3A_378, 1 {pack_format = #tpu.pack_format<interleaved>} : vector<32xbf16> -> vector<16xf32>
      %get3A_381 = arith.index_cast %add3A_375 : i32 to index
      %get3A_382 = arith.constant 0 : index
      %get3A_383 = tpu.vector_load %arg12[%get3A_381, %get3A_382] {strides = array<i32>} : memref<400x64xbf16, #tpu.memory_space<vmem>>, vector<32xbf16>,
      %unpack3A_384 = tpu.unpack_subelements %get3A_383, 0 {pack_format = #tpu.pack_format<interleaved>} : vector<32xbf16> -> vector<16xf32>
      %unpack3A_385 = tpu.unpack_subelements %get3A_383, 1 {pack_format = #tpu.pack_format<interleaved>} : vector<32xbf16> -> vector<16xf32>
      %add3A_386 = arith.addf %unpack3A_379, %unpack3A_384 : vector<16xf32>
      %max3A_387 = arith.constant 0.000000e+00 : f32
      %max3A_388 = vector.broadcast %max3A_387 : f32 to vector<16xf32>
      %max3A_389 = arith.maximumf %add3A_386, %max3A_388 : vector<16xf32>
      %mul3A_390 = arith.mulf %max3A_389, %get3A_3 : vector<16xf32>
      %add3A_391 = arith.addf %unpack3A_380, %unpack3A_385 : vector<16xf32>
      %max3A_392 = arith.constant 0.000000e+00 : f32
      %max3A_393 = vector.broadcast %max3A_392 : f32 to vector<16xf32>
      %max3A_394 = arith.maximumf %add3A_391, %max3A_393 : vector<16xf32>
      %mul3A_395 = arith.mulf %max3A_394, %get3A_5 : vector<16xf32>
      %add3A_396 = arith.addf %mul3A_390, %mul3A_395 : vector<16xf32>
      %get3A_397 = arith.index_cast %add3A_375 : i32 to index
      %get3A_398 = arith.constant 32 : index
      %get3A_399 = tpu.vector_load %arg11[%get3A_397, %get3A_398] {strides = array<i32>} : memref<400x64xbf16, #tpu.memory_space<vmem>>, vector<32xbf16>,
      %unpack3A_400 = tpu.unpack_subelements %get3A_399, 0 {pack_format = #tpu.pack_format<interleaved>} : vector<32xbf16> -> vector<16xf32>
      %unpack3A_401 = tpu.unpack_subelements %get3A_399, 1 {pack_format = #tpu.pack_format<interleaved>} : vector<32xbf16> -> vector<16xf32>
      %get3A_402 = arith.index_cast %add3A_375 : i32 to index
      %get3A_403 = arith.constant 32 : index
      %get3A_404 = tpu.vector_load %arg12[%get3A_402, %get3A_403] {strides = array<i32>} : memref<400x64xbf16, #tpu.memory_space<vmem>>, vector<32xbf16>,
      %unpack3A_405 = tpu.unpack_subelements %get3A_404, 0 {pack_format = #tpu.pack_format<interleaved>} : vector<32xbf16> -> vector<16xf32>
      %unpack3A_406 = tpu.unpack_subelements %get3A_404, 1 {pack_format = #tpu.pack_format<interleaved>} : vector<32xbf16> -> vector<16xf32>
      %add3A_407 = arith.addf %unpack3A_400, %unpack3A_405 : vector<16xf32>
      %max3A_408 = arith.constant 0.000000e+00 : f32
      %max3A_409 = vector.broadcast %max3A_408 : f32 to vector<16xf32>
      %max3A_410 = arith.maximumf %add3A_407, %max3A_409 : vector<16xf32>
      %mul3A_411 = arith.mulf %max3A_410, %get3A_7 : vector<16xf32>
      %add3A_412 = arith.addf %unpack3A_401, %unpack3A_406 : vector<16xf32>
      %max3A_413 = arith.constant 0.000000e+00 : f32
      %max3A_414 = vector.broadcast %max3A_413 : f32 to vector<16xf32>
      %max3A_415 = arith.maximumf %add3A_412, %max3A_414 : vector<16xf32>
      %mul3A_416 = arith.mulf %max3A_415, %get3A_9 : vector<16xf32>
      %add3A_417 = arith.addf %mul3A_411, %mul3A_416 : vector<16xf32>
      %add3A_418 = arith.addf %add3A_396, %add3A_417 : vector<16xf32>
      %eq3A_419 = arith.constant 6 : i32
      %eq3A_420 = vector.broadcast %eq3A_419 : i32 to vector<16xi32>
      %eq3A_421 = arith.cmpi eq, %iota3A, %eq3A_420 : vector<16xi32>
      %reduce_sum3A_422 = arith.constant true
      %reduce_sum3A_423 = vector.broadcast %reduce_sum3A_422 : i1 to vector<16xi1>
      %reduce_sum3A_424 = tpu.scan <sum>, %add3A_418 masked %reduce_sum3A_423 : vector<16xf32>, vector<16xi1> -> vector<16xf32>
      %reduce_sum3A_425 = vector.extract %reduce_sum3A_424[15] : f32 from vector<16xf32>
      %broadcast_in_dim3A_426 = vector.broadcast %reduce_sum3A_425 : f32 to vector<16xf32>
      %select_n3A_427 = arith.select %eq3A_421, %broadcast_in_dim3A_426, %select_n3A_373 : vector<16xi1>, vector<16xf32>
      %add3A_428 = arith.constant 7 : i32
      %add3A_429 = arith.addi %mul3A_53, %add3A_428 : i32
      %get3A_430 = arith.index_cast %add3A_429 : i32 to index
      %get3A_431 = arith.constant 0 : index
      %get3A_432 = tpu.vector_load %arg11[%get3A_430, %get3A_431] {strides = array<i32>} : memref<400x64xbf16, #tpu.memory_space<vmem>>, vector<32xbf16>,
      %unpack3A_433 = tpu.unpack_subelements %get3A_432, 0 {pack_format = #tpu.pack_format<interleaved>} : vector<32xbf16> -> vector<16xf32>
      %unpack3A_434 = tpu.unpack_subelements %get3A_432, 1 {pack_format = #tpu.pack_format<interleaved>} : vector<32xbf16> -> vector<16xf32>
      %get3A_435 = arith.index_cast %add3A_429 : i32 to index
      %get3A_436 = arith.constant 0 : index
      %get3A_437 = tpu.vector_load %arg12[%get3A_435, %get3A_436] {strides = array<i32>} : memref<400x64xbf16, #tpu.memory_space<vmem>>, vector<32xbf16>,
      %unpack3A_438 = tpu.unpack_subelements %get3A_437, 0 {pack_format = #tpu.pack_format<interleaved>} : vector<32xbf16> -> vector<16xf32>
      %unpack3A_439 = tpu.unpack_subelements %get3A_437, 1 {pack_format = #tpu.pack_format<interleaved>} : vector<32xbf16> -> vector<16xf32>
      %add3A_440 = arith.addf %unpack3A_433, %unpack3A_438 : vector<16xf32>
      %max3A_441 = arith.constant 0.000000e+00 : f32
      %max3A_442 = vector.broadcast %max3A_441 : f32 to vector<16xf32>
      %max3A_443 = arith.maximumf %add3A_440, %max3A_442 : vector<16xf32>
      %mul3A_444 = arith.mulf %max3A_443, %get3A_3 : vector<16xf32>
      %add3A_445 = arith.addf %unpack3A_434, %unpack3A_439 : vector<16xf32>
      %max3A_446 = arith.constant 0.000000e+00 : f32
      %max3A_447 = vector.broadcast %max3A_446 : f32 to vector<16xf32>
      %max3A_448 = arith.maximumf %add3A_445, %max3A_447 : vector<16xf32>
      %mul3A_449 = arith.mulf %max3A_448, %get3A_5 : vector<16xf32>
      %add3A_450 = arith.addf %mul3A_444, %mul3A_449 : vector<16xf32>
      %get3A_451 = arith.index_cast %add3A_429 : i32 to index
      %get3A_452 = arith.constant 32 : index
      %get3A_453 = tpu.vector_load %arg11[%get3A_451, %get3A_452] {strides = array<i32>} : memref<400x64xbf16, #tpu.memory_space<vmem>>, vector<32xbf16>,
      %unpack3A_454 = tpu.unpack_subelements %get3A_453, 0 {pack_format = #tpu.pack_format<interleaved>} : vector<32xbf16> -> vector<16xf32>
      %unpack3A_455 = tpu.unpack_subelements %get3A_453, 1 {pack_format = #tpu.pack_format<interleaved>} : vector<32xbf16> -> vector<16xf32>
      %get3A_456 = arith.index_cast %add3A_429 : i32 to index
      %get3A_457 = arith.constant 32 : index
      %get3A_458 = tpu.vector_load %arg12[%get3A_456, %get3A_457] {strides = array<i32>} : memref<400x64xbf16, #tpu.memory_space<vmem>>, vector<32xbf16>,
      %unpack3A_459 = tpu.unpack_subelements %get3A_458, 0 {pack_format = #tpu.pack_format<interleaved>} : vector<32xbf16> -> vector<16xf32>
      %unpack3A_460 = tpu.unpack_subelements %get3A_458, 1 {pack_format = #tpu.pack_format<interleaved>} : vector<32xbf16> -> vector<16xf32>
      %add3A_461 = arith.addf %unpack3A_454, %unpack3A_459 : vector<16xf32>
      %max3A_462 = arith.constant 0.000000e+00 : f32
      %max3A_463 = vector.broadcast %max3A_462 : f32 to vector<16xf32>
      %max3A_464 = arith.maximumf %add3A_461, %max3A_463 : vector<16xf32>
      %mul3A_465 = arith.mulf %max3A_464, %get3A_7 : vector<16xf32>
      %add3A_466 = arith.addf %unpack3A_455, %unpack3A_460 : vector<16xf32>
      %max3A_467 = arith.constant 0.000000e+00 : f32
      %max3A_468 = vector.broadcast %max3A_467 : f32 to vector<16xf32>
      %max3A_469 = arith.maximumf %add3A_466, %max3A_468 : vector<16xf32>
      %mul3A_470 = arith.mulf %max3A_469, %get3A_9 : vector<16xf32>
      %add3A_471 = arith.addf %mul3A_465, %mul3A_470 : vector<16xf32>
      %add3A_472 = arith.addf %add3A_450, %add3A_471 : vector<16xf32>
      %eq3A_473 = arith.constant 7 : i32
      %eq3A_474 = vector.broadcast %eq3A_473 : i32 to vector<16xi32>
      %eq3A_475 = arith.cmpi eq, %iota3A, %eq3A_474 : vector<16xi32>
      %reduce_sum3A_476 = arith.constant true
      %reduce_sum3A_477 = vector.broadcast %reduce_sum3A_476 : i1 to vector<16xi1>
      %reduce_sum3A_478 = tpu.scan <sum>, %add3A_472 masked %reduce_sum3A_477 : vector<16xf32>, vector<16xi1> -> vector<16xf32>
      %reduce_sum3A_479 = vector.extract %reduce_sum3A_478[15] : f32 from vector<16xf32>
      %broadcast_in_dim3A_480 = vector.broadcast %reduce_sum3A_479 : f32 to vector<16xf32>
      %select_n3A_481 = arith.select %eq3A_475, %broadcast_in_dim3A_480, %select_n3A_427 : vector<16xi1>, vector<16xf32>
      %add3A_482 = arith.constant 8 : i32
      %add3A_483 = arith.addi %mul3A_53, %add3A_482 : i32
      %get3A_484 = arith.index_cast %add3A_483 : i32 to index
      %get3A_485 = arith.constant 0 : index
      %get3A_486 = tpu.vector_load %arg11[%get3A_484, %get3A_485] {strides = array<i32>} : memref<400x64xbf16, #tpu.memory_space<vmem>>, vector<32xbf16>,
      %unpack3A_487 = tpu.unpack_subelements %get3A_486, 0 {pack_format = #tpu.pack_format<interleaved>} : vector<32xbf16> -> vector<16xf32>
      %unpack3A_488 = tpu.unpack_subelements %get3A_486, 1 {pack_format = #tpu.pack_format<interleaved>} : vector<32xbf16> -> vector<16xf32>
      %get3A_489 = arith.index_cast %add3A_483 : i32 to index
      %get3A_490 = arith.constant 0 : index
      %get3A_491 = tpu.vector_load %arg12[%get3A_489, %get3A_490] {strides = array<i32>} : memref<400x64xbf16, #tpu.memory_space<vmem>>, vector<32xbf16>,
      %unpack3A_492 = tpu.unpack_subelements %get3A_491, 0 {pack_format = #tpu.pack_format<interleaved>} : vector<32xbf16> -> vector<16xf32>
      %unpack3A_493 = tpu.unpack_subelements %get3A_491, 1 {pack_format = #tpu.pack_format<interleaved>} : vector<32xbf16> -> vector<16xf32>
      %add3A_494 = arith.addf %unpack3A_487, %unpack3A_492 : vector<16xf32>
      %max3A_495 = arith.constant 0.000000e+00 : f32
      %max3A_496 = vector.broadcast %max3A_495 : f32 to vector<16xf32>
      %max3A_497 = arith.maximumf %add3A_494, %max3A_496 : vector<16xf32>
      %mul3A_498 = arith.mulf %max3A_497, %get3A_3 : vector<16xf32>
      %add3A_499 = arith.addf %unpack3A_488, %unpack3A_493 : vector<16xf32>
      %max3A_500 = arith.constant 0.000000e+00 : f32
      %max3A_501 = vector.broadcast %max3A_500 : f32 to vector<16xf32>
      %max3A_502 = arith.maximumf %add3A_499, %max3A_501 : vector<16xf32>
      %mul3A_503 = arith.mulf %max3A_502, %get3A_5 : vector<16xf32>
      %add3A_504 = arith.addf %mul3A_498, %mul3A_503 : vector<16xf32>
      %get3A_505 = arith.index_cast %add3A_483 : i32 to index
      %get3A_506 = arith.constant 32 : index
      %get3A_507 = tpu.vector_load %arg11[%get3A_505, %get3A_506] {strides = array<i32>} : memref<400x64xbf16, #tpu.memory_space<vmem>>, vector<32xbf16>,
      %unpack3A_508 = tpu.unpack_subelements %get3A_507, 0 {pack_format = #tpu.pack_format<interleaved>} : vector<32xbf16> -> vector<16xf32>
      %unpack3A_509 = tpu.unpack_subelements %get3A_507, 1 {pack_format = #tpu.pack_format<interleaved>} : vector<32xbf16> -> vector<16xf32>
      %get3A_510 = arith.index_cast %add3A_483 : i32 to index
      %get3A_511 = arith.constant 32 : index
      %get3A_512 = tpu.vector_load %arg12[%get3A_510, %get3A_511] {strides = array<i32>} : memref<400x64xbf16, #tpu.memory_space<vmem>>, vector<32xbf16>,
      %unpack3A_513 = tpu.unpack_subelements %get3A_512, 0 {pack_format = #tpu.pack_format<interleaved>} : vector<32xbf16> -> vector<16xf32>
      %unpack3A_514 = tpu.unpack_subelements %get3A_512, 1 {pack_format = #tpu.pack_format<interleaved>} : vector<32xbf16> -> vector<16xf32>
      %add3A_515 = arith.addf %unpack3A_508, %unpack3A_513 : vector<16xf32>
      %max3A_516 = arith.constant 0.000000e+00 : f32
      %max3A_517 = vector.broadcast %max3A_516 : f32 to vector<16xf32>
      %max3A_518 = arith.maximumf %add3A_515, %max3A_517 : vector<16xf32>
      %mul3A_519 = arith.mulf %max3A_518, %get3A_7 : vector<16xf32>
      %add3A_520 = arith.addf %unpack3A_509, %unpack3A_514 : vector<16xf32>
      %max3A_521 = arith.constant 0.000000e+00 : f32
      %max3A_522 = vector.broadcast %max3A_521 : f32 to vector<16xf32>
      %max3A_523 = arith.maximumf %add3A_520, %max3A_522 : vector<16xf32>
      %mul3A_524 = arith.mulf %max3A_523, %get3A_9 : vector<16xf32>
      %add3A_525 = arith.addf %mul3A_519, %mul3A_524 : vector<16xf32>
      %add3A_526 = arith.addf %add3A_504, %add3A_525 : vector<16xf32>
      %eq3A_527 = arith.constant 8 : i32
      %eq3A_528 = vector.broadcast %eq3A_527 : i32 to vector<16xi32>
      %eq3A_529 = arith.cmpi eq, %iota3A, %eq3A_528 : vector<16xi32>
      %reduce_sum3A_530 = arith.constant true
      %reduce_sum3A_531 = vector.broadcast %reduce_sum3A_530 : i1 to vector<16xi1>
      %reduce_sum3A_532 = tpu.scan <sum>, %add3A_526 masked %reduce_sum3A_531 : vector<16xf32>, vector<16xi1> -> vector<16xf32>
      %reduce_sum3A_533 = vector.extract %reduce_sum3A_532[15] : f32 from vector<16xf32>
      %broadcast_in_dim3A_534 = vector.broadcast %reduce_sum3A_533 : f32 to vector<16xf32>
      %select_n3A_535 = arith.select %eq3A_529, %broadcast_in_dim3A_534, %select_n3A_481 : vector<16xi1>, vector<16xf32>
      %add3A_536 = arith.constant 9 : i32
      %add3A_537 = arith.addi %mul3A_53, %add3A_536 : i32
      %get3A_538 = arith.index_cast %add3A_537 : i32 to index
      %get3A_539 = arith.constant 0 : index
      %get3A_540 = tpu.vector_load %arg11[%get3A_538, %get3A_539] {strides = array<i32>} : memref<400x64xbf16, #tpu.memory_space<vmem>>, vector<32xbf16>,
      %unpack3A_541 = tpu.unpack_subelements %get3A_540, 0 {pack_format = #tpu.pack_format<interleaved>} : vector<32xbf16> -> vector<16xf32>
      %unpack3A_542 = tpu.unpack_subelements %get3A_540, 1 {pack_format = #tpu.pack_format<interleaved>} : vector<32xbf16> -> vector<16xf32>
      %get3A_543 = arith.index_cast %add3A_537 : i32 to index
      %get3A_544 = arith.constant 0 : index
      %get3A_545 = tpu.vector_load %arg12[%get3A_543, %get3A_544] {strides = array<i32>} : memref<400x64xbf16, #tpu.memory_space<vmem>>, vector<32xbf16>,
      %unpack3A_546 = tpu.unpack_subelements %get3A_545, 0 {pack_format = #tpu.pack_format<interleaved>} : vector<32xbf16> -> vector<16xf32>
      %unpack3A_547 = tpu.unpack_subelements %get3A_545, 1 {pack_format = #tpu.pack_format<interleaved>} : vector<32xbf16> -> vector<16xf32>
      %add3A_548 = arith.addf %unpack3A_541, %unpack3A_546 : vector<16xf32>
      %max3A_549 = arith.constant 0.000000e+00 : f32
      %max3A_550 = vector.broadcast %max3A_549 : f32 to vector<16xf32>
      %max3A_551 = arith.maximumf %add3A_548, %max3A_550 : vector<16xf32>
      %mul3A_552 = arith.mulf %max3A_551, %get3A_3 : vector<16xf32>
      %add3A_553 = arith.addf %unpack3A_542, %unpack3A_547 : vector<16xf32>
      %max3A_554 = arith.constant 0.000000e+00 : f32
      %max3A_555 = vector.broadcast %max3A_554 : f32 to vector<16xf32>
      %max3A_556 = arith.maximumf %add3A_553, %max3A_555 : vector<16xf32>
      %mul3A_557 = arith.mulf %max3A_556, %get3A_5 : vector<16xf32>
      %add3A_558 = arith.addf %mul3A_552, %mul3A_557 : vector<16xf32>
      %get3A_559 = arith.index_cast %add3A_537 : i32 to index
      %get3A_560 = arith.constant 32 : index
      %get3A_561 = tpu.vector_load %arg11[%get3A_559, %get3A_560] {strides = array<i32>} : memref<400x64xbf16, #tpu.memory_space<vmem>>, vector<32xbf16>,
      %unpack3A_562 = tpu.unpack_subelements %get3A_561, 0 {pack_format = #tpu.pack_format<interleaved>} : vector<32xbf16> -> vector<16xf32>
      %unpack3A_563 = tpu.unpack_subelements %get3A_561, 1 {pack_format = #tpu.pack_format<interleaved>} : vector<32xbf16> -> vector<16xf32>
      %get3A_564 = arith.index_cast %add3A_537 : i32 to index
      %get3A_565 = arith.constant 32 : index
      %get3A_566 = tpu.vector_load %arg12[%get3A_564, %get3A_565] {strides = array<i32>} : memref<400x64xbf16, #tpu.memory_space<vmem>>, vector<32xbf16>,
      %unpack3A_567 = tpu.unpack_subelements %get3A_566, 0 {pack_format = #tpu.pack_format<interleaved>} : vector<32xbf16> -> vector<16xf32>
      %unpack3A_568 = tpu.unpack_subelements %get3A_566, 1 {pack_format = #tpu.pack_format<interleaved>} : vector<32xbf16> -> vector<16xf32>
      %add3A_569 = arith.addf %unpack3A_562, %unpack3A_567 : vector<16xf32>
      %max3A_570 = arith.constant 0.000000e+00 : f32
      %max3A_571 = vector.broadcast %max3A_570 : f32 to vector<16xf32>
      %max3A_572 = arith.maximumf %add3A_569, %max3A_571 : vector<16xf32>
      %mul3A_573 = arith.mulf %max3A_572, %get3A_7 : vector<16xf32>
      %add3A_574 = arith.addf %unpack3A_563, %unpack3A_568 : vector<16xf32>
      %max3A_575 = arith.constant 0.000000e+00 : f32
      %max3A_576 = vector.broadcast %max3A_575 : f32 to vector<16xf32>
      %max3A_577 = arith.maximumf %add3A_574, %max3A_576 : vector<16xf32>
      %mul3A_578 = arith.mulf %max3A_577, %get3A_9 : vector<16xf32>
      %add3A_579 = arith.addf %mul3A_573, %mul3A_578 : vector<16xf32>
      %add3A_580 = arith.addf %add3A_558, %add3A_579 : vector<16xf32>
      %eq3A_581 = arith.constant 9 : i32
      %eq3A_582 = vector.broadcast %eq3A_581 : i32 to vector<16xi32>
      %eq3A_583 = arith.cmpi eq, %iota3A, %eq3A_582 : vector<16xi32>
      %reduce_sum3A_584 = arith.constant true
      %reduce_sum3A_585 = vector.broadcast %reduce_sum3A_584 : i1 to vector<16xi1>
      %reduce_sum3A_586 = tpu.scan <sum>, %add3A_580 masked %reduce_sum3A_585 : vector<16xf32>, vector<16xi1> -> vector<16xf32>
      %reduce_sum3A_587 = vector.extract %reduce_sum3A_586[15] : f32 from vector<16xf32>
      %broadcast_in_dim3A_588 = vector.broadcast %reduce_sum3A_587 : f32 to vector<16xf32>
      %select_n3A_589 = arith.select %eq3A_583, %broadcast_in_dim3A_588, %select_n3A_535 : vector<16xi1>, vector<16xf32>
      %add3A_590 = arith.constant 10 : i32
      %add3A_591 = arith.addi %mul3A_53, %add3A_590 : i32
      %get3A_592 = arith.index_cast %add3A_591 : i32 to index
      %get3A_593 = arith.constant 0 : index
      %get3A_594 = tpu.vector_load %arg11[%get3A_592, %get3A_593] {strides = array<i32>} : memref<400x64xbf16, #tpu.memory_space<vmem>>, vector<32xbf16>,
      %unpack3A_595 = tpu.unpack_subelements %get3A_594, 0 {pack_format = #tpu.pack_format<interleaved>} : vector<32xbf16> -> vector<16xf32>
      %unpack3A_596 = tpu.unpack_subelements %get3A_594, 1 {pack_format = #tpu.pack_format<interleaved>} : vector<32xbf16> -> vector<16xf32>
      %get3A_597 = arith.index_cast %add3A_591 : i32 to index
      %get3A_598 = arith.constant 0 : index
      %get3A_599 = tpu.vector_load %arg12[%get3A_597, %get3A_598] {strides = array<i32>} : memref<400x64xbf16, #tpu.memory_space<vmem>>, vector<32xbf16>,
      %unpack3A_600 = tpu.unpack_subelements %get3A_599, 0 {pack_format = #tpu.pack_format<interleaved>} : vector<32xbf16> -> vector<16xf32>
      %unpack3A_601 = tpu.unpack_subelements %get3A_599, 1 {pack_format = #tpu.pack_format<interleaved>} : vector<32xbf16> -> vector<16xf32>
      %add3A_602 = arith.addf %unpack3A_595, %unpack3A_600 : vector<16xf32>
      %max3A_603 = arith.constant 0.000000e+00 : f32
      %max3A_604 = vector.broadcast %max3A_603 : f32 to vector<16xf32>
      %max3A_605 = arith.maximumf %add3A_602, %max3A_604 : vector<16xf32>
      %mul3A_606 = arith.mulf %max3A_605, %get3A_3 : vector<16xf32>
      %add3A_607 = arith.addf %unpack3A_596, %unpack3A_601 : vector<16xf32>
      %max3A_608 = arith.constant 0.000000e+00 : f32
      %max3A_609 = vector.broadcast %max3A_608 : f32 to vector<16xf32>
      %max3A_610 = arith.maximumf %add3A_607, %max3A_609 : vector<16xf32>
      %mul3A_611 = arith.mulf %max3A_610, %get3A_5 : vector<16xf32>
      %add3A_612 = arith.addf %mul3A_606, %mul3A_611 : vector<16xf32>
      %get3A_613 = arith.index_cast %add3A_591 : i32 to index
      %get3A_614 = arith.constant 32 : index
      %get3A_615 = tpu.vector_load %arg11[%get3A_613, %get3A_614] {strides = array<i32>} : memref<400x64xbf16, #tpu.memory_space<vmem>>, vector<32xbf16>,
      %unpack3A_616 = tpu.unpack_subelements %get3A_615, 0 {pack_format = #tpu.pack_format<interleaved>} : vector<32xbf16> -> vector<16xf32>
      %unpack3A_617 = tpu.unpack_subelements %get3A_615, 1 {pack_format = #tpu.pack_format<interleaved>} : vector<32xbf16> -> vector<16xf32>
      %get3A_618 = arith.index_cast %add3A_591 : i32 to index
      %get3A_619 = arith.constant 32 : index
      %get3A_620 = tpu.vector_load %arg12[%get3A_618, %get3A_619] {strides = array<i32>} : memref<400x64xbf16, #tpu.memory_space<vmem>>, vector<32xbf16>,
      %unpack3A_621 = tpu.unpack_subelements %get3A_620, 0 {pack_format = #tpu.pack_format<interleaved>} : vector<32xbf16> -> vector<16xf32>
      %unpack3A_622 = tpu.unpack_subelements %get3A_620, 1 {pack_format = #tpu.pack_format<interleaved>} : vector<32xbf16> -> vector<16xf32>
      %add3A_623 = arith.addf %unpack3A_616, %unpack3A_621 : vector<16xf32>
      %max3A_624 = arith.constant 0.000000e+00 : f32
      %max3A_625 = vector.broadcast %max3A_624 : f32 to vector<16xf32>
      %max3A_626 = arith.maximumf %add3A_623, %max3A_625 : vector<16xf32>
      %mul3A_627 = arith.mulf %max3A_626, %get3A_7 : vector<16xf32>
      %add3A_628 = arith.addf %unpack3A_617, %unpack3A_622 : vector<16xf32>
      %max3A_629 = arith.constant 0.000000e+00 : f32
      %max3A_630 = vector.broadcast %max3A_629 : f32 to vector<16xf32>
      %max3A_631 = arith.maximumf %add3A_628, %max3A_630 : vector<16xf32>
      %mul3A_632 = arith.mulf %max3A_631, %get3A_9 : vector<16xf32>
      %add3A_633 = arith.addf %mul3A_627, %mul3A_632 : vector<16xf32>
      %add3A_634 = arith.addf %add3A_612, %add3A_633 : vector<16xf32>
      %eq3A_635 = arith.constant 10 : i32
      %eq3A_636 = vector.broadcast %eq3A_635 : i32 to vector<16xi32>
      %eq3A_637 = arith.cmpi eq, %iota3A, %eq3A_636 : vector<16xi32>
      %reduce_sum3A_638 = arith.constant true
      %reduce_sum3A_639 = vector.broadcast %reduce_sum3A_638 : i1 to vector<16xi1>
      %reduce_sum3A_640 = tpu.scan <sum>, %add3A_634 masked %reduce_sum3A_639 : vector<16xf32>, vector<16xi1> -> vector<16xf32>
      %reduce_sum3A_641 = vector.extract %reduce_sum3A_640[15] : f32 from vector<16xf32>
      %broadcast_in_dim3A_642 = vector.broadcast %reduce_sum3A_641 : f32 to vector<16xf32>
      %select_n3A_643 = arith.select %eq3A_637, %broadcast_in_dim3A_642, %select_n3A_589 : vector<16xi1>, vector<16xf32>
      %add3A_644 = arith.constant 11 : i32
      %add3A_645 = arith.addi %mul3A_53, %add3A_644 : i32
      %get3A_646 = arith.index_cast %add3A_645 : i32 to index
      %get3A_647 = arith.constant 0 : index
      %get3A_648 = tpu.vector_load %arg11[%get3A_646, %get3A_647] {strides = array<i32>} : memref<400x64xbf16, #tpu.memory_space<vmem>>, vector<32xbf16>,
      %unpack3A_649 = tpu.unpack_subelements %get3A_648, 0 {pack_format = #tpu.pack_format<interleaved>} : vector<32xbf16> -> vector<16xf32>
      %unpack3A_650 = tpu.unpack_subelements %get3A_648, 1 {pack_format = #tpu.pack_format<interleaved>} : vector<32xbf16> -> vector<16xf32>
      %get3A_651 = arith.index_cast %add3A_645 : i32 to index
      %get3A_652 = arith.constant 0 : index
      %get3A_653 = tpu.vector_load %arg12[%get3A_651, %get3A_652] {strides = array<i32>} : memref<400x64xbf16, #tpu.memory_space<vmem>>, vector<32xbf16>,
      %unpack3A_654 = tpu.unpack_subelements %get3A_653, 0 {pack_format = #tpu.pack_format<interleaved>} : vector<32xbf16> -> vector<16xf32>
      %unpack3A_655 = tpu.unpack_subelements %get3A_653, 1 {pack_format = #tpu.pack_format<interleaved>} : vector<32xbf16> -> vector<16xf32>
      %add3A_656 = arith.addf %unpack3A_649, %unpack3A_654 : vector<16xf32>
      %max3A_657 = arith.constant 0.000000e+00 : f32
      %max3A_658 = vector.broadcast %max3A_657 : f32 to vector<16xf32>
      %max3A_659 = arith.maximumf %add3A_656, %max3A_658 : vector<16xf32>
      %mul3A_660 = arith.mulf %max3A_659, %get3A_3 : vector<16xf32>
      %add3A_661 = arith.addf %unpack3A_650, %unpack3A_655 : vector<16xf32>
      %max3A_662 = arith.constant 0.000000e+00 : f32
      %max3A_663 = vector.broadcast %max3A_662 : f32 to vector<16xf32>
      %max3A_664 = arith.maximumf %add3A_661, %max3A_663 : vector<16xf32>
      %mul3A_665 = arith.mulf %max3A_664, %get3A_5 : vector<16xf32>
      %add3A_666 = arith.addf %mul3A_660, %mul3A_665 : vector<16xf32>
      %get3A_667 = arith.index_cast %add3A_645 : i32 to index
      %get3A_668 = arith.constant 32 : index
      %get3A_669 = tpu.vector_load %arg11[%get3A_667, %get3A_668] {strides = array<i32>} : memref<400x64xbf16, #tpu.memory_space<vmem>>, vector<32xbf16>,
      %unpack3A_670 = tpu.unpack_subelements %get3A_669, 0 {pack_format = #tpu.pack_format<interleaved>} : vector<32xbf16> -> vector<16xf32>
      %unpack3A_671 = tpu.unpack_subelements %get3A_669, 1 {pack_format = #tpu.pack_format<interleaved>} : vector<32xbf16> -> vector<16xf32>
      %get3A_672 = arith.index_cast %add3A_645 : i32 to index
      %get3A_673 = arith.constant 32 : index
      %get3A_674 = tpu.vector_load %arg12[%get3A_672, %get3A_673] {strides = array<i32>} : memref<400x64xbf16, #tpu.memory_space<vmem>>, vector<32xbf16>,
      %unpack3A_675 = tpu.unpack_subelements %get3A_674, 0 {pack_format = #tpu.pack_format<interleaved>} : vector<32xbf16> -> vector<16xf32>
      %unpack3A_676 = tpu.unpack_subelements %get3A_674, 1 {pack_format = #tpu.pack_format<interleaved>} : vector<32xbf16> -> vector<16xf32>
      %add3A_677 = arith.addf %unpack3A_670, %unpack3A_675 : vector<16xf32>
      %max3A_678 = arith.constant 0.000000e+00 : f32
      %max3A_679 = vector.broadcast %max3A_678 : f32 to vector<16xf32>
      %max3A_680 = arith.maximumf %add3A_677, %max3A_679 : vector<16xf32>
      %mul3A_681 = arith.mulf %max3A_680, %get3A_7 : vector<16xf32>
      %add3A_682 = arith.addf %unpack3A_671, %unpack3A_676 : vector<16xf32>
      %max3A_683 = arith.constant 0.000000e+00 : f32
      %max3A_684 = vector.broadcast %max3A_683 : f32 to vector<16xf32>
      %max3A_685 = arith.maximumf %add3A_682, %max3A_684 : vector<16xf32>
      %mul3A_686 = arith.mulf %max3A_685, %get3A_9 : vector<16xf32>
      %add3A_687 = arith.addf %mul3A_681, %mul3A_686 : vector<16xf32>
      %add3A_688 = arith.addf %add3A_666, %add3A_687 : vector<16xf32>
      %eq3A_689 = arith.constant 11 : i32
      %eq3A_690 = vector.broadcast %eq3A_689 : i32 to vector<16xi32>
      %eq3A_691 = arith.cmpi eq, %iota3A, %eq3A_690 : vector<16xi32>
      %reduce_sum3A_692 = arith.constant true
      %reduce_sum3A_693 = vector.broadcast %reduce_sum3A_692 : i1 to vector<16xi1>
      %reduce_sum3A_694 = tpu.scan <sum>, %add3A_688 masked %reduce_sum3A_693 : vector<16xf32>, vector<16xi1> -> vector<16xf32>
      %reduce_sum3A_695 = vector.extract %reduce_sum3A_694[15] : f32 from vector<16xf32>
      %broadcast_in_dim3A_696 = vector.broadcast %reduce_sum3A_695 : f32 to vector<16xf32>
      %select_n3A_697 = arith.select %eq3A_691, %broadcast_in_dim3A_696, %select_n3A_643 : vector<16xi1>, vector<16xf32>
      %add3A_698 = arith.constant 12 : i32
      %add3A_699 = arith.addi %mul3A_53, %add3A_698 : i32
      %get3A_700 = arith.index_cast %add3A_699 : i32 to index
      %get3A_701 = arith.constant 0 : index
      %get3A_702 = tpu.vector_load %arg11[%get3A_700, %get3A_701] {strides = array<i32>} : memref<400x64xbf16, #tpu.memory_space<vmem>>, vector<32xbf16>,
      %unpack3A_703 = tpu.unpack_subelements %get3A_702, 0 {pack_format = #tpu.pack_format<interleaved>} : vector<32xbf16> -> vector<16xf32>
      %unpack3A_704 = tpu.unpack_subelements %get3A_702, 1 {pack_format = #tpu.pack_format<interleaved>} : vector<32xbf16> -> vector<16xf32>
      %get3A_705 = arith.index_cast %add3A_699 : i32 to index
      %get3A_706 = arith.constant 0 : index
      %get3A_707 = tpu.vector_load %arg12[%get3A_705, %get3A_706] {strides = array<i32>} : memref<400x64xbf16, #tpu.memory_space<vmem>>, vector<32xbf16>,
      %unpack3A_708 = tpu.unpack_subelements %get3A_707, 0 {pack_format = #tpu.pack_format<interleaved>} : vector<32xbf16> -> vector<16xf32>
      %unpack3A_709 = tpu.unpack_subelements %get3A_707, 1 {pack_format = #tpu.pack_format<interleaved>} : vector<32xbf16> -> vector<16xf32>
      %add3A_710 = arith.addf %unpack3A_703, %unpack3A_708 : vector<16xf32>
      %max3A_711 = arith.constant 0.000000e+00 : f32
      %max3A_712 = vector.broadcast %max3A_711 : f32 to vector<16xf32>
      %max3A_713 = arith.maximumf %add3A_710, %max3A_712 : vector<16xf32>
      %mul3A_714 = arith.mulf %max3A_713, %get3A_3 : vector<16xf32>
      %add3A_715 = arith.addf %unpack3A_704, %unpack3A_709 : vector<16xf32>
      %max3A_716 = arith.constant 0.000000e+00 : f32
      %max3A_717 = vector.broadcast %max3A_716 : f32 to vector<16xf32>
      %max3A_718 = arith.maximumf %add3A_715, %max3A_717 : vector<16xf32>
      %mul3A_719 = arith.mulf %max3A_718, %get3A_5 : vector<16xf32>
      %add3A_720 = arith.addf %mul3A_714, %mul3A_719 : vector<16xf32>
      %get3A_721 = arith.index_cast %add3A_699 : i32 to index
      %get3A_722 = arith.constant 32 : index
      %get3A_723 = tpu.vector_load %arg11[%get3A_721, %get3A_722] {strides = array<i32>} : memref<400x64xbf16, #tpu.memory_space<vmem>>, vector<32xbf16>,
      %unpack3A_724 = tpu.unpack_subelements %get3A_723, 0 {pack_format = #tpu.pack_format<interleaved>} : vector<32xbf16> -> vector<16xf32>
      %unpack3A_725 = tpu.unpack_subelements %get3A_723, 1 {pack_format = #tpu.pack_format<interleaved>} : vector<32xbf16> -> vector<16xf32>
      %get3A_726 = arith.index_cast %add3A_699 : i32 to index
      %get3A_727 = arith.constant 32 : index
      %get3A_728 = tpu.vector_load %arg12[%get3A_726, %get3A_727] {strides = array<i32>} : memref<400x64xbf16, #tpu.memory_space<vmem>>, vector<32xbf16>,
      %unpack3A_729 = tpu.unpack_subelements %get3A_728, 0 {pack_format = #tpu.pack_format<interleaved>} : vector<32xbf16> -> vector<16xf32>
      %unpack3A_730 = tpu.unpack_subelements %get3A_728, 1 {pack_format = #tpu.pack_format<interleaved>} : vector<32xbf16> -> vector<16xf32>
      %add3A_731 = arith.addf %unpack3A_724, %unpack3A_729 : vector<16xf32>
      %max3A_732 = arith.constant 0.000000e+00 : f32
      %max3A_733 = vector.broadcast %max3A_732 : f32 to vector<16xf32>
      %max3A_734 = arith.maximumf %add3A_731, %max3A_733 : vector<16xf32>
      %mul3A_735 = arith.mulf %max3A_734, %get3A_7 : vector<16xf32>
      %add3A_736 = arith.addf %unpack3A_725, %unpack3A_730 : vector<16xf32>
      %max3A_737 = arith.constant 0.000000e+00 : f32
      %max3A_738 = vector.broadcast %max3A_737 : f32 to vector<16xf32>
      %max3A_739 = arith.maximumf %add3A_736, %max3A_738 : vector<16xf32>
      %mul3A_740 = arith.mulf %max3A_739, %get3A_9 : vector<16xf32>
      %add3A_741 = arith.addf %mul3A_735, %mul3A_740 : vector<16xf32>
      %add3A_742 = arith.addf %add3A_720, %add3A_741 : vector<16xf32>
      %eq3A_743 = arith.constant 12 : i32
      %eq3A_744 = vector.broadcast %eq3A_743 : i32 to vector<16xi32>
      %eq3A_745 = arith.cmpi eq, %iota3A, %eq3A_744 : vector<16xi32>
      %reduce_sum3A_746 = arith.constant true
      %reduce_sum3A_747 = vector.broadcast %reduce_sum3A_746 : i1 to vector<16xi1>
      %reduce_sum3A_748 = tpu.scan <sum>, %add3A_742 masked %reduce_sum3A_747 : vector<16xf32>, vector<16xi1> -> vector<16xf32>
      %reduce_sum3A_749 = vector.extract %reduce_sum3A_748[15] : f32 from vector<16xf32>
      %broadcast_in_dim3A_750 = vector.broadcast %reduce_sum3A_749 : f32 to vector<16xf32>
      %select_n3A_751 = arith.select %eq3A_745, %broadcast_in_dim3A_750, %select_n3A_697 : vector<16xi1>, vector<16xf32>
      %add3A_752 = arith.constant 13 : i32
      %add3A_753 = arith.addi %mul3A_53, %add3A_752 : i32
      %get3A_754 = arith.index_cast %add3A_753 : i32 to index
      %get3A_755 = arith.constant 0 : index
      %get3A_756 = tpu.vector_load %arg11[%get3A_754, %get3A_755] {strides = array<i32>} : memref<400x64xbf16, #tpu.memory_space<vmem>>, vector<32xbf16>,
      %unpack3A_757 = tpu.unpack_subelements %get3A_756, 0 {pack_format = #tpu.pack_format<interleaved>} : vector<32xbf16> -> vector<16xf32>
      %unpack3A_758 = tpu.unpack_subelements %get3A_756, 1 {pack_format = #tpu.pack_format<interleaved>} : vector<32xbf16> -> vector<16xf32>
      %get3A_759 = arith.index_cast %add3A_753 : i32 to index
      %get3A_760 = arith.constant 0 : index
      %get3A_761 = tpu.vector_load %arg12[%get3A_759, %get3A_760] {strides = array<i32>} : memref<400x64xbf16, #tpu.memory_space<vmem>>, vector<32xbf16>,
      %unpack3A_762 = tpu.unpack_subelements %get3A_761, 0 {pack_format = #tpu.pack_format<interleaved>} : vector<32xbf16> -> vector<16xf32>
      %unpack3A_763 = tpu.unpack_subelements %get3A_761, 1 {pack_format = #tpu.pack_format<interleaved>} : vector<32xbf16> -> vector<16xf32>
      %add3A_764 = arith.addf %unpack3A_757, %unpack3A_762 : vector<16xf32>
      %max3A_765 = arith.constant 0.000000e+00 : f32
      %max3A_766 = vector.broadcast %max3A_765 : f32 to vector<16xf32>
      %max3A_767 = arith.maximumf %add3A_764, %max3A_766 : vector<16xf32>
      %mul3A_768 = arith.mulf %max3A_767, %get3A_3 : vector<16xf32>
      %add3A_769 = arith.addf %unpack3A_758, %unpack3A_763 : vector<16xf32>
      %max3A_770 = arith.constant 0.000000e+00 : f32
      %max3A_771 = vector.broadcast %max3A_770 : f32 to vector<16xf32>
      %max3A_772 = arith.maximumf %add3A_769, %max3A_771 : vector<16xf32>
      %mul3A_773 = arith.mulf %max3A_772, %get3A_5 : vector<16xf32>
      %add3A_774 = arith.addf %mul3A_768, %mul3A_773 : vector<16xf32>
      %get3A_775 = arith.index_cast %add3A_753 : i32 to index
      %get3A_776 = arith.constant 32 : index
      %get3A_777 = tpu.vector_load %arg11[%get3A_775, %get3A_776] {strides = array<i32>} : memref<400x64xbf16, #tpu.memory_space<vmem>>, vector<32xbf16>,
      %unpack3A_778 = tpu.unpack_subelements %get3A_777, 0 {pack_format = #tpu.pack_format<interleaved>} : vector<32xbf16> -> vector<16xf32>
      %unpack3A_779 = tpu.unpack_subelements %get3A_777, 1 {pack_format = #tpu.pack_format<interleaved>} : vector<32xbf16> -> vector<16xf32>
      %get3A_780 = arith.index_cast %add3A_753 : i32 to index
      %get3A_781 = arith.constant 32 : index
      %get3A_782 = tpu.vector_load %arg12[%get3A_780, %get3A_781] {strides = array<i32>} : memref<400x64xbf16, #tpu.memory_space<vmem>>, vector<32xbf16>,
      %unpack3A_783 = tpu.unpack_subelements %get3A_782, 0 {pack_format = #tpu.pack_format<interleaved>} : vector<32xbf16> -> vector<16xf32>
      %unpack3A_784 = tpu.unpack_subelements %get3A_782, 1 {pack_format = #tpu.pack_format<interleaved>} : vector<32xbf16> -> vector<16xf32>
      %add3A_785 = arith.addf %unpack3A_778, %unpack3A_783 : vector<16xf32>
      %max3A_786 = arith.constant 0.000000e+00 : f32
      %max3A_787 = vector.broadcast %max3A_786 : f32 to vector<16xf32>
      %max3A_788 = arith.maximumf %add3A_785, %max3A_787 : vector<16xf32>
      %mul3A_789 = arith.mulf %max3A_788, %get3A_7 : vector<16xf32>
      %add3A_790 = arith.addf %unpack3A_779, %unpack3A_784 : vector<16xf32>
      %max3A_791 = arith.constant 0.000000e+00 : f32
      %max3A_792 = vector.broadcast %max3A_791 : f32 to vector<16xf32>
      %max3A_793 = arith.maximumf %add3A_790, %max3A_792 : vector<16xf32>
      %mul3A_794 = arith.mulf %max3A_793, %get3A_9 : vector<16xf32>
      %add3A_795 = arith.addf %mul3A_789, %mul3A_794 : vector<16xf32>
      %add3A_796 = arith.addf %add3A_774, %add3A_795 : vector<16xf32>
      %eq3A_797 = arith.constant 13 : i32
      %eq3A_798 = vector.broadcast %eq3A_797 : i32 to vector<16xi32>
      %eq3A_799 = arith.cmpi eq, %iota3A, %eq3A_798 : vector<16xi32>
      %reduce_sum3A_800 = arith.constant true
      %reduce_sum3A_801 = vector.broadcast %reduce_sum3A_800 : i1 to vector<16xi1>
      %reduce_sum3A_802 = tpu.scan <sum>, %add3A_796 masked %reduce_sum3A_801 : vector<16xf32>, vector<16xi1> -> vector<16xf32>
      %reduce_sum3A_803 = vector.extract %reduce_sum3A_802[15] : f32 from vector<16xf32>
      %broadcast_in_dim3A_804 = vector.broadcast %reduce_sum3A_803 : f32 to vector<16xf32>
      %select_n3A_805 = arith.select %eq3A_799, %broadcast_in_dim3A_804, %select_n3A_751 : vector<16xi1>, vector<16xf32>
      %add3A_806 = arith.constant 14 : i32
      %add3A_807 = arith.addi %mul3A_53, %add3A_806 : i32
      %get3A_808 = arith.index_cast %add3A_807 : i32 to index
      %get3A_809 = arith.constant 0 : index
      %get3A_810 = tpu.vector_load %arg11[%get3A_808, %get3A_809] {strides = array<i32>} : memref<400x64xbf16, #tpu.memory_space<vmem>>, vector<32xbf16>,
      %unpack3A_811 = tpu.unpack_subelements %get3A_810, 0 {pack_format = #tpu.pack_format<interleaved>} : vector<32xbf16> -> vector<16xf32>
      %unpack3A_812 = tpu.unpack_subelements %get3A_810, 1 {pack_format = #tpu.pack_format<interleaved>} : vector<32xbf16> -> vector<16xf32>
      %get3A_813 = arith.index_cast %add3A_807 : i32 to index
      %get3A_814 = arith.constant 0 : index
      %get3A_815 = tpu.vector_load %arg12[%get3A_813, %get3A_814] {strides = array<i32>} : memref<400x64xbf16, #tpu.memory_space<vmem>>, vector<32xbf16>,
      %unpack3A_816 = tpu.unpack_subelements %get3A_815, 0 {pack_format = #tpu.pack_format<interleaved>} : vector<32xbf16> -> vector<16xf32>
      %unpack3A_817 = tpu.unpack_subelements %get3A_815, 1 {pack_format = #tpu.pack_format<interleaved>} : vector<32xbf16> -> vector<16xf32>
      %add3A_818 = arith.addf %unpack3A_811, %unpack3A_816 : vector<16xf32>
      %max3A_819 = arith.constant 0.000000e+00 : f32
      %max3A_820 = vector.broadcast %max3A_819 : f32 to vector<16xf32>
      %max3A_821 = arith.maximumf %add3A_818, %max3A_820 : vector<16xf32>
      %mul3A_822 = arith.mulf %max3A_821, %get3A_3 : vector<16xf32>
      %add3A_823 = arith.addf %unpack3A_812, %unpack3A_817 : vector<16xf32>
      %max3A_824 = arith.constant 0.000000e+00 : f32
      %max3A_825 = vector.broadcast %max3A_824 : f32 to vector<16xf32>
      %max3A_826 = arith.maximumf %add3A_823, %max3A_825 : vector<16xf32>
      %mul3A_827 = arith.mulf %max3A_826, %get3A_5 : vector<16xf32>
      %add3A_828 = arith.addf %mul3A_822, %mul3A_827 : vector<16xf32>
      %get3A_829 = arith.index_cast %add3A_807 : i32 to index
      %get3A_830 = arith.constant 32 : index
      %get3A_831 = tpu.vector_load %arg11[%get3A_829, %get3A_830] {strides = array<i32>} : memref<400x64xbf16, #tpu.memory_space<vmem>>, vector<32xbf16>,
      %unpack3A_832 = tpu.unpack_subelements %get3A_831, 0 {pack_format = #tpu.pack_format<interleaved>} : vector<32xbf16> -> vector<16xf32>
      %unpack3A_833 = tpu.unpack_subelements %get3A_831, 1 {pack_format = #tpu.pack_format<interleaved>} : vector<32xbf16> -> vector<16xf32>
      %get3A_834 = arith.index_cast %add3A_807 : i32 to index
      %get3A_835 = arith.constant 32 : index
      %get3A_836 = tpu.vector_load %arg12[%get3A_834, %get3A_835] {strides = array<i32>} : memref<400x64xbf16, #tpu.memory_space<vmem>>, vector<32xbf16>,
      %unpack3A_837 = tpu.unpack_subelements %get3A_836, 0 {pack_format = #tpu.pack_format<interleaved>} : vector<32xbf16> -> vector<16xf32>
      %unpack3A_838 = tpu.unpack_subelements %get3A_836, 1 {pack_format = #tpu.pack_format<interleaved>} : vector<32xbf16> -> vector<16xf32>
      %add3A_839 = arith.addf %unpack3A_832, %unpack3A_837 : vector<16xf32>
      %max3A_840 = arith.constant 0.000000e+00 : f32
      %max3A_841 = vector.broadcast %max3A_840 : f32 to vector<16xf32>
      %max3A_842 = arith.maximumf %add3A_839, %max3A_841 : vector<16xf32>
      %mul3A_843 = arith.mulf %max3A_842, %get3A_7 : vector<16xf32>
      %add3A_844 = arith.addf %unpack3A_833, %unpack3A_838 : vector<16xf32>
      %max3A_845 = arith.constant 0.000000e+00 : f32
      %max3A_846 = vector.broadcast %max3A_845 : f32 to vector<16xf32>
      %max3A_847 = arith.maximumf %add3A_844, %max3A_846 : vector<16xf32>
      %mul3A_848 = arith.mulf %max3A_847, %get3A_9 : vector<16xf32>
      %add3A_849 = arith.addf %mul3A_843, %mul3A_848 : vector<16xf32>
      %add3A_850 = arith.addf %add3A_828, %add3A_849 : vector<16xf32>
      %eq3A_851 = arith.constant 14 : i32
      %eq3A_852 = vector.broadcast %eq3A_851 : i32 to vector<16xi32>
      %eq3A_853 = arith.cmpi eq, %iota3A, %eq3A_852 : vector<16xi32>
      %reduce_sum3A_854 = arith.constant true
      %reduce_sum3A_855 = vector.broadcast %reduce_sum3A_854 : i1 to vector<16xi1>
      %reduce_sum3A_856 = tpu.scan <sum>, %add3A_850 masked %reduce_sum3A_855 : vector<16xf32>, vector<16xi1> -> vector<16xf32>
      %reduce_sum3A_857 = vector.extract %reduce_sum3A_856[15] : f32 from vector<16xf32>
      %broadcast_in_dim3A_858 = vector.broadcast %reduce_sum3A_857 : f32 to vector<16xf32>
      %select_n3A_859 = arith.select %eq3A_853, %broadcast_in_dim3A_858, %select_n3A_805 : vector<16xi1>, vector<16xf32>
      %add3A_860 = arith.constant 15 : i32
      %add3A_861 = arith.addi %mul3A_53, %add3A_860 : i32
      %get3A_862 = arith.index_cast %add3A_861 : i32 to index
      %get3A_863 = arith.constant 0 : index
      %get3A_864 = tpu.vector_load %arg11[%get3A_862, %get3A_863] {strides = array<i32>} : memref<400x64xbf16, #tpu.memory_space<vmem>>, vector<32xbf16>,
      %unpack3A_865 = tpu.unpack_subelements %get3A_864, 0 {pack_format = #tpu.pack_format<interleaved>} : vector<32xbf16> -> vector<16xf32>
      %unpack3A_866 = tpu.unpack_subelements %get3A_864, 1 {pack_format = #tpu.pack_format<interleaved>} : vector<32xbf16> -> vector<16xf32>
      %get3A_867 = arith.index_cast %add3A_861 : i32 to index
      %get3A_868 = arith.constant 0 : index
      %get3A_869 = tpu.vector_load %arg12[%get3A_867, %get3A_868] {strides = array<i32>} : memref<400x64xbf16, #tpu.memory_space<vmem>>, vector<32xbf16>,
      %unpack3A_870 = tpu.unpack_subelements %get3A_869, 0 {pack_format = #tpu.pack_format<interleaved>} : vector<32xbf16> -> vector<16xf32>
      %unpack3A_871 = tpu.unpack_subelements %get3A_869, 1 {pack_format = #tpu.pack_format<interleaved>} : vector<32xbf16> -> vector<16xf32>
      %add3A_872 = arith.addf %unpack3A_865, %unpack3A_870 : vector<16xf32>
      %max3A_873 = arith.constant 0.000000e+00 : f32
      %max3A_874 = vector.broadcast %max3A_873 : f32 to vector<16xf32>
      %max3A_875 = arith.maximumf %add3A_872, %max3A_874 : vector<16xf32>
      %mul3A_876 = arith.mulf %max3A_875, %get3A_3 : vector<16xf32>
      %add3A_877 = arith.addf %unpack3A_866, %unpack3A_871 : vector<16xf32>
      %max3A_878 = arith.constant 0.000000e+00 : f32
      %max3A_879 = vector.broadcast %max3A_878 : f32 to vector<16xf32>
      %max3A_880 = arith.maximumf %add3A_877, %max3A_879 : vector<16xf32>
      %mul3A_881 = arith.mulf %max3A_880, %get3A_5 : vector<16xf32>
      %add3A_882 = arith.addf %mul3A_876, %mul3A_881 : vector<16xf32>
      %get3A_883 = arith.index_cast %add3A_861 : i32 to index
      %get3A_884 = arith.constant 32 : index
      %get3A_885 = tpu.vector_load %arg11[%get3A_883, %get3A_884] {strides = array<i32>} : memref<400x64xbf16, #tpu.memory_space<vmem>>, vector<32xbf16>,
      %unpack3A_886 = tpu.unpack_subelements %get3A_885, 0 {pack_format = #tpu.pack_format<interleaved>} : vector<32xbf16> -> vector<16xf32>
      %unpack3A_887 = tpu.unpack_subelements %get3A_885, 1 {pack_format = #tpu.pack_format<interleaved>} : vector<32xbf16> -> vector<16xf32>
      %get3A_888 = arith.index_cast %add3A_861 : i32 to index
      %get3A_889 = arith.constant 32 : index
      %get3A_890 = tpu.vector_load %arg12[%get3A_888, %get3A_889] {strides = array<i32>} : memref<400x64xbf16, #tpu.memory_space<vmem>>, vector<32xbf16>,
      %unpack3A_891 = tpu.unpack_subelements %get3A_890, 0 {pack_format = #tpu.pack_format<interleaved>} : vector<32xbf16> -> vector<16xf32>
      %unpack3A_892 = tpu.unpack_subelements %get3A_890, 1 {pack_format = #tpu.pack_format<interleaved>} : vector<32xbf16> -> vector<16xf32>
      %add3A_893 = arith.addf %unpack3A_886, %unpack3A_891 : vector<16xf32>
      %max3A_894 = arith.constant 0.000000e+00 : f32
      %max3A_895 = vector.broadcast %max3A_894 : f32 to vector<16xf32>
      %max3A_896 = arith.maximumf %add3A_893, %max3A_895 : vector<16xf32>
      %mul3A_897 = arith.mulf %max3A_896, %get3A_7 : vector<16xf32>
      %add3A_898 = arith.addf %unpack3A_887, %unpack3A_892 : vector<16xf32>
      %max3A_899 = arith.constant 0.000000e+00 : f32
      %max3A_900 = vector.broadcast %max3A_899 : f32 to vector<16xf32>
      %max3A_901 = arith.maximumf %add3A_898, %max3A_900 : vector<16xf32>
      %mul3A_902 = arith.mulf %max3A_901, %get3A_9 : vector<16xf32>
      %add3A_903 = arith.addf %mul3A_897, %mul3A_902 : vector<16xf32>
      %add3A_904 = arith.addf %add3A_882, %add3A_903 : vector<16xf32>
      %eq3A_905 = arith.constant 15 : i32
      %eq3A_906 = vector.broadcast %eq3A_905 : i32 to vector<16xi32>
      %eq3A_907 = arith.cmpi eq, %iota3A, %eq3A_906 : vector<16xi32>
      %reduce_sum3A_908 = arith.constant true
      %reduce_sum3A_909 = vector.broadcast %reduce_sum3A_908 : i1 to vector<16xi1>
      %reduce_sum3A_910 = tpu.scan <sum>, %add3A_904 masked %reduce_sum3A_909 : vector<16xf32>, vector<16xi1> -> vector<16xf32>
      %reduce_sum3A_911 = vector.extract %reduce_sum3A_910[15] : f32 from vector<16xf32>
      %broadcast_in_dim3A_912 = vector.broadcast %reduce_sum3A_911 : f32 to vector<16xf32>
      %select_n3A_913 = arith.select %eq3A_907, %broadcast_in_dim3A_912, %select_n3A_859 : vector<16xi1>, vector<16xf32>
      %add3A_914 = vector.broadcast %squeeze3A : f32 to vector<16xf32>
      %add3A_915 = arith.addf %select_n3A_913, %add3A_914 : vector<16xf32>
      %get3A_916 = arith.index_cast %mul3A_53 : i32 to index
      %get3A_917 = tpu.vector_load %arg13[%get3A_916] {strides = array<i32>} : memref<400xf32, #tpu.memory_space<vmem>>, vector<16xf32>,
      %mul3A_918 = arith.mulf %add3A_915, %get3A_917 : vector<16xf32>
      %swap3A = arith.index_cast %mul3A_53 : i32 to index
      %swap3A_919 = tpu.vector_load %arg14[%swap3A] {strides = array<i32>} : memref<400xf32, #tpu.memory_space<vmem>>, vector<16xf32>,
      tpu.vector_store %arg14[%swap3A], %mul3A_918 {strides = array<i32>} : memref<400xf32, #tpu.memory_space<vmem>>, vector<16xf32>,
    }
    %scan3A_50 = arith.constant 25 : i32
    "tpu.region"() ({
      %run_scoped3A = tpu.sem_alloc : memref<!tpu.dma_semaphore, #tpu.memory_space<semaphore_mem>>
      %dma_start3A_51 = tpu.memref_slice %arg8[%add3A_44] : memref<320000xf32, #tpu.memory_space<hbm>> -> memref<400xf32, #tpu.memory_space<hbm>>
      %dma_start3A_52 = tpu.memref_slice %arg8[%add3A_44] : memref<320000xf32, #tpu.memory_space<hbm>> -> memref<400xf32, #tpu.memory_space<hbm>>
      tpu.enqueue_dma source(%arg14 : memref<400xf32, #tpu.memory_space<vmem>>) target(%dma_start3A_52 : memref<400xf32, #tpu.memory_space<hbm>>) target_semaphore(%run_scoped3A : memref<!tpu.dma_semaphore, #tpu.memory_space<semaphore_mem>>)
      %dma_wait3A_53 = tpu.memref_slice %arg8[%add3A_44] : memref<320000xf32, #tpu.memory_space<hbm>> -> memref<400xf32, #tpu.memory_space<hbm>>
      %dma_wait3A_54 = tpu.memref_slice %arg8[%add3A_44] : memref<320000xf32, #tpu.memory_space<hbm>> -> memref<400xf32, #tpu.memory_space<hbm>>
      tpu.wait_dma2 semaphore(%run_scoped3A : memref<!tpu.dma_semaphore, #tpu.memory_space<semaphore_mem>>) src(%arg14 : memref<400xf32, #tpu.memory_space<vmem>>) dst(%dma_wait3A_54 : memref<400xf32, #tpu.memory_space<hbm>>)
      tpu.yield
    }) : () -> ()
    return
  }
}

module attributes {stable_mosaic.version = 14 : i64} {
  func.func @_tc_prep(%arg0: memref<10000x128xf32, #tpu.memory_space<vmem>>, %arg1: memref<128x64xf32, #tpu.memory_space<vmem>>, %arg2: memref<128x64xf32, #tpu.memory_space<vmem>>, %arg3: memref<1x64xf32, #tpu.memory_space<vmem>>, %arg4: memref<2500x128xf32, #tpu.memory_space<vmem>>, %arg5: memref<2500x128xf32, #tpu.memory_space<vmem>>, %arg6: memref<10000x64xbf16, #tpu.memory_space<vmem>>, %arg7: memref<10000x64xbf16, #tpu.memory_space<vmem>>, %arg8: memref<2500x128xf32, #tpu.memory_space<vmem>>) attributes {dimension_semantics = [], scalar_prefetch = 0 : i64, scratch_operands = 0 : i64, tpu.core_type = #tpu.core_type<tc>} {
    %get3A = arith.constant 0 : index
    %get3A_0 = arith.constant 0 : index
    %get3A_1 = vector.load %arg0[%get3A, %get3A_0] : memref<10000x128xf32, #tpu.memory_space<vmem>>, vector<10000x128xf32>
    %get3A_2 = arith.constant 0 : index
    %get3A_3 = arith.constant 0 : index
    %get3A_4 = vector.load %arg1[%get3A_2, %get3A_3] : memref<128x64xf32, #tpu.memory_space<vmem>>, vector<128x64xf32>
    %dot_general3A = arith.constant dense<0.000000e+00> : vector<10000x64xf32>
    %dot_general3A_5 = tpu.matmul %get3A_1, %get3A_4, %dot_general3A {dimension_numbers = #tpu.dot_dimension_numbers<[1], [0], [0], [1], [0, 0, 1, 1], [], []>, transpose_lhs_hint = false} : vector<10000x128xf32>, vector<128x64xf32>, vector<10000x64xf32> -> vector<10000x64xf32>
    %get3A_6 = arith.constant 0 : index
    %get3A_7 = arith.constant 0 : index
    %get3A_8 = vector.load %arg3[%get3A_6, %get3A_7] : memref<1x64xf32, #tpu.memory_space<vmem>>, vector<1x64xf32>
    %add3A = vector.broadcast %get3A_8 : vector<1x64xf32> to vector<10000x64xf32>
    %add3A_9 = arith.addf %dot_general3A_5, %add3A : vector<10000x64xf32>
    %convert_element_type3A = arith.truncf %add3A_9 : vector<10000x64xf32> to vector<10000x64xbf16>
    %swap3A = arith.constant 0 : index
    %swap3A_10 = arith.constant 0 : index
    %swap3A_11 = vector.load %arg6[%swap3A, %swap3A_10] : memref<10000x64xbf16, #tpu.memory_space<vmem>>, vector<10000x64xbf16>
    tpu.vector_store %arg6[%swap3A, %swap3A_10], %convert_element_type3A {strides = array<i32>} : memref<10000x64xbf16, #tpu.memory_space<vmem>>, vector<10000x64xbf16>,
    %get3A_12 = arith.constant 0 : index
    %get3A_13 = arith.constant 0 : index
    %get3A_14 = vector.load %arg2[%get3A_12, %get3A_13] : memref<128x64xf32, #tpu.memory_space<vmem>>, vector<128x64xf32>
    %dot_general3A_15 = arith.constant dense<0.000000e+00> : vector<10000x64xf32>
    %dot_general3A_16 = tpu.matmul %get3A_1, %get3A_14, %dot_general3A_15 {dimension_numbers = #tpu.dot_dimension_numbers<[1], [0], [0], [1], [0, 0, 1, 1], [], []>, transpose_lhs_hint = false} : vector<10000x128xf32>, vector<128x64xf32>, vector<10000x64xf32> -> vector<10000x64xf32>
    %convert_element_type3A_17 = arith.truncf %dot_general3A_16 : vector<10000x64xf32> to vector<10000x64xbf16>
    %swap3A_18 = arith.constant 0 : index
    %swap3A_19 = arith.constant 0 : index
    %swap3A_20 = vector.load %arg7[%swap3A_18, %swap3A_19] : memref<10000x64xbf16, #tpu.memory_space<vmem>>, vector<10000x64xbf16>
    tpu.vector_store %arg7[%swap3A_18, %swap3A_19], %convert_element_type3A_17 {strides = array<i32>} : memref<10000x64xbf16, #tpu.memory_space<vmem>>, vector<10000x64xbf16>,
    %get3A_21 = arith.constant 0 : index
    %get3A_22 = arith.constant 0 : index
    %get3A_23 = vector.load %arg5[%get3A_21, %get3A_22] : memref<2500x128xf32, #tpu.memory_space<vmem>>, vector<2500x128xf32>
    %get3A_24 = arith.constant 0 : index
    %get3A_25 = arith.constant 0 : index
    %get3A_26 = vector.load %arg4[%get3A_24, %get3A_25] : memref<2500x128xf32, #tpu.memory_space<vmem>>, vector<2500x128xf32>
    %log3A = math.log %get3A_23 : vector<2500x128xf32>
    %add3A_27 = arith.addf %get3A_26, %log3A : vector<2500x128xf32>
    %sub3A = arith.constant 1.000000e+00 : f32
    %sub3A_28 = vector.broadcast %sub3A : f32 to vector<2500x128xf32>
    %sub3A_29 = arith.subf %sub3A_28, %get3A_23 : vector<2500x128xf32>
    %log3A_30 = math.log %sub3A_29 : vector<2500x128xf32>
    %sub3A_31 = arith.subf %add3A_27, %log3A_30 : vector<2500x128xf32>
    %mul3A = arith.constant 1.000000e+01 : f32
    %mul3A_32 = vector.broadcast %mul3A : f32 to vector<2500x128xf32>
    %mul3A_33 = arith.mulf %sub3A_31, %mul3A_32 : vector<2500x128xf32>
    %logistic3A = arith.negf %mul3A_33 : vector<2500x128xf32>
    %logistic3A_34 = math.exp %logistic3A : vector<2500x128xf32>
    %logistic3A_35 = arith.constant 1.000000e+00 : f32
    %logistic3A_36 = vector.broadcast %logistic3A_35 : f32 to vector<2500x128xf32>
    %logistic3A_37 = arith.addf %logistic3A_36, %logistic3A_34 : vector<2500x128xf32>
    %logistic3A_38 = arith.divf %logistic3A_36, %logistic3A_37 : vector<2500x128xf32>
    %swap3A_39 = arith.constant 0 : index
    %swap3A_40 = arith.constant 0 : index
    %swap3A_41 = vector.load %arg8[%swap3A_39, %swap3A_40] : memref<2500x128xf32, #tpu.memory_space<vmem>>, vector<2500x128xf32>
    tpu.vector_store %arg8[%swap3A_39, %swap3A_40], %logistic3A_38 {strides = array<i32>} : memref<2500x128xf32, #tpu.memory_space<vmem>>, vector<2500x128xf32>,
    return
  }
}

</mosaic_0001>

<sc_bundles>
// kernel: kernel.4.cloned.1.call-start
scs
__scs_entry_jumppad:
0x0: {  	(pc) =	sbr.rel $0x88, $3  }
0x1: {  	(tag) =	ssettag $0x0;
	lr =	simm.s32 $0x1  }
0x2: {  	[smem:$0x3F99] =	sst lr;
	_ =	strace $0xD0000000  }
0x3: {  	_ = 	snop  }
0x4: {  	_ = 	snop  }
0x5: {  	_ = 	snop  }
0x6: {  	_ = 	snop  }
0x7: {  	_ = 	snop  }
__scs_overlays_trampoline_lowered:
0x8: {  	[smem:$0x3FA8] =	sst s0  }
0x9: {  	[smem:$0x3FA9] =	sst s1  }
0xa: {  	[smem:$0x3FAA] =	sst s2  }
0xb: {  	[smem:$0x3FAB] =	sst s3  }
0xc: {  	[smem:$0x3FAC] =	sst s4  }
0xd: {  	[smem:$0x3FAD] =	sst s5  }
0xe: {  	[smem:$0x3FAE] =	sst s6  }
0xf: {  	[smem:$0x3FAF] =	sst s7  }
0x10: {  	[smem:$0x3FB0] =	sst s8  }
0x11: {  	[smem:$0x3FB1] =	sst s9;
	s0 =	simm.s32 @!p0 $0x0  }
0x12: {  	s1 =	sld [smem:$0x3F97];
	s0 =	simm.s32 @p0 $0x1  }
0x13: {  	[smem:$0x3FB2] =	sst s0;
	s0 =	simm.s32 @!p1 $0x0  }
0x14: {  	s2 =	sld [smem:$0x3F96];
	s0 =	simm.s32 @p1 $0x1  }
0x15: {  	[smem:$0x3FB3] =	sst s0;
	s0 =	simm.s32 @!p2 $0x0  }
0x16: {  	s3 =	sld [smem:$0x3FDB];
	s0 =	simm.s32 @p2 $0x1  }
0x17: {  	s4 =	simm.s32 $0x1BF5;
	[smem:$0x3FB5] =	sst s0  }
0x18: {  	s0 =	sld [smem:$0x3F98];
	_ =	swait.ge [sflag:s4], $0x0  }
0x19: {  	s7 =	sld [smem:$0x3F99]  }
0x1a: {  	s8 =	sadd.s32 $0xFFFFE003, lr  }
0x1b: {  	s9 =	sadd.s32 $0xFFFFFEF7, lr;
	s5 =	simm.s32 $0xFFFFFFFF;
	p2 =	slt.u32 s8, $0xFFFFF086  }
0x1c: {  	p1 =	slt.u32 s9, $0xF7A;
	s5 =	simm.s32 @!p2 $0x0  }
0x1d: {  	s5 =	simm.s32 @p1 $0x1;
	p0 =	seq.s32 s7, s2  }
0x1e: {  	s7 =	smul.u32 @!p0 $0xF7A, s2;
	p2 =	seq.s32 @!p0 s5, $0x0  }
0x1f: {  	s9 =	smul.u32 $0xF7A, s1;
	s8 =	simm.s32 @!p0 $0x1BF5;
	p2 =	por !p2, p0  }
0x20: {  	[sflag:s8] =	ssyncset.s32 @!p0 $0xFFFFF086;
	s6 =	sadd.s32 @!p0 s3, s7;
	s7 =	simm.s32 @!p0 $0x108  }
0x21: {  	s3 =	sadd.s32 s3, s9;
	s6 =	sadd.s32 @!p0 $0x88, s6;
	s7 =	simm.s32 @p2 $0x1082  }
0x22: {  	[simem:s7], [sflag:s8] =	dma.local @!p0 [hbm:s6], $0xF7A  }
0x23: {  	s9 =	sor.u32 $0xD0000000, s2;
	s6 =	simm.s32 $0x108;
	_ =	swait.ge @!p0 [sflag:s8], $0x0  }
0x24: {  	s3 =	sadd.s32 $0x88, s3;
	s6 =	simm.s32 @!p1 $0x1082;
	[sflag:s4] =	ssyncset.s32 $0xFFFFF086  }
0x25: {  	[simem:s6], [sflag:s4] =	dma.local [hbm:s3], $0xF7A  }
0x26: {  	[smem:$0x3F99] =	sst s1;
	(tag) =	ssettag s2;
	_ =	strace s9  }
0x27: {  	s1 =	sld [smem:$0x3FA9]  }
0x28: {  	s2 =	sld [smem:$0x3FAA]  }
0x29: {  	s4 =	sld [smem:$0x3FAC]  }
0x2a: {  	p0 =	seq.s32 s5, $0x0;
	s5 =	sld [smem:$0x3FAD]  }
0x2b: {  	s6 =	sld [smem:$0x3FAE]  }
0x2c: {  	s7 =	sld [smem:$0x3FAF]  }
0x2d: {  	s3 =	simm.s32 $0x108;
	s8 =	sld [smem:$0x3FB0]  }
0x2e: {  	s3 =	simm.s32 @!p0 $0x1082;
	s9 =	sld [smem:$0x3FB1]  }
0x2f: {  	lr =	sadd.s32 s0, s3;
	s0 =	sld [smem:$0x3FA8]  }
0x30: {  	s3 =	sld [smem:$0x3FAB]  }
0x31: {  	[smem:$0x3FB4] =	sst s10  }
0x32: {  	s10 =	sld [smem:$0x3FB2];
	_ =	sdelay $0x3  }
0x33: {  	p0 =	seq.s32 s10, $0x1;
	s10 =	sld [smem:$0x3FB4];
	_ =	sdelay $0x3  }
0x34: {  	[smem:$0x3FB4] =	sst s10  }
0x35: {  	s10 =	sld [smem:$0x3FB3];
	_ =	sdelay $0x3  }
0x36: {  	p1 =	seq.s32 s10, $0x1;
	s10 =	sld [smem:$0x3FB4];
	_ =	sdelay $0x3  }
0x37: {  	[smem:$0x3FB4] =	sst s10  }
0x38: {  	s10 =	sld [smem:$0x3FB5]  }
0x39: {  	_ = 	snop;
	(pc) =	sbr.ind lr, $3  }
0x3a: {  	_ = 	snop  }
0x3b: {  	_ = 	snop  }
0x3c: {  	p2 =	seq.s32 s10, $0x1;
	s10 =	sld [smem:$0x3FB4]  }
0x3d: {  	_ =	shalt  }
0x3e: {  	_ =	shalt  }
0x3f: {  	_ =	shalt  }
0x40: {  	_ =	shalt  }
0x41: {  	_ =	shalt  }
0x42: {  	_ =	shalt  }
0x43: {  	_ =	shalt  }
0x44: {  	_ =	shalt  }
0x45: {  	_ =	shalt  }
0x46: {  	_ =	shalt  }
0x47: {  	_ =	shalt  }
0x48: {  	_ =	shalt  }
0x49: {  	_ =	shalt  }
0x4a: {  	_ =	shalt  }
0x4b: {  	_ =	shalt  }
0x4c: {  	_ =	shalt  }
0x4d: {  	_ =	shalt  }
0x4e: {  	_ =	shalt  }
0x4f: {  	_ =	shalt  }
0x50: {  	_ =	shalt  }
0x51: {  	_ =	shalt  }
0x52: {  	_ =	shalt  }
0x53: {  	_ =	shalt  }
0x54: {  	_ =	shalt  }
0x55: {  	_ =	shalt  }
0x56: {  	_ =	shalt  }
0x57: {  	_ =	shalt  }
0x58: {  	_ =	shalt  }
0x59: {  	_ =	shalt  }
0x5a: {  	_ =	shalt  }
0x5b: {  	_ =	shalt  }
0x5c: {  	_ =	shalt  }
0x5d: {  	_ =	shalt  }
0x5e: {  	_ =	shalt  }
0x5f: {  	_ =	shalt  }
0x60: {  	_ =	shalt  }
0x61: {  	_ =	shalt  }
0x62: {  	_ =	shalt  }
0x63: {  	_ =	shalt  }
0x64: {  	_ =	shalt  }
0x65: {  	_ =	shalt  }
0x66: {  	_ =	shalt  }
0x67: {  	_ =	shalt  }
0x68: {  	_ =	shalt  }
0x69: {  	_ =	shalt  }
0x6a: {  	_ =	shalt  }
0x6b: {  	_ =	shalt  }
0x6c: {  	_ =	shalt  }
0x6d: {  	_ =	shalt  }
0x6e: {  	_ =	shalt  }
0x6f: {  	_ =	shalt  }
0x70: {  	_ =	shalt  }
0x71: {  	_ =	shalt  }
0x72: {  	_ =	shalt  }
0x73: {  	_ =	shalt  }
0x74: {  	_ =	shalt  }
0x75: {  	_ =	shalt  }
0x76: {  	_ =	shalt  }
0x77: {  	_ =	shalt  }
0x78: {  	_ =	shalt  }
0x79: {  	_ =	shalt  }
0x7a: {  	_ =	shalt  }
0x7b: {  	_ =	shalt  }
0x7c: {  	_ =	shalt  }
0x7d: {  	_ =	shalt  }
0x7e: {  	_ =	shalt  }
0x7f: {  	_ =	shalt  }
0x80: {  	_ =	shalt  }
0x81: {  	_ =	shalt  }
0x82: {  	_ =	shalt  }
0x83: {  	_ =	shalt  }
0x84: {  	_ =	shalt  }
0x85: {  	_ =	shalt  }
0x86: {  	_ =	shalt  }
0x87: {  	_ =	shalt  }
.Lfunc_end0:
.L_simem_size_0:
called_computation_lowered:
.L_overlay_start_0:
0x88: {  	s2 =	sld [smem:$0x3FD9]  }
0x89: {  	s3 =	sld [smem:$0x3FFE];
	_ =	sdelay $0x1  }
0x8a: {  	s1 =	srdreg.scid  }
0x8b: {  	s0 =	sand.u32 $0x1, s1  }
0x8c: {  	s17 =	sshll.u32 s0, $0xA;
	s2 =	sadd.s32 s3, s2  }
0x8d: {  	s2 =	sadd.s32 s2, s17  }
0x8e: {  	[smem:$0x3FC0] =	sst s2  }
0x8f: {  	_ = 	snop  }
0x90: {  	s2 =	sld [smem:$0x3FD0];
	(tm) =	ssettm $0x1  }
0x91: {  	s18 =	sld [smem:$0x3FFB];
	_ =	sdelay $0x3  }
0x92: {  	_ =	strace s18  }
0x93: {  	s3 =	sld [smem:$0x3FFC];
	_ =	sdelay $0x3  }
0x94: {  	_ =	strace s3  }
0x95: {  	s3 =	sld [smem:$0x3FFD];
	_ =	sdelay $0x3  }
0x96: {  	_ =	strace s3  }
0x97: {  	_ =	strace $0x8FFFFFFF  }
0x98: {  	s19 =	sld [smem:$0x3FDB];
	_ =	sdelay $0x1  }
0x99: {  	s4 =	simm.s32 $_scs_section_size  }
0x9a: {  	s5 =	simm.s32 $_size__tile_overlayer_lowered;
	s6 =	simm.s32 $_tile_overlayer_lowered  }
0x9b: {  	s22 =	simm.s32 $0x1BFF;
	s21 =	sshll.u32 s6, $0x1;
	s3 =	sadd.s32 s4, s19  }
0x9c: {  	s7 =	simm.s32 $0x0;
	s20 =	sshll.u32 s5, $0x1;
	s5 =	sadd.s32 s21, s3  }
0x9d: {  	[timem:s7], [sflag:s22] =	dma.local [hbm:s5], s20  }
0x9e: {  	_ =	swait.ge [sflag:s22], s20  }
0x9f: {  	s4 =	ssub.s32 $0x0, s20;
	[sflag:s22] =	ssyncset.done $0x0  }
0xa0: {  	[sflag:s22] =	ssyncadd.s32 s4;
	_ =	sdelay $0x1  }
0xa1: {  	s23 =	simm.s32 $0x1B8B  }
0xa2: {  	_ =	swait.ge [sflag:s23], $0x1  }
0xa3: {  	[sflag:s23] =	ssyncset.done $0x0  }
0xa4: {  	s25 =	simm.s32 $0x1B8E;
	s24 =	sld [smem:$0x3FFE];
	[sflag:s23] =	ssyncadd.s32 $0xFFFFFFFF  }
0xa5: {  	s26 =	simm.s32 $execute0_lowered;
	[smem:$0x3FD2] =	sst s25  }
0xa6: {  	s5 =	sshll.u32 s26, $0x1;
	_ =	strace $0x80000046;
	[dreg:$0x1] =	wrdreg $0xFFFFFFFF  }
0xa7: {  	s28 =	simm.s32 $_size_execute0_lowered;
	s3 =	sadd.s32 s3, s5;
	[dreg:$0x0] =	wrdreg $0x0  }
0xa8: {  	s5 =	sshll.u32 s28, $0x1;
	[dreg:$0x2] =	wrdreg s3  }
0xa9: {  	[dreg:$0x3] =	wrdreg s5  }
0xaa: {  	[dreg:$0x4] =	wrdreg $0xC0  }
0xab: {  	_ =	task [dreg:s7], $0x5FFFF  }
0xac: {  	[dreg:$0x1] =	wrdreg $0xFFFFFFFF  }
0xad: {  	[dreg:$0x0] =	wrdreg $0x60  }
0xae: {  	[dreg:$0x2] =	wrdreg s24  }
0xaf: {  	[dreg:$0x3] =	wrdreg s2  }
0xb0: {  	[dreg:$0x4] =	wrdreg $0x9  }
0xb1: {  	_ =	task.clear_ibuf [dreg:s7], $0x5FFFF;
	_ =	strace $0x90000046  }
0xb2: {  	s29 =	simm.s32 $0x9;
	_ =	strace $0x80000048  }
0xb3: {  	_ =	swait.ge [sflag:s29], $0x1  }
0xb4: {  	[sflag:s29] =	ssyncadd.s32 $0xFFFFFFFF  }
0xb5: {  	_ =	strace $0x90000048  }
0xb6: {  	_ =	sfence  }
0xb7: {  	s30 =	sld [smem:$0x0];
	_ =	sdelay $0x2  }
0xb8: {  	s31 =	sshll.u32 s1, $0xD;
	s1 =	sshrl.u32 s1, $0x2  }
0xb9: {  	s3 =	sand.u32 $0x4000, s31;
	s1 =	sadd.s32 s1, s30  }
0xba: {  	s0 =	sor.u32 s3, s0;
	s1 =	sshll.u32 s1, $0x11  }
0xbb: {  	s0 =	sor.u32 s1, s0  }
0xbc: {  	s0 =	sadd.s32 $0x8F2B, s0  }
0xbd: {  	[sflag:s0] =	ssyncadd.remote.s32 $0x1  }
0xbe: {  	_ =	sfence.sel $0xFFFF  }
0xbf: {  	[dreg:$0x0] =	wrdreg $0xFFFFFFFF;
	(pc) =	sbr.abs _section_cstart, $3  }
0xc0: {  	[dreg:$0x1] =	wrdreg $0xFFFFFFFF  }
0xc1: {  	_ =	task.clear_ibuf [dreg:s7], $0x2FFFF;
	_ =	strace $0x9FFFFFFF  }
0xc2: {  	(tm) =	ssettm $0x7FFFFFFF  }
0xc3: {  	_ =	shalt  }
tec
execute0_lowered:
.L_overlay_start_1:
0x0: {  	(tag) =	ssettag $0x1  }
0x1: {  	s0 =	rddreg [dreg:$0x0]  }
0x2: {  	s2 =	rddreg [dreg:$0x1];
	s3 =	simm.s32 $0x0;
	s1 =	srdreg.scid  }
0x3: {  	s4 =	stileid.u32;
	s19 =	simm.s32 $0x7;
	s20 =	simm.s32 $0x190  }
0x4: {  	s22 =	simm.s32 $0x5;
	s29 =	simm.s32 $0x1;
	s30 =	simm.s32 $0x2  }
0x5: {  	s31 =	simm.s32 $0x6;
	s18 =	simm.s32 $0x68B0;
	[smem:$0x7FF] =	sst s3  }
0x6: {  	s1 =	sand.u32 $0x1, s1;
	s4 =	sshll.u32 s4, $0x1;
	s5 =	sadd.s32 $0x14800, s0  }
0x7: {  	s7 =	sadd.s32 $0x28400, s0;
	s8 =	sadd.s32 $0x1E600, s0;
	s9 =	sadd.s32 $0xC00, s0  }
0x8: {  	s6 =	sor.u32 s1, s4;
	s4 =	sadd.s32 $0xAA00, s0;
	s1 =	ssub.s32 $0x2, s1  }
0x9: {  	s0 =	sadd.s32 $0x32200, s0;
	s6 =	smul.u32 $0x2710, s6;
	s10 =	sshrl.u32 s1, $0x1  }
0xa: {  	_ =	strace $0x80000047;
	[dreg:$0x3] =	wrdreg s0;
	s23 =	ssub.s32 s1, s10  }
0xb: {  	s10 =	simm.s32 $0x3;
	s11 =	sshrl.u32 s6, $0x3;
	s0 =	smax.u32 s23, $0x1  }
0xc: {  	s14 =	sadd.s32 $0x190, s6;
	s24 =	sadd.s32 s7, s11;
	[dreg:$0x8] =	wrdreg s0  }
0xd: {  	vm0 =	vmmov $0x1;
	vm1 =	vmmov $0x3;
	vm2 =	vmmov $0x7;
	s15 =	sadd.s32 $0x320, s6;
	s25 =	sadd.s32 s8, s11;
	[dreg:$0x4] =	wrdreg s24  }
0xe: {  	vm3 =	vmmov $0xf;
	vm4 =	vmmov $0x1f;
	vm5 =	vmmov $0x3f;
	s23 =	simm.s32 $0x320;
	s26 =	sadd.s32 s9, s11;
	[dreg:$0x5] =	wrdreg s25  }
0xf: {  	vm6 =	vmmov $0x7f;
	vm7 =	vmmov $0xff;
	vm8 =	vmmov $0x1ff;
	s28 =	sadd.s32 s2, s11;
	s11 =	simm.s32 $0x4;
	[dreg:$0x6] =	wrdreg s26  }
0x10: {  	vm9 =	vmmov $0x3ff;
	vm10 =	vmmov $0x7ff;
	vm11 =	vmmov $0xfff;
	s1 =	sadd.s32 $0x4B0, s28;
	s24 =	simm.s32 $0x3520;
	s25 =	simm.s32 $0x6A40  }
0x11: {  	vm12 =	vmmov $0x1fff;
	vm13 =	vmmov $0x3fff;
	vm14 =	vmmov $0x7fff;
	s26 =	simm.s32 $0x6BD0;
	[dreg:$0x7] =	wrdreg s1;
	s1 =	simm.s32 $0x0  }
.LBB2_1:
0x12: {  	[dreg:$0x9] =	wrdreg s1  }
0x13: {  	s0 =	rddreg [dreg:$0x3];
	s13 =	simm.s32 $0xD480  }
0x14: {  	[tilespmem:s13], [sflag:$0x7] =	stream.linear.gather [hbm4b:s0+s3], $0x48, $0x38;
	[tilespmem:$0xD4C8] =	vst v63  }
0x15: {  	_ =	swait.ge [sflag:s19], $0x48  }
0x16: {  	[sflag:s19] =	ssyncset.done $0x0  }
0x17: {  	[sflag:s19] =	ssyncadd.s32 $0xFFFFFFB8  }
0x18: {  	v4 =	vld [tilespmem:$0xD480]  }
0x19: {  	v3 =	vld [tilespmem:$0xD490]  }
0x1a: {  	v1 =	vld [tilespmem:$0xD4A0]  }
0x1b: {  	s16 =	rddreg [dreg:$0x4];
	v2 =	vld [tilespmem:$0xD4B0]  }
0x1c: {  	v0 =	vld [tilespmem:$0xD4B8];
	[tilespmem:s3], [sflag:$0x5] =	stream.linear.gather [hbm4b:s16+s3], $0x190, $0x38  }
0x1d: {  	s17 =	rddreg [dreg:$0x5]  }
0x1e: {  	[tilespmem:s20], [sflag:$0x5] =	stream.linear.gather [hbm4b:s17+s3], $0x190, $0x38;
	[tilespmem:$0xD4C8] =	vst v63  }
0x1f: {  	s28 =	simm.s32 $0x6720;
	s21 =	rddreg [dreg:$0x6]  }
0x20: {  	[tilespmem:s28], [sflag:$0x5] =	stream.linear.gather [hbm4b:s21+s3], $0x190, $0x38;
	[tilespmem:$0xD4C8] =	vst v63  }
0x21: {  	_ =	swait.ge [sflag:s22], $0x190  }
0x22: {  	[sflag:s22] =	ssyncset.done $0x0  }
0x23: {  	[sflag:s22] =	ssyncadd.s32 $0xFFFFFE70  }
0x24: {  	_ =	swait.ge [sflag:s22], $0x190  }
0x25: {  	[sflag:s22] =	ssyncset.done $0x0  }
0x26: {  	[sflag:s22] =	ssyncadd.s32 $0xFFFFFE70  }
0x27: {  	_ =	swait.ge [sflag:s22], $0x190  }
0x28: {  	[sflag:s22] =	ssyncset.done $0x0  }
0x29: {  	[sflag:s22] =	ssyncadd.s32 $0xFFFFFE70  }
0x2a: {  	[tilespmem:s23], [sflag:$0x1] =	stream.indirect.gather [hbm4b:s4+s20], $0x20, s3, s20, $0xb8;
	[tilespmem:$0xD4C8] =	vst v63  }
0x2b: {  	s16 =	simm.s32 $0x0  }
0x2c: {  	v0 =	vbroadcast v0, $0x8;
	[tilespmem:s24], [sflag:$0x2] =	stream.indirect.gather [hbm4b:s5+s20], $0x20, s20, s20, $0xb8;
	[tilespmem:$0xD4C8] =	vst v63  }
.LBB2_2:
0x2d: {  	s13 =	smul.u32 $0x320, s16;
	_ =	sdelay $0x1  }
0x2e: {  	s0 =	sadd.s32 s13, s14  }
0x2f: {  	s17 =	sshrl.u32 s0, $0x3  }
0x30: {  	s28 =	simm.s32 $0x0;
	s0 =	sadd.s32 s7, s17  }
0x31: {  	[tilespmem:s25], [sflag:$0x6] =	stream.linear.gather [hbm4b:s0+s28], $0x190, $0x38;
	[tilespmem:$0xD4C8] =	vst v63  }
0x32: {  	s12 =	sadd.s32 s8, s17  }
0x33: {  	[tilespmem:s26], [sflag:$0x6] =	stream.linear.gather [hbm4b:s12+s28], $0x190, $0x38;
	[tilespmem:$0xD4C8] =	vst v63  }
0x34: {  	s1 =	simm.s32 $0xD160;
	s21 =	sadd.s32 s9, s17  }
0x35: {  	[tilespmem:s1], [sflag:$0x6] =	stream.linear.gather [hbm4b:s21+s28], $0x190, $0x38;
	[tilespmem:$0xD4C8] =	vst v63  }
0x36: {  	_ =	swait.ge [sflag:s29], $0x3200  }
0x37: {  	[sflag:s29] =	ssyncset.done $0x0  }
0x38: {  	[sflag:s29] =	ssyncadd.s32 $0xFFFFCE00  }
0x39: {  	_ =	swait.ge [sflag:s30], $0x3200  }
0x3a: {  	[sflag:s30] =	ssyncset.done $0x0  }
0x3b: {  	[sflag:s30] =	ssyncadd.s32 $0xFFFFCE00  }
0x3c: {  	_ =	swait.ge [sflag:s31], $0x190  }
0x3d: {  	[sflag:s31] =	ssyncset.done $0x0  }
0x3e: {  	[sflag:s31] =	ssyncadd.s32 $0xFFFFFE70  }
0x3f: {  	_ =	swait.ge [sflag:s31], $0x190  }
0x40: {  	[sflag:s31] =	ssyncset.done $0x0  }
0x41: {  	[sflag:s31] =	ssyncadd.s32 $0xFFFFFE70  }
0x42: {  	_ =	swait.ge [sflag:s31], $0x190  }
0x43: {  	[sflag:s31] =	ssyncset.done $0x0  }
0x44: {  	s12 =	simm.s32 $0x6D60;
	[sflag:s31] =	ssyncadd.s32 $0xFFFFFE70  }
0x45: {  	[tilespmem:s12], [sflag:$0x3] =	stream.indirect.gather [hbm4b:s4+s20], $0x20, s25, s20, $0xb8;
	[tilespmem:$0xD4C8] =	vst v63  }
0x46: {  	s0 =	simm.s32 $0x420;
	s21 =	simm.s32 $0x9F60  }
0x47: {  	[tilespmem:s21], [sflag:$0x4] =	stream.indirect.gather [hbm4b:s5+s20], $0x20, s26, s20, $0xb8;
	[tilespmem:$0xD4C8] =	vst v63  }
0x48: {  	s1 =	simm.s32 $0x3620;
	v5 =	vld [tilespmem:s0+$0xE0]  }
0x49: {  	v6 =	vld [tilespmem:s1+$0xE0]  }
0x4a: {  	v7 =	vld [tilespmem:s0+$0xC0]  }
0x4b: {  	v12 =	vld [tilespmem:s1+$0xD0]  }
0x4c: {  	v16 =	vld [tilespmem:s1+$0xA0]  }
0x4d: {  	v17 =	vld [tilespmem:s1+$0x80]  }
0x4e: {  	v21 =	vld [tilespmem:s1+$0x90]  }
0x4f: {  	v33 =	vld [tilespmem:s0+$0xFFFFFFE0]  }
0x50: {  	v37 =	vld [tilespmem:s1+$0xFFFFFFD0]  }
0x51: {  	v8 =	vld [tilespmem:s1+$0xC0];
	v10 =	vunpack.i.l.bf16.f32 v5;
	v11 =	vunpack.i.l.bf16.f32 v6  }
0x52: {  	v9 =	vld [tilespmem:s0+$0xD0];
	v6 =	vunpack.i.u.bf16.f32 v6;
	v13 =	vunpack.i.u.bf16.f32 v7;
	v7 =	vunpack.i.l.bf16.f32 v7  }
0x53: {  	v50 =	vld [tilespmem:s0+$0xFFFFFFB0];
	v15 =	vunpack.i.u.bf16.f32 v12;
	v12 =	vunpack.i.l.bf16.f32 v12;
	v19 =	vunpack.i.l.bf16.f32 v16  }
0x54: {  	v52 =	vld [tilespmem:s1+$0xFFFFFFB0];
	v16 =	vunpack.i.u.bf16.f32 v16;
	v20 =	vunpack.i.l.bf16.f32 v17;
	v22 =	vunpack.i.u.bf16.f32 v21  }
0x55: {  	v58 =	vld [tilespmem:s1+$0xFFFFFFF0];
	v21 =	vunpack.i.l.bf16.f32 v21;
	v48 =	vunpack.i.l.bf16.f32 v33;
	v49 =	vunpack.i.l.bf16.f32 v37  }
0x56: {  	v59 =	vld [tilespmem:s0+$0xFFFFFF80];
	v51 =	vunpack.i.u.bf16.f32 v37;
	v10 =	vadd.f32 v11, v10;
	v11 =	vunpack.i.u.bf16.f32 v5  }
0x57: {  	v6 =	vadd.f32 v6, v11;
	v11 =	vunpack.i.u.bf16.f32 v8;
	v8 =	vunpack.i.l.bf16.f32 v8  }
0x58: {  	v55 =	vunpack.i.u.bf16.f32 v50;
	v5 =	vmax.f32 v10, $0.0e+00;
	v7 =	vadd.f32 v8, v7  }
0x59: {  	v10 =	vld [tilespmem:s0+$0xF0];
	v8 =	vadd.f32 v11, v13;
	v11 =	vunpack.i.u.bf16.f32 v9;
	v9 =	vunpack.i.l.bf16.f32 v9  }
0x5a: {  	v56 =	vunpack.i.u.bf16.f32 v52;
	v62 =	vunpack.i.l.bf16.f32 v58;
	v13 =	vld [tilespmem:s1+$0xF0];
	v9 =	vadd.f32 v12, v9  }
0x5b: {  	v14 =	vld [tilespmem:s0+$0xA0];
	v63 =	vunpack.i.u.bf16.f32 v59;
	v11 =	vadd.f32 v15, v11;
	v7 =	vmax.f32 v7, $0.0e+00  }
0x5c: {  	v12 =	vld [tilespmem:s0+$0x80];
	v8 =	vmax.f32 v8, $0.0e+00;
	v15 =	vmul.f32 v7, v4;
	v9 =	vmax.f32 v9, $0.0e+00  }
0x5d: {  	v8 =	vmul.f32 v8, v3;
	v11 =	vmax.f32 v11, $0.0e+00;
	v18 =	vmul.f32 v9, v1  }
0x5e: {  	v11 =	vmul.f32 v11, v2;
	v7 =	vunpack.i.u.bf16.f32 v10;
	v9 =	vunpack.i.l.bf16.f32 v10  }
0x5f: {  	v15 =	vadd.f32 v15, v8;
	v8 =	vunpack.i.u.bf16.f32 v13;
	v10 =	vunpack.i.l.bf16.f32 v13  }
0x60: {  	v44 =	vld [tilespmem:s1+$0xFFFFFF90];
	v13 =	vunpack.i.l.bf16.f32 v14;
	v14 =	vunpack.i.u.bf16.f32 v14;
	v11 =	vadd.f32 v18, v11  }
0x61: {  	v18 =	vld [tilespmem:s0+$0x90];
	v13 =	vadd.f32 v19, v13;
	v19 =	vunpack.i.l.bf16.f32 v12;
	v14 =	vadd.f32 v16, v14  }
0x62: {  	v12 =	vunpack.i.u.bf16.f32 v12;
	v16 =	vunpack.i.u.bf16.f32 v17;
	v17 =	vadd.f32 v20, v19  }
0x63: {  	v19 =	vld [tilespmem:s0+$0xB0];
	v16 =	vadd.f32 v16, v12;
	v12 =	vmax.f32 v13, $0.0e+00;
	v23 =	vadd.f32 v11, v15  }
0x64: {  	v13 =	vmax.f32 v17, $0.0e+00;
	v11 =	vmul.f32 v12, v4;
	v12 =	vmax.f32 v14, $0.0e+00;
	v14 =	vld [tilespmem:s0+$0x60]  }
0x65: {  	v57 =	vadd.f32 v56, v55;
	v56 =	vunpack.i.l.bf16.f32 v44;
	v17 =	vld [tilespmem:s1+$0x60];
	v15 =	vmul.f32 v13, v4  }
0x66: {  	v13 =	vmax.f32 v16, $0.0e+00;
	v16 =	vunpack.i.u.bf16.f32 v18;
	v18 =	vunpack.i.l.bf16.f32 v18  }
0x67: {  	v24 =	vld [tilespmem:s0+$0x70];
	v25 =	vmul.f32 v13, v3;
	v18 =	vadd.f32 v21, v18;
	v16 =	vadd.f32 v22, v16  }
0x68: {  	v60 =	vmax.f32 v57, $0.0e+00;
	v21 =	vld [tilespmem:s1+$0x70];
	v13 =	vunpack.i.u.bf16.f32 v19;
	v19 =	vunpack.i.l.bf16.f32 v19  }
0x69: {  	v15 =	vadd.f32 v15, v25;
	v18 =	vmax.f32 v18, $0.0e+00;
	v16 =	vmax.f32 v16, $0.0e+00  }
0x6a: {  	v25 =	vunpack.i.u.bf16.f32 v14;
	v14 =	vunpack.i.l.bf16.f32 v14;
	v26 =	vunpack.i.u.bf16.f32 v17  }
0x6b: {  	v20 =	vld [tilespmem:s1+$0xB0];
	v17 =	vunpack.i.l.bf16.f32 v17;
	v18 =	vmul.f32 v18, v1;
	v16 =	vmul.f32 v16, v2  }
0x6c: {  	v14 =	vadd.f32 v17, v14;
	v17 =	vadd.f32 v26, v25;
	v25 =	vunpack.i.u.bf16.f32 v24  }
0x6d: {  	v26 =	vld [tilespmem:s0+$0x40];
	v24 =	vunpack.i.l.bf16.f32 v24;
	v27 =	vunpack.i.u.bf16.f32 v21;
	v21 =	vunpack.i.l.bf16.f32 v21  }
0x6e: {  	v28 =	vld [tilespmem:s1+$0x40];
	v14 =	vmax.f32 v14, $0.0e+00;
	v16 =	vadd.f32 v18, v16;
	v21 =	vadd.f32 v21, v24  }
0x6f: {  	v24 =	vadd.f32 v27, v25;
	v25 =	vld [tilespmem:s0+$0x20];
	v27 =	vmul.f32 v14, v4;
	v14 =	vmax.f32 v17, $0.0e+00  }
0x70: {  	v22 =	vunpack.i.l.bf16.f32 v20;
	v17 =	vld [tilespmem:s1+$0x20];
	v18 =	vmul.f32 v14, v3;
	v30 =	vadd.f32 v16, v15  }
0x71: {  	v15 =	vunpack.i.u.bf16.f32 v20;
	v14 =	vmax.f32 v21, $0.0e+00;
	v21 =	vmax.f32 v24, $0.0e+00  }
0x72: {  	v16 =	vunpack.i.l.bf16.f32 v26;
	v24 =	vmul.f32 v14, v1;
	v21 =	vmul.f32 v21, v2  }
0x73: {  	v46 =	vld [tilespmem:s0+$0xFFFFFF50];
	v14 =	vadd.f32 v22, v19;
	v18 =	vadd.f32 v27, v18;
	v19 =	vunpack.i.l.bf16.f32 v28  }
0x74: {  	v20 =	vld [tilespmem:s0+$0x50];
	v16 =	vadd.f32 v19, v16;
	v21 =	vadd.f32 v24, v21;
	v24 =	vunpack.i.u.bf16.f32 v26  }
0x75: {  	v22 =	vld [tilespmem:s0+$0x30];
	v26 =	vunpack.i.u.bf16.f32 v28;
	v19 =	vunpack.i.l.bf16.f32 v25;
	v27 =	vunpack.i.l.bf16.f32 v17  }
0x76: {  	v28 =	vld [tilespmem:s1+$0x30];
	v25 =	vunpack.i.u.bf16.f32 v25;
	v17 =	vunpack.i.u.bf16.f32 v17;
	v24 =	vadd.f32 v26, v24  }
0x77: {  	v19 =	vadd.f32 v27, v19;
	v25 =	vadd.f32 v17, v25;
	v16 =	vmax.f32 v16, $0.0e+00  }
0x78: {  	(xrf2) =	vadd.scan.msk.f32 $0xffff, v23;
	v23 =	vunpack.i.u.bf16.f32 v46;
	v26 =	vld [tilespmem:s1+$0x50];
	v27 =	vadd.f32 v21, v18;
	v16 =	vmul.f32 v16, v4  }
0x79: {  	v21 =	vld [tilespmem:s0+$0x0];
	v18 =	vmax.f32 v19, $0.0e+00;
	v17 =	vmax.f32 v24, $0.0e+00;
	v24 =	vmax.f32 v25, $0.0e+00  }
0x7a: {  	v29 =	vunpack.i.l.bf16.f32 v22;
	v22 =	vunpack.i.u.bf16.f32 v22;
	v19 =	vmul.f32 v18, v4  }
0x7b: {  	v25 =	vld [tilespmem:s1+$0x0];
	v18 =	vunpack.i.u.bf16.f32 v20;
	v24 =	vmul.f32 v24, v3;
	v31 =	vunpack.i.l.bf16.f32 v28  }
0x7c: {  	v32 =	vld [tilespmem:s0+$0x10];
	v20 =	vunpack.i.l.bf16.f32 v20;
	v28 =	vunpack.i.u.bf16.f32 v28;
	v29 =	vadd.f32 v31, v29  }
0x7d: {  	v31 =	vld [tilespmem:s1+$0x10];
	v22 =	vadd.f32 v28, v22;
	v28 =	vunpack.i.l.bf16.f32 v26;
	v24 =	vadd.f32 v19, v24  }
0x7e: {  	v19 =	vadd.f32 v28, v20;
	v20 =	vunpack.i.u.bf16.f32 v21;
	v29 =	vmax.f32 v29, $0.0e+00  }
0x7f: {  	v21 =	vunpack.i.l.bf16.f32 v21;
	v22 =	vmax.f32 v22, $0.0e+00;
	v28 =	vmul.f32 v29, v1  }
0x80: {  	v42 =	vld [tilespmem:s1+$0xFFFFFF60];
	v29 =	vunpack.i.u.bf16.f32 v25;
	v25 =	vunpack.i.l.bf16.f32 v25;
	v22 =	vmul.f32 v22, v2  }
0x81: {  	v21 =	vadd.f32 v25, v21;
	v20 =	vadd.f32 v29, v20;
	v25 =	vunpack.i.u.bf16.f32 v32  }
0x82: {  	v29 =	vld [tilespmem:s1+$0xFFFFFFE0];
	v32 =	vunpack.i.l.bf16.f32 v32;
	v34 =	vunpack.i.u.bf16.f32 v31;
	v31 =	vunpack.i.l.bf16.f32 v31  }
0x83: {  	v47 =	vld [tilespmem:s0+$0xFFFFFFC0];
	v22 =	vadd.f32 v28, v22;
	v21 =	vmax.f32 v21, $0.0e+00;
	v31 =	vadd.f32 v31, v32  }
0x84: {  	v35 =	vld [tilespmem:s1+$0xFFFFFFC0];
	v25 =	vadd.f32 v34, v25;
	v20 =	vmax.f32 v20, $0.0e+00;
	v32 =	vunpack.i.l.bf16.f32 v52  }
0x85: {  	v40 =	vld [tilespmem:s1+$0xFFFFFF80];
	v52 =	vunpack.i.u.bf16.f32 v42;
	v21 =	vmul.f32 v21, v4;
	v20 =	vmul.f32 v20, v3  }
0x86: {  	v34 =	vadd.f32 v22, v24;
	v31 =	vmax.f32 v31, $0.0e+00;
	v25 =	vmax.f32 v25, $0.0e+00  }
0x87: {  	v57 =	vld [tilespmem:s1+$0xFFFFFF40];
	v31 =	vmul.f32 v31, v1;
	v36 =	vunpack.i.l.bf16.f32 v29;
	v21 =	vadd.f32 v21, v20  }
0x88: {  	v28 =	vld [tilespmem:s0+$0xFFFFFFD0];
	v20 =	vunpack.i.u.bf16.f32 v26;
	v26 =	vunpack.i.u.bf16.f32 v33;
	v29 =	vunpack.i.u.bf16.f32 v29  }
0x89: {  	v25 =	vmul.f32 v25, v2;
	v36 =	vadd.f32 v36, v48;
	v24 =	vadd.f32 v29, v26  }
0x8a: {  	v61 =	vld [tilespmem:s0+$0xFFFFFF60];
	v26 =	vunpack.i.l.bf16.f32 v35;
	v29 =	vunpack.i.u.bf16.f32 v47;
	v48 =	vunpack.i.l.bf16.f32 v40  }
0x8b: {  	v25 =	vadd.f32 v31, v25;
	v31 =	vunpack.i.u.bf16.f32 v35;
	v35 =	vunpack.i.l.bf16.f32 v50  }
0x8c: {  	v50 =	vunpack.i.l.bf16.f32 v42;
	v42 =	vunpack.i.u.bf16.f32 v57;
	v22 =	vmax.f32 v36, $0.0e+00  }
0x8d: {  	v29 =	vadd.f32 v31, v29;
	v31 =	vunpack.i.l.bf16.f32 v28;
	v28 =	vunpack.i.u.bf16.f32 v28  }
0x8e: {  	v33 =	vadd.f32 v25, v21;
	v25 =	vunpack.i.l.bf16.f32 v47;
	v21 =	vmul.f32 v22, v4;
	v22 =	vld [tilespmem:s0+$0xFFFFFFA0]  }
0x8f: {  	v32 =	vadd.f32 v32, v35;
	v35 =	vunpack.i.u.bf16.f32 v61;
	v25 =	vadd.f32 v26, v25;
	v26 =	vld [tilespmem:s1+$0xFFFFFFA0]  }
0x90: {  	v31 =	vadd.f32 v49, v31;
	v28 =	vadd.f32 v51, v28;
	v47 =	vunpack.i.u.bf16.f32 v40  }
0x91: {  	v49 =	vunpack.i.l.bf16.f32 v61;
	v35 =	vadd.f32 v52, v35;
	v29 =	vmax.f32 v29, $0.0e+00  }
0x92: {  	v51 =	vld [tilespmem:s1+$0xFFFFFF70];
	v61 =	vunpack.i.l.bf16.f32 v57;
	v29 =	vmul.f32 v29, v3;
	v31 =	vmax.f32 v31, $0.0e+00  }
0x93: {  	v38 =	vld [tilespmem:s0+$0xFFFFFFF0];
	v28 =	vmax.f32 v28, $0.0e+00;
	v25 =	vmax.f32 v25, $0.0e+00;
	v53 =	vunpack.i.u.bf16.f32 v22  }
0x94: {  	v22 =	vunpack.i.l.bf16.f32 v22;
	v54 =	vunpack.i.u.bf16.f32 v26;
	v26 =	vunpack.i.l.bf16.f32 v26  }
0x95: {  	v35 =	vmax.f32 v35, $0.0e+00;
	v25 =	vmul.f32 v25, v4;
	v22 =	vadd.f32 v26, v22  }
0x96: {  	v31 =	vmul.f32 v31, v1;
	v35 =	vmul.f32 v35, v3;
	v26 =	vadd.f32 v54, v53  }
0x97: {  	v40 =	vunpack.i.l.bf16.f32 v51;
	v29 =	vadd.f32 v25, v29;
	v53 =	vld [tilespmem:s0+$0xFFFFFF40];
	v22 =	vmax.f32 v22, $0.0e+00  }
0x98: {  	v25 =	vunpack.i.u.bf16.f32 v38;
	v39 =	vmul.f32 v22, v4;
	v22 =	vmax.f32 v26, $0.0e+00  }
0x99: {  	v26 =	vmul.f32 v28, v2;
	v28 =	vmul.f32 v22, v3;
	v22 =	vmax.f32 v32, $0.0e+00  }
0x9a: {  	v32 =	vmul.f32 v60, v2;
	v41 =	vmul.f32 v22, v1;
	v22 =	vmax.f32 v24, $0.0e+00  }
0x9b: {  	v31 =	vadd.f32 v31, v26;
	v24 =	vunpack.i.l.bf16.f32 v38;
	v26 =	vunpack.i.u.bf16.f32 v58  }
0x9c: {  	v38 =	vadd.f32 v50, v49;
	v36 =	vunpack.i.u.bf16.f32 v53;
	v28 =	vadd.f32 v39, v28  }
0x9d: {  	v60 =	vunpack.i.l.bf16.f32 v53;
	v24 =	vadd.f32 v62, v24;
	v36 =	vadd.f32 v42, v36  }
0x9e: {  	v50 =	vunpack.i.l.bf16.f32 v46;
	v32 =	vadd.f32 v41, v32;
	v45 =	vadd.f32 v31, v29;
	v29 =	vld [tilespmem:s0+$0xFFFFFF70]  }
0x9f: {  	v41 =	vld [tilespmem:s0+$0xFFFFFF90];
	v31 =	vunpack.i.l.bf16.f32 v59;
	v54 =	vmax.f32 v38, $0.0e+00;
	v38 =	vadd.f32 v61, v60  }
0xa0: {  	v31 =	vadd.f32 v48, v31;
	v37 =	vmul.f32 v54, v4;
	v36 =	vmax.f32 v36, $0.0e+00  }
0xa1: {  	(xrf2) =	vadd.scan.msk.f32 $0xffff, v30;
	v48 =	vld [tilespmem:s1+$0xFFFFFF50];
	v28 =	vadd.f32 v32, v28;
	v32 =	vadd.f32 v47, v63;
	v30 =	vmax.f32 v38, $0.0e+00  }
0xa2: {  	v62 =	vld [tilespmem:s0+$0xFFFFFF00];
	v47 =	vunpack.i.u.bf16.f32 v51;
	v36 =	vmul.f32 v36, v3;
	v30 =	vmul.f32 v30, v4  }
0xa3: {  	v54 =	vld [tilespmem:s0+$0xFFFFFF10];
	v31 =	vmax.f32 v31, $0.0e+00;
	v43 =	vunpack.i.u.bf16.f32 v29;
	v29 =	vunpack.i.l.bf16.f32 v29  }
0xa4: {  	v63 =	vld [tilespmem:s1+$0xFFFFFF00];
	v55 =	vunpack.i.l.bf16.f32 v41;
	v36 =	vadd.f32 v30, v36;
	v40 =	vadd.f32 v40, v29  }
0xa5: {  	v43 =	vadd.f32 v47, v43;
	v29 =	vmul.f32 v31, v4;
	v31 =	vmax.f32 v32, $0.0e+00  }
0xa6: {  	v32 =	vadd.f32 v56, v55;
	v47 =	vadd.f32 v37, v35;
	v52 =	vunpack.i.u.bf16.f32 v48  }
0xa7: {  	v51 =	vunpack.i.l.bf16.f32 v48;
	v55 =	vunpack.i.l.bf16.f32 v62;
	v23 =	vadd.f32 v52, v23  }
0xa8: {  	(xrf2) =	vadd.scan.msk.f32 $0xffff, v27;
	v57 =	vld [tilespmem:s1+$0xFFFFFF10];
	v60 =	vunpack.i.u.bf16.f32 v54;
	v61 =	vunpack.i.l.bf16.f32 v54;
	v42 =	vadd.f32 v51, v50  }
0xa9: {  	v56 =	vunpack.i.l.bf16.f32 v63;
	v39 =	vunpack.i.u.bf16.f32 v63;
	v23 =	vmax.f32 v23, $0.0e+00  }
0xaa: {  	v58 =	vmax.f32 v40, $0.0e+00;
	v59 =	vmax.f32 v43, $0.0e+00;
	v23 =	vmul.f32 v23, v2  }
0xab: {  	(xrf2) =	vadd.scan.msk.f32 $0xffff, v34;
	v40 =	vunpack.i.u.bf16.f32 v62;
	v35 =	vmul.f32 v58, v1;
	v53 =	vmax.f32 v42, $0.0e+00  }
0xac: {  	v37 =	vmul.f32 v59, v2;
	v39 =	vadd.f32 v39, v40;
	v38 =	vmul.f32 v53, v1  }
0xad: {  	v63 =	vunpack.i.l.bf16.f32 v57;
	v43 =	vadd.f32 v56, v55;
	v62 =	vunpack.i.u.bf16.f32 v57  }
0xae: {  	v58 =	vadd.f32 v35, v37;
	v27 =	vmax.f32 v39, $0.0e+00;
	v37 =	vld [tilespmem:s0+$0xFFFFFF20];
	v49 =	vadd.f32 v38, v23;
	v23, _, _ =	vpop (xrf2);
	(xrf2) =	vadd.scan.msk.f32 $0xffff, v33  }
0xaf: {  	v42 =	vadd.f32 v63, v61;
	v59 =	vmax.f32 v43, $0.0e+00;
	v43 =	vadd.f32 v62, v60;
	v38 =	vld [tilespmem:s1+$0xFFFFFF20]  }
0xb0: {  	v35 =	vunpack.i.u.bf16.f32 v41;
	v30 =	vmul.f32 v59, v4;
	v39 =	vld [tilespmem:s0+$0xFFFFFF30];
	v41 =	vmul.f32 v27, v3  }
0xb1: {  	s12 =	simm.s32 $0x40;
	v34 =	vunpack.i.u.bf16.f32 v44;
	v40 =	vld [tilespmem:s1+$0xFFFFFF30];
	v33 =	vadd.f32 v49, v36;
	v36 =	vadd.f32 v58, v47;
	v27, _, _ =	vpop (xrf2);
	(xrf2) =	vadd.scan.msk.f32 $0xffff, v45  }
.LBB2_3:
0xb2: {  	p0 =	sne.s32 s12, $0x600;
	v41 =	vadd.f32 v30, v41;
	v42 =	vmax.f32 v42, $0.0e+00;
	v43 =	vmax.f32 v43, $0.0e+00;
	v30, _, _ =	vpop (xrf2)  }
0xb3: {  	v42 =	vmul.f32 v42, v1;
	v43 =	vmul.f32 v43, v2;
	v44 =	vunpack.i.u.bf16.f32 v37  }
0xb4: {  	v37 =	vunpack.i.l.bf16.f32 v37;
	v45 =	vunpack.i.u.bf16.f32 v38;
	v38 =	vunpack.i.l.bf16.f32 v38;
	(xrf2) =	vadd.scan.msk.f32 $0xffff, v28  }
0xb5: {  	v37 =	vadd.f32 v38, v37;
	v38 =	vadd.f32 v45, v44;
	v44 =	vunpack.i.u.bf16.f32 v39;
	v28, _, _ =	vpop (xrf2)  }
0xb6: {  	v39 =	vunpack.i.l.bf16.f32 v39;
	v45 =	vunpack.i.u.bf16.f32 v40;
	v40 =	vunpack.i.l.bf16.f32 v40  }
0xb7: {  	v37 =	vmax.f32 v37, $0.0e+00;
	v39 =	vadd.f32 v40, v39;
	v40 =	vadd.f32 v45, v44;
	(xrf2) =	vadd.scan.msk.f32 $0xffff, v36  }
0xb8: {  	v36 =	vadd.f32 v42, v43;
	v38 =	vmax.f32 v38, $0.0e+00;
	v37 =	vmul.f32 v37, v4;
	v42, _, _ =	vpop (xrf2)  }
0xb9: {  	v38 =	vmul.f32 v38, v3;
	v39 =	vmax.f32 v39, $0.0e+00;
	v40 =	vmax.f32 v40, $0.0e+00  }
0xba: {  	v34 =	vadd.f32 v34, v35;
	v39 =	vmul.f32 v39, v1;
	v40 =	vmul.f32 v40, v2;
	(xrf2) =	vadd.scan.msk.f32 $0xffff, v33  }
0xbb: {  	v31 =	vmul.f32 v31, v3;
	v32 =	vmax.f32 v32, $0.0e+00;
	v41 =	vadd.f32 v36, v41;
	v35, _, _ =	vpop (xrf2)  }
0xbc: {  	v34 =	vmax.f32 v34, $0.0e+00;
	v36 =	vadd.f32 v37, v38;
	v37 =	vadd.f32 v39, v40  }
0xbd: {  	v25 =	vadd.f32 v26, v25;
	v32 =	vmul.f32 v32, v1;
	v34 =	vmul.f32 v34, v2;
	(xrf2) =	vadd.scan.msk.f32 $0xffff, v41  }
0xbe: {  	v22 =	vmul.f32 v22, v3;
	v24 =	vmax.f32 v24, $0.0e+00;
	v36 =	vadd.f32 v37, v36;
	v33, _, _ =	vpop (xrf2)  }
0xbf: {  	v29 =	vadd.f32 v29, v31;
	v25 =	vmax.f32 v25, $0.0e+00;
	v31 =	vadd.f32 v32, v34  }
0xc0: {  	v18 =	vadd.f32 v20, v18;
	v24 =	vmul.f32 v24, v1;
	v25 =	vmul.f32 v25, v2;
	(xrf2) =	vadd.scan.msk.f32 $0xffff, v36  }
0xc1: {  	v17 =	vmul.f32 v17, v3;
	v19 =	vmax.f32 v19, $0.0e+00;
	v29 =	vadd.f32 v31, v29;
	v26, _, _ =	vpop (xrf2)  }
0xc2: {  	v21 =	vadd.f32 v21, v22;
	v18 =	vmax.f32 v18, $0.0e+00;
	v22 =	vadd.f32 v24, v25  }
0xc3: {  	v13 =	vadd.f32 v15, v13;
	v19 =	vmul.f32 v19, v1;
	v18 =	vmul.f32 v18, v2;
	(xrf2) =	vadd.scan.msk.f32 $0xffff, v29  }
0xc4: {  	v12 =	vmul.f32 v12, v3;
	v14 =	vmax.f32 v14, $0.0e+00;
	v15 =	vadd.f32 v22, v21;
	v20, _, _ =	vpop (xrf2)  }
0xc5: {  	v16 =	vadd.f32 v16, v17;
	v13 =	vmax.f32 v13, $0.0e+00;
	v17 =	vadd.f32 v19, v18  }
0xc6: {  	v9 =	vadd.f32 v10, v9;
	v14 =	vmul.f32 v14, v1;
	v13 =	vmul.f32 v13, v2;
	(xrf2) =	vadd.scan.msk.f32 $0xffff, v15  }
0xc7: {  	v6 =	vmax.f32 v6, $0.0e+00;
	v7 =	vadd.f32 v8, v7;
	v10 =	vadd.f32 v17, v16;
	v8, _, _ =	vpop (xrf2)  }
0xc8: {  	v5 =	vmul.f32 v5, v4;
	v15 =	vadd.f32 v11, v12;
	v12 =	vadd.f32 v14, v13  }
0xc9: {  	v6 =	vmul.f32 v6, v3;
	v9 =	vmax.f32 v9, $0.0e+00;
	v7 =	vmax.f32 v7, $0.0e+00;
	(xrf2) =	vadd.scan.msk.f32 $0xffff, v10  }
0xca: {  	v7 =	vmul.f32 v7, v2;
	v13 =	vmul.f32 v9, v1;
	v10 =	vadd.f32 v12, v15;
	v11, _, _ =	vpop (xrf2)  }
0xcb: {  	v8 =	vbroadcast v8, $0xF;
	v11 =	vbroadcast v11, $0xF  }
0xcc: {  	v5 =	vadd.f32 v5, v6;
	v6 =	vadd.f32 v13, v7;
	v12 =	vbroadcast v20, $0xF;
	(xrf2) =	vadd.scan.msk.f32 $0xffff, v10  }
0xcd: {  	v7 =	vsel vm0, v8, v11;
	v8 =	vbroadcast v26, $0xF;
	v9, _, _ =	vpop (xrf2)  }
0xce: {  	v5 =	vadd.f32 v6, v5;
	v7 =	vsel vm1, v7, v12;
	v10 =	vbroadcast v9, $0xF  }
0xcf: {  	v6 =	vsel vm2, v7, v8;
	v7 =	vbroadcast v33, $0xF  }
0xd0: {  	v6 =	vsel vm3, v6, v10;
	v10 =	vbroadcast v35, $0xF;
	v9, _, _ =	vpop (xrf2);
	(xrf2) =	vadd.scan.msk.f32 $0xffff, v5  }
0xd1: {  	v5 =	vsel vm4, v6, v7;
	v6 =	vbroadcast v9, $0xF  }
0xd2: {  	v7 =	vbroadcast v42, $0xF;
	v5 =	vsel vm5, v5, v10  }
0xd3: {  	v5 =	vsel vm6, v5, v6;
	v6 =	vbroadcast v28, $0xF;
	v8, _, _ =	vpop (xrf2)  }
0xd4: {  	v5 =	vsel vm7, v5, v7;
	v7 =	vbroadcast v8, $0xF  }
0xd5: {  	v5 =	vsel vm8, v5, v6;
	v6 =	vbroadcast v30, $0xF  }
0xd6: {  	v5 =	vsel vm9, v5, v7;
	v7 =	vbroadcast v27, $0xF;
	v8, _, _ =	vpop (xrf2)  }
0xd7: {  	v5 =	vsel vm10, v5, v6;
	v6 =	vbroadcast v8, $0xF  }
0xd8: {  	s21 =	sshra.s32 s28, $0x2;
	s28 =	smov.u32 s12;
	v8 =	vbroadcast v23, $0xF;
	v5 =	vsel vm11, v5, v7  }
0xd9: {  	v5 =	vsel vm12, v5, v6;
	v6 =	vld [tilespmem:s21+$0x6720]  }
0xda: {  	v5 =	vsel vm13, v5, v8;
	v7, _, _ =	vpop (xrf2)  }
0xdb: {  	v5 =	vsel vm14, v5, v7  }
0xdc: {  	v5 =	vadd.f32 v5, v0;
	_ =	sdelay $0x1  }
0xdd: {  	v5 =	vmul.f32 v5, v6;
	_ =	sdelay $0x1  }
0xde: {  	s0 =	sadd.s32 $0x200, s0;
	[tilespmem:s21+$0x68B0] =	vst v5  }
0xdf: {  	s1 =	sadd.s32 $0x200, s1;
	v5 =	vld [tilespmem:s0+$0xE0]  }
0xe0: {  	v6 =	vld [tilespmem:s1+$0xE0];
	_ =	sdelay $0x2  }
0xe1: {  	v7 =	vld [tilespmem:s0+$0xC0]  }
0xe2: {  	v8 =	vld [tilespmem:s1+$0xC0]  }
0xe3: {  	v10 =	vunpack.i.l.bf16.f32 v5;
	v9 =	vld [tilespmem:s0+$0xD0];
	v11 =	vunpack.i.l.bf16.f32 v6  }
0xe4: {  	v12 =	vld [tilespmem:s1+$0xD0];
	v10 =	vadd.f32 v11, v10  }
0xe5: {  	v6 =	vunpack.i.u.bf16.f32 v6;
	v11 =	vunpack.i.u.bf16.f32 v5  }
0xe6: {  	v6 =	vadd.f32 v6, v11;
	v13 =	vunpack.i.u.bf16.f32 v7;
	v5 =	vmax.f32 v10, $0.0e+00;
	v10 =	vld [tilespmem:s0+$0xF0]  }
0xe7: {  	v7 =	vunpack.i.l.bf16.f32 v7;
	v11 =	vunpack.i.u.bf16.f32 v8;
	v8 =	vunpack.i.l.bf16.f32 v8  }
0xe8: {  	v7 =	vadd.f32 v8, v7;
	v8 =	vadd.f32 v11, v13;
	v11 =	vunpack.i.u.bf16.f32 v9;
	v13 =	vld [tilespmem:s1+$0xF0]  }
0xe9: {  	v9 =	vunpack.i.l.bf16.f32 v9;
	v14 =	vld [tilespmem:s0+$0xA0];
	v15 =	vunpack.i.u.bf16.f32 v12;
	v12 =	vunpack.i.l.bf16.f32 v12  }
0xea: {  	v16 =	vld [tilespmem:s1+$0xA0];
	v7 =	vmax.f32 v7, $0.0e+00;
	v9 =	vadd.f32 v12, v9;
	v11 =	vadd.f32 v15, v11  }
0xeb: {  	v8 =	vmax.f32 v8, $0.0e+00;
	v12 =	vld [tilespmem:s0+$0x80];
	v15 =	vmul.f32 v7, v4;
	v7 =	vunpack.i.u.bf16.f32 v10  }
0xec: {  	v8 =	vmul.f32 v8, v3;
	v17 =	vld [tilespmem:s1+$0x80];
	v9 =	vmax.f32 v9, $0.0e+00;
	v11 =	vmax.f32 v11, $0.0e+00  }
0xed: {  	v18 =	vmul.f32 v9, v1;
	v11 =	vmul.f32 v11, v2;
	v9 =	vunpack.i.l.bf16.f32 v10  }
0xee: {  	v15 =	vadd.f32 v15, v8;
	v8 =	vunpack.i.u.bf16.f32 v13;
	v10 =	vunpack.i.l.bf16.f32 v13  }
0xef: {  	v13 =	vunpack.i.l.bf16.f32 v14;
	v19 =	vunpack.i.l.bf16.f32 v16;
	v11 =	vadd.f32 v18, v11  }
0xf0: {  	v14 =	vunpack.i.u.bf16.f32 v14;
	v16 =	vunpack.i.u.bf16.f32 v16;
	v18 =	vld [tilespmem:s0+$0x90];
	v13 =	vadd.f32 v19, v13  }
0xf1: {  	v19 =	vunpack.i.l.bf16.f32 v12;
	v14 =	vadd.f32 v16, v14;
	v20 =	vunpack.i.l.bf16.f32 v17;
	v21 =	vld [tilespmem:s1+$0x90]  }
0xf2: {  	v12 =	vunpack.i.u.bf16.f32 v12;
	v16 =	vunpack.i.u.bf16.f32 v17;
	v17 =	vadd.f32 v20, v19;
	v19 =	vld [tilespmem:s0+$0xB0]  }
0xf3: {  	v23 =	vadd.f32 v11, v15;
	v16 =	vadd.f32 v16, v12;
	v12 =	vmax.f32 v13, $0.0e+00;
	v20 =	vld [tilespmem:s1+$0xB0]  }
0xf4: {  	v11 =	vmul.f32 v12, v4;
	v12 =	vmax.f32 v14, $0.0e+00;
	v13 =	vmax.f32 v17, $0.0e+00  }
0xf5: {  	v14 =	vld [tilespmem:s0+$0x60];
	v15 =	vmul.f32 v13, v4;
	v13 =	vmax.f32 v16, $0.0e+00;
	v16 =	vunpack.i.u.bf16.f32 v18  }
0xf6: {  	v18 =	vunpack.i.l.bf16.f32 v18;
	v17 =	vld [tilespmem:s1+$0x60];
	v22 =	vunpack.i.u.bf16.f32 v21;
	v21 =	vunpack.i.l.bf16.f32 v21  }
0xf7: {  	v25 =	vmul.f32 v13, v3;
	v24 =	vld [tilespmem:s0+$0x70];
	v18 =	vadd.f32 v21, v18;
	v16 =	vadd.f32 v22, v16  }
0xf8: {  	v13 =	vunpack.i.u.bf16.f32 v19;
	v19 =	vunpack.i.l.bf16.f32 v19;
	v21 =	vld [tilespmem:s1+$0x70];
	v22 =	vunpack.i.l.bf16.f32 v20  }
0xf9: {  	v15 =	vadd.f32 v15, v25;
	v18 =	vmax.f32 v18, $0.0e+00;
	v16 =	vmax.f32 v16, $0.0e+00  }
0xfa: {  	v25 =	vunpack.i.u.bf16.f32 v14;
	v18 =	vmul.f32 v18, v1;
	v16 =	vmul.f32 v16, v2  }
0xfb: {  	v14 =	vunpack.i.l.bf16.f32 v14;
	v26 =	vunpack.i.u.bf16.f32 v17;
	v17 =	vunpack.i.l.bf16.f32 v17  }
0xfc: {  	v14 =	vadd.f32 v17, v14;
	v17 =	vadd.f32 v26, v25;
	v25 =	vunpack.i.u.bf16.f32 v24  }
0xfd: {  	v24 =	vunpack.i.l.bf16.f32 v24;
	v26 =	vld [tilespmem:s0+$0x40];
	v27 =	vunpack.i.u.bf16.f32 v21;
	v21 =	vunpack.i.l.bf16.f32 v21  }
0xfe: {  	v28 =	vld [tilespmem:s1+$0x40];
	v14 =	vmax.f32 v14, $0.0e+00;
	v21 =	vadd.f32 v21, v24;
	v24 =	vadd.f32 v27, v25  }
0xff: {  	v16 =	vadd.f32 v18, v16;
	v25 =	vld [tilespmem:s0+$0x20];
	v27 =	vmul.f32 v14, v4;
	v14 =	vmax.f32 v17, $0.0e+00  }
0x100: {  	v17 =	vld [tilespmem:s1+$0x20];
	v18 =	vmul.f32 v14, v3;
	v14 =	vmax.f32 v21, $0.0e+00;
	v21 =	vmax.f32 v24, $0.0e+00  }
0x101: {  	v24 =	vmul.f32 v14, v1;
	v21 =	vmul.f32 v21, v2;
	v14 =	vadd.f32 v22, v19  }
0x102: {  	v18 =	vadd.f32 v27, v18;
	v27 =	vadd.f32 v16, v15;
	v15 =	vunpack.i.u.bf16.f32 v20  }
0x103: {  	v16 =	vunpack.i.l.bf16.f32 v26;
	v19 =	vunpack.i.l.bf16.f32 v28;
	v20 =	vld [tilespmem:s0+$0x50];
	v21 =	vadd.f32 v24, v21  }
0x104: {  	v24 =	vunpack.i.u.bf16.f32 v26;
	v26 =	vunpack.i.u.bf16.f32 v28;
	v22 =	vld [tilespmem:s0+$0x30];
	v16 =	vadd.f32 v19, v16  }
0x105: {  	v19 =	vunpack.i.l.bf16.f32 v25;
	v24 =	vadd.f32 v26, v24;
	v28 =	vunpack.i.l.bf16.f32 v17;
	v29 =	vld [tilespmem:s1+$0x30]  }
0x106: {  	v25 =	vunpack.i.u.bf16.f32 v25;
	v17 =	vunpack.i.u.bf16.f32 v17;
	v19 =	vadd.f32 v28, v19  }
0x107: {  	v30 =	vadd.f32 v21, v18;
	v25 =	vadd.f32 v17, v25;
	v16 =	vmax.f32 v16, $0.0e+00;
	v26 =	vld [tilespmem:s1+$0x50]  }
0x108: {  	v17 =	vmax.f32 v24, $0.0e+00;
	v16 =	vmul.f32 v16, v4;
	v18 =	vmax.f32 v19, $0.0e+00  }
0x109: {  	v24 =	vmax.f32 v25, $0.0e+00;
	v21 =	vld [tilespmem:s0+$0x0];
	v19 =	vmul.f32 v18, v4;
	v18 =	vunpack.i.u.bf16.f32 v20  }
0x10a: {  	v24 =	vmul.f32 v24, v3;
	v28 =	vunpack.i.l.bf16.f32 v22;
	v25 =	vld [tilespmem:s1+$0x0];
	v31 =	vunpack.i.l.bf16.f32 v29  }
0x10b: {  	v22 =	vunpack.i.u.bf16.f32 v22;
	v29 =	vunpack.i.u.bf16.f32 v29;
	v32 =	vld [tilespmem:s0+$0x10];
	v28 =	vadd.f32 v31, v28  }
0x10c: {  	v20 =	vunpack.i.l.bf16.f32 v20;
	v22 =	vadd.f32 v29, v22;
	v31 =	vld [tilespmem:s1+$0x10];
	v29 =	vunpack.i.l.bf16.f32 v26  }
0x10d: {  	v24 =	vadd.f32 v19, v24;
	v28 =	vmax.f32 v28, $0.0e+00;
	v19 =	vadd.f32 v29, v20  }
0x10e: {  	v22 =	vmax.f32 v22, $0.0e+00;
	v20 =	vunpack.i.u.bf16.f32 v21;
	v28 =	vmul.f32 v28, v1  }
0x10f: {  	v21 =	vunpack.i.l.bf16.f32 v21;
	v29 =	vunpack.i.u.bf16.f32 v25;
	v25 =	vunpack.i.l.bf16.f32 v25  }
0x110: {  	v33 =	vld [tilespmem:s0+$0xFFFFFFE0];
	v21 =	vadd.f32 v25, v21;
	v20 =	vadd.f32 v29, v20;
	v25 =	vunpack.i.u.bf16.f32 v32  }
0x111: {  	v32 =	vunpack.i.l.bf16.f32 v32;
	v29 =	vld [tilespmem:s1+$0xFFFFFFE0];
	v34 =	vunpack.i.u.bf16.f32 v31;
	v31 =	vunpack.i.l.bf16.f32 v31  }
0x112: {  	v21 =	vmax.f32 v21, $0.0e+00;
	v31 =	vadd.f32 v31, v32;
	v25 =	vadd.f32 v34, v25  }
0x113: {  	v22 =	vmul.f32 v22, v2;
	v20 =	vmax.f32 v20, $0.0e+00;
	v21 =	vmul.f32 v21, v4  }
0x114: {  	v20 =	vmul.f32 v20, v3;
	v32 =	vld [tilespmem:s0+$0xFFFFFFC0];
	v31 =	vmax.f32 v31, $0.0e+00;
	v25 =	vmax.f32 v25, $0.0e+00  }
0x115: {  	v22 =	vadd.f32 v28, v22;
	v35 =	vld [tilespmem:s1+$0xFFFFFFC0];
	v31 =	vmul.f32 v31, v1;
	v25 =	vmul.f32 v25, v2  }
0x116: {  	v34 =	vunpack.i.l.bf16.f32 v33;
	v21 =	vadd.f32 v21, v20;
	v28 =	vld [tilespmem:s0+$0xFFFFFFD0];
	v36 =	vunpack.i.l.bf16.f32 v29  }
0x117: {  	v20 =	vunpack.i.u.bf16.f32 v26;
	v37 =	vld [tilespmem:s1+$0xFFFFFFD0];
	v36 =	vadd.f32 v36, v34;
	v25 =	vadd.f32 v31, v25  }
0x118: {  	v26 =	vunpack.i.u.bf16.f32 v33;
	v29 =	vunpack.i.u.bf16.f32 v29;
	v34 =	vadd.f32 v22, v24  }
0x119: {  	v24 =	vadd.f32 v29, v26;
	v22 =	vmax.f32 v36, $0.0e+00;
	v33 =	vadd.f32 v25, v21  }
0x11a: {  	v25 =	vunpack.i.l.bf16.f32 v32;
	v26 =	vunpack.i.l.bf16.f32 v35;
	v21 =	vmul.f32 v22, v4  }
0x11b: {  	v29 =	vunpack.i.u.bf16.f32 v32;
	v31 =	vunpack.i.u.bf16.f32 v35;
	v22 =	vld [tilespmem:s0+$0xFFFFFFA0];
	v25 =	vadd.f32 v26, v25  }
0x11c: {  	v29 =	vadd.f32 v31, v29;
	v31 =	vunpack.i.l.bf16.f32 v28;
	v26 =	vld [tilespmem:s1+$0xFFFFFFA0];
	v32 =	vunpack.i.l.bf16.f32 v37  }
0x11d: {  	v28 =	vunpack.i.u.bf16.f32 v28;
	v36 =	vunpack.i.u.bf16.f32 v37;
	v35 =	vld [tilespmem:s0+$0xFFFFFFB0];
	v31 =	vadd.f32 v32, v31  }
0x11e: {  	v25 =	vmax.f32 v25, $0.0e+00;
	v29 =	vmax.f32 v29, $0.0e+00;
	v28 =	vadd.f32 v36, v28;
	v32 =	vld [tilespmem:s1+$0xFFFFFFB0]  }
0x11f: {  	v25 =	vmul.f32 v25, v4;
	v29 =	vmul.f32 v29, v3;
	v31 =	vmax.f32 v31, $0.0e+00  }
0x120: {  	v28 =	vmax.f32 v28, $0.0e+00;
	v36 =	vunpack.i.u.bf16.f32 v22;
	v31 =	vmul.f32 v31, v1  }
0x121: {  	v22 =	vunpack.i.l.bf16.f32 v22;
	v37 =	vunpack.i.u.bf16.f32 v26;
	v26 =	vunpack.i.l.bf16.f32 v26  }
0x122: {  	v22 =	vadd.f32 v26, v22;
	v26 =	vadd.f32 v37, v36;
	v36 =	vunpack.i.u.bf16.f32 v35  }
0x123: {  	v35 =	vunpack.i.l.bf16.f32 v35;
	v37 =	vunpack.i.u.bf16.f32 v32;
	v32 =	vunpack.i.l.bf16.f32 v32;
	v38 =	vld [tilespmem:s0+$0xFFFFFFF0]  }
0x124: {  	v22 =	vmax.f32 v22, $0.0e+00;
	v32 =	vadd.f32 v32, v35;
	v35 =	vadd.f32 v37, v36;
	v36 =	vld [tilespmem:s1+$0xFFFFFFF0]  }
0x125: {  	v37 =	vld [tilespmem:s0+$0xFFFFFF80];
	v39 =	vmul.f32 v22, v4;
	v22 =	vmax.f32 v26, $0.0e+00;
	v26 =	vmul.f32 v28, v2  }
0x126: {  	v40 =	vld [tilespmem:s1+$0xFFFFFF80];
	v28 =	vmul.f32 v22, v3;
	v22 =	vmax.f32 v32, $0.0e+00;
	v32 =	vmax.f32 v35, $0.0e+00  }
0x127: {  	v35 =	vld [tilespmem:s0+$0xFFFFFF60];
	v41 =	vmul.f32 v22, v1;
	v32 =	vmul.f32 v32, v2;
	v22 =	vmax.f32 v24, $0.0e+00  }
0x128: {  	v29 =	vadd.f32 v25, v29;
	v31 =	vadd.f32 v31, v26;
	v42 =	vld [tilespmem:s1+$0xFFFFFF60];
	v24 =	vunpack.i.l.bf16.f32 v38  }
0x129: {  	v28 =	vadd.f32 v39, v28;
	v32 =	vadd.f32 v41, v32;
	v39 =	vunpack.i.l.bf16.f32 v36  }
0x12a: {  	v25 =	vunpack.i.u.bf16.f32 v38;
	v26 =	vunpack.i.u.bf16.f32 v36;
	v41 =	vld [tilespmem:s0+$0xFFFFFF90];
	v24 =	vadd.f32 v39, v24  }
0x12b: {  	v45 =	vadd.f32 v31, v29;
	v36 =	vunpack.i.u.bf16.f32 v37;
	v44 =	vld [tilespmem:s1+$0xFFFFFF90];
	v28 =	vadd.f32 v32, v28  }
0x12c: {  	v31 =	vunpack.i.l.bf16.f32 v37;
	v32 =	vunpack.i.u.bf16.f32 v40;
	v37 =	vunpack.i.l.bf16.f32 v40;
	v29 =	vld [tilespmem:s0+$0xFFFFFF70]  }
0x12d: {  	v38 =	vunpack.i.l.bf16.f32 v35;
	v31 =	vadd.f32 v37, v31;
	v39 =	vunpack.i.l.bf16.f32 v42;
	v40 =	vld [tilespmem:s1+$0xFFFFFF70]  }
0x12e: {  	v35 =	vunpack.i.u.bf16.f32 v35;
	v37 =	vunpack.i.u.bf16.f32 v42;
	v38 =	vadd.f32 v39, v38  }
0x12f: {  	v32 =	vadd.f32 v32, v36;
	v35 =	vadd.f32 v37, v35;
	v31 =	vmax.f32 v31, $0.0e+00  }
0x130: {  	v36 =	vld [tilespmem:s0+$0xFFFFFF40];
	v37 =	vmax.f32 v38, $0.0e+00;
	v38 =	vunpack.i.l.bf16.f32 v41;
	v39 =	vunpack.i.l.bf16.f32 v44  }
0x131: {  	v35 =	vmax.f32 v35, $0.0e+00;
	v42 =	vld [tilespmem:s1+$0xFFFFFF40];
	v37 =	vmul.f32 v37, v4;
	v43 =	vunpack.i.u.bf16.f32 v29  }
0x132: {  	v29 =	vunpack.i.l.bf16.f32 v29;
	v46 =	vld [tilespmem:s0+$0xFFFFFF50];
	v47 =	vunpack.i.u.bf16.f32 v40;
	v40 =	vunpack.i.l.bf16.f32 v40  }
0x133: {  	v35 =	vmul.f32 v35, v3;
	v48 =	vld [tilespmem:s1+$0xFFFFFF50];
	v40 =	vadd.f32 v40, v29;
	v43 =	vadd.f32 v47, v43  }
0x134: {  	v29 =	vmul.f32 v31, v4;
	v31 =	vmax.f32 v32, $0.0e+00;
	v32 =	vadd.f32 v39, v38  }
0x135: {  	v47 =	vadd.f32 v37, v35;
	v35 =	vmax.f32 v40, $0.0e+00;
	v37 =	vmax.f32 v43, $0.0e+00;
	(xrf2) =	vadd.scan.msk.f32 $0xffff, v23  }
0x136: {  	v23 =	vunpack.i.l.bf16.f32 v36;
	v38 =	vunpack.i.l.bf16.f32 v42;
	v35 =	vmul.f32 v35, v1  }
0x137: {  	v36 =	vunpack.i.u.bf16.f32 v36;
	v40 =	vunpack.i.u.bf16.f32 v42;
	v39 =	vld [tilespmem:s0+$0xFFFFFF00];
	v23 =	vadd.f32 v38, v23  }
0x138: {  	v36 =	vadd.f32 v40, v36;
	v40 =	vunpack.i.l.bf16.f32 v46;
	v38 =	vld [tilespmem:s1+$0xFFFFFF00];
	v42 =	vunpack.i.l.bf16.f32 v48;
	(xrf2) =	vadd.scan.msk.f32 $0xffff, v27  }
0x139: {  	v27 =	vunpack.i.u.bf16.f32 v46;
	v43 =	vunpack.i.u.bf16.f32 v48;
	v40 =	vadd.f32 v42, v40  }
0x13a: {  	v37 =	vmul.f32 v37, v2;
	v23 =	vmax.f32 v23, $0.0e+00;
	v27 =	vadd.f32 v43, v27  }
0x13b: {  	v42 =	vmul.f32 v23, v4;
	v23 =	vmax.f32 v36, $0.0e+00;
	v36 =	vmax.f32 v40, $0.0e+00;
	(xrf2) =	vadd.scan.msk.f32 $0xffff, v30  }
0x13c: {  	v30 =	vmul.f32 v23, v3;
	v23 =	vmax.f32 v27, $0.0e+00;
	v40 =	vld [tilespmem:s0+$0xFFFFFF10];
	v36 =	vmul.f32 v36, v1  }
0x13d: {  	v27 =	vunpack.i.l.bf16.f32 v39;
	v48 =	vmul.f32 v23, v2;
	v43 =	vunpack.i.l.bf16.f32 v38;
	v46 =	vld [tilespmem:s1+$0xFFFFFF10]  }
0x13e: {  	v39 =	vunpack.i.u.bf16.f32 v39;
	v38 =	vunpack.i.u.bf16.f32 v38;
	v27 =	vadd.f32 v43, v27;
	(xrf2) =	vadd.scan.msk.f32 $0xffff, v34  }
0x13f: {  	v49 =	vadd.f32 v35, v37;
	v35 =	vunpack.i.u.bf16.f32 v41;
	v34 =	vadd.f32 v38, v39;
	v23, _, _ =	vpop (xrf2)  }
.Ltmp0:
0x140: {  	v50 =	vadd.f32 v42, v30;
	v36 =	vadd.f32 v36, v48;
	v41 =	vmax.f32 v27, $0.0e+00;
	(pc) =	sbr.rel @p0 .LBB2_3-.Ltmp0, $4  }
0x141: {  	v34 =	vmax.f32 v34, $0.0e+00;
	v30 =	vmul.f32 v41, v4;
	v39 =	vunpack.i.u.bf16.f32 v40;
	v37 =	vld [tilespmem:s0+$0xFFFFFF20];
	(xrf2) =	vadd.scan.msk.f32 $0xffff, v33  }
0x142: {  	v33 =	vunpack.i.l.bf16.f32 v40;
	v40 =	vunpack.i.u.bf16.f32 v46;
	v42 =	vunpack.i.l.bf16.f32 v46;
	v38 =	vld [tilespmem:s1+$0xFFFFFF20];
	v27, _, _ =	vpop (xrf2)  }
0x143: {  	v41 =	vmul.f32 v34, v3;
	v42 =	vadd.f32 v42, v33;
	v43 =	vadd.f32 v40, v39;
	v39 =	vld [tilespmem:s0+$0xFFFFFF30]  }
0x144: {  	s12 =	sadd.s32 $0x40, s12;
	v34 =	vunpack.i.u.bf16.f32 v44;
	v33 =	vadd.f32 v36, v50;
	v36 =	vadd.f32 v49, v47;
	v40 =	vld [tilespmem:s1+$0xFFFFFF30];
	(xrf2) =	vadd.scan.msk.f32 $0xffff, v45  }
0x145: {  	v30 =	vadd.f32 v30, v41;
	v48 =	vmax.f32 v42, $0.0e+00;
	v49 =	vmax.f32 v43, $0.0e+00  }
0x146: {  	v34 =	vadd.f32 v34, v35;
	v31 =	vmul.f32 v31, v3;
	v32 =	vmax.f32 v32, $0.0e+00  }
0x147: {  	v22 =	vmul.f32 v22, v3;
	v41 =	vmul.f32 v48, v1;
	v50 =	vunpack.i.u.bf16.f32 v37  }
0x148: {  	v51 =	vunpack.i.l.bf16.f32 v37;
	v44 =	vunpack.i.u.bf16.f32 v38;
	v52 =	vunpack.i.l.bf16.f32 v38  }
0x149: {  	v37 =	vadd.f32 v52, v51;
	v53 =	vadd.f32 v44, v50;
	v54 =	vunpack.i.u.bf16.f32 v39  }
0x14a: {  	v55 =	vunpack.i.l.bf16.f32 v39;
	v56 =	vunpack.i.u.bf16.f32 v40;
	v57 =	vunpack.i.l.bf16.f32 v40  }
0x14b: {  	v37 =	vmax.f32 v37, $0.0e+00;
	v39 =	vadd.f32 v57, v55;
	v58 =	vadd.f32 v56, v54  }
0x14c: {  	v42 =	vmul.f32 v49, v2;
	v38 =	vmax.f32 v53, $0.0e+00;
	v37 =	vmul.f32 v37, v4  }
0x14d: {  	v38 =	vmul.f32 v38, v3;
	v39 =	vmax.f32 v39, $0.0e+00;
	v40 =	vmax.f32 v58, $0.0e+00  }
0x14e: {  	v25 =	vadd.f32 v26, v25;
	v39 =	vmul.f32 v39, v1;
	v40 =	vmul.f32 v40, v2  }
0x14f: {  	v24 =	vmax.f32 v24, $0.0e+00;
	v18 =	vadd.f32 v20, v18;
	v41 =	vadd.f32 v41, v42  }
0x150: {  	(xrf2) =	vadd.scan.msk.f32 $0xffff, v28;
	v34 =	vmax.f32 v34, $0.0e+00;
	v28 =	vadd.f32 v37, v38;
	v59 =	vadd.f32 v39, v40  }
0x151: {  	(xrf2) =	vadd.scan.msk.f32 $0xffff, v36;
	v32 =	vmul.f32 v32, v1;
	v34 =	vmul.f32 v34, v2;
	v30 =	vadd.f32 v41, v30  }
0x152: {  	v17 =	vmul.f32 v17, v3;
	v19 =	vmax.f32 v19, $0.0e+00;
	(xrf2) =	vadd.scan.msk.f32 $0xffff, v33;
	v26 =	vadd.f32 v59, v28  }
0x153: {  	v24 =	vmul.f32 v24, v1;
	(xrf2) =	vadd.scan.msk.f32 $0xffff, v30;
	v28 =	vadd.f32 v29, v31;
	v29 =	vadd.f32 v32, v34  }
0x154: {  	v13 =	vadd.f32 v15, v13;
	v25 =	vmax.f32 v25, $0.0e+00;
	v21 =	vadd.f32 v21, v22;
	(xrf2) =	vadd.scan.msk.f32 $0xffff, v26  }
0x155: {  	v18 =	vmax.f32 v18, $0.0e+00;
	v25 =	vmul.f32 v25, v2;
	v20 =	vadd.f32 v29, v28  }
0x156: {  	v12 =	vmul.f32 v12, v3;
	v14 =	vmax.f32 v14, $0.0e+00;
	v18 =	vmul.f32 v18, v2;
	v26, _, _ =	vpop (xrf2)  }
0x157: {  	v19 =	vmul.f32 v19, v1;
	v13 =	vmax.f32 v13, $0.0e+00;
	v22 =	vadd.f32 v24, v25;
	(xrf2) =	vadd.scan.msk.f32 $0xffff, v20;
	v24, _, _ =	vpop (xrf2)  }
0x158: {  	v14 =	vmul.f32 v14, v1;
	v16 =	vadd.f32 v16, v17;
	v13 =	vmul.f32 v13, v2;
	v15, _, _ =	vpop (xrf2)  }
0x159: {  	v11 =	vadd.f32 v11, v12;
	v20 =	vadd.f32 v22, v21;
	v21, _, _ =	vpop (xrf2)  }
0x15a: {  	v17 =	vadd.f32 v19, v18;
	v12 =	vadd.f32 v14, v13;
	v18, _, _ =	vpop (xrf2)  }
0x15b: {  	v9 =	vadd.f32 v10, v9;
	v7 =	vadd.f32 v8, v7;
	(xrf2) =	vadd.scan.msk.f32 $0xffff, v20;
	v10, _, _ =	vpop (xrf2)  }
0x15c: {  	v6 =	vmax.f32 v6, $0.0e+00;
	v5 =	vmul.f32 v5, v4;
	v16 =	vadd.f32 v17, v16;
	v8, _, _ =	vpop (xrf2)  }
0x15d: {  	v6 =	vmul.f32 v6, v3;
	v9 =	vmax.f32 v9, $0.0e+00;
	v7 =	vmax.f32 v7, $0.0e+00;
	v13, _, _ =	vpop (xrf2)  }
0x15e: {  	v9 =	vmul.f32 v9, v1;
	v7 =	vmul.f32 v7, v2;
	v11 =	vadd.f32 v12, v11;
	(xrf2) =	vadd.scan.msk.f32 $0xffff, v16;
	v12, _, _ =	vpop (xrf2)  }
0x15f: {  	v13 =	vbroadcast v13, $0xF;
	v12 =	vbroadcast v12, $0xF  }
0x160: {  	v5 =	vadd.f32 v5, v6;
	v8 =	vbroadcast v8, $0xF  }
0x161: {  	v6 =	vadd.f32 v9, v7;
	v9 =	vbroadcast v10, $0xF;
	v10, _, _ =	vpop (xrf2);
	v7 =	vsel vm0, v13, v12  }
0x162: {  	v7 =	vsel vm1, v7, v8;
	v8 =	vbroadcast v10, $0xF  }
0x163: {  	v5 =	vadd.f32 v6, v5;
	(xrf2) =	vadd.scan.msk.f32 $0xffff, v11;
	v6 =	vsel vm2, v7, v9  }
0x164: {  	v7 =	vbroadcast v18, $0xF;
	v6 =	vsel vm3, v6, v8;
	v8 =	vbroadcast v21, $0xF  }
0x165: {  	v9, _, _ =	vpop (xrf2)  }
0x166: {  	(xrf2) =	vadd.scan.msk.f32 $0xffff, v5;
	v5 =	vsel vm4, v6, v7;
	v6 =	vbroadcast v9, $0xF  }
0x167: {  	v7 =	vbroadcast v15, $0xF;
	v5 =	vsel vm5, v5, v8  }
0x168: {  	v5 =	vsel vm6, v5, v6;
	v6 =	vbroadcast v24, $0xF;
	v8, _, _ =	vpop (xrf2)  }
0x169: {  	v5 =	vsel vm7, v5, v7;
	v7 =	vbroadcast v8, $0xF  }
0x16a: {  	v5 =	vsel vm8, v5, v6;
	v6 =	vbroadcast v26, $0xF  }
0x16b: {  	v5 =	vsel vm9, v5, v7;
	v7 =	vbroadcast v27, $0xF  }
0x16c: {  	v5 =	vsel vm10, v5, v6  }
0x16d: {  	v8, _, _ =	vpop (xrf2);
	v5 =	vsel vm11, v5, v7;
	v7 =	vbroadcast v23, $0xF  }
0x16e: {  	v6 =	vbroadcast v8, $0xF  }
0x16f: {  	s0 =	sshra.s32 s28, $0x2  }
0x170: {  	v5 =	vsel vm12, v5, v6;
	v6 =	vld [tilespmem:s0+$0x6720]  }
0x171: {  	v5 =	vsel vm13, v5, v7;
	v7, _, _ =	vpop (xrf2)  }
0x172: {  	v5 =	vsel vm14, v5, v7  }
0x173: {  	v5 =	vadd.f32 v5, v0;
	_ =	sdelay $0x1  }
0x174: {  	s1 =	sadd.s32 s6, s13;
	v5 =	vmul.f32 v5, v6  }
0x175: {  	s1 =	sshrl.u32 s1, $0x3  }
0x176: {  	s28 =	simm.s32 $0x0;
	s21 =	sadd.s32 s2, s1;
	[tilespmem:s0+$0x68B0] =	vst v5  }
0x177: {  	[hbm4b:s21+s28] =	stream.linear.scatter [tilespmem:s18], [sflag:$0x7], $0x190, $0x38;
	[tilespmem:$0xD4C8] =	vst v63  }
0x178: {  	s1 =	sadd.s32 s13, s15;
	_ =	swait.ge [sflag:s19], $0x190  }
0x179: {  	s0 =	sshrl.u32 s1, $0x3;
	[sflag:s19] =	ssyncset.done $0x0  }
0x17a: {  	s12 =	sadd.s32 s7, s0;
	[sflag:s19] =	ssyncadd.s32 $0xFFFFFE70  }
0x17b: {  	[tilespmem:s28], [sflag:$0x5] =	stream.linear.gather [hbm4b:s12+s28], $0x190, $0x38;
	[tilespmem:$0xD4C8] =	vst v63  }
0x17c: {  	s13 =	sadd.s32 s8, s0  }
0x17d: {  	[tilespmem:s20], [sflag:$0x5] =	stream.linear.gather [hbm4b:s13+s28], $0x190, $0x38;
	[tilespmem:$0xD4C8] =	vst v63  }
0x17e: {  	s0 =	sadd.s32 s9, s0;
	s21 =	simm.s32 $0x6720  }
0x17f: {  	[tilespmem:s21], [sflag:$0x5] =	stream.linear.gather [hbm4b:s0+s28], $0x190, $0x38;
	[tilespmem:$0xD4C8] =	vst v63  }
0x180: {  	_ =	swait.ge [sflag:s10], $0x3200  }
0x181: {  	[sflag:s10] =	ssyncset.done $0x0  }
0x182: {  	[sflag:s10] =	ssyncadd.s32 $0xFFFFCE00  }
0x183: {  	_ =	swait.ge [sflag:s11], $0x3200  }
0x184: {  	[sflag:s11] =	ssyncset.done $0x0  }
0x185: {  	[sflag:s11] =	ssyncadd.s32 $0xFFFFCE00  }
0x186: {  	_ =	swait.ge [sflag:s22], $0x190  }
0x187: {  	[sflag:s22] =	ssyncset.done $0x0  }
0x188: {  	[sflag:s22] =	ssyncadd.s32 $0xFFFFFE70  }
0x189: {  	_ =	swait.ge [sflag:s22], $0x190  }
0x18a: {  	[sflag:s22] =	ssyncset.done $0x0  }
0x18b: {  	[sflag:s22] =	ssyncadd.s32 $0xFFFFFE70  }
0x18c: {  	_ =	swait.ge [sflag:s22], $0x190  }
0x18d: {  	[sflag:s22] =	ssyncset.done $0x0  }
0x18e: {  	[sflag:s22] =	ssyncadd.s32 $0xFFFFFE70  }
0x18f: {  	[tilespmem:s23], [sflag:$0x1] =	stream.indirect.gather [hbm4b:s4+s20], $0x20, s28, s20, $0xb8;
	[tilespmem:$0xD4C8] =	vst v63  }
0x190: {  	s0 =	simm.s32 $0x6E60  }
0x191: {  	[tilespmem:s24], [sflag:$0x2] =	stream.indirect.gather [hbm4b:s5+s20], $0x20, s20, s20, $0xb8;
	[tilespmem:$0xD4C8] =	vst v63  }
0x192: {  	s1 =	simm.s32 $0xA060;
	v5 =	vld [tilespmem:s0+$0xE0]  }
0x193: {  	v6 =	vld [tilespmem:s1+$0xE0]  }
0x194: {  	v7 =	vld [tilespmem:s0+$0xC0]  }
0x195: {  	v12 =	vld [tilespmem:s1+$0xD0]  }
0x196: {  	v16 =	vld [tilespmem:s1+$0xA0]  }
0x197: {  	v17 =	vld [tilespmem:s1+$0x80]  }
0x198: {  	v21 =	vld [tilespmem:s1+$0x90]  }
0x199: {  	v60 =	vld [tilespmem:s0+$0x10]  }
0x19a: {  	v61 =	vld [tilespmem:s0+$0xFFFFFFE0]  }
0x19b: {  	v43 =	vld [tilespmem:s1+$0xFFFFFFD0];
	v10 =	vunpack.i.l.bf16.f32 v5;
	v11 =	vunpack.i.l.bf16.f32 v6  }
0x19c: {  	v8 =	vld [tilespmem:s1+$0xC0];
	v6 =	vunpack.i.u.bf16.f32 v6;
	v13 =	vunpack.i.u.bf16.f32 v7;
	v7 =	vunpack.i.l.bf16.f32 v7  }
0x19d: {  	v9 =	vld [tilespmem:s0+$0xD0];
	v15 =	vunpack.i.u.bf16.f32 v12;
	v12 =	vunpack.i.l.bf16.f32 v12;
	v19 =	vunpack.i.l.bf16.f32 v16  }
0x19e: {  	v45 =	vld [tilespmem:s0+$0xFFFFFFB0];
	v16 =	vunpack.i.u.bf16.f32 v16;
	v20 =	vunpack.i.l.bf16.f32 v17;
	v22 =	vunpack.i.u.bf16.f32 v21  }
0x19f: {  	v47 =	vld [tilespmem:s1+$0xFFFFFFB0];
	v21 =	vunpack.i.l.bf16.f32 v21;
	v32 =	vunpack.i.l.bf16.f32 v60;
	v41 =	vunpack.i.l.bf16.f32 v61  }
0x1a0: {  	v44 =	vunpack.i.l.bf16.f32 v43;
	v10 =	vadd.f32 v11, v10;
	v11 =	vunpack.i.u.bf16.f32 v5  }
0x1a1: {  	v6 =	vadd.f32 v6, v11;
	v11 =	vunpack.i.u.bf16.f32 v8;
	v8 =	vunpack.i.l.bf16.f32 v8  }
0x1a2: {  	v46 =	vunpack.i.u.bf16.f32 v43;
	v5 =	vmax.f32 v10, $0.0e+00;
	v7 =	vadd.f32 v8, v7  }
0x1a3: {  	v10 =	vld [tilespmem:s0+$0xF0];
	v8 =	vadd.f32 v11, v13;
	v11 =	vunpack.i.u.bf16.f32 v9;
	v9 =	vunpack.i.l.bf16.f32 v9  }
0x1a4: {  	v50 =	vunpack.i.u.bf16.f32 v45;
	v51 =	vunpack.i.u.bf16.f32 v47;
	v13 =	vld [tilespmem:s1+$0xF0];
	v9 =	vadd.f32 v12, v9  }
0x1a5: {  	v14 =	vld [tilespmem:s0+$0xA0];
	v53 =	vadd.f32 v51, v50;
	v11 =	vadd.f32 v15, v11;
	v7 =	vmax.f32 v7, $0.0e+00  }
0x1a6: {  	v12 =	vld [tilespmem:s0+$0x80];
	v8 =	vmax.f32 v8, $0.0e+00;
	v15 =	vmul.f32 v7, v4;
	v9 =	vmax.f32 v9, $0.0e+00  }
0x1a7: {  	v8 =	vmul.f32 v8, v3;
	v11 =	vmax.f32 v11, $0.0e+00;
	v18 =	vmul.f32 v9, v1  }
0x1a8: {  	v11 =	vmul.f32 v11, v2;
	v7 =	vunpack.i.u.bf16.f32 v10;
	v9 =	vunpack.i.l.bf16.f32 v10  }
0x1a9: {  	v15 =	vadd.f32 v15, v8;
	v8 =	vunpack.i.u.bf16.f32 v13;
	v10 =	vunpack.i.l.bf16.f32 v13  }
0x1aa: {  	v13 =	vunpack.i.l.bf16.f32 v14;
	v14 =	vunpack.i.u.bf16.f32 v14;
	v11 =	vadd.f32 v18, v11  }
0x1ab: {  	v18 =	vld [tilespmem:s0+$0x90];
	v13 =	vadd.f32 v19, v13;
	v19 =	vunpack.i.l.bf16.f32 v12;
	v14 =	vadd.f32 v16, v14  }
0x1ac: {  	v12 =	vunpack.i.u.bf16.f32 v12;
	v16 =	vunpack.i.u.bf16.f32 v17;
	v17 =	vadd.f32 v20, v19;
	v19 =	vld [tilespmem:s0+$0xB0]  }
0x1ad: {  	v16 =	vadd.f32 v16, v12;
	v20 =	vld [tilespmem:s1+$0xB0];
	v12 =	vmax.f32 v13, $0.0e+00;
	v23 =	vadd.f32 v11, v15  }
0x1ae: {  	v13 =	vmax.f32 v17, $0.0e+00;
	v11 =	vmul.f32 v12, v4;
	v12 =	vmax.f32 v14, $0.0e+00;
	v14 =	vld [tilespmem:s0+$0x60]  }
0x1af: {  	v35 =	vunpack.i.l.bf16.f32 v45;
	v58 =	vmax.f32 v53, $0.0e+00;
	v17 =	vld [tilespmem:s1+$0x60];
	v15 =	vmul.f32 v13, v4  }
0x1b0: {  	v13 =	vmax.f32 v16, $0.0e+00;
	v16 =	vunpack.i.u.bf16.f32 v18;
	v18 =	vunpack.i.l.bf16.f32 v18  }
0x1b1: {  	v24 =	vld [tilespmem:s0+$0x70];
	v25 =	vmul.f32 v13, v3;
	v18 =	vadd.f32 v21, v18;
	v16 =	vadd.f32 v22, v16  }
0x1b2: {  	v21 =	vld [tilespmem:s1+$0x70];
	v13 =	vunpack.i.u.bf16.f32 v19;
	v19 =	vunpack.i.l.bf16.f32 v19;
	v22 =	vunpack.i.l.bf16.f32 v20  }
0x1b3: {  	v15 =	vadd.f32 v15, v25;
	v18 =	vmax.f32 v18, $0.0e+00;
	v16 =	vmax.f32 v16, $0.0e+00  }
0x1b4: {  	v25 =	vunpack.i.u.bf16.f32 v14;
	v14 =	vunpack.i.l.bf16.f32 v14;
	v26 =	vunpack.i.u.bf16.f32 v17  }
0x1b5: {  	v17 =	vunpack.i.l.bf16.f32 v17;
	v18 =	vmul.f32 v18, v1;
	v16 =	vmul.f32 v16, v2  }
0x1b6: {  	v14 =	vadd.f32 v17, v14;
	v17 =	vadd.f32 v26, v25;
	v25 =	vunpack.i.u.bf16.f32 v24;
	v26 =	vld [tilespmem:s0+$0x40]  }
0x1b7: {  	v28 =	vld [tilespmem:s1+$0x40];
	v24 =	vunpack.i.l.bf16.f32 v24;
	v27 =	vunpack.i.u.bf16.f32 v21;
	v21 =	vunpack.i.l.bf16.f32 v21  }
0x1b8: {  	v14 =	vmax.f32 v14, $0.0e+00;
	v16 =	vadd.f32 v18, v16;
	v21 =	vadd.f32 v21, v24  }
0x1b9: {  	v24 =	vadd.f32 v27, v25;
	v25 =	vld [tilespmem:s0+$0x20];
	v27 =	vmul.f32 v14, v4;
	v14 =	vmax.f32 v17, $0.0e+00  }
0x1ba: {  	v17 =	vld [tilespmem:s1+$0x20];
	v18 =	vmul.f32 v14, v3;
	v30 =	vadd.f32 v16, v15;
	v14 =	vmax.f32 v21, $0.0e+00  }
0x1bb: {  	v21 =	vmax.f32 v24, $0.0e+00;
	v16 =	vunpack.i.l.bf16.f32 v26;
	v24 =	vmul.f32 v14, v1  }
0x1bc: {  	v21 =	vmul.f32 v21, v2;
	v14 =	vadd.f32 v22, v19;
	v19 =	vunpack.i.l.bf16.f32 v28  }
0x1bd: {  	v15 =	vunpack.i.u.bf16.f32 v20;
	v18 =	vadd.f32 v27, v18;
	v16 =	vadd.f32 v19, v16  }
0x1be: {  	v22 =	vld [tilespmem:s0+$0x30];
	v21 =	vadd.f32 v24, v21;
	v24 =	vunpack.i.u.bf16.f32 v26;
	v26 =	vunpack.i.u.bf16.f32 v28  }
0x1bf: {  	v20 =	vld [tilespmem:s0+$0x50];
	v19 =	vunpack.i.l.bf16.f32 v25;
	v27 =	vunpack.i.l.bf16.f32 v17;
	v25 =	vunpack.i.u.bf16.f32 v25  }
0x1c0: {  	v28 =	vld [tilespmem:s1+$0x30];
	v17 =	vunpack.i.u.bf16.f32 v17;
	v24 =	vadd.f32 v26, v24;
	v19 =	vadd.f32 v27, v19  }
0x1c1: {  	v25 =	vadd.f32 v17, v25;
	v16 =	vmax.f32 v16, $0.0e+00;
	v26 =	vld [tilespmem:s1+$0x50];
	v27 =	vadd.f32 v21, v18  }
0x1c2: {  	v16 =	vmul.f32 v16, v4;
	v21 =	vld [tilespmem:s0+$0x0];
	v18 =	vmax.f32 v19, $0.0e+00;
	v17 =	vmax.f32 v24, $0.0e+00  }
0x1c3: {  	v24 =	vmax.f32 v25, $0.0e+00;
	v29 =	vunpack.i.l.bf16.f32 v22;
	v22 =	vunpack.i.u.bf16.f32 v22  }
0x1c4: {  	v25 =	vld [tilespmem:s1+$0x0];
	v19 =	vmul.f32 v18, v4;
	v18 =	vunpack.i.u.bf16.f32 v20;
	v24 =	vmul.f32 v24, v3  }
0x1c5: {  	v20 =	vunpack.i.l.bf16.f32 v20;
	v31 =	vunpack.i.l.bf16.f32 v28;
	v28 =	vunpack.i.u.bf16.f32 v28  }
0x1c6: {  	v29 =	vadd.f32 v31, v29;
	v31 =	vld [tilespmem:s1+$0x10];
	v22 =	vadd.f32 v28, v22;
	v28 =	vunpack.i.l.bf16.f32 v26  }
0x1c7: {  	v24 =	vadd.f32 v19, v24;
	v19 =	vadd.f32 v28, v20;
	v20 =	vunpack.i.u.bf16.f32 v21  }
0x1c8: {  	v54 =	vld [tilespmem:s1+$0xFFFFFFF0];
	v21 =	vunpack.i.l.bf16.f32 v21;
	v29 =	vmax.f32 v29, $0.0e+00;
	v22 =	vmax.f32 v22, $0.0e+00  }
0x1c9: {  	v57 =	vld [tilespmem:s1+$0xFFFFFF80];
	v28 =	vmul.f32 v29, v1;
	v29 =	vunpack.i.u.bf16.f32 v25;
	v25 =	vunpack.i.l.bf16.f32 v25  }
0x1ca: {  	v22 =	vmul.f32 v22, v2;
	v21 =	vadd.f32 v25, v21;
	v20 =	vadd.f32 v29, v20  }
0x1cb: {  	v25 =	vunpack.i.u.bf16.f32 v60;
	v62 =	vunpack.i.u.bf16.f32 v31;
	v31 =	vunpack.i.l.bf16.f32 v31  }
0x1cc: {  	v29 =	vld [tilespmem:s1+$0xFFFFFFE0];
	v22 =	vadd.f32 v28, v22;
	v21 =	vmax.f32 v21, $0.0e+00;
	v31 =	vadd.f32 v31, v32  }
0x1cd: {  	v63 =	vld [tilespmem:s0+$0xFFFFFFC0];
	v25 =	vadd.f32 v62, v25;
	v20 =	vmax.f32 v20, $0.0e+00;
	v32 =	vunpack.i.l.bf16.f32 v47  }
0x1ce: {  	v59 =	vld [tilespmem:s0+$0xFFFFFF60];
	v62 =	vunpack.i.l.bf16.f32 v54;
	v47 =	vunpack.i.l.bf16.f32 v57;
	v21 =	vmul.f32 v21, v4  }
0x1cf: {  	v40 =	vld [tilespmem:s1+$0xFFFFFFC0];
	v20 =	vmul.f32 v20, v3;
	v34 =	vadd.f32 v22, v24;
	v31 =	vmax.f32 v31, $0.0e+00  }
0x1d0: {  	v32 =	vadd.f32 v32, v35;
	v25 =	vmax.f32 v25, $0.0e+00;
	v31 =	vmul.f32 v31, v1  }
0x1d1: {  	v28 =	vld [tilespmem:s0+$0xFFFFFFD0];
	v25 =	vmul.f32 v25, v2;
	v42 =	vunpack.i.l.bf16.f32 v29;
	v21 =	vadd.f32 v21, v20  }
0x1d2: {  	v55 =	vld [tilespmem:s0+$0xFFFFFF80];
	v20 =	vunpack.i.u.bf16.f32 v26;
	v26 =	vunpack.i.u.bf16.f32 v61;
	v29 =	vunpack.i.u.bf16.f32 v29  }
0x1d3: {  	v50 =	vld [tilespmem:s1+$0xFFFFFF70];
	v35 =	vunpack.i.u.bf16.f32 v59;
	v36 =	vadd.f32 v42, v41;
	v24 =	vadd.f32 v29, v26  }
0x1d4: {  	v61 =	vld [tilespmem:s1+$0xFFFFFF60];
	v29 =	vunpack.i.u.bf16.f32 v63;
	v25 =	vadd.f32 v31, v25;
	v31 =	vunpack.i.u.bf16.f32 v40  }
0x1d5: {  	v26 =	vunpack.i.l.bf16.f32 v40;
	v22 =	vmax.f32 v36, $0.0e+00;
	v29 =	vadd.f32 v31, v29  }
0x1d6: {  	v31 =	vunpack.i.l.bf16.f32 v28;
	v28 =	vunpack.i.u.bf16.f32 v28;
	v33 =	vadd.f32 v25, v21  }
0x1d7: {  	v25 =	vunpack.i.l.bf16.f32 v63;
	v21 =	vmul.f32 v22, v4;
	v22 =	vld [tilespmem:s0+$0xFFFFFFA0];
	v31 =	vadd.f32 v44, v31  }
0x1d8: {  	v40 =	vunpack.i.l.bf16.f32 v50;
	v28 =	vadd.f32 v46, v28;
	v25 =	vadd.f32 v26, v25;
	v26 =	vld [tilespmem:s1+$0xFFFFFFA0]  }
0x1d9: {  	v63 =	vunpack.i.u.bf16.f32 v55;
	v29 =	vmax.f32 v29, $0.0e+00;
	v51 =	vunpack.i.u.bf16.f32 v61  }
0x1da: {  	v52 =	vld [tilespmem:s0+$0xFFFFFFF0];
	v46 =	vunpack.i.u.bf16.f32 v57;
	v29 =	vmul.f32 v29, v3;
	v35 =	vadd.f32 v51, v35  }
0x1db: {  	v31 =	vmax.f32 v31, $0.0e+00;
	v28 =	vmax.f32 v28, $0.0e+00;
	v25 =	vmax.f32 v25, $0.0e+00  }
0x1dc: {  	v25 =	vmul.f32 v25, v4;
	v35 =	vmax.f32 v35, $0.0e+00;
	v48 =	vunpack.i.u.bf16.f32 v22  }
0x1dd: {  	v22 =	vunpack.i.l.bf16.f32 v22;
	v49 =	vunpack.i.u.bf16.f32 v26;
	v26 =	vunpack.i.l.bf16.f32 v26  }
0x1de: {  	v31 =	vmul.f32 v31, v1;
	v35 =	vmul.f32 v35, v3;
	v22 =	vadd.f32 v26, v22  }
0x1df: {  	v29 =	vadd.f32 v25, v29;
	v25 =	vunpack.i.u.bf16.f32 v52;
	v26 =	vadd.f32 v49, v48  }
0x1e0: {  	v48 =	vunpack.i.l.bf16.f32 v59;
	v49 =	vunpack.i.l.bf16.f32 v61;
	v22 =	vmax.f32 v22, $0.0e+00  }
0x1e1: {  	v41 =	vld [tilespmem:s0+$0xFFFFFF90];
	v38 =	vadd.f32 v49, v48;
	v56 =	vmul.f32 v22, v4;
	v22 =	vmax.f32 v26, $0.0e+00  }
0x1e2: {  	v44 =	vld [tilespmem:s1+$0xFFFFFF90];
	v26 =	vmul.f32 v28, v2;
	v28 =	vmul.f32 v22, v3;
	v22 =	vmax.f32 v32, $0.0e+00  }
0x1e3: {  	v48 =	vld [tilespmem:s1+$0xFFFFFF50];
	v53 =	vmax.f32 v38, $0.0e+00;
	v32 =	vmul.f32 v58, v2;
	v60 =	vmul.f32 v22, v1  }
0x1e4: {  	v22 =	vmax.f32 v24, $0.0e+00;
	v31 =	vadd.f32 v31, v26;
	v24 =	vunpack.i.l.bf16.f32 v52;
	v52 =	vld [tilespmem:s0+$0xFFFFFF40]  }
0x1e5: {  	v37 =	vmul.f32 v53, v4;
	v26 =	vunpack.i.u.bf16.f32 v54;
	v28 =	vadd.f32 v56, v28;
	v56 =	vld [tilespmem:s1+$0xFFFFFF40]  }
0x1e6: {  	v24 =	vadd.f32 v62, v24;
	v45 =	vadd.f32 v31, v29;
	v29 =	vld [tilespmem:s0+$0xFFFFFF70];
	v31 =	vunpack.i.l.bf16.f32 v55  }
0x1e7: {  	v54 =	vunpack.i.l.bf16.f32 v41;
	v32 =	vadd.f32 v60, v32;
	v31 =	vadd.f32 v47, v31  }
0x1e8: {  	v51 =	vunpack.i.l.bf16.f32 v48;
	v55 =	vunpack.i.l.bf16.f32 v44;
	v47 =	vunpack.i.u.bf16.f32 v50  }
0x1e9: {  	v62 =	vld [tilespmem:s0+$0xFFFFFF00];
	v28 =	vadd.f32 v32, v28;
	v32 =	vadd.f32 v46, v63;
	v31 =	vmax.f32 v31, $0.0e+00  }
0x1ea: {  	v46 =	vld [tilespmem:s0+$0xFFFFFF50];
	v60 =	vunpack.i.l.bf16.f32 v52;
	v36 =	vunpack.i.u.bf16.f32 v52;
	v52 =	vunpack.i.u.bf16.f32 v48  }
0x1eb: {  	v63 =	vld [tilespmem:s1+$0xFFFFFF00];
	v61 =	vunpack.i.l.bf16.f32 v56;
	v42 =	vunpack.i.u.bf16.f32 v56;
	v57 =	vunpack.i.u.bf16.f32 v29  }
0x1ec: {  	v29 =	vunpack.i.l.bf16.f32 v29;
	v38 =	vadd.f32 v61, v60;
	v36 =	vadd.f32 v42, v36  }
0x1ed: {  	v40 =	vadd.f32 v40, v29;
	v43 =	vadd.f32 v47, v57;
	v29 =	vmul.f32 v31, v4  }
0x1ee: {  	(xrf2) =	vadd.scan.msk.f32 $0xffff, v23;
	v31 =	vmax.f32 v32, $0.0e+00;
	v32 =	vadd.f32 v55, v54;
	v47 =	vadd.f32 v37, v35  }
0x1ef: {  	v55 =	vunpack.i.l.bf16.f32 v62;
	v50 =	vunpack.i.l.bf16.f32 v46;
	v23 =	vunpack.i.u.bf16.f32 v46  }
0x1f0: {  	(xrf2) =	vadd.scan.msk.f32 $0xffff, v30;
	v30 =	vmax.f32 v38, $0.0e+00;
	v36 =	vmax.f32 v36, $0.0e+00;
	v56 =	vunpack.i.l.bf16.f32 v63  }
0x1f1: {  	v39 =	vunpack.i.u.bf16.f32 v63;
	v58 =	vmax.f32 v40, $0.0e+00;
	v23 =	vadd.f32 v52, v23  }
0x1f2: {  	(xrf2) =	vadd.scan.msk.f32 $0xffff, v27;
	v59 =	vmax.f32 v43, $0.0e+00;
	v42 =	vadd.f32 v51, v50;
	v30 =	vmul.f32 v30, v4  }
0x1f3: {  	v54 =	vld [tilespmem:s0+$0xFFFFFF10];
	v36 =	vmul.f32 v36, v3;
	v40 =	vunpack.i.u.bf16.f32 v62;
	v23 =	vmax.f32 v23, $0.0e+00  }
0x1f4: {  	v57 =	vld [tilespmem:s1+$0xFFFFFF10];
	v43 =	vadd.f32 v56, v55;
	v35 =	vmul.f32 v58, v1;
	v23 =	vmul.f32 v23, v2  }
0x1f5: {  	(xrf2) =	vadd.scan.msk.f32 $0xffff, v34;
	v37 =	vmul.f32 v59, v2;
	v39 =	vadd.f32 v39, v40;
	v53 =	vmax.f32 v42, $0.0e+00  }
0x1f6: {  	v59 =	vmax.f32 v43, $0.0e+00;
	v36 =	vadd.f32 v30, v36;
	v38 =	vmul.f32 v53, v1  }
0x1f7: {  	v58 =	vadd.f32 v35, v37;
	v35 =	vunpack.i.u.bf16.f32 v41;
	v30 =	vmul.f32 v59, v4  }
0x1f8: {  	v27 =	vmax.f32 v39, $0.0e+00;
	v60 =	vunpack.i.u.bf16.f32 v54;
	v37 =	vld [tilespmem:s0+$0xFFFFFF20];
	v49 =	vadd.f32 v38, v23;
	v23, _, _ =	vpop (xrf2);
	(xrf2) =	vadd.scan.msk.f32 $0xffff, v33  }
0x1f9: {  	v61 =	vunpack.i.l.bf16.f32 v54;
	v62 =	vunpack.i.u.bf16.f32 v57;
	v63 =	vunpack.i.l.bf16.f32 v57;
	v38 =	vld [tilespmem:s1+$0xFFFFFF20]  }
0x1fa: {  	v39 =	vld [tilespmem:s0+$0xFFFFFF30];
	v41 =	vmul.f32 v27, v3;
	v42 =	vadd.f32 v63, v61;
	v43 =	vadd.f32 v62, v60  }
0x1fb: {  	s12 =	simm.s32 $0x40;
	v34 =	vunpack.i.u.bf16.f32 v44;
	v40 =	vld [tilespmem:s1+$0xFFFFFF30];
	v33 =	vadd.f32 v49, v36;
	v36 =	vadd.f32 v58, v47;
	v27, _, _ =	vpop (xrf2);
	(xrf2) =	vadd.scan.msk.f32 $0xffff, v45  }
.LBB2_5:
0x1fc: {  	p0 =	sne.s32 s12, $0x600;
	v41 =	vadd.f32 v30, v41;
	v42 =	vmax.f32 v42, $0.0e+00;
	v43 =	vmax.f32 v43, $0.0e+00;
	v30, _, _ =	vpop (xrf2)  }
0x1fd: {  	v42 =	vmul.f32 v42, v1;
	v43 =	vmul.f32 v43, v2;
	v44 =	vunpack.i.u.bf16.f32 v37  }
0x1fe: {  	v37 =	vunpack.i.l.bf16.f32 v37;
	v45 =	vunpack.i.u.bf16.f32 v38;
	v38 =	vunpack.i.l.bf16.f32 v38;
	(xrf2) =	vadd.scan.msk.f32 $0xffff, v28  }
0x1ff: {  	v37 =	vadd.f32 v38, v37;
	v38 =	vadd.f32 v45, v44;
	v44 =	vunpack.i.u.bf16.f32 v39;
	v28, _, _ =	vpop (xrf2)  }
0x200: {  	v39 =	vunpack.i.l.bf16.f32 v39;
	v45 =	vunpack.i.u.bf16.f32 v40;
	v40 =	vunpack.i.l.bf16.f32 v40  }
0x201: {  	v37 =	vmax.f32 v37, $0.0e+00;
	v39 =	vadd.f32 v40, v39;
	v40 =	vadd.f32 v45, v44;
	(xrf2) =	vadd.scan.msk.f32 $0xffff, v36  }
0x202: {  	v36 =	vadd.f32 v42, v43;
	v38 =	vmax.f32 v38, $0.0e+00;
	v37 =	vmul.f32 v37, v4;
	v42, _, _ =	vpop (xrf2)  }
0x203: {  	v38 =	vmul.f32 v38, v3;
	v39 =	vmax.f32 v39, $0.0e+00;
	v40 =	vmax.f32 v40, $0.0e+00  }
0x204: {  	v34 =	vadd.f32 v34, v35;
	v39 =	vmul.f32 v39, v1;
	v40 =	vmul.f32 v40, v2;
	(xrf2) =	vadd.scan.msk.f32 $0xffff, v33  }
0x205: {  	v31 =	vmul.f32 v31, v3;
	v32 =	vmax.f32 v32, $0.0e+00;
	v41 =	vadd.f32 v36, v41;
	v35, _, _ =	vpop (xrf2)  }
0x206: {  	v34 =	vmax.f32 v34, $0.0e+00;
	v36 =	vadd.f32 v37, v38;
	v37 =	vadd.f32 v39, v40  }
0x207: {  	v25 =	vadd.f32 v26, v25;
	v32 =	vmul.f32 v32, v1;
	v34 =	vmul.f32 v34, v2;
	(xrf2) =	vadd.scan.msk.f32 $0xffff, v41  }
0x208: {  	v22 =	vmul.f32 v22, v3;
	v24 =	vmax.f32 v24, $0.0e+00;
	v36 =	vadd.f32 v37, v36;
	v33, _, _ =	vpop (xrf2)  }
0x209: {  	v29 =	vadd.f32 v29, v31;
	v25 =	vmax.f32 v25, $0.0e+00;
	v31 =	vadd.f32 v32, v34  }
0x20a: {  	v18 =	vadd.f32 v20, v18;
	v24 =	vmul.f32 v24, v1;
	v25 =	vmul.f32 v25, v2;
	(xrf2) =	vadd.scan.msk.f32 $0xffff, v36  }
0x20b: {  	v17 =	vmul.f32 v17, v3;
	v19 =	vmax.f32 v19, $0.0e+00;
	v29 =	vadd.f32 v31, v29;
	v26, _, _ =	vpop (xrf2)  }
0x20c: {  	v21 =	vadd.f32 v21, v22;
	v18 =	vmax.f32 v18, $0.0e+00;
	v22 =	vadd.f32 v24, v25  }
0x20d: {  	v13 =	vadd.f32 v15, v13;
	v19 =	vmul.f32 v19, v1;
	v18 =	vmul.f32 v18, v2;
	(xrf2) =	vadd.scan.msk.f32 $0xffff, v29  }
0x20e: {  	v12 =	vmul.f32 v12, v3;
	v14 =	vmax.f32 v14, $0.0e+00;
	v15 =	vadd.f32 v22, v21;
	v20, _, _ =	vpop (xrf2)  }
0x20f: {  	v16 =	vadd.f32 v16, v17;
	v13 =	vmax.f32 v13, $0.0e+00;
	v17 =	vadd.f32 v19, v18  }
0x210: {  	v9 =	vadd.f32 v10, v9;
	v14 =	vmul.f32 v14, v1;
	v13 =	vmul.f32 v13, v2;
	(xrf2) =	vadd.scan.msk.f32 $0xffff, v15  }
0x211: {  	v6 =	vmax.f32 v6, $0.0e+00;
	v7 =	vadd.f32 v8, v7;
	v10 =	vadd.f32 v17, v16;
	v8, _, _ =	vpop (xrf2)  }
0x212: {  	v5 =	vmul.f32 v5, v4;
	v15 =	vadd.f32 v11, v12;
	v12 =	vadd.f32 v14, v13  }
0x213: {  	v6 =	vmul.f32 v6, v3;
	v9 =	vmax.f32 v9, $0.0e+00;
	v7 =	vmax.f32 v7, $0.0e+00;
	(xrf2) =	vadd.scan.msk.f32 $0xffff, v10  }
0x214: {  	v7 =	vmul.f32 v7, v2;
	v13 =	vmul.f32 v9, v1;
	v10 =	vadd.f32 v12, v15;
	v11, _, _ =	vpop (xrf2)  }
0x215: {  	v8 =	vbroadcast v8, $0xF;
	v11 =	vbroadcast v11, $0xF  }
0x216: {  	v5 =	vadd.f32 v5, v6;
	v6 =	vadd.f32 v13, v7;
	v12 =	vbroadcast v20, $0xF;
	(xrf2) =	vadd.scan.msk.f32 $0xffff, v10  }
0x217: {  	v7 =	vsel vm0, v8, v11;
	v8 =	vbroadcast v26, $0xF;
	v9, _, _ =	vpop (xrf2)  }
0x218: {  	v5 =	vadd.f32 v6, v5;
	v7 =	vsel vm1, v7, v12;
	v10 =	vbroadcast v9, $0xF  }
0x219: {  	v6 =	vsel vm2, v7, v8;
	v7 =	vbroadcast v33, $0xF  }
0x21a: {  	v6 =	vsel vm3, v6, v10;
	v10 =	vbroadcast v35, $0xF;
	v9, _, _ =	vpop (xrf2);
	(xrf2) =	vadd.scan.msk.f32 $0xffff, v5  }
0x21b: {  	v5 =	vsel vm4, v6, v7;
	v6 =	vbroadcast v9, $0xF  }
0x21c: {  	v7 =	vbroadcast v42, $0xF;
	v5 =	vsel vm5, v5, v10  }
0x21d: {  	v5 =	vsel vm6, v5, v6;
	v6 =	vbroadcast v28, $0xF;
	v8, _, _ =	vpop (xrf2)  }
0x21e: {  	v5 =	vsel vm7, v5, v7;
	v7 =	vbroadcast v8, $0xF  }
0x21f: {  	v5 =	vsel vm8, v5, v6;
	v6 =	vbroadcast v30, $0xF  }
0x220: {  	v5 =	vsel vm9, v5, v7;
	v7 =	vbroadcast v27, $0xF;
	v8, _, _ =	vpop (xrf2)  }
0x221: {  	v5 =	vsel vm10, v5, v6;
	v6 =	vbroadcast v8, $0xF  }
0x222: {  	s13 =	sshra.s32 s28, $0x2;
	s28 =	smov.u32 s12;
	v8 =	vbroadcast v23, $0xF;
	v5 =	vsel vm11, v5, v7  }
0x223: {  	v5 =	vsel vm12, v5, v6;
	v6 =	vld [tilespmem:s13+$0xD160]  }
0x224: {  	v5 =	vsel vm13, v5, v8;
	v7, _, _ =	vpop (xrf2)  }
0x225: {  	v5 =	vsel vm14, v5, v7  }
0x226: {  	v5 =	vadd.f32 v5, v0;
	_ =	sdelay $0x1  }
0x227: {  	v5 =	vmul.f32 v5, v6;
	_ =	sdelay $0x1  }
0x228: {  	s0 =	sadd.s32 $0x200, s0;
	[tilespmem:s13+$0xD2F0] =	vst v5  }
0x229: {  	s1 =	sadd.s32 $0x200, s1;
	v5 =	vld [tilespmem:s0+$0xE0]  }
0x22a: {  	v6 =	vld [tilespmem:s1+$0xE0];
	_ =	sdelay $0x2  }
0x22b: {  	v7 =	vld [tilespmem:s0+$0xC0]  }
0x22c: {  	v8 =	vld [tilespmem:s1+$0xC0]  }
0x22d: {  	v10 =	vunpack.i.l.bf16.f32 v5;
	v9 =	vld [tilespmem:s0+$0xD0];
	v11 =	vunpack.i.l.bf16.f32 v6  }
0x22e: {  	v12 =	vld [tilespmem:s1+$0xD0];
	v10 =	vadd.f32 v11, v10  }
0x22f: {  	v6 =	vunpack.i.u.bf16.f32 v6;
	v11 =	vunpack.i.u.bf16.f32 v5  }
0x230: {  	v6 =	vadd.f32 v6, v11;
	v13 =	vunpack.i.u.bf16.f32 v7;
	v5 =	vmax.f32 v10, $0.0e+00;
	v10 =	vld [tilespmem:s0+$0xF0]  }
0x231: {  	v7 =	vunpack.i.l.bf16.f32 v7;
	v11 =	vunpack.i.u.bf16.f32 v8;
	v8 =	vunpack.i.l.bf16.f32 v8  }
0x232: {  	v7 =	vadd.f32 v8, v7;
	v8 =	vadd.f32 v11, v13;
	v11 =	vunpack.i.u.bf16.f32 v9;
	v13 =	vld [tilespmem:s1+$0xF0]  }
0x233: {  	v9 =	vunpack.i.l.bf16.f32 v9;
	v14 =	vld [tilespmem:s0+$0xA0];
	v15 =	vunpack.i.u.bf16.f32 v12;
	v12 =	vunpack.i.l.bf16.f32 v12  }
0x234: {  	v16 =	vld [tilespmem:s1+$0xA0];
	v7 =	vmax.f32 v7, $0.0e+00;
	v9 =	vadd.f32 v12, v9;
	v11 =	vadd.f32 v15, v11  }
0x235: {  	v8 =	vmax.f32 v8, $0.0e+00;
	v12 =	vld [tilespmem:s0+$0x80];
	v15 =	vmul.f32 v7, v4;
	v7 =	vunpack.i.u.bf16.f32 v10  }
0x236: {  	v8 =	vmul.f32 v8, v3;
	v17 =	vld [tilespmem:s1+$0x80];
	v9 =	vmax.f32 v9, $0.0e+00;
	v11 =	vmax.f32 v11, $0.0e+00  }
0x237: {  	v18 =	vmul.f32 v9, v1;
	v11 =	vmul.f32 v11, v2;
	v9 =	vunpack.i.l.bf16.f32 v10  }
0x238: {  	v15 =	vadd.f32 v15, v8;
	v8 =	vunpack.i.u.bf16.f32 v13;
	v10 =	vunpack.i.l.bf16.f32 v13  }
0x239: {  	v13 =	vunpack.i.l.bf16.f32 v14;
	v19 =	vunpack.i.l.bf16.f32 v16;
	v11 =	vadd.f32 v18, v11  }
0x23a: {  	v14 =	vunpack.i.u.bf16.f32 v14;
	v16 =	vunpack.i.u.bf16.f32 v16;
	v18 =	vld [tilespmem:s0+$0x90];
	v13 =	vadd.f32 v19, v13  }
0x23b: {  	v19 =	vunpack.i.l.bf16.f32 v12;
	v14 =	vadd.f32 v16, v14;
	v20 =	vunpack.i.l.bf16.f32 v17;
	v21 =	vld [tilespmem:s1+$0x90]  }
0x23c: {  	v12 =	vunpack.i.u.bf16.f32 v12;
	v16 =	vunpack.i.u.bf16.f32 v17;
	v17 =	vadd.f32 v20, v19;
	v19 =	vld [tilespmem:s0+$0xB0]  }
0x23d: {  	v23 =	vadd.f32 v11, v15;
	v16 =	vadd.f32 v16, v12;
	v12 =	vmax.f32 v13, $0.0e+00;
	v20 =	vld [tilespmem:s1+$0xB0]  }
0x23e: {  	v11 =	vmul.f32 v12, v4;
	v12 =	vmax.f32 v14, $0.0e+00;
	v13 =	vmax.f32 v17, $0.0e+00  }
0x23f: {  	v14 =	vld [tilespmem:s0+$0x60];
	v15 =	vmul.f32 v13, v4;
	v13 =	vmax.f32 v16, $0.0e+00;
	v16 =	vunpack.i.u.bf16.f32 v18  }
0x240: {  	v18 =	vunpack.i.l.bf16.f32 v18;
	v17 =	vld [tilespmem:s1+$0x60];
	v22 =	vunpack.i.u.bf16.f32 v21;
	v21 =	vunpack.i.l.bf16.f32 v21  }
0x241: {  	v25 =	vmul.f32 v13, v3;
	v24 =	vld [tilespmem:s0+$0x70];
	v18 =	vadd.f32 v21, v18;
	v16 =	vadd.f32 v22, v16  }
0x242: {  	v13 =	vunpack.i.u.bf16.f32 v19;
	v19 =	vunpack.i.l.bf16.f32 v19;
	v21 =	vld [tilespmem:s1+$0x70];
	v22 =	vunpack.i.l.bf16.f32 v20  }
0x243: {  	v15 =	vadd.f32 v15, v25;
	v18 =	vmax.f32 v18, $0.0e+00;
	v16 =	vmax.f32 v16, $0.0e+00  }
0x244: {  	v25 =	vunpack.i.u.bf16.f32 v14;
	v18 =	vmul.f32 v18, v1;
	v16 =	vmul.f32 v16, v2  }
0x245: {  	v14 =	vunpack.i.l.bf16.f32 v14;
	v26 =	vunpack.i.u.bf16.f32 v17;
	v17 =	vunpack.i.l.bf16.f32 v17  }
0x246: {  	v14 =	vadd.f32 v17, v14;
	v17 =	vadd.f32 v26, v25;
	v25 =	vunpack.i.u.bf16.f32 v24  }
0x247: {  	v24 =	vunpack.i.l.bf16.f32 v24;
	v26 =	vld [tilespmem:s0+$0x40];
	v27 =	vunpack.i.u.bf16.f32 v21;
	v21 =	vunpack.i.l.bf16.f32 v21  }
0x248: {  	v28 =	vld [tilespmem:s1+$0x40];
	v14 =	vmax.f32 v14, $0.0e+00;
	v21 =	vadd.f32 v21, v24;
	v24 =	vadd.f32 v27, v25  }
0x249: {  	v16 =	vadd.f32 v18, v16;
	v25 =	vld [tilespmem:s0+$0x20];
	v27 =	vmul.f32 v14, v4;
	v14 =	vmax.f32 v17, $0.0e+00  }
0x24a: {  	v17 =	vld [tilespmem:s1+$0x20];
	v18 =	vmul.f32 v14, v3;
	v14 =	vmax.f32 v21, $0.0e+00;
	v21 =	vmax.f32 v24, $0.0e+00  }
0x24b: {  	v24 =	vmul.f32 v14, v1;
	v21 =	vmul.f32 v21, v2;
	v14 =	vadd.f32 v22, v19  }
0x24c: {  	v18 =	vadd.f32 v27, v18;
	v27 =	vadd.f32 v16, v15;
	v15 =	vunpack.i.u.bf16.f32 v20  }
0x24d: {  	v16 =	vunpack.i.l.bf16.f32 v26;
	v19 =	vunpack.i.l.bf16.f32 v28;
	v20 =	vld [tilespmem:s0+$0x50];
	v21 =	vadd.f32 v24, v21  }
0x24e: {  	v24 =	vunpack.i.u.bf16.f32 v26;
	v26 =	vunpack.i.u.bf16.f32 v28;
	v22 =	vld [tilespmem:s0+$0x30];
	v16 =	vadd.f32 v19, v16  }
0x24f: {  	v19 =	vunpack.i.l.bf16.f32 v25;
	v24 =	vadd.f32 v26, v24;
	v28 =	vunpack.i.l.bf16.f32 v17;
	v29 =	vld [tilespmem:s1+$0x30]  }
0x250: {  	v25 =	vunpack.i.u.bf16.f32 v25;
	v17 =	vunpack.i.u.bf16.f32 v17;
	v19 =	vadd.f32 v28, v19  }
0x251: {  	v30 =	vadd.f32 v21, v18;
	v25 =	vadd.f32 v17, v25;
	v16 =	vmax.f32 v16, $0.0e+00;
	v26 =	vld [tilespmem:s1+$0x50]  }
0x252: {  	v17 =	vmax.f32 v24, $0.0e+00;
	v16 =	vmul.f32 v16, v4;
	v18 =	vmax.f32 v19, $0.0e+00  }
0x253: {  	v24 =	vmax.f32 v25, $0.0e+00;
	v21 =	vld [tilespmem:s0+$0x0];
	v19 =	vmul.f32 v18, v4;
	v18 =	vunpack.i.u.bf16.f32 v20  }
0x254: {  	v24 =	vmul.f32 v24, v3;
	v28 =	vunpack.i.l.bf16.f32 v22;
	v25 =	vld [tilespmem:s1+$0x0];
	v31 =	vunpack.i.l.bf16.f32 v29  }
0x255: {  	v22 =	vunpack.i.u.bf16.f32 v22;
	v29 =	vunpack.i.u.bf16.f32 v29;
	v32 =	vld [tilespmem:s0+$0x10];
	v28 =	vadd.f32 v31, v28  }
0x256: {  	v20 =	vunpack.i.l.bf16.f32 v20;
	v22 =	vadd.f32 v29, v22;
	v31 =	vld [tilespmem:s1+$0x10];
	v29 =	vunpack.i.l.bf16.f32 v26  }
0x257: {  	v24 =	vadd.f32 v19, v24;
	v28 =	vmax.f32 v28, $0.0e+00;
	v19 =	vadd.f32 v29, v20  }
0x258: {  	v22 =	vmax.f32 v22, $0.0e+00;
	v20 =	vunpack.i.u.bf16.f32 v21;
	v28 =	vmul.f32 v28, v1  }
0x259: {  	v21 =	vunpack.i.l.bf16.f32 v21;
	v29 =	vunpack.i.u.bf16.f32 v25;
	v25 =	vunpack.i.l.bf16.f32 v25  }
0x25a: {  	v33 =	vld [tilespmem:s0+$0xFFFFFFE0];
	v21 =	vadd.f32 v25, v21;
	v20 =	vadd.f32 v29, v20;
	v25 =	vunpack.i.u.bf16.f32 v32  }
0x25b: {  	v32 =	vunpack.i.l.bf16.f32 v32;
	v29 =	vld [tilespmem:s1+$0xFFFFFFE0];
	v34 =	vunpack.i.u.bf16.f32 v31;
	v31 =	vunpack.i.l.bf16.f32 v31  }
0x25c: {  	v21 =	vmax.f32 v21, $0.0e+00;
	v31 =	vadd.f32 v31, v32;
	v25 =	vadd.f32 v34, v25  }
0x25d: {  	v22 =	vmul.f32 v22, v2;
	v20 =	vmax.f32 v20, $0.0e+00;
	v21 =	vmul.f32 v21, v4  }
0x25e: {  	v20 =	vmul.f32 v20, v3;
	v32 =	vld [tilespmem:s0+$0xFFFFFFC0];
	v31 =	vmax.f32 v31, $0.0e+00;
	v25 =	vmax.f32 v25, $0.0e+00  }
0x25f: {  	v22 =	vadd.f32 v28, v22;
	v35 =	vld [tilespmem:s1+$0xFFFFFFC0];
	v31 =	vmul.f32 v31, v1;
	v25 =	vmul.f32 v25, v2  }
0x260: {  	v34 =	vunpack.i.l.bf16.f32 v33;
	v21 =	vadd.f32 v21, v20;
	v28 =	vld [tilespmem:s0+$0xFFFFFFD0];
	v36 =	vunpack.i.l.bf16.f32 v29  }
0x261: {  	v20 =	vunpack.i.u.bf16.f32 v26;
	v37 =	vld [tilespmem:s1+$0xFFFFFFD0];
	v36 =	vadd.f32 v36, v34;
	v25 =	vadd.f32 v31, v25  }
0x262: {  	v26 =	vunpack.i.u.bf16.f32 v33;
	v29 =	vunpack.i.u.bf16.f32 v29;
	v34 =	vadd.f32 v22, v24  }
0x263: {  	v24 =	vadd.f32 v29, v26;
	v22 =	vmax.f32 v36, $0.0e+00;
	v33 =	vadd.f32 v25, v21  }
0x264: {  	v25 =	vunpack.i.l.bf16.f32 v32;
	v26 =	vunpack.i.l.bf16.f32 v35;
	v21 =	vmul.f32 v22, v4  }
0x265: {  	v29 =	vunpack.i.u.bf16.f32 v32;
	v31 =	vunpack.i.u.bf16.f32 v35;
	v22 =	vld [tilespmem:s0+$0xFFFFFFA0];
	v25 =	vadd.f32 v26, v25  }
0x266: {  	v29 =	vadd.f32 v31, v29;
	v31 =	vunpack.i.l.bf16.f32 v28;
	v26 =	vld [tilespmem:s1+$0xFFFFFFA0];
	v32 =	vunpack.i.l.bf16.f32 v37  }
0x267: {  	v28 =	vunpack.i.u.bf16.f32 v28;
	v36 =	vunpack.i.u.bf16.f32 v37;
	v35 =	vld [tilespmem:s0+$0xFFFFFFB0];
	v31 =	vadd.f32 v32, v31  }
0x268: {  	v25 =	vmax.f32 v25, $0.0e+00;
	v29 =	vmax.f32 v29, $0.0e+00;
	v28 =	vadd.f32 v36, v28;
	v32 =	vld [tilespmem:s1+$0xFFFFFFB0]  }
0x269: {  	v25 =	vmul.f32 v25, v4;
	v29 =	vmul.f32 v29, v3;
	v31 =	vmax.f32 v31, $0.0e+00  }
0x26a: {  	v28 =	vmax.f32 v28, $0.0e+00;
	v36 =	vunpack.i.u.bf16.f32 v22;
	v31 =	vmul.f32 v31, v1  }
0x26b: {  	v22 =	vunpack.i.l.bf16.f32 v22;
	v37 =	vunpack.i.u.bf16.f32 v26;
	v26 =	vunpack.i.l.bf16.f32 v26  }
0x26c: {  	v22 =	vadd.f32 v26, v22;
	v26 =	vadd.f32 v37, v36;
	v36 =	vunpack.i.u.bf16.f32 v35  }
0x26d: {  	v35 =	vunpack.i.l.bf16.f32 v35;
	v37 =	vunpack.i.u.bf16.f32 v32;
	v32 =	vunpack.i.l.bf16.f32 v32;
	v38 =	vld [tilespmem:s0+$0xFFFFFFF0]  }
0x26e: {  	v22 =	vmax.f32 v22, $0.0e+00;
	v32 =	vadd.f32 v32, v35;
	v35 =	vadd.f32 v37, v36;
	v36 =	vld [tilespmem:s1+$0xFFFFFFF0]  }
0x26f: {  	v37 =	vld [tilespmem:s0+$0xFFFFFF80];
	v39 =	vmul.f32 v22, v4;
	v22 =	vmax.f32 v26, $0.0e+00;
	v26 =	vmul.f32 v28, v2  }
0x270: {  	v40 =	vld [tilespmem:s1+$0xFFFFFF80];
	v28 =	vmul.f32 v22, v3;
	v22 =	vmax.f32 v32, $0.0e+00;
	v32 =	vmax.f32 v35, $0.0e+00  }
0x271: {  	v35 =	vld [tilespmem:s0+$0xFFFFFF60];
	v41 =	vmul.f32 v22, v1;
	v32 =	vmul.f32 v32, v2;
	v22 =	vmax.f32 v24, $0.0e+00  }
0x272: {  	v29 =	vadd.f32 v25, v29;
	v31 =	vadd.f32 v31, v26;
	v42 =	vld [tilespmem:s1+$0xFFFFFF60];
	v24 =	vunpack.i.l.bf16.f32 v38  }
0x273: {  	v28 =	vadd.f32 v39, v28;
	v32 =	vadd.f32 v41, v32;
	v39 =	vunpack.i.l.bf16.f32 v36  }
0x274: {  	v25 =	vunpack.i.u.bf16.f32 v38;
	v26 =	vunpack.i.u.bf16.f32 v36;
	v41 =	vld [tilespmem:s0+$0xFFFFFF90];
	v24 =	vadd.f32 v39, v24  }
0x275: {  	v45 =	vadd.f32 v31, v29;
	v36 =	vunpack.i.u.bf16.f32 v37;
	v44 =	vld [tilespmem:s1+$0xFFFFFF90];
	v28 =	vadd.f32 v32, v28  }
0x276: {  	v31 =	vunpack.i.l.bf16.f32 v37;
	v32 =	vunpack.i.u.bf16.f32 v40;
	v37 =	vunpack.i.l.bf16.f32 v40;
	v29 =	vld [tilespmem:s0+$0xFFFFFF70]  }
0x277: {  	v38 =	vunpack.i.l.bf16.f32 v35;
	v31 =	vadd.f32 v37, v31;
	v39 =	vunpack.i.l.bf16.f32 v42;
	v40 =	vld [tilespmem:s1+$0xFFFFFF70]  }
0x278: {  	v35 =	vunpack.i.u.bf16.f32 v35;
	v37 =	vunpack.i.u.bf16.f32 v42;
	v38 =	vadd.f32 v39, v38  }
0x279: {  	v32 =	vadd.f32 v32, v36;
	v35 =	vadd.f32 v37, v35;
	v31 =	vmax.f32 v31, $0.0e+00  }
0x27a: {  	v36 =	vld [tilespmem:s0+$0xFFFFFF40];
	v37 =	vmax.f32 v38, $0.0e+00;
	v38 =	vunpack.i.l.bf16.f32 v41;
	v39 =	vunpack.i.l.bf16.f32 v44  }
0x27b: {  	v35 =	vmax.f32 v35, $0.0e+00;
	v42 =	vld [tilespmem:s1+$0xFFFFFF40];
	v37 =	vmul.f32 v37, v4;
	v43 =	vunpack.i.u.bf16.f32 v29  }
0x27c: {  	v29 =	vunpack.i.l.bf16.f32 v29;
	v46 =	vld [tilespmem:s0+$0xFFFFFF50];
	v47 =	vunpack.i.u.bf16.f32 v40;
	v40 =	vunpack.i.l.bf16.f32 v40  }
0x27d: {  	v35 =	vmul.f32 v35, v3;
	v48 =	vld [tilespmem:s1+$0xFFFFFF50];
	v40 =	vadd.f32 v40, v29;
	v43 =	vadd.f32 v47, v43  }
0x27e: {  	v29 =	vmul.f32 v31, v4;
	v31 =	vmax.f32 v32, $0.0e+00;
	v32 =	vadd.f32 v39, v38  }
0x27f: {  	v47 =	vadd.f32 v37, v35;
	v35 =	vmax.f32 v40, $0.0e+00;
	v37 =	vmax.f32 v43, $0.0e+00;
	(xrf2) =	vadd.scan.msk.f32 $0xffff, v23  }
0x280: {  	v23 =	vunpack.i.l.bf16.f32 v36;
	v38 =	vunpack.i.l.bf16.f32 v42;
	v35 =	vmul.f32 v35, v1  }
0x281: {  	v36 =	vunpack.i.u.bf16.f32 v36;
	v40 =	vunpack.i.u.bf16.f32 v42;
	v39 =	vld [tilespmem:s0+$0xFFFFFF00];
	v23 =	vadd.f32 v38, v23  }
0x282: {  	v36 =	vadd.f32 v40, v36;
	v40 =	vunpack.i.l.bf16.f32 v46;
	v38 =	vld [tilespmem:s1+$0xFFFFFF00];
	v42 =	vunpack.i.l.bf16.f32 v48;
	(xrf2) =	vadd.scan.msk.f32 $0xffff, v27  }
0x283: {  	v27 =	vunpack.i.u.bf16.f32 v46;
	v43 =	vunpack.i.u.bf16.f32 v48;
	v40 =	vadd.f32 v42, v40  }
0x284: {  	v37 =	vmul.f32 v37, v2;
	v23 =	vmax.f32 v23, $0.0e+00;
	v27 =	vadd.f32 v43, v27  }
0x285: {  	v42 =	vmul.f32 v23, v4;
	v23 =	vmax.f32 v36, $0.0e+00;
	v36 =	vmax.f32 v40, $0.0e+00;
	(xrf2) =	vadd.scan.msk.f32 $0xffff, v30  }
0x286: {  	v30 =	vmul.f32 v23, v3;
	v23 =	vmax.f32 v27, $0.0e+00;
	v40 =	vld [tilespmem:s0+$0xFFFFFF10];
	v36 =	vmul.f32 v36, v1  }
0x287: {  	v27 =	vunpack.i.l.bf16.f32 v39;
	v48 =	vmul.f32 v23, v2;
	v43 =	vunpack.i.l.bf16.f32 v38;
	v46 =	vld [tilespmem:s1+$0xFFFFFF10]  }
0x288: {  	v39 =	vunpack.i.u.bf16.f32 v39;
	v38 =	vunpack.i.u.bf16.f32 v38;
	v27 =	vadd.f32 v43, v27;
	(xrf2) =	vadd.scan.msk.f32 $0xffff, v34  }
0x289: {  	v49 =	vadd.f32 v35, v37;
	v35 =	vunpack.i.u.bf16.f32 v41;
	v34 =	vadd.f32 v38, v39;
	v23, _, _ =	vpop (xrf2)  }
.Ltmp1:
0x28a: {  	v50 =	vadd.f32 v42, v30;
	v36 =	vadd.f32 v36, v48;
	v41 =	vmax.f32 v27, $0.0e+00;
	(pc) =	sbr.rel @p0 .LBB2_5-.Ltmp1, $4  }
0x28b: {  	v34 =	vmax.f32 v34, $0.0e+00;
	v30 =	vmul.f32 v41, v4;
	v39 =	vunpack.i.u.bf16.f32 v40;
	v37 =	vld [tilespmem:s0+$0xFFFFFF20];
	(xrf2) =	vadd.scan.msk.f32 $0xffff, v33  }
0x28c: {  	v33 =	vunpack.i.l.bf16.f32 v40;
	v40 =	vunpack.i.u.bf16.f32 v46;
	v42 =	vunpack.i.l.bf16.f32 v46;
	v38 =	vld [tilespmem:s1+$0xFFFFFF20];
	v27, _, _ =	vpop (xrf2)  }
0x28d: {  	v41 =	vmul.f32 v34, v3;
	v42 =	vadd.f32 v42, v33;
	v43 =	vadd.f32 v40, v39;
	v39 =	vld [tilespmem:s0+$0xFFFFFF30]  }
0x28e: {  	s12 =	sadd.s32 $0x40, s12;
	v34 =	vunpack.i.u.bf16.f32 v44;
	v33 =	vadd.f32 v36, v50;
	v36 =	vadd.f32 v49, v47;
	v40 =	vld [tilespmem:s1+$0xFFFFFF30];
	(xrf2) =	vadd.scan.msk.f32 $0xffff, v45  }
0x28f: {  	v30 =	vadd.f32 v30, v41;
	v53 =	vmax.f32 v42, $0.0e+00;
	v54 =	vmax.f32 v43, $0.0e+00  }
0x290: {  	v31 =	vmul.f32 v31, v3;
	v41 =	vmul.f32 v53, v1;
	v55 =	vunpack.i.u.bf16.f32 v37  }
0x291: {  	v56 =	vunpack.i.l.bf16.f32 v37;
	v44 =	vunpack.i.u.bf16.f32 v38;
	v57 =	vunpack.i.l.bf16.f32 v38  }
0x292: {  	v37 =	vadd.f32 v57, v56;
	v58 =	vadd.f32 v44, v55;
	v59 =	vunpack.i.u.bf16.f32 v39  }
0x293: {  	v60 =	vunpack.i.l.bf16.f32 v39;
	v61 =	vunpack.i.u.bf16.f32 v40;
	v62 =	vunpack.i.l.bf16.f32 v40  }
0x294: {  	v37 =	vmax.f32 v37, $0.0e+00;
	v39 =	vadd.f32 v62, v60;
	v63 =	vadd.f32 v61, v59  }
0x295: {  	v42 =	vmul.f32 v54, v2;
	v38 =	vmax.f32 v58, $0.0e+00;
	v37 =	vmul.f32 v37, v4  }
0x296: {  	v38 =	vmul.f32 v38, v3;
	v39 =	vmax.f32 v39, $0.0e+00;
	v40 =	vmax.f32 v63, $0.0e+00  }
0x297: {  	v34 =	vadd.f32 v34, v35;
	v39 =	vmul.f32 v39, v1;
	v40 =	vmul.f32 v40, v2  }
0x298: {  	v32 =	vmax.f32 v32, $0.0e+00;
	v25 =	vadd.f32 v26, v25;
	v41 =	vadd.f32 v41, v42  }
0x299: {  	(xrf2) =	vadd.scan.msk.f32 $0xffff, v28;
	v34 =	vmax.f32 v34, $0.0e+00;
	v38 =	vadd.f32 v37, v38;
	v39 =	vadd.f32 v39, v40  }
0x29a: {  	(xrf2) =	vadd.scan.msk.f32 $0xffff, v36;
	v32 =	vmul.f32 v32, v1;
	v34 =	vmul.f32 v34, v2;
	v30 =	vadd.f32 v41, v30  }
0x29b: {  	v22 =	vmul.f32 v22, v3;
	v24 =	vmax.f32 v24, $0.0e+00;
	(xrf2) =	vadd.scan.msk.f32 $0xffff, v33;
	v40 =	vadd.f32 v39, v38  }
0x29c: {  	v25 =	vmax.f32 v25, $0.0e+00;
	v41 =	vadd.f32 v29, v31;
	v42 =	vadd.f32 v32, v34;
	(xrf2) =	vadd.scan.msk.f32 $0xffff, v30  }
0x29d: {  	v18 =	vadd.f32 v20, v18;
	v24 =	vmul.f32 v24, v1;
	v25 =	vmul.f32 v25, v2;
	(xrf2) =	vadd.scan.msk.f32 $0xffff, v40  }
0x29e: {  	v17 =	vmul.f32 v17, v3;
	v19 =	vmax.f32 v19, $0.0e+00;
	v43 =	vadd.f32 v42, v41  }
0x29f: {  	v21 =	vadd.f32 v21, v22;
	v18 =	vmax.f32 v18, $0.0e+00;
	v44, _, _ =	vpop (xrf2);
	v45 =	vadd.f32 v24, v25  }
0x2a0: {  	v13 =	vadd.f32 v15, v13;
	v19 =	vmul.f32 v19, v1;
	v18 =	vmul.f32 v18, v2;
	v46, _, _ =	vpop (xrf2);
	(xrf2) =	vadd.scan.msk.f32 $0xffff, v43  }
0x2a1: {  	v12 =	vmul.f32 v12, v3;
	v9 =	vadd.f32 v10, v9;
	v47, _, _ =	vpop (xrf2);
	v48 =	vadd.f32 v45, v21  }
0x2a2: {  	v14 =	vmax.f32 v14, $0.0e+00;
	v16 =	vadd.f32 v16, v17;
	v50 =	vadd.f32 v19, v18;
	v49, _, _ =	vpop (xrf2)  }
0x2a3: {  	v6 =	vmax.f32 v6, $0.0e+00;
	v7 =	vadd.f32 v8, v7;
	v5 =	vmul.f32 v5, v4;
	v51, _, _ =	vpop (xrf2);
	(xrf2) =	vadd.scan.msk.f32 $0xffff, v48  }
0x2a4: {  	v14 =	vmul.f32 v14, v1;
	v13 =	vmax.f32 v13, $0.0e+00;
	v16 =	vadd.f32 v50, v16;
	v52, _, _ =	vpop (xrf2)  }
0x2a5: {  	v6 =	vmul.f32 v6, v3;
	v13 =	vmul.f32 v13, v2;
	v53, _, _ =	vpop (xrf2)  }
0x2a6: {  	v11 =	vadd.f32 v11, v12;
	v9 =	vmax.f32 v9, $0.0e+00;
	v7 =	vmax.f32 v7, $0.0e+00;
	v55, _, _ =	vpop (xrf2);
	(xrf2) =	vadd.scan.msk.f32 $0xffff, v16  }
0x2a7: {  	v9 =	vmul.f32 v9, v1;
	v7 =	vmul.f32 v7, v2;
	v54 =	vadd.f32 v14, v13;
	v56, _, _ =	vpop (xrf2)  }
0x2a8: {  	v13 =	vbroadcast v55, $0xF;
	v12 =	vbroadcast v56, $0xF  }
0x2a9: {  	v5 =	vadd.f32 v5, v6;
	v11 =	vadd.f32 v54, v11;
	v8 =	vbroadcast v53, $0xF  }
0x2aa: {  	v6 =	vadd.f32 v9, v7;
	v57 =	vbroadcast v52, $0xF;
	v58, _, _ =	vpop (xrf2);
	v7 =	vsel vm0, v13, v12  }
0x2ab: {  	(xrf2) =	vadd.scan.msk.f32 $0xffff, v11;
	v59 =	vbroadcast v58, $0xF;
	v7 =	vsel vm1, v7, v8  }
0x2ac: {  	v5 =	vadd.f32 v6, v5;
	v6 =	vsel vm2, v7, v57;
	v7 =	vbroadcast v51, $0xF  }
0x2ad: {  	v60 =	vbroadcast v49, $0xF;
	v61, _, _ =	vpop (xrf2);
	v6 =	vsel vm3, v6, v59  }
0x2ae: {  	(xrf2) =	vadd.scan.msk.f32 $0xffff, v5;
	v5 =	vsel vm4, v6, v7;
	v6 =	vbroadcast v61, $0xF  }
0x2af: {  	v7 =	vbroadcast v47, $0xF;
	v5 =	vsel vm5, v5, v60  }
0x2b0: {  	v62, _, _ =	vpop (xrf2);
	v5 =	vsel vm6, v5, v6;
	v6 =	vbroadcast v46, $0xF  }
0x2b1: {  	v5 =	vsel vm7, v5, v7;
	v7 =	vbroadcast v62, $0xF  }
0x2b2: {  	v5 =	vsel vm8, v5, v6;
	v6 =	vbroadcast v44, $0xF  }
0x2b3: {  	v5 =	vsel vm9, v5, v7;
	v7 =	vbroadcast v27, $0xF  }
0x2b4: {  	v5 =	vsel vm10, v5, v6  }
0x2b5: {  	v63, _, _ =	vpop (xrf2);
	v5 =	vsel vm11, v5, v7;
	v7 =	vbroadcast v23, $0xF  }
0x2b6: {  	v6 =	vbroadcast v63, $0xF  }
0x2b7: {  	s0 =	sshra.s32 s28, $0x2  }
0x2b8: {  	v5 =	vsel vm12, v5, v6;
	v6 =	vld [tilespmem:s0+$0xD160]  }
0x2b9: {  	v5 =	vsel vm13, v5, v7;
	v7, _, _ =	vpop (xrf2)  }
0x2ba: {  	v5 =	vsel vm14, v5, v7  }
0x2bb: {  	v5 =	vadd.f32 v5, v0;
	_ =	sdelay $0x1  }
0x2bc: {  	s16 =	sadd.s32 $0x1, s16;
	v5 =	vmul.f32 v5, v6  }
0x2bd: {  	p0 =	sne.s32 s16, $0xC  }
.Ltmp2:
0x2be: {  	s28 =	sadd.s32 s2, s17;
	s1 =	simm.s32 $0xD2F0;
	[tilespmem:s0+$0xD2F0] =	vst v5;
	(pc) =	sbr.rel @p0 .LBB2_2-.Ltmp2, $4  }
0x2bf: {  	[hbm4b:s28+s3] =	stream.linear.scatter [tilespmem:s1], [sflag:$0x7], $0x190, $0x38;
	[tilespmem:$0xD4C8] =	vst v63  }
0x2c0: {  	_ =	swait.ge [sflag:s19], $0x190  }
0x2c1: {  	[sflag:s19] =	ssyncset.done $0x0  }
0x2c2: {  	[sflag:s19] =	ssyncadd.s32 $0xFFFFFE70  }
0x2c3: {  	_ =	swait.ge [sflag:s29], $0x3200  }
0x2c4: {  	[sflag:s29] =	ssyncset.done $0x0  }
0x2c5: {  	[sflag:s29] =	ssyncadd.s32 $0xFFFFCE00  }
0x2c6: {  	_ =	swait.ge [sflag:s30], $0x3200  }
0x2c7: {  	[sflag:s30] =	ssyncset.done $0x0  }
0x2c8: {  	s13 =	simm.s32 $0x420;
	[sflag:s30] =	ssyncadd.s32 $0xFFFFCE00  }
0x2c9: {  	s0 =	simm.s32 $0x3620;
	v5 =	vld [tilespmem:s13+$0xE0]  }
0x2ca: {  	v6 =	vld [tilespmem:s0+$0xE0]  }
0x2cb: {  	v7 =	vld [tilespmem:s13+$0xC0]  }
0x2cc: {  	v12 =	vld [tilespmem:s0+$0xD0]  }
0x2cd: {  	v16 =	vld [tilespmem:s0+$0xA0]  }
0x2ce: {  	v17 =	vld [tilespmem:s0+$0x80]  }
0x2cf: {  	v21 =	vld [tilespmem:s0+$0x90]  }
0x2d0: {  	v33 =	vld [tilespmem:s13+$0xFFFFFFE0]  }
0x2d1: {  	v37 =	vld [tilespmem:s0+$0xFFFFFFD0]  }
0x2d2: {  	v8 =	vld [tilespmem:s0+$0xC0];
	v10 =	vunpack.i.l.bf16.f32 v5;
	v11 =	vunpack.i.l.bf16.f32 v6  }
0x2d3: {  	v9 =	vld [tilespmem:s13+$0xD0];
	v6 =	vunpack.i.u.bf16.f32 v6;
	v13 =	vunpack.i.u.bf16.f32 v7;
	v7 =	vunpack.i.l.bf16.f32 v7  }
0x2d4: {  	v50 =	vld [tilespmem:s13+$0xFFFFFFB0];
	v15 =	vunpack.i.u.bf16.f32 v12;
	v12 =	vunpack.i.l.bf16.f32 v12;
	v19 =	vunpack.i.l.bf16.f32 v16  }
0x2d5: {  	v52 =	vld [tilespmem:s0+$0xFFFFFFB0];
	v16 =	vunpack.i.u.bf16.f32 v16;
	v20 =	vunpack.i.l.bf16.f32 v17;
	v22 =	vunpack.i.u.bf16.f32 v21  }
0x2d6: {  	v58 =	vld [tilespmem:s0+$0xFFFFFFF0];
	v21 =	vunpack.i.l.bf16.f32 v21;
	v48 =	vunpack.i.l.bf16.f32 v33;
	v49 =	vunpack.i.l.bf16.f32 v37  }
0x2d7: {  	v59 =	vld [tilespmem:s13+$0xFFFFFF80];
	v51 =	vunpack.i.u.bf16.f32 v37;
	v10 =	vadd.f32 v11, v10;
	v11 =	vunpack.i.u.bf16.f32 v5  }
0x2d8: {  	v6 =	vadd.f32 v6, v11;
	v11 =	vunpack.i.u.bf16.f32 v8;
	v8 =	vunpack.i.l.bf16.f32 v8  }
0x2d9: {  	v55 =	vunpack.i.u.bf16.f32 v50;
	v5 =	vmax.f32 v10, $0.0e+00;
	v7 =	vadd.f32 v8, v7  }
0x2da: {  	v10 =	vld [tilespmem:s13+$0xF0];
	v8 =	vadd.f32 v11, v13;
	v11 =	vunpack.i.u.bf16.f32 v9;
	v9 =	vunpack.i.l.bf16.f32 v9  }
0x2db: {  	v56 =	vunpack.i.u.bf16.f32 v52;
	v62 =	vunpack.i.l.bf16.f32 v58;
	v13 =	vld [tilespmem:s0+$0xF0];
	v9 =	vadd.f32 v12, v9  }
0x2dc: {  	v14 =	vld [tilespmem:s13+$0xA0];
	v63 =	vunpack.i.u.bf16.f32 v59;
	v11 =	vadd.f32 v15, v11;
	v7 =	vmax.f32 v7, $0.0e+00  }
0x2dd: {  	v12 =	vld [tilespmem:s13+$0x80];
	v8 =	vmax.f32 v8, $0.0e+00;
	v15 =	vmul.f32 v7, v4;
	v9 =	vmax.f32 v9, $0.0e+00  }
0x2de: {  	v8 =	vmul.f32 v8, v3;
	v11 =	vmax.f32 v11, $0.0e+00;
	v18 =	vmul.f32 v9, v1  }
0x2df: {  	v11 =	vmul.f32 v11, v2;
	v7 =	vunpack.i.u.bf16.f32 v10;
	v9 =	vunpack.i.l.bf16.f32 v10  }
0x2e0: {  	v15 =	vadd.f32 v15, v8;
	v8 =	vunpack.i.u.bf16.f32 v13;
	v10 =	vunpack.i.l.bf16.f32 v13  }
0x2e1: {  	v44 =	vld [tilespmem:s0+$0xFFFFFF90];
	v13 =	vunpack.i.l.bf16.f32 v14;
	v14 =	vunpack.i.u.bf16.f32 v14;
	v11 =	vadd.f32 v18, v11  }
0x2e2: {  	v18 =	vld [tilespmem:s13+$0x90];
	v13 =	vadd.f32 v19, v13;
	v19 =	vunpack.i.l.bf16.f32 v12;
	v14 =	vadd.f32 v16, v14  }
0x2e3: {  	v12 =	vunpack.i.u.bf16.f32 v12;
	v16 =	vunpack.i.u.bf16.f32 v17;
	v17 =	vadd.f32 v20, v19  }
0x2e4: {  	v19 =	vld [tilespmem:s13+$0xB0];
	v16 =	vadd.f32 v16, v12;
	v12 =	vmax.f32 v13, $0.0e+00;
	v23 =	vadd.f32 v11, v15  }
0x2e5: {  	v13 =	vmax.f32 v17, $0.0e+00;
	v11 =	vmul.f32 v12, v4;
	v12 =	vmax.f32 v14, $0.0e+00;
	v14 =	vld [tilespmem:s13+$0x60]  }
0x2e6: {  	v57 =	vadd.f32 v56, v55;
	v56 =	vunpack.i.l.bf16.f32 v44;
	v17 =	vld [tilespmem:s0+$0x60];
	v15 =	vmul.f32 v13, v4  }
0x2e7: {  	v13 =	vmax.f32 v16, $0.0e+00;
	v16 =	vunpack.i.u.bf16.f32 v18;
	v18 =	vunpack.i.l.bf16.f32 v18  }
0x2e8: {  	v24 =	vld [tilespmem:s13+$0x70];
	v25 =	vmul.f32 v13, v3;
	v18 =	vadd.f32 v21, v18;
	v16 =	vadd.f32 v22, v16  }
0x2e9: {  	v60 =	vmax.f32 v57, $0.0e+00;
	v21 =	vld [tilespmem:s0+$0x70];
	v13 =	vunpack.i.u.bf16.f32 v19;
	v19 =	vunpack.i.l.bf16.f32 v19  }
0x2ea: {  	v15 =	vadd.f32 v15, v25;
	v18 =	vmax.f32 v18, $0.0e+00;
	v16 =	vmax.f32 v16, $0.0e+00  }
0x2eb: {  	v25 =	vunpack.i.u.bf16.f32 v14;
	v14 =	vunpack.i.l.bf16.f32 v14;
	v26 =	vunpack.i.u.bf16.f32 v17  }
0x2ec: {  	v20 =	vld [tilespmem:s0+$0xB0];
	v17 =	vunpack.i.l.bf16.f32 v17;
	v18 =	vmul.f32 v18, v1;
	v16 =	vmul.f32 v16, v2  }
0x2ed: {  	v14 =	vadd.f32 v17, v14;
	v17 =	vadd.f32 v26, v25;
	v25 =	vunpack.i.u.bf16.f32 v24  }
0x2ee: {  	v26 =	vld [tilespmem:s13+$0x40];
	v24 =	vunpack.i.l.bf16.f32 v24;
	v27 =	vunpack.i.u.bf16.f32 v21;
	v21 =	vunpack.i.l.bf16.f32 v21  }
0x2ef: {  	v28 =	vld [tilespmem:s0+$0x40];
	v14 =	vmax.f32 v14, $0.0e+00;
	v16 =	vadd.f32 v18, v16;
	v21 =	vadd.f32 v21, v24  }
0x2f0: {  	v24 =	vadd.f32 v27, v25;
	v25 =	vld [tilespmem:s13+$0x20];
	v27 =	vmul.f32 v14, v4;
	v14 =	vmax.f32 v17, $0.0e+00  }
0x2f1: {  	v22 =	vunpack.i.l.bf16.f32 v20;
	v17 =	vld [tilespmem:s0+$0x20];
	v18 =	vmul.f32 v14, v3;
	v30 =	vadd.f32 v16, v15  }
0x2f2: {  	v15 =	vunpack.i.u.bf16.f32 v20;
	v14 =	vmax.f32 v21, $0.0e+00;
	v21 =	vmax.f32 v24, $0.0e+00  }
0x2f3: {  	v16 =	vunpack.i.l.bf16.f32 v26;
	v24 =	vmul.f32 v14, v1;
	v21 =	vmul.f32 v21, v2  }
0x2f4: {  	v46 =	vld [tilespmem:s13+$0xFFFFFF50];
	v14 =	vadd.f32 v22, v19;
	v18 =	vadd.f32 v27, v18;
	v19 =	vunpack.i.l.bf16.f32 v28  }
0x2f5: {  	v20 =	vld [tilespmem:s13+$0x50];
	v16 =	vadd.f32 v19, v16;
	v21 =	vadd.f32 v24, v21;
	v24 =	vunpack.i.u.bf16.f32 v26  }
0x2f6: {  	v22 =	vld [tilespmem:s13+$0x30];
	v26 =	vunpack.i.u.bf16.f32 v28;
	v19 =	vunpack.i.l.bf16.f32 v25;
	v27 =	vunpack.i.l.bf16.f32 v17  }
0x2f7: {  	v28 =	vld [tilespmem:s0+$0x30];
	v25 =	vunpack.i.u.bf16.f32 v25;
	v17 =	vunpack.i.u.bf16.f32 v17;
	v24 =	vadd.f32 v26, v24  }
0x2f8: {  	v19 =	vadd.f32 v27, v19;
	v25 =	vadd.f32 v17, v25;
	v16 =	vmax.f32 v16, $0.0e+00  }
0x2f9: {  	(xrf2) =	vadd.scan.msk.f32 $0xffff, v23;
	v23 =	vunpack.i.u.bf16.f32 v46;
	v26 =	vld [tilespmem:s0+$0x50];
	v27 =	vadd.f32 v21, v18;
	v16 =	vmul.f32 v16, v4  }
0x2fa: {  	v21 =	vld [tilespmem:s13+$0x0];
	v18 =	vmax.f32 v19, $0.0e+00;
	v17 =	vmax.f32 v24, $0.0e+00;
	v24 =	vmax.f32 v25, $0.0e+00  }
0x2fb: {  	v29 =	vunpack.i.l.bf16.f32 v22;
	v22 =	vunpack.i.u.bf16.f32 v22;
	v19 =	vmul.f32 v18, v4  }
0x2fc: {  	v25 =	vld [tilespmem:s0+$0x0];
	v18 =	vunpack.i.u.bf16.f32 v20;
	v24 =	vmul.f32 v24, v3;
	v31 =	vunpack.i.l.bf16.f32 v28  }
0x2fd: {  	v32 =	vld [tilespmem:s13+$0x10];
	v20 =	vunpack.i.l.bf16.f32 v20;
	v28 =	vunpack.i.u.bf16.f32 v28;
	v29 =	vadd.f32 v31, v29  }
0x2fe: {  	v31 =	vld [tilespmem:s0+$0x10];
	v22 =	vadd.f32 v28, v22;
	v28 =	vunpack.i.l.bf16.f32 v26;
	v24 =	vadd.f32 v19, v24  }
0x2ff: {  	v19 =	vadd.f32 v28, v20;
	v20 =	vunpack.i.u.bf16.f32 v21;
	v29 =	vmax.f32 v29, $0.0e+00  }
0x300: {  	v21 =	vunpack.i.l.bf16.f32 v21;
	v22 =	vmax.f32 v22, $0.0e+00;
	v28 =	vmul.f32 v29, v1  }
0x301: {  	v42 =	vld [tilespmem:s0+$0xFFFFFF60];
	v29 =	vunpack.i.u.bf16.f32 v25;
	v25 =	vunpack.i.l.bf16.f32 v25;
	v22 =	vmul.f32 v22, v2  }
0x302: {  	v21 =	vadd.f32 v25, v21;
	v20 =	vadd.f32 v29, v20;
	v25 =	vunpack.i.u.bf16.f32 v32  }
0x303: {  	v29 =	vld [tilespmem:s0+$0xFFFFFFE0];
	v32 =	vunpack.i.l.bf16.f32 v32;
	v34 =	vunpack.i.u.bf16.f32 v31;
	v31 =	vunpack.i.l.bf16.f32 v31  }
0x304: {  	v47 =	vld [tilespmem:s13+$0xFFFFFFC0];
	v22 =	vadd.f32 v28, v22;
	v21 =	vmax.f32 v21, $0.0e+00;
	v31 =	vadd.f32 v31, v32  }
0x305: {  	v35 =	vld [tilespmem:s0+$0xFFFFFFC0];
	v25 =	vadd.f32 v34, v25;
	v20 =	vmax.f32 v20, $0.0e+00;
	v32 =	vunpack.i.l.bf16.f32 v52  }
0x306: {  	v40 =	vld [tilespmem:s0+$0xFFFFFF80];
	v52 =	vunpack.i.u.bf16.f32 v42;
	v21 =	vmul.f32 v21, v4;
	v20 =	vmul.f32 v20, v3  }
0x307: {  	v34 =	vadd.f32 v22, v24;
	v31 =	vmax.f32 v31, $0.0e+00;
	v25 =	vmax.f32 v25, $0.0e+00  }
0x308: {  	v57 =	vld [tilespmem:s0+$0xFFFFFF40];
	v31 =	vmul.f32 v31, v1;
	v36 =	vunpack.i.l.bf16.f32 v29;
	v21 =	vadd.f32 v21, v20  }
0x309: {  	v28 =	vld [tilespmem:s13+$0xFFFFFFD0];
	v20 =	vunpack.i.u.bf16.f32 v26;
	v26 =	vunpack.i.u.bf16.f32 v33;
	v29 =	vunpack.i.u.bf16.f32 v29  }
0x30a: {  	v25 =	vmul.f32 v25, v2;
	v36 =	vadd.f32 v36, v48;
	v24 =	vadd.f32 v29, v26  }
0x30b: {  	v61 =	vld [tilespmem:s13+$0xFFFFFF60];
	v26 =	vunpack.i.l.bf16.f32 v35;
	v29 =	vunpack.i.u.bf16.f32 v47;
	v48 =	vunpack.i.l.bf16.f32 v40  }
0x30c: {  	v25 =	vadd.f32 v31, v25;
	v31 =	vunpack.i.u.bf16.f32 v35;
	v35 =	vunpack.i.l.bf16.f32 v50  }
0x30d: {  	v50 =	vunpack.i.l.bf16.f32 v42;
	v42 =	vunpack.i.u.bf16.f32 v57;
	v22 =	vmax.f32 v36, $0.0e+00  }
0x30e: {  	v29 =	vadd.f32 v31, v29;
	v31 =	vunpack.i.l.bf16.f32 v28;
	v28 =	vunpack.i.u.bf16.f32 v28  }
0x30f: {  	v33 =	vadd.f32 v25, v21;
	v25 =	vunpack.i.l.bf16.f32 v47;
	v21 =	vmul.f32 v22, v4;
	v22 =	vld [tilespmem:s13+$0xFFFFFFA0]  }
0x310: {  	v32 =	vadd.f32 v32, v35;
	v35 =	vunpack.i.u.bf16.f32 v61;
	v25 =	vadd.f32 v26, v25;
	v26 =	vld [tilespmem:s0+$0xFFFFFFA0]  }
0x311: {  	v31 =	vadd.f32 v49, v31;
	v28 =	vadd.f32 v51, v28;
	v47 =	vunpack.i.u.bf16.f32 v40  }
0x312: {  	v49 =	vunpack.i.l.bf16.f32 v61;
	v35 =	vadd.f32 v52, v35;
	v29 =	vmax.f32 v29, $0.0e+00  }
0x313: {  	v51 =	vld [tilespmem:s0+$0xFFFFFF70];
	v61 =	vunpack.i.l.bf16.f32 v57;
	v29 =	vmul.f32 v29, v3;
	v31 =	vmax.f32 v31, $0.0e+00  }
0x314: {  	v38 =	vld [tilespmem:s13+$0xFFFFFFF0];
	v28 =	vmax.f32 v28, $0.0e+00;
	v25 =	vmax.f32 v25, $0.0e+00;
	v53 =	vunpack.i.u.bf16.f32 v22  }
0x315: {  	v22 =	vunpack.i.l.bf16.f32 v22;
	v54 =	vunpack.i.u.bf16.f32 v26;
	v26 =	vunpack.i.l.bf16.f32 v26  }
0x316: {  	v35 =	vmax.f32 v35, $0.0e+00;
	v25 =	vmul.f32 v25, v4;
	v22 =	vadd.f32 v26, v22  }
0x317: {  	v31 =	vmul.f32 v31, v1;
	v35 =	vmul.f32 v35, v3;
	v26 =	vadd.f32 v54, v53  }
0x318: {  	v40 =	vunpack.i.l.bf16.f32 v51;
	v29 =	vadd.f32 v25, v29;
	v53 =	vld [tilespmem:s13+$0xFFFFFF40];
	v22 =	vmax.f32 v22, $0.0e+00  }
0x319: {  	v25 =	vunpack.i.u.bf16.f32 v38;
	v39 =	vmul.f32 v22, v4;
	v22 =	vmax.f32 v26, $0.0e+00  }
0x31a: {  	v26 =	vmul.f32 v28, v2;
	v28 =	vmul.f32 v22, v3;
	v22 =	vmax.f32 v32, $0.0e+00  }
0x31b: {  	v32 =	vmul.f32 v60, v2;
	v41 =	vmul.f32 v22, v1;
	v22 =	vmax.f32 v24, $0.0e+00  }
0x31c: {  	v31 =	vadd.f32 v31, v26;
	v24 =	vunpack.i.l.bf16.f32 v38;
	v26 =	vunpack.i.u.bf16.f32 v58  }
0x31d: {  	v38 =	vadd.f32 v50, v49;
	v36 =	vunpack.i.u.bf16.f32 v53;
	v28 =	vadd.f32 v39, v28  }
0x31e: {  	v60 =	vunpack.i.l.bf16.f32 v53;
	v24 =	vadd.f32 v62, v24;
	v36 =	vadd.f32 v42, v36  }
0x31f: {  	v50 =	vunpack.i.l.bf16.f32 v46;
	v32 =	vadd.f32 v41, v32;
	v45 =	vadd.f32 v31, v29;
	v29 =	vld [tilespmem:s13+$0xFFFFFF70]  }
0x320: {  	v41 =	vld [tilespmem:s13+$0xFFFFFF90];
	v31 =	vunpack.i.l.bf16.f32 v59;
	v54 =	vmax.f32 v38, $0.0e+00;
	v38 =	vadd.f32 v61, v60  }
0x321: {  	v31 =	vadd.f32 v48, v31;
	v37 =	vmul.f32 v54, v4;
	v36 =	vmax.f32 v36, $0.0e+00  }
0x322: {  	(xrf2) =	vadd.scan.msk.f32 $0xffff, v30;
	v48 =	vld [tilespmem:s0+$0xFFFFFF50];
	v28 =	vadd.f32 v32, v28;
	v32 =	vadd.f32 v47, v63;
	v30 =	vmax.f32 v38, $0.0e+00  }
0x323: {  	v62 =	vld [tilespmem:s13+$0xFFFFFF00];
	v47 =	vunpack.i.u.bf16.f32 v51;
	v36 =	vmul.f32 v36, v3;
	v30 =	vmul.f32 v30, v4  }
0x324: {  	v54 =	vld [tilespmem:s13+$0xFFFFFF10];
	v31 =	vmax.f32 v31, $0.0e+00;
	v43 =	vunpack.i.u.bf16.f32 v29;
	v29 =	vunpack.i.l.bf16.f32 v29  }
0x325: {  	v63 =	vld [tilespmem:s0+$0xFFFFFF00];
	v55 =	vunpack.i.l.bf16.f32 v41;
	v36 =	vadd.f32 v30, v36;
	v40 =	vadd.f32 v40, v29  }
0x326: {  	v43 =	vadd.f32 v47, v43;
	v29 =	vmul.f32 v31, v4;
	v31 =	vmax.f32 v32, $0.0e+00  }
0x327: {  	v32 =	vadd.f32 v56, v55;
	v47 =	vadd.f32 v37, v35;
	v52 =	vunpack.i.u.bf16.f32 v48  }
0x328: {  	v51 =	vunpack.i.l.bf16.f32 v48;
	v55 =	vunpack.i.l.bf16.f32 v62;
	v23 =	vadd.f32 v52, v23  }
0x329: {  	(xrf2) =	vadd.scan.msk.f32 $0xffff, v27;
	v57 =	vld [tilespmem:s0+$0xFFFFFF10];
	v60 =	vunpack.i.u.bf16.f32 v54;
	v61 =	vunpack.i.l.bf16.f32 v54;
	v42 =	vadd.f32 v51, v50  }
0x32a: {  	v56 =	vunpack.i.l.bf16.f32 v63;
	v39 =	vunpack.i.u.bf16.f32 v63;
	v23 =	vmax.f32 v23, $0.0e+00  }
0x32b: {  	v58 =	vmax.f32 v40, $0.0e+00;
	v59 =	vmax.f32 v43, $0.0e+00;
	v23 =	vmul.f32 v23, v2  }
0x32c: {  	(xrf2) =	vadd.scan.msk.f32 $0xffff, v34;
	v40 =	vunpack.i.u.bf16.f32 v62;
	v35 =	vmul.f32 v58, v1;
	v53 =	vmax.f32 v42, $0.0e+00  }
0x32d: {  	v37 =	vmul.f32 v59, v2;
	v39 =	vadd.f32 v39, v40;
	v38 =	vmul.f32 v53, v1  }
0x32e: {  	v63 =	vunpack.i.l.bf16.f32 v57;
	v43 =	vadd.f32 v56, v55;
	v62 =	vunpack.i.u.bf16.f32 v57  }
0x32f: {  	v58 =	vadd.f32 v35, v37;
	v27 =	vmax.f32 v39, $0.0e+00;
	v37 =	vld [tilespmem:s13+$0xFFFFFF20];
	v49 =	vadd.f32 v38, v23;
	v23, _, _ =	vpop (xrf2);
	(xrf2) =	vadd.scan.msk.f32 $0xffff, v33  }
0x330: {  	v42 =	vadd.f32 v63, v61;
	v59 =	vmax.f32 v43, $0.0e+00;
	v43 =	vadd.f32 v62, v60;
	v38 =	vld [tilespmem:s0+$0xFFFFFF20]  }
0x331: {  	v35 =	vunpack.i.u.bf16.f32 v41;
	v30 =	vmul.f32 v59, v4;
	v39 =	vld [tilespmem:s13+$0xFFFFFF30];
	v41 =	vmul.f32 v27, v3  }
0x332: {  	s1 =	simm.s32 $0x0;
	s12 =	simm.s32 $0x40;
	v34 =	vunpack.i.u.bf16.f32 v44;
	v40 =	vld [tilespmem:s0+$0xFFFFFF30];
	v33 =	vadd.f32 v49, v36;
	v36 =	vadd.f32 v58, v47;
	v27, _, _ =	vpop (xrf2);
	(xrf2) =	vadd.scan.msk.f32 $0xffff, v45  }
.LBB2_8:
0x333: {  	p0 =	sne.s32 s12, $0x600;
	v41 =	vadd.f32 v30, v41;
	v42 =	vmax.f32 v42, $0.0e+00;
	v43 =	vmax.f32 v43, $0.0e+00;
	v30, _, _ =	vpop (xrf2)  }
0x334: {  	v42 =	vmul.f32 v42, v1;
	v43 =	vmul.f32 v43, v2;
	v44 =	vunpack.i.u.bf16.f32 v37  }
0x335: {  	v37 =	vunpack.i.l.bf16.f32 v37;
	v45 =	vunpack.i.u.bf16.f32 v38;
	v38 =	vunpack.i.l.bf16.f32 v38;
	(xrf2) =	vadd.scan.msk.f32 $0xffff, v28  }
0x336: {  	v37 =	vadd.f32 v38, v37;
	v38 =	vadd.f32 v45, v44;
	v44 =	vunpack.i.u.bf16.f32 v39;
	v28, _, _ =	vpop (xrf2)  }
0x337: {  	v39 =	vunpack.i.l.bf16.f32 v39;
	v45 =	vunpack.i.u.bf16.f32 v40;
	v40 =	vunpack.i.l.bf16.f32 v40  }
0x338: {  	v37 =	vmax.f32 v37, $0.0e+00;
	v39 =	vadd.f32 v40, v39;
	v40 =	vadd.f32 v45, v44;
	(xrf2) =	vadd.scan.msk.f32 $0xffff, v36  }
0x339: {  	v36 =	vadd.f32 v42, v43;
	v38 =	vmax.f32 v38, $0.0e+00;
	v37 =	vmul.f32 v37, v4;
	v42, _, _ =	vpop (xrf2)  }
0x33a: {  	v38 =	vmul.f32 v38, v3;
	v39 =	vmax.f32 v39, $0.0e+00;
	v40 =	vmax.f32 v40, $0.0e+00  }
0x33b: {  	v34 =	vadd.f32 v34, v35;
	v39 =	vmul.f32 v39, v1;
	v40 =	vmul.f32 v40, v2;
	(xrf2) =	vadd.scan.msk.f32 $0xffff, v33  }
0x33c: {  	v31 =	vmul.f32 v31, v3;
	v32 =	vmax.f32 v32, $0.0e+00;
	v41 =	vadd.f32 v36, v41;
	v35, _, _ =	vpop (xrf2)  }
0x33d: {  	v34 =	vmax.f32 v34, $0.0e+00;
	v36 =	vadd.f32 v37, v38;
	v37 =	vadd.f32 v39, v40  }
0x33e: {  	v25 =	vadd.f32 v26, v25;
	v32 =	vmul.f32 v32, v1;
	v34 =	vmul.f32 v34, v2;
	(xrf2) =	vadd.scan.msk.f32 $0xffff, v41  }
0x33f: {  	v22 =	vmul.f32 v22, v3;
	v24 =	vmax.f32 v24, $0.0e+00;
	v36 =	vadd.f32 v37, v36;
	v33, _, _ =	vpop (xrf2)  }
0x340: {  	v29 =	vadd.f32 v29, v31;
	v25 =	vmax.f32 v25, $0.0e+00;
	v31 =	vadd.f32 v32, v34  }
0x341: {  	v18 =	vadd.f32 v20, v18;
	v24 =	vmul.f32 v24, v1;
	v25 =	vmul.f32 v25, v2;
	(xrf2) =	vadd.scan.msk.f32 $0xffff, v36  }
0x342: {  	v17 =	vmul.f32 v17, v3;
	v19 =	vmax.f32 v19, $0.0e+00;
	v29 =	vadd.f32 v31, v29;
	v26, _, _ =	vpop (xrf2)  }
0x343: {  	v21 =	vadd.f32 v21, v22;
	v18 =	vmax.f32 v18, $0.0e+00;
	v22 =	vadd.f32 v24, v25  }
0x344: {  	v13 =	vadd.f32 v15, v13;
	v19 =	vmul.f32 v19, v1;
	v18 =	vmul.f32 v18, v2;
	(xrf2) =	vadd.scan.msk.f32 $0xffff, v29  }
0x345: {  	v12 =	vmul.f32 v12, v3;
	v14 =	vmax.f32 v14, $0.0e+00;
	v15 =	vadd.f32 v22, v21;
	v20, _, _ =	vpop (xrf2)  }
0x346: {  	v16 =	vadd.f32 v16, v17;
	v13 =	vmax.f32 v13, $0.0e+00;
	v17 =	vadd.f32 v19, v18  }
0x347: {  	v9 =	vadd.f32 v10, v9;
	v14 =	vmul.f32 v14, v1;
	v13 =	vmul.f32 v13, v2;
	(xrf2) =	vadd.scan.msk.f32 $0xffff, v15  }
0x348: {  	v6 =	vmax.f32 v6, $0.0e+00;
	v7 =	vadd.f32 v8, v7;
	v10 =	vadd.f32 v17, v16;
	v8, _, _ =	vpop (xrf2)  }
0x349: {  	v5 =	vmul.f32 v5, v4;
	v15 =	vadd.f32 v11, v12;
	v12 =	vadd.f32 v14, v13  }
0x34a: {  	v6 =	vmul.f32 v6, v3;
	v9 =	vmax.f32 v9, $0.0e+00;
	v7 =	vmax.f32 v7, $0.0e+00;
	(xrf2) =	vadd.scan.msk.f32 $0xffff, v10  }
0x34b: {  	v7 =	vmul.f32 v7, v2;
	v13 =	vmul.f32 v9, v1;
	v10 =	vadd.f32 v12, v15;
	v11, _, _ =	vpop (xrf2)  }
0x34c: {  	v8 =	vbroadcast v8, $0xF;
	v11 =	vbroadcast v11, $0xF  }
0x34d: {  	v5 =	vadd.f32 v5, v6;
	v6 =	vadd.f32 v13, v7;
	v12 =	vbroadcast v20, $0xF;
	(xrf2) =	vadd.scan.msk.f32 $0xffff, v10  }
0x34e: {  	v7 =	vsel vm0, v8, v11;
	v8 =	vbroadcast v26, $0xF;
	v9, _, _ =	vpop (xrf2)  }
0x34f: {  	v5 =	vadd.f32 v6, v5;
	v7 =	vsel vm1, v7, v12;
	v10 =	vbroadcast v9, $0xF  }
0x350: {  	v6 =	vsel vm2, v7, v8;
	v7 =	vbroadcast v33, $0xF  }
0x351: {  	v6 =	vsel vm3, v6, v10;
	v10 =	vbroadcast v35, $0xF;
	v9, _, _ =	vpop (xrf2);
	(xrf2) =	vadd.scan.msk.f32 $0xffff, v5  }
0x352: {  	v5 =	vsel vm4, v6, v7;
	v6 =	vbroadcast v9, $0xF  }
0x353: {  	v7 =	vbroadcast v42, $0xF;
	v5 =	vsel vm5, v5, v10  }
0x354: {  	v5 =	vsel vm6, v5, v6;
	v6 =	vbroadcast v28, $0xF;
	v8, _, _ =	vpop (xrf2)  }
0x355: {  	v5 =	vsel vm7, v5, v7;
	v7 =	vbroadcast v8, $0xF  }
0x356: {  	v5 =	vsel vm8, v5, v6;
	v6 =	vbroadcast v30, $0xF  }
0x357: {  	v5 =	vsel vm9, v5, v7;
	v7 =	vbroadcast v27, $0xF;
	v8, _, _ =	vpop (xrf2)  }
0x358: {  	v5 =	vsel vm10, v5, v6;
	v6 =	vbroadcast v8, $0xF  }
0x359: {  	s16 =	sshra.s32 s1, $0x2;
	s1 =	smov.u32 s12;
	v8 =	vbroadcast v23, $0xF;
	v5 =	vsel vm11, v5, v7  }
0x35a: {  	v5 =	vsel vm12, v5, v6;
	v6 =	vld [tilespmem:s16+$0x6720]  }
0x35b: {  	v5 =	vsel vm13, v5, v8;
	v7, _, _ =	vpop (xrf2)  }
0x35c: {  	v5 =	vsel vm14, v5, v7  }
0x35d: {  	v5 =	vadd.f32 v5, v0;
	_ =	sdelay $0x1  }
0x35e: {  	v5 =	vmul.f32 v5, v6;
	_ =	sdelay $0x1  }
0x35f: {  	s13 =	sadd.s32 $0x200, s13;
	[tilespmem:s16+$0x68B0] =	vst v5  }
0x360: {  	s0 =	sadd.s32 $0x200, s0;
	v5 =	vld [tilespmem:s13+$0xE0]  }
0x361: {  	v6 =	vld [tilespmem:s0+$0xE0];
	_ =	sdelay $0x2  }
0x362: {  	v7 =	vld [tilespmem:s13+$0xC0]  }
0x363: {  	v8 =	vld [tilespmem:s0+$0xC0]  }
0x364: {  	v10 =	vunpack.i.l.bf16.f32 v5;
	v9 =	vld [tilespmem:s13+$0xD0];
	v11 =	vunpack.i.l.bf16.f32 v6  }
0x365: {  	v12 =	vld [tilespmem:s0+$0xD0];
	v10 =	vadd.f32 v11, v10  }
0x366: {  	v6 =	vunpack.i.u.bf16.f32 v6;
	v11 =	vunpack.i.u.bf16.f32 v5  }
0x367: {  	v6 =	vadd.f32 v6, v11;
	v13 =	vunpack.i.u.bf16.f32 v7;
	v5 =	vmax.f32 v10, $0.0e+00;
	v10 =	vld [tilespmem:s13+$0xF0]  }
0x368: {  	v7 =	vunpack.i.l.bf16.f32 v7;
	v11 =	vunpack.i.u.bf16.f32 v8;
	v8 =	vunpack.i.l.bf16.f32 v8  }
0x369: {  	v7 =	vadd.f32 v8, v7;
	v8 =	vadd.f32 v11, v13;
	v11 =	vunpack.i.u.bf16.f32 v9;
	v13 =	vld [tilespmem:s0+$0xF0]  }
0x36a: {  	v9 =	vunpack.i.l.bf16.f32 v9;
	v14 =	vld [tilespmem:s13+$0xA0];
	v15 =	vunpack.i.u.bf16.f32 v12;
	v12 =	vunpack.i.l.bf16.f32 v12  }
0x36b: {  	v16 =	vld [tilespmem:s0+$0xA0];
	v7 =	vmax.f32 v7, $0.0e+00;
	v9 =	vadd.f32 v12, v9;
	v11 =	vadd.f32 v15, v11  }
0x36c: {  	v8 =	vmax.f32 v8, $0.0e+00;
	v12 =	vld [tilespmem:s13+$0x80];
	v15 =	vmul.f32 v7, v4;
	v7 =	vunpack.i.u.bf16.f32 v10  }
0x36d: {  	v8 =	vmul.f32 v8, v3;
	v17 =	vld [tilespmem:s0+$0x80];
	v9 =	vmax.f32 v9, $0.0e+00;
	v11 =	vmax.f32 v11, $0.0e+00  }
0x36e: {  	v18 =	vmul.f32 v9, v1;
	v11 =	vmul.f32 v11, v2;
	v9 =	vunpack.i.l.bf16.f32 v10  }
0x36f: {  	v15 =	vadd.f32 v15, v8;
	v8 =	vunpack.i.u.bf16.f32 v13;
	v10 =	vunpack.i.l.bf16.f32 v13  }
0x370: {  	v13 =	vunpack.i.l.bf16.f32 v14;
	v19 =	vunpack.i.l.bf16.f32 v16;
	v11 =	vadd.f32 v18, v11  }
0x371: {  	v14 =	vunpack.i.u.bf16.f32 v14;
	v16 =	vunpack.i.u.bf16.f32 v16;
	v18 =	vld [tilespmem:s13+$0x90];
	v13 =	vadd.f32 v19, v13  }
0x372: {  	v19 =	vunpack.i.l.bf16.f32 v12;
	v14 =	vadd.f32 v16, v14;
	v20 =	vunpack.i.l.bf16.f32 v17;
	v21 =	vld [tilespmem:s0+$0x90]  }
0x373: {  	v12 =	vunpack.i.u.bf16.f32 v12;
	v16 =	vunpack.i.u.bf16.f32 v17;
	v17 =	vadd.f32 v20, v19;
	v19 =	vld [tilespmem:s13+$0xB0]  }
0x374: {  	v23 =	vadd.f32 v11, v15;
	v16 =	vadd.f32 v16, v12;
	v12 =	vmax.f32 v13, $0.0e+00;
	v20 =	vld [tilespmem:s0+$0xB0]  }
0x375: {  	v11 =	vmul.f32 v12, v4;
	v12 =	vmax.f32 v14, $0.0e+00;
	v13 =	vmax.f32 v17, $0.0e+00  }
0x376: {  	v14 =	vld [tilespmem:s13+$0x60];
	v15 =	vmul.f32 v13, v4;
	v13 =	vmax.f32 v16, $0.0e+00;
	v16 =	vunpack.i.u.bf16.f32 v18  }
0x377: {  	v18 =	vunpack.i.l.bf16.f32 v18;
	v17 =	vld [tilespmem:s0+$0x60];
	v22 =	vunpack.i.u.bf16.f32 v21;
	v21 =	vunpack.i.l.bf16.f32 v21  }
0x378: {  	v25 =	vmul.f32 v13, v3;
	v24 =	vld [tilespmem:s13+$0x70];
	v18 =	vadd.f32 v21, v18;
	v16 =	vadd.f32 v22, v16  }
0x379: {  	v13 =	vunpack.i.u.bf16.f32 v19;
	v19 =	vunpack.i.l.bf16.f32 v19;
	v21 =	vld [tilespmem:s0+$0x70];
	v22 =	vunpack.i.l.bf16.f32 v20  }
0x37a: {  	v15 =	vadd.f32 v15, v25;
	v18 =	vmax.f32 v18, $0.0e+00;
	v16 =	vmax.f32 v16, $0.0e+00  }
0x37b: {  	v25 =	vunpack.i.u.bf16.f32 v14;
	v18 =	vmul.f32 v18, v1;
	v16 =	vmul.f32 v16, v2  }
0x37c: {  	v14 =	vunpack.i.l.bf16.f32 v14;
	v26 =	vunpack.i.u.bf16.f32 v17;
	v17 =	vunpack.i.l.bf16.f32 v17  }
0x37d: {  	v14 =	vadd.f32 v17, v14;
	v17 =	vadd.f32 v26, v25;
	v25 =	vunpack.i.u.bf16.f32 v24  }
0x37e: {  	v24 =	vunpack.i.l.bf16.f32 v24;
	v26 =	vld [tilespmem:s13+$0x40];
	v27 =	vunpack.i.u.bf16.f32 v21;
	v21 =	vunpack.i.l.bf16.f32 v21  }
0x37f: {  	v28 =	vld [tilespmem:s0+$0x40];
	v14 =	vmax.f32 v14, $0.0e+00;
	v21 =	vadd.f32 v21, v24;
	v24 =	vadd.f32 v27, v25  }
0x380: {  	v16 =	vadd.f32 v18, v16;
	v25 =	vld [tilespmem:s13+$0x20];
	v27 =	vmul.f32 v14, v4;
	v14 =	vmax.f32 v17, $0.0e+00  }
0x381: {  	v17 =	vld [tilespmem:s0+$0x20];
	v18 =	vmul.f32 v14, v3;
	v14 =	vmax.f32 v21, $0.0e+00;
	v21 =	vmax.f32 v24, $0.0e+00  }
0x382: {  	v24 =	vmul.f32 v14, v1;
	v21 =	vmul.f32 v21, v2;
	v14 =	vadd.f32 v22, v19  }
0x383: {  	v18 =	vadd.f32 v27, v18;
	v27 =	vadd.f32 v16, v15;
	v15 =	vunpack.i.u.bf16.f32 v20  }
0x384: {  	v16 =	vunpack.i.l.bf16.f32 v26;
	v19 =	vunpack.i.l.bf16.f32 v28;
	v20 =	vld [tilespmem:s13+$0x50];
	v21 =	vadd.f32 v24, v21  }
0x385: {  	v24 =	vunpack.i.u.bf16.f32 v26;
	v26 =	vunpack.i.u.bf16.f32 v28;
	v22 =	vld [tilespmem:s13+$0x30];
	v16 =	vadd.f32 v19, v16  }
0x386: {  	v19 =	vunpack.i.l.bf16.f32 v25;
	v24 =	vadd.f32 v26, v24;
	v28 =	vunpack.i.l.bf16.f32 v17;
	v29 =	vld [tilespmem:s0+$0x30]  }
0x387: {  	v25 =	vunpack.i.u.bf16.f32 v25;
	v17 =	vunpack.i.u.bf16.f32 v17;
	v19 =	vadd.f32 v28, v19  }
0x388: {  	v30 =	vadd.f32 v21, v18;
	v25 =	vadd.f32 v17, v25;
	v16 =	vmax.f32 v16, $0.0e+00;
	v26 =	vld [tilespmem:s0+$0x50]  }
0x389: {  	v17 =	vmax.f32 v24, $0.0e+00;
	v16 =	vmul.f32 v16, v4;
	v18 =	vmax.f32 v19, $0.0e+00  }
0x38a: {  	v24 =	vmax.f32 v25, $0.0e+00;
	v21 =	vld [tilespmem:s13+$0x0];
	v19 =	vmul.f32 v18, v4;
	v18 =	vunpack.i.u.bf16.f32 v20  }
0x38b: {  	v24 =	vmul.f32 v24, v3;
	v28 =	vunpack.i.l.bf16.f32 v22;
	v25 =	vld [tilespmem:s0+$0x0];
	v31 =	vunpack.i.l.bf16.f32 v29  }
0x38c: {  	v22 =	vunpack.i.u.bf16.f32 v22;
	v29 =	vunpack.i.u.bf16.f32 v29;
	v32 =	vld [tilespmem:s13+$0x10];
	v28 =	vadd.f32 v31, v28  }
0x38d: {  	v20 =	vunpack.i.l.bf16.f32 v20;
	v22 =	vadd.f32 v29, v22;
	v31 =	vld [tilespmem:s0+$0x10];
	v29 =	vunpack.i.l.bf16.f32 v26  }
0x38e: {  	v24 =	vadd.f32 v19, v24;
	v28 =	vmax.f32 v28, $0.0e+00;
	v19 =	vadd.f32 v29, v20  }
0x38f: {  	v22 =	vmax.f32 v22, $0.0e+00;
	v20 =	vunpack.i.u.bf16.f32 v21;
	v28 =	vmul.f32 v28, v1  }
0x390: {  	v21 =	vunpack.i.l.bf16.f32 v21;
	v29 =	vunpack.i.u.bf16.f32 v25;
	v25 =	vunpack.i.l.bf16.f32 v25  }
0x391: {  	v33 =	vld [tilespmem:s13+$0xFFFFFFE0];
	v21 =	vadd.f32 v25, v21;
	v20 =	vadd.f32 v29, v20;
	v25 =	vunpack.i.u.bf16.f32 v32  }
0x392: {  	v32 =	vunpack.i.l.bf16.f32 v32;
	v29 =	vld [tilespmem:s0+$0xFFFFFFE0];
	v34 =	vunpack.i.u.bf16.f32 v31;
	v31 =	vunpack.i.l.bf16.f32 v31  }
0x393: {  	v21 =	vmax.f32 v21, $0.0e+00;
	v31 =	vadd.f32 v31, v32;
	v25 =	vadd.f32 v34, v25  }
0x394: {  	v22 =	vmul.f32 v22, v2;
	v20 =	vmax.f32 v20, $0.0e+00;
	v21 =	vmul.f32 v21, v4  }
0x395: {  	v20 =	vmul.f32 v20, v3;
	v32 =	vld [tilespmem:s13+$0xFFFFFFC0];
	v31 =	vmax.f32 v31, $0.0e+00;
	v25 =	vmax.f32 v25, $0.0e+00  }
0x396: {  	v22 =	vadd.f32 v28, v22;
	v35 =	vld [tilespmem:s0+$0xFFFFFFC0];
	v31 =	vmul.f32 v31, v1;
	v25 =	vmul.f32 v25, v2  }
0x397: {  	v34 =	vunpack.i.l.bf16.f32 v33;
	v21 =	vadd.f32 v21, v20;
	v28 =	vld [tilespmem:s13+$0xFFFFFFD0];
	v36 =	vunpack.i.l.bf16.f32 v29  }
0x398: {  	v20 =	vunpack.i.u.bf16.f32 v26;
	v37 =	vld [tilespmem:s0+$0xFFFFFFD0];
	v36 =	vadd.f32 v36, v34;
	v25 =	vadd.f32 v31, v25  }
0x399: {  	v26 =	vunpack.i.u.bf16.f32 v33;
	v29 =	vunpack.i.u.bf16.f32 v29;
	v34 =	vadd.f32 v22, v24  }
0x39a: {  	v24 =	vadd.f32 v29, v26;
	v22 =	vmax.f32 v36, $0.0e+00;
	v33 =	vadd.f32 v25, v21  }
0x39b: {  	v25 =	vunpack.i.l.bf16.f32 v32;
	v26 =	vunpack.i.l.bf16.f32 v35;
	v21 =	vmul.f32 v22, v4  }
0x39c: {  	v29 =	vunpack.i.u.bf16.f32 v32;
	v31 =	vunpack.i.u.bf16.f32 v35;
	v22 =	vld [tilespmem:s13+$0xFFFFFFA0];
	v25 =	vadd.f32 v26, v25  }
0x39d: {  	v29 =	vadd.f32 v31, v29;
	v31 =	vunpack.i.l.bf16.f32 v28;
	v26 =	vld [tilespmem:s0+$0xFFFFFFA0];
	v32 =	vunpack.i.l.bf16.f32 v37  }
0x39e: {  	v28 =	vunpack.i.u.bf16.f32 v28;
	v36 =	vunpack.i.u.bf16.f32 v37;
	v35 =	vld [tilespmem:s13+$0xFFFFFFB0];
	v31 =	vadd.f32 v32, v31  }
0x39f: {  	v25 =	vmax.f32 v25, $0.0e+00;
	v29 =	vmax.f32 v29, $0.0e+00;
	v28 =	vadd.f32 v36, v28;
	v32 =	vld [tilespmem:s0+$0xFFFFFFB0]  }
0x3a0: {  	v25 =	vmul.f32 v25, v4;
	v29 =	vmul.f32 v29, v3;
	v31 =	vmax.f32 v31, $0.0e+00  }
0x3a1: {  	v28 =	vmax.f32 v28, $0.0e+00;
	v36 =	vunpack.i.u.bf16.f32 v22;
	v31 =	vmul.f32 v31, v1  }
0x3a2: {  	v22 =	vunpack.i.l.bf16.f32 v22;
	v37 =	vunpack.i.u.bf16.f32 v26;
	v26 =	vunpack.i.l.bf16.f32 v26  }
0x3a3: {  	v22 =	vadd.f32 v26, v22;
	v26 =	vadd.f32 v37, v36;
	v36 =	vunpack.i.u.bf16.f32 v35  }
0x3a4: {  	v35 =	vunpack.i.l.bf16.f32 v35;
	v37 =	vunpack.i.u.bf16.f32 v32;
	v32 =	vunpack.i.l.bf16.f32 v32;
	v38 =	vld [tilespmem:s13+$0xFFFFFFF0]  }
0x3a5: {  	v22 =	vmax.f32 v22, $0.0e+00;
	v32 =	vadd.f32 v32, v35;
	v35 =	vadd.f32 v37, v36;
	v36 =	vld [tilespmem:s0+$0xFFFFFFF0]  }
0x3a6: {  	v37 =	vld [tilespmem:s13+$0xFFFFFF80];
	v39 =	vmul.f32 v22, v4;
	v22 =	vmax.f32 v26, $0.0e+00;
	v26 =	vmul.f32 v28, v2  }
0x3a7: {  	v40 =	vld [tilespmem:s0+$0xFFFFFF80];
	v28 =	vmul.f32 v22, v3;
	v22 =	vmax.f32 v32, $0.0e+00;
	v32 =	vmax.f32 v35, $0.0e+00  }
0x3a8: {  	v35 =	vld [tilespmem:s13+$0xFFFFFF60];
	v41 =	vmul.f32 v22, v1;
	v32 =	vmul.f32 v32, v2;
	v22 =	vmax.f32 v24, $0.0e+00  }
0x3a9: {  	v29 =	vadd.f32 v25, v29;
	v31 =	vadd.f32 v31, v26;
	v42 =	vld [tilespmem:s0+$0xFFFFFF60];
	v24 =	vunpack.i.l.bf16.f32 v38  }
0x3aa: {  	v28 =	vadd.f32 v39, v28;
	v32 =	vadd.f32 v41, v32;
	v39 =	vunpack.i.l.bf16.f32 v36  }
0x3ab: {  	v25 =	vunpack.i.u.bf16.f32 v38;
	v26 =	vunpack.i.u.bf16.f32 v36;
	v41 =	vld [tilespmem:s13+$0xFFFFFF90];
	v24 =	vadd.f32 v39, v24  }
0x3ac: {  	v45 =	vadd.f32 v31, v29;
	v36 =	vunpack.i.u.bf16.f32 v37;
	v44 =	vld [tilespmem:s0+$0xFFFFFF90];
	v28 =	vadd.f32 v32, v28  }
0x3ad: {  	v31 =	vunpack.i.l.bf16.f32 v37;
	v32 =	vunpack.i.u.bf16.f32 v40;
	v37 =	vunpack.i.l.bf16.f32 v40;
	v29 =	vld [tilespmem:s13+$0xFFFFFF70]  }
0x3ae: {  	v38 =	vunpack.i.l.bf16.f32 v35;
	v31 =	vadd.f32 v37, v31;
	v39 =	vunpack.i.l.bf16.f32 v42;
	v40 =	vld [tilespmem:s0+$0xFFFFFF70]  }
0x3af: {  	v35 =	vunpack.i.u.bf16.f32 v35;
	v37 =	vunpack.i.u.bf16.f32 v42;
	v38 =	vadd.f32 v39, v38  }
0x3b0: {  	v32 =	vadd.f32 v32, v36;
	v35 =	vadd.f32 v37, v35;
	v31 =	vmax.f32 v31, $0.0e+00  }
0x3b1: {  	v36 =	vld [tilespmem:s13+$0xFFFFFF40];
	v37 =	vmax.f32 v38, $0.0e+00;
	v38 =	vunpack.i.l.bf16.f32 v41;
	v39 =	vunpack.i.l.bf16.f32 v44  }
0x3b2: {  	v35 =	vmax.f32 v35, $0.0e+00;
	v42 =	vld [tilespmem:s0+$0xFFFFFF40];
	v37 =	vmul.f32 v37, v4;
	v43 =	vunpack.i.u.bf16.f32 v29  }
0x3b3: {  	v29 =	vunpack.i.l.bf16.f32 v29;
	v46 =	vld [tilespmem:s13+$0xFFFFFF50];
	v47 =	vunpack.i.u.bf16.f32 v40;
	v40 =	vunpack.i.l.bf16.f32 v40  }
0x3b4: {  	v35 =	vmul.f32 v35, v3;
	v48 =	vld [tilespmem:s0+$0xFFFFFF50];
	v40 =	vadd.f32 v40, v29;
	v43 =	vadd.f32 v47, v43  }
0x3b5: {  	v29 =	vmul.f32 v31, v4;
	v31 =	vmax.f32 v32, $0.0e+00;
	v32 =	vadd.f32 v39, v38  }
0x3b6: {  	v47 =	vadd.f32 v37, v35;
	v35 =	vmax.f32 v40, $0.0e+00;
	v37 =	vmax.f32 v43, $0.0e+00;
	(xrf2) =	vadd.scan.msk.f32 $0xffff, v23  }
0x3b7: {  	v23 =	vunpack.i.l.bf16.f32 v36;
	v38 =	vunpack.i.l.bf16.f32 v42;
	v35 =	vmul.f32 v35, v1  }
0x3b8: {  	v36 =	vunpack.i.u.bf16.f32 v36;
	v40 =	vunpack.i.u.bf16.f32 v42;
	v39 =	vld [tilespmem:s13+$0xFFFFFF00];
	v23 =	vadd.f32 v38, v23  }
0x3b9: {  	v36 =	vadd.f32 v40, v36;
	v40 =	vunpack.i.l.bf16.f32 v46;
	v38 =	vld [tilespmem:s0+$0xFFFFFF00];
	v42 =	vunpack.i.l.bf16.f32 v48;
	(xrf2) =	vadd.scan.msk.f32 $0xffff, v27  }
0x3ba: {  	v27 =	vunpack.i.u.bf16.f32 v46;
	v43 =	vunpack.i.u.bf16.f32 v48;
	v40 =	vadd.f32 v42, v40  }
0x3bb: {  	v37 =	vmul.f32 v37, v2;
	v23 =	vmax.f32 v23, $0.0e+00;
	v27 =	vadd.f32 v43, v27  }
0x3bc: {  	v42 =	vmul.f32 v23, v4;
	v23 =	vmax.f32 v36, $0.0e+00;
	v36 =	vmax.f32 v40, $0.0e+00;
	(xrf2) =	vadd.scan.msk.f32 $0xffff, v30  }
0x3bd: {  	v30 =	vmul.f32 v23, v3;
	v23 =	vmax.f32 v27, $0.0e+00;
	v40 =	vld [tilespmem:s13+$0xFFFFFF10];
	v36 =	vmul.f32 v36, v1  }
0x3be: {  	v27 =	vunpack.i.l.bf16.f32 v39;
	v48 =	vmul.f32 v23, v2;
	v43 =	vunpack.i.l.bf16.f32 v38;
	v46 =	vld [tilespmem:s0+$0xFFFFFF10]  }
0x3bf: {  	v39 =	vunpack.i.u.bf16.f32 v39;
	v38 =	vunpack.i.u.bf16.f32 v38;
	v27 =	vadd.f32 v43, v27;
	(xrf2) =	vadd.scan.msk.f32 $0xffff, v34  }
0x3c0: {  	v49 =	vadd.f32 v35, v37;
	v35 =	vunpack.i.u.bf16.f32 v41;
	v34 =	vadd.f32 v38, v39;
	v23, _, _ =	vpop (xrf2)  }
.Ltmp3:
0x3c1: {  	v50 =	vadd.f32 v42, v30;
	v36 =	vadd.f32 v36, v48;
	v41 =	vmax.f32 v27, $0.0e+00;
	(pc) =	sbr.rel @p0 .LBB2_8-.Ltmp3, $4  }
0x3c2: {  	v34 =	vmax.f32 v34, $0.0e+00;
	v30 =	vmul.f32 v41, v4;
	v39 =	vunpack.i.u.bf16.f32 v40;
	v37 =	vld [tilespmem:s13+$0xFFFFFF20];
	(xrf2) =	vadd.scan.msk.f32 $0xffff, v33  }
0x3c3: {  	v33 =	vunpack.i.l.bf16.f32 v40;
	v40 =	vunpack.i.u.bf16.f32 v46;
	v42 =	vunpack.i.l.bf16.f32 v46;
	v38 =	vld [tilespmem:s0+$0xFFFFFF20];
	v27, _, _ =	vpop (xrf2)  }
0x3c4: {  	v41 =	vmul.f32 v34, v3;
	v42 =	vadd.f32 v42, v33;
	v43 =	vadd.f32 v40, v39;
	v39 =	vld [tilespmem:s13+$0xFFFFFF30]  }
0x3c5: {  	s12 =	sadd.s32 $0x40, s12;
	v34 =	vunpack.i.u.bf16.f32 v44;
	v33 =	vadd.f32 v36, v50;
	v36 =	vadd.f32 v49, v47;
	v40 =	vld [tilespmem:s0+$0xFFFFFF30];
	(xrf2) =	vadd.scan.msk.f32 $0xffff, v45  }
0x3c6: {  	v30 =	vadd.f32 v30, v41;
	v60 =	vmax.f32 v42, $0.0e+00;
	v61 =	vmax.f32 v43, $0.0e+00  }
0x3c7: {  	v31 =	vmul.f32 v31, v3;
	v41 =	vmul.f32 v60, v1;
	v62 =	vunpack.i.u.bf16.f32 v37  }
0x3c8: {  	v63 =	vunpack.i.l.bf16.f32 v37;
	v44 =	vunpack.i.u.bf16.f32 v38;
	v48 =	vunpack.i.l.bf16.f32 v38  }
0x3c9: {  	v37 =	vadd.f32 v48, v63;
	v49 =	vadd.f32 v44, v62;
	v50 =	vunpack.i.u.bf16.f32 v39  }
0x3ca: {  	v51 =	vunpack.i.l.bf16.f32 v39;
	v52 =	vunpack.i.u.bf16.f32 v40;
	v53 =	vunpack.i.l.bf16.f32 v40  }
0x3cb: {  	v37 =	vmax.f32 v37, $0.0e+00;
	v39 =	vadd.f32 v53, v51;
	v54 =	vadd.f32 v52, v50  }
0x3cc: {  	v42 =	vmul.f32 v61, v2;
	v38 =	vmax.f32 v49, $0.0e+00;
	v37 =	vmul.f32 v37, v4  }
0x3cd: {  	v38 =	vmul.f32 v38, v3;
	v39 =	vmax.f32 v39, $0.0e+00;
	v40 =	vmax.f32 v54, $0.0e+00  }
0x3ce: {  	v34 =	vadd.f32 v34, v35;
	v39 =	vmul.f32 v39, v1;
	v40 =	vmul.f32 v40, v2  }
0x3cf: {  	v32 =	vmax.f32 v32, $0.0e+00;
	v25 =	vadd.f32 v26, v25;
	v41 =	vadd.f32 v41, v42  }
0x3d0: {  	(xrf2) =	vadd.scan.msk.f32 $0xffff, v28;
	v34 =	vmax.f32 v34, $0.0e+00;
	v55 =	vadd.f32 v37, v38;
	v56 =	vadd.f32 v39, v40  }
0x3d1: {  	(xrf2) =	vadd.scan.msk.f32 $0xffff, v36;
	v32 =	vmul.f32 v32, v1;
	v34 =	vmul.f32 v34, v2;
	v30 =	vadd.f32 v41, v30  }
0x3d2: {  	v22 =	vmul.f32 v22, v3;
	v24 =	vmax.f32 v24, $0.0e+00;
	(xrf2) =	vadd.scan.msk.f32 $0xffff, v33;
	v57 =	vadd.f32 v56, v55  }
0x3d3: {  	v58 =	vadd.f32 v29, v31;
	v25 =	vmax.f32 v25, $0.0e+00;
	v59 =	vadd.f32 v32, v34;
	(xrf2) =	vadd.scan.msk.f32 $0xffff, v30  }
0x3d4: {  	v18 =	vadd.f32 v20, v18;
	v24 =	vmul.f32 v24, v1;
	v25 =	vmul.f32 v25, v2;
	(xrf2) =	vadd.scan.msk.f32 $0xffff, v57  }
0x3d5: {  	v17 =	vmul.f32 v17, v3;
	v19 =	vmax.f32 v19, $0.0e+00;
	v60 =	vadd.f32 v59, v58  }
0x3d6: {  	v21 =	vadd.f32 v21, v22;
	v18 =	vmax.f32 v18, $0.0e+00;
	v61, _, _ =	vpop (xrf2);
	v62 =	vadd.f32 v24, v25  }
0x3d7: {  	v13 =	vadd.f32 v15, v13;
	v19 =	vmul.f32 v19, v1;
	v18 =	vmul.f32 v18, v2;
	v63, _, _ =	vpop (xrf2);
	(xrf2) =	vadd.scan.msk.f32 $0xffff, v60  }
0x3d8: {  	v12 =	vmul.f32 v12, v3;
	v14 =	vmax.f32 v14, $0.0e+00;
	v28, _, _ =	vpop (xrf2);
	v29 =	vadd.f32 v62, v21  }
0x3d9: {  	v16 =	vadd.f32 v16, v17;
	v13 =	vmax.f32 v13, $0.0e+00;
	v31 =	vadd.f32 v19, v18;
	v30, _, _ =	vpop (xrf2)  }
0x3da: {  	v7 =	vadd.f32 v8, v7;
	v14 =	vmul.f32 v14, v1;
	v13 =	vmul.f32 v13, v2;
	v32, _, _ =	vpop (xrf2);
	(xrf2) =	vadd.scan.msk.f32 $0xffff, v29  }
0x3db: {  	v9 =	vadd.f32 v10, v9;
	v6 =	vmax.f32 v6, $0.0e+00;
	v16 =	vadd.f32 v31, v16;
	v33, _, _ =	vpop (xrf2)  }
0x3dc: {  	v11 =	vadd.f32 v11, v12;
	v7 =	vmax.f32 v7, $0.0e+00;
	v35 =	vadd.f32 v14, v13;
	v34, _, _ =	vpop (xrf2)  }
0x3dd: {  	v36 =	vmul.f32 v5, v4;
	v42 =	vmul.f32 v7, v2;
	v39 =	vmax.f32 v9, $0.0e+00;
	v37, _, _ =	vpop (xrf2);
	(xrf2) =	vadd.scan.msk.f32 $0xffff, v16  }
0x3de: {  	v38 =	vmul.f32 v6, v3;
	v40 =	vadd.f32 v35, v11;
	v41 =	vmul.f32 v39, v1;
	v43, _, _ =	vpop (xrf2)  }
0x3df: {  	v5 =	vbroadcast v37, $0xF;
	v6 =	vbroadcast v43, $0xF  }
0x3e0: {  	v3 =	vadd.f32 v36, v38;
	v44 =	vbroadcast v34, $0xF;
	v1 =	vadd.f32 v41, v42;
	(xrf2) =	vadd.scan.msk.f32 $0xffff, v40  }
0x3e1: {  	v46 =	vbroadcast v33, $0xF;
	v47, _, _ =	vpop (xrf2);
	v45 =	vsel vm0, v5, v6  }
0x3e2: {  	v1 =	vadd.f32 v1, v3;
	v5 =	vbroadcast v47, $0xF;
	v2 =	vsel vm1, v45, v44  }
0x3e3: {  	v48 =	vbroadcast v32, $0xF;
	v2 =	vsel vm2, v2, v46  }
0x3e4: {  	v49 =	vbroadcast v30, $0xF;
	(xrf2) =	vadd.scan.msk.f32 $0xffff, v1;
	v50, _, _ =	vpop (xrf2);
	v2 =	vsel vm3, v2, v5  }
0x3e5: {  	v52 =	vbroadcast v50, $0xF;
	v51 =	vsel vm4, v2, v48  }
0x3e6: {  	v53 =	vbroadcast v28, $0xF;
	v1 =	vsel vm5, v51, v49  }
0x3e7: {  	v54 =	vbroadcast v63, $0xF;
	v55, _, _ =	vpop (xrf2);
	v1 =	vsel vm6, v1, v52  }
0x3e8: {  	v56 =	vbroadcast v55, $0xF;
	v1 =	vsel vm7, v1, v53  }
0x3e9: {  	v57 =	vbroadcast v61, $0xF;
	v1 =	vsel vm8, v1, v54  }
0x3ea: {  	v58 =	vbroadcast v27, $0xF;
	v59, _, _ =	vpop (xrf2);
	v1 =	vsel vm9, v1, v56  }
0x3eb: {  	v60 =	vbroadcast v59, $0xF;
	v1 =	vsel vm10, v1, v57  }
0x3ec: {  	s0 =	sshra.s32 s1, $0x2;
	v61 =	vbroadcast v23, $0xF;
	v1 =	vsel vm11, v1, v58  }
0x3ed: {  	v62 =	vld [tilespmem:s0+$0x6720];
	v1 =	vsel vm12, v1, v60  }
0x3ee: {  	v63, _, _ =	vpop (xrf2);
	v1 =	vsel vm13, v1, v61  }
0x3ef: {  	v1 =	vsel vm14, v1, v63  }
0x3f0: {  	v0 =	vadd.f32 v1, v0;
	_ =	sdelay $0x1  }
0x3f1: {  	v0 =	vmul.f32 v0, v62;
	_ =	sdelay $0x1  }
0x3f2: {  	s17 =	rddreg [dreg:$0x7];
	[tilespmem:s0+$0x68B0] =	vst v0  }
0x3f3: {  	[hbm4b:s17+s3] =	stream.linear.scatter [tilespmem:s18], [sflag:$0x7], $0x190, $0x38;
	[tilespmem:$0xD4C8] =	vst v63  }
0x3f4: {  	_ =	swait.ge [sflag:s19], $0x190  }
0x3f5: {  	s21 =	rddreg [dreg:$0x9]  }
0x3f6: {  	s28 =	rddreg [dreg:$0x8];
	s1 =	sadd.s32 $0x1, s21  }
0x3f7: {  	p0 =	sne.s32 s1, s28  }
.Ltmp4:
0x3f8: {  	_ = 	snop;
	(pc) =	sbr.rel @p0 .LBB2_1-.Ltmp4, $3  }
0x3f9: {  	_ =	sdelay $0x1  }
0x3fa: {  	[sflag:s19] =	ssyncset.done $0x0  }
0x3fb: {  	[sflag:s19] =	ssyncadd.s32 $0xFFFFFE70  }
0x3fc: {  	_ =	sfence.sel $0x180000  }
0x3fd: {  	[bflag:$0x0] =	sbarrier.arrive $0xFFFF  }
0x3fe: {  	_ =	strace $0x90000047  }
0x3ff: {  	s0 =	stileid.u32;
	[bflag:$0x2] =	sbarrier.arrive $0xFFFF  }
0x400: {  	p0 =	sne.s32 s0, $0x0;
	s0 =	rddreg [dreg:$0x2]  }
0x401: {  	s0 =	sadd.s32 @!p0 $0x100000, s0  }
0x402: {  	[sflag:s0] =	ssyncadd.tile.s32 @!p0 $0x1;
	_ =	shalt  }
.Lfunc_end2:
_tile_overlayer_lowered:
.L_overlay_start_2:
0x403: {  	(tag) =	ssettag $0x2  }
0x404: {  	s0 =	rddreg [dreg:$0x0];
	s2 =	stileid.u32  }
0x405: {  	s1 =	rddreg [dreg:$0x1];
	p0 =	sne.s32 s2, $0x0  }
0x406: {  	s3 =	rddreg [dreg:$0x2];
	[bflag:$0x3] =	sbarrier.arrive $0xFFFF;
	s2 =	simm.s32 @!p0 $0x1C07  }
0x407: {  	[timem:s3], [sflag:s2] =	dma.local @!p0 [hbm:s0], s1  }
0x408: {  	s0 =	simm.s32 @!p0 $0x7  }
0x409: {  	_ =	swait.ge @!p0 [sflag:s0], s1  }
0x40a: {  	s1 =	ssub.s32 @!p0 $0x0, s1;
	[sflag:s0] =	ssyncset.done @!p0 $0x0  }
0x40b: {  	[sflag:s0] =	ssyncadd.s32 @!p0 s1  }
0x40c: {  	[bflag:$0x3] =	sbarrier.arrive $0xFFFF  }
0x40d: {  	_ =	shalt  }

</sc_bundles>
